<compile_context>
chip_gen: v7x
topology: tpu7x:2x2x1
jax: 0.10.2.dev20260603
libtpu: 0.0.44.dev20260713+nightly
codegen_flags: <defaults>
</compile_context>

<pallas_src>
import jax
import jax.numpy as jnp
from jax import lax
from jax.experimental import pallas as pl
from jax.experimental.pallas import tpu as pltpu
from jax.experimental.pallas import tpu_sc as plsc

MEMORY_SIZE = 1000000
NUM_HEADS = 4
HEAD_DIM = 16
B, W, O = 1024, 200, 20

NC, NS = 2, 16
ROWS_PER_TILE = B // NS
SEQ_LEN = 208
LOOK_PER_TILE = ROWS_PER_TILE * W
GCH = LOOK_PER_TILE // 128
HEADS_PER_CORE = NUM_HEADS // NC
PLANES = HEADS_PER_CORE * HEAD_DIM
W_STARTS = tuple(range(0, 192, 16)) + (184,)


def _primes_py():
    ps = []
    for h in range(NUM_HEADS):
        x, row = 131 + h * 1009, []
        for _ in range(4):
            row.append(x)
            x = (x * 31 + 1) % (1 << 32)
        ps.append(row)
    return ps


_P = _primes_py()


def _body(seq_hbm, table_hbm, gate_hbm, out_hbm,
          seq_v, idx_v, dst_v, gate_v, plane_sh, psem, gsem, osem):
    cid = lax.axis_index("c")
    sid = lax.axis_index("s")
    b0 = sid * ROWS_PER_TILE

    @pl.when(sid == 0)
    def _():
        pltpu.async_copy(table_hbm.at[2 * cid, 0], plane_sh, psem)

    pr = [[jnp.where(cid == 0, jnp.uint32(_P[hl][i]), jnp.uint32(_P[2 + hl][i]))
           for i in range(4)] for hl in range(HEADS_PER_CORE)]

    pltpu.sync_copy(gate_hbm, gate_v)
    for h in range(NUM_HEADS):
        gate_v[h] = 1.0 / (1.0 + jnp.exp(-gate_v[h]))

    def seq_load(i, c):
        pltpu.sync_copy(seq_hbm.at[pl.ds((b0 + i * 8) * SEQ_LEN, 8 * SEQ_LEN)],
                        seq_v.at[pl.ds(i * 8 * SEQ_LEN, 8 * SEQ_LEN)])
        return c

    lax.fori_loop(0, ROWS_PER_TILE // 8, seq_load, 0)

    def hash_body(bi, c):
        for wv, w0 in enumerate(W_STARTS):
            vals = [seq_v[pl.ds(bi * SEQ_LEN + 3 + w0 - i, 16)]
                    .astype(jnp.uint32) for i in range(4)]
            for hl in range(HEADS_PER_CORE):
                hs = vals[0] * pr[hl][0]
                for i in range(1, 4):
                    hs = hs + vals[i] * pr[hl][i]
                r = (hs % jnp.uint32(MEMORY_SIZE)).astype(jnp.int32)
                idx_v[pl.ds(hl * LOOK_PER_TILE + bi * W + w0, 16)] = r
        return c

    lax.fori_loop(0, ROWS_PER_TILE, hash_body, 0)

    def plane_body(p, c):
        hl = p // HEAD_DIM
        d = lax.rem(p, HEAD_DIM)
        h = 2 * cid + hl

        @pl.when(sid == 0)
        def _():
            pltpu.make_async_copy(table_hbm.at[h, d], plane_sh, psem).wait()

        @pl.when(p > 0)
        def _():
            for i in range(LOOK_PER_TILE // 3200):
                pltpu.make_async_copy(
                    dst_v.at[pl.ds(i * 3200, 3200)],
                    out_hbm.at[h, d,
                               pl.ds(sid * LOOK_PER_TILE + i * 3200, 3200)],
                    osem).wait()

        plsc.subcore_barrier()

        copies = [pltpu.async_copy(
            plane_sh.at[idx_v.at[pl.ds((hl * GCH + j) * 128, 128)]],
            dst_v.at[pl.ds(j * 128, 128)], gsem) for j in range(GCH)]
        for cp in copies:
            cp.wait()

        plsc.subcore_barrier()

        @pl.when(jnp.logical_and(sid == 0, p + 1 < PLANES))
        def _():
            p2 = p + 1
            pltpu.async_copy(
                table_hbm.at[2 * cid + p2 // HEAD_DIM, lax.rem(p2, HEAD_DIM)],
                plane_sh, psem)

        g = plsc.load_gather(
            gate_v, [jnp.full((16,), h, jnp.int32),
                     jnp.full((16,), d, jnp.int32)])

        def scale_body(i, cc):
            for k in range(8):
                o = i * 128 + k * 16
                dst_v[pl.ds(o, 16)] = dst_v[pl.ds(o, 16)] * g
            return cc

        lax.fori_loop(0, LOOK_PER_TILE // 128, scale_body, 0)

        for i in range(LOOK_PER_TILE // 3200):
            pltpu.async_copy(
                dst_v.at[pl.ds(i * 3200, 3200)],
                out_hbm.at[h, d, pl.ds(sid * LOOK_PER_TILE + i * 3200, 3200)],
                osem)
        return c

    lax.fori_loop(0, PLANES, plane_body, 0)

    for i in range(LOOK_PER_TILE // 3200):
        pltpu.make_async_copy(
            dst_v.at[pl.ds(i * 3200, 3200)],
            out_hbm.at[0, 0, pl.ds(sid * LOOK_PER_TILE + i * 3200, 3200)],
            osem).wait()


@jax.jit
def kernel(current_ids, prev_ids_overlap, memory_table, gate_logit):
    seq = jnp.concatenate(
        [prev_ids_overlap[:, O - 3:],
         current_ids,
         jnp.zeros((B, SEQ_LEN - 3 - W), jnp.int32)], axis=1).reshape(-1)
    table_t = jnp.transpose(memory_table, (1, 2, 0))

    mesh = plsc.VectorSubcoreMesh(core_axis_name="c", subcore_axis_name="s")
    out = pl.kernel(
        _body,
        out_type=jax.ShapeDtypeStruct((NUM_HEADS, HEAD_DIM, B * W),
                                      jnp.float32),
        mesh=mesh,
        compiler_params=pltpu.CompilerParams(needs_layout_passes=False),
        scratch_types=[
            pltpu.VMEM((ROWS_PER_TILE * SEQ_LEN,), jnp.int32),
            pltpu.VMEM((HEADS_PER_CORE * LOOK_PER_TILE,), jnp.int32),
            pltpu.VMEM((LOOK_PER_TILE,), jnp.float32),
            pltpu.VMEM((NUM_HEADS, HEAD_DIM), jnp.float32),
            pltpu.VMEM_SHARED((MEMORY_SIZE,), jnp.float32),
            pltpu.SemaphoreType.DMA,
            pltpu.SemaphoreType.DMA,
            pltpu.SemaphoreType.DMA,
        ],
    )(seq, table_t, gate_logit)
    return out.transpose(2, 0, 1).reshape(B, W, NUM_HEADS * HEAD_DIM)

# --- scband reference (transcript-rebuilt; emitter-appended) ---
"""Pipeline reference for scband-ngram-engram-memory-63823214018887 (READ-ONLY COPY).

The authoritative reference and input builder live on the scoring server;
editing this copy changes nothing except your own understanding.
"""

import jax, jax.numpy as jnp
import numpy as np

MEMORY_SIZE = 1000000
NGRAM_N = 4
NUM_HEADS = 4
EMBED_DIM = 64
HEAD_DIM = EMBED_DIM // NUM_HEADS
PAD_ID = 0
B, W, O = 1024, 200, 20
VOCAB = 100000


def _primes():
    ps = []
    base = 131
    for h in range(NUM_HEADS):
        x, row = base + h * 1009, []
        for _ in range(NGRAM_N):
            row.append(x)
            x = x * 31 + 1
        ps.append(row)
    return jnp.array(ps, dtype=jnp.uint32)


def setup_inputs(seed: int = 0) -> dict:
    key = jax.random.key(seed)
    k1, k2, k3 = jax.random.split(key, 3)
    current_ids = jax.random.randint(k1, (B, W), 0, VOCAB, dtype=jnp.int32)
    prev_ids_overlap = jax.random.randint(k2, (B, O), 0, VOCAB, dtype=jnp.int32)
    memory_table = jax.random.normal(k3, (MEMORY_SIZE, NUM_HEADS, HEAD_DIM), dtype=jnp.float32) * 0.02
    gate_logit = jnp.full((NUM_HEADS, HEAD_DIM), -2.0, dtype=jnp.float32)
    return {
        "current_ids": current_ids,
        "prev_ids_overlap": prev_ids_overlap,
        "memory_table": memory_table,
        "gate_logit": gate_logit,
    }


def reference(current_ids, prev_ids_overlap, memory_table, gate_logit):
    primes = _primes()
    b, w = current_ids.shape
    o = prev_ids_overlap.shape[1]
    current_ids = jnp.where(current_ids == PAD_ID, 0, current_ids)
    prev_ids_overlap = jnp.where(prev_ids_overlap == PAD_ID, 0, prev_ids_overlap)
    full_seq = jnp.concatenate([prev_ids_overlap, current_ids], axis=1).astype(jnp.uint32)
    start_idx = o
    hash_sums = jnp.zeros((b, w, NUM_HEADS), dtype=jnp.uint32)
    for i in range(NGRAM_N):
        chunk = full_seq[:, start_idx - i:full_seq.shape[1] - i]
        p_vec = primes[:, i]
        hash_sums = hash_sums + chunk[:, :, None] * p_vec[None, None, :]
    lookup_indices = (hash_sums % MEMORY_SIZE).astype(jnp.int32)
    table_h = jnp.transpose(memory_table, (1, 0, 2))
    idx_h = jnp.transpose(lookup_indices, (2, 0, 1))
    got_h = jax.vmap(lambda t, i: t[i], in_axes=(0, 0), out_axes=0)(table_h, idx_h)
    retrieved = jnp.transpose(got_h, (1, 2, 0, 3))
    gate = jax.nn.sigmoid(gate_logit)
    out = retrieved * gate[None, None, :, :]
    out = out.reshape(b, w, EMBED_DIM)
    # dropout is identity in deterministic mode
    return out

if __name__ == "__main__":
    import jax
    _d = setup_inputs()
    print(jax.jit(kernel)(*tuple(_d.values())))

</pallas_src>

<mosaic_0001>
#map = affine_map<(d0, d1) -> (0)>
#map1 = affine_map<(d0, d1) -> (0, 0, 0)>
#map2 = affine_map<(d0, d1) -> (0, 0)>
module attributes {stable_mosaic.version = 14 : i64} {
  func.func @_body(%arg0: i32, %arg1: i32, %arg2: memref<212992xi32, #tpu.memory_space<hbm>>, %arg3: memref<4x16x1000000xf32, #tpu.memory_space<hbm>>, %arg4: memref<4x16xf32, #tpu.memory_space<hbm>>, %arg5: memref<4x16x204800xf32, #tpu.memory_space<hbm>>, %arg6: memref<13312xi32, #tpu.memory_space<vmem>>, %arg7: memref<25600xi32, #tpu.memory_space<vmem>>, %arg8: memref<12800xf32, #tpu.memory_space<vmem>>, %arg9: memref<4x16xf32, #tpu.memory_space<vmem>>, %arg10: memref<1000000xf32, #tpu.memory_space<vmem_shared>>, %arg11: memref<!tpu.dma_semaphore, #tpu.memory_space<semaphore_mem>>, %arg12: memref<!tpu.dma_semaphore, #tpu.memory_space<semaphore_mem>>, %arg13: memref<!tpu.dma_semaphore, #tpu.memory_space<semaphore_mem>>) attributes {dimension_semantics = [#tpu.dimension_semantics<core_parallel>, #tpu.dimension_semantics<subcore_parallel>], iteration_bounds = array<i64: 2, 16>, scalar_prefetch = 0 : i64, scratch_operands = 8 : i64, tpu.core_type = #tpu.core_type<sc_vector_subcore>, window_params = [{transform_indices = #map}, {transform_indices = #map1}, {transform_indices = #map2}, {transform_indices = #map1}]} {
    %mul3A = arith.constant 64 : i32
    %mul3A_0 = arith.muli %arg1, %mul3A : i32
    %eq3A = arith.constant 0 : i32
    %eq3A_1 = arith.cmpi eq, %arg1, %eq3A : i32
    %convert_element_type3A = arith.extui %eq3A_1 : i1 to i32
    %cond3A = arith.constant 0 : i32
    %cond3A_2 = arith.cmpi ne, %convert_element_type3A, %cond3A : i32
    scf.if %cond3A_2 {
      %mul3A_179 = arith.constant 2 : i32
      %mul3A_180 = arith.muli %mul3A_179, %arg0 : i32
      %dma_start3A = arith.constant 0 : i32
      %dma_start3A_181 = arith.constant 0 : i32
      %dma_start3A_182 = tpu.memref_slice %arg3[%mul3A_180, %dma_start3A, %dma_start3A_181] : memref<4x16x1000000xf32, #tpu.memory_space<hbm>> -> memref<1x1x1000000xf32, #tpu.memory_space<hbm>>
      %dma_start3A_183 = tpu.memref_squeeze %dma_start3A_182 : memref<1x1x1000000xf32, #tpu.memory_space<hbm>> -> memref<1000000xf32, #tpu.memory_space<hbm>>
      tpu.enqueue_dma source(%dma_start3A_183 : memref<1000000xf32, #tpu.memory_space<hbm>>) target(%arg10 : memref<1000000xf32, #tpu.memory_space<vmem_shared>>) target_semaphore(%arg11 : memref<!tpu.dma_semaphore, #tpu.memory_space<semaphore_mem>>)
    } else {
    }
    %eq3A_3 = arith.constant 0 : i32
    %eq3A_4 = arith.cmpi eq, %arg0, %eq3A_3 : i32
    %jit3A = arith.constant 131 : i32
    %jit3A_5 = arith.constant 2149 : i32
    %select_n3A = arith.select %eq3A_4, %jit3A, %jit3A_5 : i32
    %eq3A_6 = arith.constant 0 : i32
    %eq3A_7 = arith.cmpi eq, %arg0, %eq3A_6 : i32
    %jit3A_8 = arith.constant 4062 : i32
    %jit3A_9 = arith.constant 66620 : i32
    %select_n3A_10 = arith.select %eq3A_7, %jit3A_8, %jit3A_9 : i32
    %eq3A_11 = arith.constant 0 : i32
    %eq3A_12 = arith.cmpi eq, %arg0, %eq3A_11 : i32
    %jit3A_13 = arith.constant 125923 : i32
    %jit3A_14 = arith.constant 2065221 : i32
    %select_n3A_15 = arith.select %eq3A_12, %jit3A_13, %jit3A_14 : i32
    %eq3A_16 = arith.constant 0 : i32
    %eq3A_17 = arith.cmpi eq, %arg0, %eq3A_16 : i32
    %jit3A_18 = arith.constant 3903614 : i32
    %jit3A_19 = arith.constant 64021852 : i32
    %select_n3A_20 = arith.select %eq3A_17, %jit3A_18, %jit3A_19 : i32
    %eq3A_21 = arith.constant 0 : i32
    %eq3A_22 = arith.cmpi eq, %arg0, %eq3A_21 : i32
    %jit3A_23 = arith.constant 1140 : i32
    %jit3A_24 = arith.constant 3158 : i32
    %select_n3A_25 = arith.select %eq3A_22, %jit3A_23, %jit3A_24 : i32
    %eq3A_26 = arith.constant 0 : i32
    %eq3A_27 = arith.cmpi eq, %arg0, %eq3A_26 : i32
    %jit3A_28 = arith.constant 35341 : i32
    %jit3A_29 = arith.constant 97899 : i32
    %select_n3A_30 = arith.select %eq3A_27, %jit3A_28, %jit3A_29 : i32
    %eq3A_31 = arith.constant 0 : i32
    %eq3A_32 = arith.cmpi eq, %arg0, %eq3A_31 : i32
    %jit3A_33 = arith.constant 1095572 : i32
    %jit3A_34 = arith.constant 3034870 : i32
    %select_n3A_35 = arith.select %eq3A_32, %jit3A_33, %jit3A_34 : i32
    %eq3A_36 = arith.constant 0 : i32
    %eq3A_37 = arith.cmpi eq, %arg0, %eq3A_36 : i32
    %jit3A_38 = arith.constant 33962733 : i32
    %jit3A_39 = arith.constant 94080971 : i32
    %select_n3A_40 = arith.select %eq3A_37, %jit3A_38, %jit3A_39 : i32
    "tpu.region"() ({
      %run_scoped3A = tpu.sem_alloc : memref<!tpu.dma_semaphore, #tpu.memory_space<semaphore_mem>>
      tpu.enqueue_dma source(%arg4 : memref<4x16xf32, #tpu.memory_space<hbm>>) target(%arg9 : memref<4x16xf32, #tpu.memory_space<vmem>>) target_semaphore(%run_scoped3A : memref<!tpu.dma_semaphore, #tpu.memory_space<semaphore_mem>>)
      tpu.wait_dma2 semaphore(%run_scoped3A : memref<!tpu.dma_semaphore, #tpu.memory_space<semaphore_mem>>) src(%arg4 : memref<4x16xf32, #tpu.memory_space<hbm>>) dst(%arg9 : memref<4x16xf32, #tpu.memory_space<vmem>>)
      tpu.yield
    }) : () -> ()
    %get3A = arith.constant 0 : i32
    %get3A_41 = arith.index_cast %get3A : i32 to index
    %get3A_42 = arith.constant 0 : index
    %get3A_43 = tpu.vector_load %arg9[%get3A_41, %get3A_42] {strides = array<i32>} : memref<4x16xf32, #tpu.memory_space<vmem>>, vector<16xf32>,
    %neg3A = arith.constant 0.000000e+00 : f32
    %neg3A_44 = vector.broadcast %neg3A : f32 to vector<16xf32>
    %neg3A_45 = arith.subf %neg3A_44, %get3A_43 : vector<16xf32>
    %exp3A = math.exp %neg3A_45 : vector<16xf32>
    %add3A = arith.constant 1.000000e+00 : f32
    %add3A_46 = vector.broadcast %add3A : f32 to vector<16xf32>
    %add3A_47 = arith.addf %add3A_46, %exp3A : vector<16xf32>
    %div3A = arith.constant 1.000000e+00 : f32
    %div3A_48 = vector.broadcast %div3A : f32 to vector<16xf32>
    %div3A_49 = arith.divf %div3A_48, %add3A_47 : vector<16xf32>
    %swap3A = arith.constant 0 : i32
    %swap3A_50 = arith.index_cast %swap3A : i32 to index
    %swap3A_51 = arith.constant 0 : index
    %swap3A_52 = tpu.vector_load %arg9[%swap3A_50, %swap3A_51] {strides = array<i32>} : memref<4x16xf32, #tpu.memory_space<vmem>>, vector<16xf32>,
    tpu.vector_store %arg9[%swap3A_50, %swap3A_51], %div3A_49 {strides = array<i32>} : memref<4x16xf32, #tpu.memory_space<vmem>>, vector<16xf32>,
    %get3A_53 = arith.constant 1 : i32
    %get3A_54 = arith.index_cast %get3A_53 : i32 to index
    %get3A_55 = arith.constant 0 : index
    %get3A_56 = tpu.vector_load %arg9[%get3A_54, %get3A_55] {strides = array<i32>} : memref<4x16xf32, #tpu.memory_space<vmem>>, vector<16xf32>,
    %neg3A_57 = arith.constant 0.000000e+00 : f32
    %neg3A_58 = vector.broadcast %neg3A_57 : f32 to vector<16xf32>
    %neg3A_59 = arith.subf %neg3A_58, %get3A_56 : vector<16xf32>
    %exp3A_60 = math.exp %neg3A_59 : vector<16xf32>
    %add3A_61 = arith.constant 1.000000e+00 : f32
    %add3A_62 = vector.broadcast %add3A_61 : f32 to vector<16xf32>
    %add3A_63 = arith.addf %add3A_62, %exp3A_60 : vector<16xf32>
    %div3A_64 = arith.constant 1.000000e+00 : f32
    %div3A_65 = vector.broadcast %div3A_64 : f32 to vector<16xf32>
    %div3A_66 = arith.divf %div3A_65, %add3A_63 : vector<16xf32>
    %swap3A_67 = arith.constant 1 : i32
    %swap3A_68 = arith.index_cast %swap3A_67 : i32 to index
    %swap3A_69 = arith.constant 0 : index
    %swap3A_70 = tpu.vector_load %arg9[%swap3A_68, %swap3A_69] {strides = array<i32>} : memref<4x16xf32, #tpu.memory_space<vmem>>, vector<16xf32>,
    tpu.vector_store %arg9[%swap3A_68, %swap3A_69], %div3A_66 {strides = array<i32>} : memref<4x16xf32, #tpu.memory_space<vmem>>, vector<16xf32>,
    %get3A_71 = arith.constant 2 : i32
    %get3A_72 = arith.index_cast %get3A_71 : i32 to index
    %get3A_73 = arith.constant 0 : index
    %get3A_74 = tpu.vector_load %arg9[%get3A_72, %get3A_73] {strides = array<i32>} : memref<4x16xf32, #tpu.memory_space<vmem>>, vector<16xf32>,
    %neg3A_75 = arith.constant 0.000000e+00 : f32
    %neg3A_76 = vector.broadcast %neg3A_75 : f32 to vector<16xf32>
    %neg3A_77 = arith.subf %neg3A_76, %get3A_74 : vector<16xf32>
    %exp3A_78 = math.exp %neg3A_77 : vector<16xf32>
    %add3A_79 = arith.constant 1.000000e+00 : f32
    %add3A_80 = vector.broadcast %add3A_79 : f32 to vector<16xf32>
    %add3A_81 = arith.addf %add3A_80, %exp3A_78 : vector<16xf32>
    %div3A_82 = arith.constant 1.000000e+00 : f32
    %div3A_83 = vector.broadcast %div3A_82 : f32 to vector<16xf32>
    %div3A_84 = arith.divf %div3A_83, %add3A_81 : vector<16xf32>
    %swap3A_85 = arith.constant 2 : i32
    %swap3A_86 = arith.index_cast %swap3A_85 : i32 to index
    %swap3A_87 = arith.constant 0 : index
    %swap3A_88 = tpu.vector_load %arg9[%swap3A_86, %swap3A_87] {strides = array<i32>} : memref<4x16xf32, #tpu.memory_space<vmem>>, vector<16xf32>,
    tpu.vector_store %arg9[%swap3A_86, %swap3A_87], %div3A_84 {strides = array<i32>} : memref<4x16xf32, #tpu.memory_space<vmem>>, vector<16xf32>,
    %get3A_89 = arith.constant 3 : i32
    %get3A_90 = arith.index_cast %get3A_89 : i32 to index
    %get3A_91 = arith.constant 0 : index
    %get3A_92 = tpu.vector_load %arg9[%get3A_90, %get3A_91] {strides = array<i32>} : memref<4x16xf32, #tpu.memory_space<vmem>>, vector<16xf32>,
    %neg3A_93 = arith.constant 0.000000e+00 : f32
    %neg3A_94 = vector.broadcast %neg3A_93 : f32 to vector<16xf32>
    %neg3A_95 = arith.subf %neg3A_94, %get3A_92 : vector<16xf32>
    %exp3A_96 = math.exp %neg3A_95 : vector<16xf32>
    %add3A_97 = arith.constant 1.000000e+00 : f32
    %add3A_98 = vector.broadcast %add3A_97 : f32 to vector<16xf32>
    %add3A_99 = arith.addf %add3A_98, %exp3A_96 : vector<16xf32>
    %div3A_100 = arith.constant 1.000000e+00 : f32
    %div3A_101 = vector.broadcast %div3A_100 : f32 to vector<16xf32>
    %div3A_102 = arith.divf %div3A_101, %add3A_99 : vector<16xf32>
    %swap3A_103 = arith.constant 3 : i32
    %swap3A_104 = arith.index_cast %swap3A_103 : i32 to index
    %swap3A_105 = arith.constant 0 : index
    %swap3A_106 = tpu.vector_load %arg9[%swap3A_104, %swap3A_105] {strides = array<i32>} : memref<4x16xf32, #tpu.memory_space<vmem>>, vector<16xf32>,
    tpu.vector_store %arg9[%swap3A_104, %swap3A_105], %div3A_102 {strides = array<i32>} : memref<4x16xf32, #tpu.memory_space<vmem>>, vector<16xf32>,
    %scan3A = arith.constant 0 : i32
    %scan3A_107 = arith.constant 0 : i32
    %scan3A_108 = arith.constant 8 : i32
    %scan3A_109 = arith.addi %scan3A_107, %scan3A_108 : i32
    %scan3A_110 = arith.constant 1 : i32
    scf.for %scan3A_179 = %scan3A_107 to %scan3A_109 step %scan3A_110  : i32 {
      %mul3A_180 = arith.constant 8 : i32
      %mul3A_181 = arith.muli %scan3A_179, %mul3A_180 : i32
      %add3A_182 = arith.addi %mul3A_0, %mul3A_181 : i32
      %mul3A_183 = arith.constant 208 : i32
      %mul3A_184 = arith.muli %add3A_182, %mul3A_183 : i32
      %mul3A_185 = arith.constant 8 : i32
      %mul3A_186 = arith.muli %scan3A_179, %mul3A_185 : i32
      %mul3A_187 = arith.constant 208 : i32
      %mul3A_188 = arith.muli %mul3A_186, %mul3A_187 : i32
      "tpu.region"() ({
        %run_scoped3A = tpu.sem_alloc : memref<!tpu.dma_semaphore, #tpu.memory_space<semaphore_mem>>
        %dma_start3A = tpu.memref_slice %arg6[%mul3A_188] : memref<13312xi32, #tpu.memory_space<vmem>> -> memref<1664xi32, #tpu.memory_space<vmem>>
        %dma_start3A_189 = tpu.memref_slice %arg2[%mul3A_184] : memref<212992xi32, #tpu.memory_space<hbm>> -> memref<1664xi32, #tpu.memory_space<hbm>>
        %dma_start3A_190 = tpu.memref_slice %arg6[%mul3A_188] : memref<13312xi32, #tpu.memory_space<vmem>> -> memref<1664xi32, #tpu.memory_space<vmem>>
        %dma_start3A_191 = tpu.memref_slice %arg2[%mul3A_184] : memref<212992xi32, #tpu.memory_space<hbm>> -> memref<1664xi32, #tpu.memory_space<hbm>>
        tpu.enqueue_dma source(%dma_start3A_191 : memref<1664xi32, #tpu.memory_space<hbm>>) target(%dma_start3A_190 : memref<1664xi32, #tpu.memory_space<vmem>>) target_semaphore(%run_scoped3A : memref<!tpu.dma_semaphore, #tpu.memory_space<semaphore_mem>>)
        %dma_wait3A_192 = tpu.memref_slice %arg6[%mul3A_188] : memref<13312xi32, #tpu.memory_space<vmem>> -> memref<1664xi32, #tpu.memory_space<vmem>>
        %dma_wait3A_193 = tpu.memref_slice %arg2[%mul3A_184] : memref<212992xi32, #tpu.memory_space<hbm>> -> memref<1664xi32, #tpu.memory_space<hbm>>
        %dma_wait3A_194 = tpu.memref_slice %arg6[%mul3A_188] : memref<13312xi32, #tpu.memory_space<vmem>> -> memref<1664xi32, #tpu.memory_space<vmem>>
        %dma_wait3A_195 = tpu.memref_slice %arg2[%mul3A_184] : memref<212992xi32, #tpu.memory_space<hbm>> -> memref<1664xi32, #tpu.memory_space<hbm>>
        tpu.wait_dma2 semaphore(%run_scoped3A : memref<!tpu.dma_semaphore, #tpu.memory_space<semaphore_mem>>) src(%dma_wait3A_195 : memref<1664xi32, #tpu.memory_space<hbm>>) dst(%dma_wait3A_194 : memref<1664xi32, #tpu.memory_space<vmem>>)
        tpu.yield
      }) : () -> ()
    }
    %scan3A_111 = arith.constant 8 : i32
    %scan3A_112 = arith.constant 0 : i32
    %scan3A_113 = arith.constant 0 : i32
    %scan3A_114 = arith.constant 64 : i32
    %scan3A_115 = arith.addi %scan3A_113, %scan3A_114 : i32
    %scan3A_116 = arith.constant 1 : i32
    scf.for %scan3A_179 = %scan3A_113 to %scan3A_115 step %scan3A_116  : i32 {
      %mul3A_180 = arith.constant 208 : i32
      %mul3A_181 = arith.muli %scan3A_179, %mul3A_180 : i32
      %add3A_182 = arith.constant 3 : i32
      %add3A_183 = arith.addi %mul3A_181, %add3A_182 : i32
      %add3A_184 = arith.constant 0 : i32
      %add3A_185 = arith.addi %add3A_183, %add3A_184 : i32
      %sub3A = arith.constant 0 : i32
      %sub3A_186 = arith.subi %add3A_185, %sub3A : i32
      %get3A_187 = arith.index_cast %sub3A_186 : i32 to index
      %get3A_188 = tpu.vector_load %arg6[%get3A_187] {strides = array<i32>} : memref<13312xi32, #tpu.memory_space<vmem>>, vector<16xi32>,
      %mul3A_189 = arith.constant 208 : i32
      %mul3A_190 = arith.muli %scan3A_179, %mul3A_189 : i32
      %add3A_191 = arith.constant 3 : i32
      %add3A_192 = arith.addi %mul3A_190, %add3A_191 : i32
      %add3A_193 = arith.constant 0 : i32
      %add3A_194 = arith.addi %add3A_192, %add3A_193 : i32
      %sub3A_195 = arith.constant 1 : i32
      %sub3A_196 = arith.subi %add3A_194, %sub3A_195 : i32
      %get3A_197 = arith.index_cast %sub3A_196 : i32 to index
      %get3A_198 = tpu.vector_load %arg6[%get3A_197] {strides = array<i32>} : memref<13312xi32, #tpu.memory_space<vmem>>, vector<16xi32>,
      %mul3A_199 = arith.constant 208 : i32
      %mul3A_200 = arith.muli %scan3A_179, %mul3A_199 : i32
      %add3A_201 = arith.constant 3 : i32
      %add3A_202 = arith.addi %mul3A_200, %add3A_201 : i32
      %add3A_203 = arith.constant 0 : i32
      %add3A_204 = arith.addi %add3A_202, %add3A_203 : i32
      %sub3A_205 = arith.constant 2 : i32
      %sub3A_206 = arith.subi %add3A_204, %sub3A_205 : i32
      %get3A_207 = arith.index_cast %sub3A_206 : i32 to index
      %get3A_208 = tpu.vector_load %arg6[%get3A_207] {strides = array<i32>} : memref<13312xi32, #tpu.memory_space<vmem>>, vector<16xi32>,
      %mul3A_209 = arith.constant 208 : i32
      %mul3A_210 = arith.muli %scan3A_179, %mul3A_209 : i32
      %add3A_211 = arith.constant 3 : i32
      %add3A_212 = arith.addi %mul3A_210, %add3A_211 : i32
      %add3A_213 = arith.constant 0 : i32
      %add3A_214 = arith.addi %add3A_212, %add3A_213 : i32
      %sub3A_215 = arith.constant 3 : i32
      %sub3A_216 = arith.subi %add3A_214, %sub3A_215 : i32
      %get3A_217 = arith.index_cast %sub3A_216 : i32 to index
      %get3A_218 = tpu.vector_load %arg6[%get3A_217] {strides = array<i32>} : memref<13312xi32, #tpu.memory_space<vmem>>, vector<16xi32>,
      %mul3A_219 = vector.broadcast %select_n3A : i32 to vector<16xi32>
      %mul3A_220 = arith.muli %get3A_188, %mul3A_219 : vector<16xi32>
      %mul3A_221 = vector.broadcast %select_n3A_10 : i32 to vector<16xi32>
      %mul3A_222 = arith.muli %get3A_198, %mul3A_221 : vector<16xi32>
      %add3A_223 = arith.addi %mul3A_220, %mul3A_222 : vector<16xi32>
      %mul3A_224 = vector.broadcast %select_n3A_15 : i32 to vector<16xi32>
      %mul3A_225 = arith.muli %get3A_208, %mul3A_224 : vector<16xi32>
      %add3A_226 = arith.addi %add3A_223, %mul3A_225 : vector<16xi32>
      %mul3A_227 = vector.broadcast %select_n3A_20 : i32 to vector<16xi32>
      %mul3A_228 = arith.muli %get3A_218, %mul3A_227 : vector<16xi32>
      %add3A_229 = arith.addi %add3A_226, %mul3A_228 : vector<16xi32>
      %jit3A_230 = arith.constant 1000000 : i32
      %eq3A_231 = arith.constant 0 : i32
      %eq3A_232 = arith.cmpi eq, %jit3A_230, %eq3A_231 : i32
      %jit3A_233 = arith.constant 1 : i32
      %select_n3A_234 = arith.select %eq3A_232, %jit3A_233, %jit3A_230 : i32
      %rem3A = vector.broadcast %select_n3A_234 : i32 to vector<16xi32>
      %rem3A_235 = arith.remui %add3A_229, %rem3A : vector<16xi32>
      %ne3A = arith.constant 0 : i32
      %ne3A_236 = vector.broadcast %ne3A : i32 to vector<16xi32>
      %ne3A_237 = arith.cmpi ne, %rem3A_235, %ne3A_236 : vector<16xi32>
      %lt3A = arith.constant 0 : i32
      %lt3A_238 = vector.broadcast %lt3A : i32 to vector<16xi32>
      %lt3A_239 = arith.cmpi ult, %rem3A_235, %lt3A_238 : vector<16xi32>
      %lt3A_240 = arith.constant 0 : i32
      %lt3A_241 = arith.cmpi ult, %select_n3A_234, %lt3A_240 : i32
      %ne3A_242 = vector.broadcast %lt3A_241 : i1 to vector<16xi1>
      %ne3A_243 = vector.broadcast %ne3A_242 : vector<16xi1> to vector<16xi1>
      %ne3A_244 = arith.xori %lt3A_239, %ne3A_243 : vector<16xi1>
      %and3A = arith.andi %ne3A_244, %ne3A_237 : vector<16xi1>
      %add3A_245 = vector.broadcast %select_n3A_234 : i32 to vector<16xi32>
      %add3A_246 = arith.addi %rem3A_235, %add3A_245 : vector<16xi32>
      %select_n3A_247 = arith.select %and3A, %add3A_246, %rem3A_235 : vector<16xi1>, vector<16xi32>
      %mul3A_248 = arith.constant 200 : i32
      %mul3A_249 = arith.muli %scan3A_179, %mul3A_248 : i32
      %add3A_250 = arith.constant 0 : i32
      %add3A_251 = arith.addi %add3A_250, %mul3A_249 : i32
      %add3A_252 = arith.constant 0 : i32
      %add3A_253 = arith.addi %add3A_251, %add3A_252 : i32
      %swap3A_254 = arith.index_cast %add3A_253 : i32 to index
      %swap3A_255 = tpu.vector_load %arg7[%swap3A_254] {strides = array<i32>} : memref<25600xi32, #tpu.memory_space<vmem>>, vector<16xi32>,
      tpu.vector_store %arg7[%swap3A_254], %select_n3A_247 {strides = array<i32>} : memref<25600xi32, #tpu.memory_space<vmem>>, vector<16xi32>,
      %mul3A_256 = vector.broadcast %select_n3A_25 : i32 to vector<16xi32>
      %mul3A_257 = arith.muli %get3A_188, %mul3A_256 : vector<16xi32>
      %mul3A_258 = vector.broadcast %select_n3A_30 : i32 to vector<16xi32>
      %mul3A_259 = arith.muli %get3A_198, %mul3A_258 : vector<16xi32>
      %add3A_260 = arith.addi %mul3A_257, %mul3A_259 : vector<16xi32>
      %mul3A_261 = vector.broadcast %select_n3A_35 : i32 to vector<16xi32>
      %mul3A_262 = arith.muli %get3A_208, %mul3A_261 : vector<16xi32>
      %add3A_263 = arith.addi %add3A_260, %mul3A_262 : vector<16xi32>
      %mul3A_264 = vector.broadcast %select_n3A_40 : i32 to vector<16xi32>
      %mul3A_265 = arith.muli %get3A_218, %mul3A_264 : vector<16xi32>
      %add3A_266 = arith.addi %add3A_263, %mul3A_265 : vector<16xi32>
      %jit3A_267 = arith.constant 1000000 : i32
      %eq3A_268 = arith.constant 0 : i32
      %eq3A_269 = arith.cmpi eq, %jit3A_267, %eq3A_268 : i32
      %jit3A_270 = arith.constant 1 : i32
      %select_n3A_271 = arith.select %eq3A_269, %jit3A_270, %jit3A_267 : i32
      %rem3A_272 = vector.broadcast %select_n3A_271 : i32 to vector<16xi32>
      %rem3A_273 = arith.remui %add3A_266, %rem3A_272 : vector<16xi32>
      %ne3A_274 = arith.constant 0 : i32
      %ne3A_275 = vector.broadcast %ne3A_274 : i32 to vector<16xi32>
      %ne3A_276 = arith.cmpi ne, %rem3A_273, %ne3A_275 : vector<16xi32>
      %lt3A_277 = arith.constant 0 : i32
      %lt3A_278 = vector.broadcast %lt3A_277 : i32 to vector<16xi32>
      %lt3A_279 = arith.cmpi ult, %rem3A_273, %lt3A_278 : vector<16xi32>
      %lt3A_280 = arith.constant 0 : i32
      %lt3A_281 = arith.cmpi ult, %select_n3A_271, %lt3A_280 : i32
      %ne3A_282 = vector.broadcast %lt3A_281 : i1 to vector<16xi1>
      %ne3A_283 = vector.broadcast %ne3A_282 : vector<16xi1> to vector<16xi1>
      %ne3A_284 = arith.xori %lt3A_279, %ne3A_283 : vector<16xi1>
      %and3A_285 = arith.andi %ne3A_284, %ne3A_276 : vector<16xi1>
      %add3A_286 = vector.broadcast %select_n3A_271 : i32 to vector<16xi32>
      %add3A_287 = arith.addi %rem3A_273, %add3A_286 : vector<16xi32>
      %select_n3A_288 = arith.select %and3A_285, %add3A_287, %rem3A_273 : vector<16xi1>, vector<16xi32>
      %mul3A_289 = arith.constant 200 : i32
      %mul3A_290 = arith.muli %scan3A_179, %mul3A_289 : i32
      %add3A_291 = arith.constant 12800 : i32
      %add3A_292 = arith.addi %add3A_291, %mul3A_290 : i32
      %add3A_293 = arith.constant 0 : i32
      %add3A_294 = arith.addi %add3A_292, %add3A_293 : i32
      %swap3A_295 = arith.index_cast %add3A_294 : i32 to index
      %swap3A_296 = tpu.vector_load %arg7[%swap3A_295] {strides = array<i32>} : memref<25600xi32, #tpu.memory_space<vmem>>, vector<16xi32>,
      tpu.vector_store %arg7[%swap3A_295], %select_n3A_288 {strides = array<i32>} : memref<25600xi32, #tpu.memory_space<vmem>>, vector<16xi32>,
      %mul3A_297 = arith.constant 208 : i32
      %mul3A_298 = arith.muli %scan3A_179, %mul3A_297 : i32
      %add3A_299 = arith.constant 3 : i32
      %add3A_300 = arith.addi %mul3A_298, %add3A_299 : i32
      %add3A_301 = arith.constant 16 : i32
      %add3A_302 = arith.addi %add3A_300, %add3A_301 : i32
      %sub3A_303 = arith.constant 0 : i32
      %sub3A_304 = arith.subi %add3A_302, %sub3A_303 : i32
      %get3A_305 = arith.index_cast %sub3A_304 : i32 to index
      %get3A_306 = tpu.vector_load %arg6[%get3A_305] {strides = array<i32>} : memref<13312xi32, #tpu.memory_space<vmem>>, vector<16xi32>,
      %mul3A_307 = arith.constant 208 : i32
      %mul3A_308 = arith.muli %scan3A_179, %mul3A_307 : i32
      %add3A_309 = arith.constant 3 : i32
      %add3A_310 = arith.addi %mul3A_308, %add3A_309 : i32
      %add3A_311 = arith.constant 16 : i32
      %add3A_312 = arith.addi %add3A_310, %add3A_311 : i32
      %sub3A_313 = arith.constant 1 : i32
      %sub3A_314 = arith.subi %add3A_312, %sub3A_313 : i32
      %get3A_315 = arith.index_cast %sub3A_314 : i32 to index
      %get3A_316 = tpu.vector_load %arg6[%get3A_315] {strides = array<i32>} : memref<13312xi32, #tpu.memory_space<vmem>>, vector<16xi32>,
      %mul3A_317 = arith.constant 208 : i32
      %mul3A_318 = arith.muli %scan3A_179, %mul3A_317 : i32
      %add3A_319 = arith.constant 3 : i32
      %add3A_320 = arith.addi %mul3A_318, %add3A_319 : i32
      %add3A_321 = arith.constant 16 : i32
      %add3A_322 = arith.addi %add3A_320, %add3A_321 : i32
      %sub3A_323 = arith.constant 2 : i32
      %sub3A_324 = arith.subi %add3A_322, %sub3A_323 : i32
      %get3A_325 = arith.index_cast %sub3A_324 : i32 to index
      %get3A_326 = tpu.vector_load %arg6[%get3A_325] {strides = array<i32>} : memref<13312xi32, #tpu.memory_space<vmem>>, vector<16xi32>,
      %mul3A_327 = arith.constant 208 : i32
      %mul3A_328 = arith.muli %scan3A_179, %mul3A_327 : i32
      %add3A_329 = arith.constant 3 : i32
      %add3A_330 = arith.addi %mul3A_328, %add3A_329 : i32
      %add3A_331 = arith.constant 16 : i32
      %add3A_332 = arith.addi %add3A_330, %add3A_331 : i32
      %sub3A_333 = arith.constant 3 : i32
      %sub3A_334 = arith.subi %add3A_332, %sub3A_333 : i32
      %get3A_335 = arith.index_cast %sub3A_334 : i32 to index
      %get3A_336 = tpu.vector_load %arg6[%get3A_335] {strides = array<i32>} : memref<13312xi32, #tpu.memory_space<vmem>>, vector<16xi32>,
      %mul3A_337 = vector.broadcast %select_n3A : i32 to vector<16xi32>
      %mul3A_338 = arith.muli %get3A_306, %mul3A_337 : vector<16xi32>
      %mul3A_339 = vector.broadcast %select_n3A_10 : i32 to vector<16xi32>
      %mul3A_340 = arith.muli %get3A_316, %mul3A_339 : vector<16xi32>
      %add3A_341 = arith.addi %mul3A_338, %mul3A_340 : vector<16xi32>
      %mul3A_342 = vector.broadcast %select_n3A_15 : i32 to vector<16xi32>
      %mul3A_343 = arith.muli %get3A_326, %mul3A_342 : vector<16xi32>
      %add3A_344 = arith.addi %add3A_341, %mul3A_343 : vector<16xi32>
      %mul3A_345 = vector.broadcast %select_n3A_20 : i32 to vector<16xi32>
      %mul3A_346 = arith.muli %get3A_336, %mul3A_345 : vector<16xi32>
      %add3A_347 = arith.addi %add3A_344, %mul3A_346 : vector<16xi32>
      %jit3A_348 = arith.constant 1000000 : i32
      %eq3A_349 = arith.constant 0 : i32
      %eq3A_350 = arith.cmpi eq, %jit3A_348, %eq3A_349 : i32
      %jit3A_351 = arith.constant 1 : i32
      %select_n3A_352 = arith.select %eq3A_350, %jit3A_351, %jit3A_348 : i32
      %rem3A_353 = vector.broadcast %select_n3A_352 : i32 to vector<16xi32>
      %rem3A_354 = arith.remui %add3A_347, %rem3A_353 : vector<16xi32>
      %ne3A_355 = arith.constant 0 : i32
      %ne3A_356 = vector.broadcast %ne3A_355 : i32 to vector<16xi32>
      %ne3A_357 = arith.cmpi ne, %rem3A_354, %ne3A_356 : vector<16xi32>
      %lt3A_358 = arith.constant 0 : i32
      %lt3A_359 = vector.broadcast %lt3A_358 : i32 to vector<16xi32>
      %lt3A_360 = arith.cmpi ult, %rem3A_354, %lt3A_359 : vector<16xi32>
      %lt3A_361 = arith.constant 0 : i32
      %lt3A_362 = arith.cmpi ult, %select_n3A_352, %lt3A_361 : i32
      %ne3A_363 = vector.broadcast %lt3A_362 : i1 to vector<16xi1>
      %ne3A_364 = vector.broadcast %ne3A_363 : vector<16xi1> to vector<16xi1>
      %ne3A_365 = arith.xori %lt3A_360, %ne3A_364 : vector<16xi1>
      %and3A_366 = arith.andi %ne3A_365, %ne3A_357 : vector<16xi1>
      %add3A_367 = vector.broadcast %select_n3A_352 : i32 to vector<16xi32>
      %add3A_368 = arith.addi %rem3A_354, %add3A_367 : vector<16xi32>
      %select_n3A_369 = arith.select %and3A_366, %add3A_368, %rem3A_354 : vector<16xi1>, vector<16xi32>
      %mul3A_370 = arith.constant 200 : i32
      %mul3A_371 = arith.muli %scan3A_179, %mul3A_370 : i32
      %add3A_372 = arith.constant 0 : i32
      %add3A_373 = arith.addi %add3A_372, %mul3A_371 : i32
      %add3A_374 = arith.constant 16 : i32
      %add3A_375 = arith.addi %add3A_373, %add3A_374 : i32
      %swap3A_376 = arith.index_cast %add3A_375 : i32 to index
      %swap3A_377 = tpu.vector_load %arg7[%swap3A_376] {strides = array<i32>} : memref<25600xi32, #tpu.memory_space<vmem>>, vector<16xi32>,
      tpu.vector_store %arg7[%swap3A_376], %select_n3A_369 {strides = array<i32>} : memref<25600xi32, #tpu.memory_space<vmem>>, vector<16xi32>,
      %mul3A_378 = vector.broadcast %select_n3A_25 : i32 to vector<16xi32>
      %mul3A_379 = arith.muli %get3A_306, %mul3A_378 : vector<16xi32>
      %mul3A_380 = vector.broadcast %select_n3A_30 : i32 to vector<16xi32>
      %mul3A_381 = arith.muli %get3A_316, %mul3A_380 : vector<16xi32>
      %add3A_382 = arith.addi %mul3A_379, %mul3A_381 : vector<16xi32>
      %mul3A_383 = vector.broadcast %select_n3A_35 : i32 to vector<16xi32>
      %mul3A_384 = arith.muli %get3A_326, %mul3A_383 : vector<16xi32>
      %add3A_385 = arith.addi %add3A_382, %mul3A_384 : vector<16xi32>
      %mul3A_386 = vector.broadcast %select_n3A_40 : i32 to vector<16xi32>
      %mul3A_387 = arith.muli %get3A_336, %mul3A_386 : vector<16xi32>
      %add3A_388 = arith.addi %add3A_385, %mul3A_387 : vector<16xi32>
      %jit3A_389 = arith.constant 1000000 : i32
      %eq3A_390 = arith.constant 0 : i32
      %eq3A_391 = arith.cmpi eq, %jit3A_389, %eq3A_390 : i32
      %jit3A_392 = arith.constant 1 : i32
      %select_n3A_393 = arith.select %eq3A_391, %jit3A_392, %jit3A_389 : i32
      %rem3A_394 = vector.broadcast %select_n3A_393 : i32 to vector<16xi32>
      %rem3A_395 = arith.remui %add3A_388, %rem3A_394 : vector<16xi32>
      %ne3A_396 = arith.constant 0 : i32
      %ne3A_397 = vector.broadcast %ne3A_396 : i32 to vector<16xi32>
      %ne3A_398 = arith.cmpi ne, %rem3A_395, %ne3A_397 : vector<16xi32>
      %lt3A_399 = arith.constant 0 : i32
      %lt3A_400 = vector.broadcast %lt3A_399 : i32 to vector<16xi32>
      %lt3A_401 = arith.cmpi ult, %rem3A_395, %lt3A_400 : vector<16xi32>
      %lt3A_402 = arith.constant 0 : i32
      %lt3A_403 = arith.cmpi ult, %select_n3A_393, %lt3A_402 : i32
      %ne3A_404 = vector.broadcast %lt3A_403 : i1 to vector<16xi1>
      %ne3A_405 = vector.broadcast %ne3A_404 : vector<16xi1> to vector<16xi1>
      %ne3A_406 = arith.xori %lt3A_401, %ne3A_405 : vector<16xi1>
      %and3A_407 = arith.andi %ne3A_406, %ne3A_398 : vector<16xi1>
      %add3A_408 = vector.broadcast %select_n3A_393 : i32 to vector<16xi32>
      %add3A_409 = arith.addi %rem3A_395, %add3A_408 : vector<16xi32>
      %select_n3A_410 = arith.select %and3A_407, %add3A_409, %rem3A_395 : vector<16xi1>, vector<16xi32>
      %mul3A_411 = arith.constant 200 : i32
      %mul3A_412 = arith.muli %scan3A_179, %mul3A_411 : i32
      %add3A_413 = arith.constant 12800 : i32
      %add3A_414 = arith.addi %add3A_413, %mul3A_412 : i32
      %add3A_415 = arith.constant 16 : i32
      %add3A_416 = arith.addi %add3A_414, %add3A_415 : i32
      %swap3A_417 = arith.index_cast %add3A_416 : i32 to index
      %swap3A_418 = tpu.vector_load %arg7[%swap3A_417] {strides = array<i32>} : memref<25600xi32, #tpu.memory_space<vmem>>, vector<16xi32>,
      tpu.vector_store %arg7[%swap3A_417], %select_n3A_410 {strides = array<i32>} : memref<25600xi32, #tpu.memory_space<vmem>>, vector<16xi32>,
      %mul3A_419 = arith.constant 208 : i32
      %mul3A_420 = arith.muli %scan3A_179, %mul3A_419 : i32
      %add3A_421 = arith.constant 3 : i32
      %add3A_422 = arith.addi %mul3A_420, %add3A_421 : i32
      %add3A_423 = arith.constant 32 : i32
      %add3A_424 = arith.addi %add3A_422, %add3A_423 : i32
      %sub3A_425 = arith.constant 0 : i32
      %sub3A_426 = arith.subi %add3A_424, %sub3A_425 : i32
      %get3A_427 = arith.index_cast %sub3A_426 : i32 to index
      %get3A_428 = tpu.vector_load %arg6[%get3A_427] {strides = array<i32>} : memref<13312xi32, #tpu.memory_space<vmem>>, vector<16xi32>,
      %mul3A_429 = arith.constant 208 : i32
      %mul3A_430 = arith.muli %scan3A_179, %mul3A_429 : i32
      %add3A_431 = arith.constant 3 : i32
      %add3A_432 = arith.addi %mul3A_430, %add3A_431 : i32
      %add3A_433 = arith.constant 32 : i32
      %add3A_434 = arith.addi %add3A_432, %add3A_433 : i32
      %sub3A_435 = arith.constant 1 : i32
      %sub3A_436 = arith.subi %add3A_434, %sub3A_435 : i32
      %get3A_437 = arith.index_cast %sub3A_436 : i32 to index
      %get3A_438 = tpu.vector_load %arg6[%get3A_437] {strides = array<i32>} : memref<13312xi32, #tpu.memory_space<vmem>>, vector<16xi32>,
      %mul3A_439 = arith.constant 208 : i32
      %mul3A_440 = arith.muli %scan3A_179, %mul3A_439 : i32
      %add3A_441 = arith.constant 3 : i32
      %add3A_442 = arith.addi %mul3A_440, %add3A_441 : i32
      %add3A_443 = arith.constant 32 : i32
      %add3A_444 = arith.addi %add3A_442, %add3A_443 : i32
      %sub3A_445 = arith.constant 2 : i32
      %sub3A_446 = arith.subi %add3A_444, %sub3A_445 : i32
      %get3A_447 = arith.index_cast %sub3A_446 : i32 to index
      %get3A_448 = tpu.vector_load %arg6[%get3A_447] {strides = array<i32>} : memref<13312xi32, #tpu.memory_space<vmem>>, vector<16xi32>,
      %mul3A_449 = arith.constant 208 : i32
      %mul3A_450 = arith.muli %scan3A_179, %mul3A_449 : i32
      %add3A_451 = arith.constant 3 : i32
      %add3A_452 = arith.addi %mul3A_450, %add3A_451 : i32
      %add3A_453 = arith.constant 32 : i32
      %add3A_454 = arith.addi %add3A_452, %add3A_453 : i32
      %sub3A_455 = arith.constant 3 : i32
      %sub3A_456 = arith.subi %add3A_454, %sub3A_455 : i32
      %get3A_457 = arith.index_cast %sub3A_456 : i32 to index
      %get3A_458 = tpu.vector_load %arg6[%get3A_457] {strides = array<i32>} : memref<13312xi32, #tpu.memory_space<vmem>>, vector<16xi32>,
      %mul3A_459 = vector.broadcast %select_n3A : i32 to vector<16xi32>
      %mul3A_460 = arith.muli %get3A_428, %mul3A_459 : vector<16xi32>
      %mul3A_461 = vector.broadcast %select_n3A_10 : i32 to vector<16xi32>
      %mul3A_462 = arith.muli %get3A_438, %mul3A_461 : vector<16xi32>
      %add3A_463 = arith.addi %mul3A_460, %mul3A_462 : vector<16xi32>
      %mul3A_464 = vector.broadcast %select_n3A_15 : i32 to vector<16xi32>
      %mul3A_465 = arith.muli %get3A_448, %mul3A_464 : vector<16xi32>
      %add3A_466 = arith.addi %add3A_463, %mul3A_465 : vector<16xi32>
      %mul3A_467 = vector.broadcast %select_n3A_20 : i32 to vector<16xi32>
      %mul3A_468 = arith.muli %get3A_458, %mul3A_467 : vector<16xi32>
      %add3A_469 = arith.addi %add3A_466, %mul3A_468 : vector<16xi32>
      %jit3A_470 = arith.constant 1000000 : i32
      %eq3A_471 = arith.constant 0 : i32
      %eq3A_472 = arith.cmpi eq, %jit3A_470, %eq3A_471 : i32
      %jit3A_473 = arith.constant 1 : i32
      %select_n3A_474 = arith.select %eq3A_472, %jit3A_473, %jit3A_470 : i32
      %rem3A_475 = vector.broadcast %select_n3A_474 : i32 to vector<16xi32>
      %rem3A_476 = arith.remui %add3A_469, %rem3A_475 : vector<16xi32>
      %ne3A_477 = arith.constant 0 : i32
      %ne3A_478 = vector.broadcast %ne3A_477 : i32 to vector<16xi32>
      %ne3A_479 = arith.cmpi ne, %rem3A_476, %ne3A_478 : vector<16xi32>
      %lt3A_480 = arith.constant 0 : i32
      %lt3A_481 = vector.broadcast %lt3A_480 : i32 to vector<16xi32>
      %lt3A_482 = arith.cmpi ult, %rem3A_476, %lt3A_481 : vector<16xi32>
      %lt3A_483 = arith.constant 0 : i32
      %lt3A_484 = arith.cmpi ult, %select_n3A_474, %lt3A_483 : i32
      %ne3A_485 = vector.broadcast %lt3A_484 : i1 to vector<16xi1>
      %ne3A_486 = vector.broadcast %ne3A_485 : vector<16xi1> to vector<16xi1>
      %ne3A_487 = arith.xori %lt3A_482, %ne3A_486 : vector<16xi1>
      %and3A_488 = arith.andi %ne3A_487, %ne3A_479 : vector<16xi1>
      %add3A_489 = vector.broadcast %select_n3A_474 : i32 to vector<16xi32>
      %add3A_490 = arith.addi %rem3A_476, %add3A_489 : vector<16xi32>
      %select_n3A_491 = arith.select %and3A_488, %add3A_490, %rem3A_476 : vector<16xi1>, vector<16xi32>
      %mul3A_492 = arith.constant 200 : i32
      %mul3A_493 = arith.muli %scan3A_179, %mul3A_492 : i32
      %add3A_494 = arith.constant 0 : i32
      %add3A_495 = arith.addi %add3A_494, %mul3A_493 : i32
      %add3A_496 = arith.constant 32 : i32
      %add3A_497 = arith.addi %add3A_495, %add3A_496 : i32
      %swap3A_498 = arith.index_cast %add3A_497 : i32 to index
      %swap3A_499 = tpu.vector_load %arg7[%swap3A_498] {strides = array<i32>} : memref<25600xi32, #tpu.memory_space<vmem>>, vector<16xi32>,
      tpu.vector_store %arg7[%swap3A_498], %select_n3A_491 {strides = array<i32>} : memref<25600xi32, #tpu.memory_space<vmem>>, vector<16xi32>,
      %mul3A_500 = vector.broadcast %select_n3A_25 : i32 to vector<16xi32>
      %mul3A_501 = arith.muli %get3A_428, %mul3A_500 : vector<16xi32>
      %mul3A_502 = vector.broadcast %select_n3A_30 : i32 to vector<16xi32>
      %mul3A_503 = arith.muli %get3A_438, %mul3A_502 : vector<16xi32>
      %add3A_504 = arith.addi %mul3A_501, %mul3A_503 : vector<16xi32>
      %mul3A_505 = vector.broadcast %select_n3A_35 : i32 to vector<16xi32>
      %mul3A_506 = arith.muli %get3A_448, %mul3A_505 : vector<16xi32>
      %add3A_507 = arith.addi %add3A_504, %mul3A_506 : vector<16xi32>
      %mul3A_508 = vector.broadcast %select_n3A_40 : i32 to vector<16xi32>
      %mul3A_509 = arith.muli %get3A_458, %mul3A_508 : vector<16xi32>
      %add3A_510 = arith.addi %add3A_507, %mul3A_509 : vector<16xi32>
      %jit3A_511 = arith.constant 1000000 : i32
      %eq3A_512 = arith.constant 0 : i32
      %eq3A_513 = arith.cmpi eq, %jit3A_511, %eq3A_512 : i32
      %jit3A_514 = arith.constant 1 : i32
      %select_n3A_515 = arith.select %eq3A_513, %jit3A_514, %jit3A_511 : i32
      %rem3A_516 = vector.broadcast %select_n3A_515 : i32 to vector<16xi32>
      %rem3A_517 = arith.remui %add3A_510, %rem3A_516 : vector<16xi32>
      %ne3A_518 = arith.constant 0 : i32
      %ne3A_519 = vector.broadcast %ne3A_518 : i32 to vector<16xi32>
      %ne3A_520 = arith.cmpi ne, %rem3A_517, %ne3A_519 : vector<16xi32>
      %lt3A_521 = arith.constant 0 : i32
      %lt3A_522 = vector.broadcast %lt3A_521 : i32 to vector<16xi32>
      %lt3A_523 = arith.cmpi ult, %rem3A_517, %lt3A_522 : vector<16xi32>
      %lt3A_524 = arith.constant 0 : i32
      %lt3A_525 = arith.cmpi ult, %select_n3A_515, %lt3A_524 : i32
      %ne3A_526 = vector.broadcast %lt3A_525 : i1 to vector<16xi1>
      %ne3A_527 = vector.broadcast %ne3A_526 : vector<16xi1> to vector<16xi1>
      %ne3A_528 = arith.xori %lt3A_523, %ne3A_527 : vector<16xi1>
      %and3A_529 = arith.andi %ne3A_528, %ne3A_520 : vector<16xi1>
      %add3A_530 = vector.broadcast %select_n3A_515 : i32 to vector<16xi32>
      %add3A_531 = arith.addi %rem3A_517, %add3A_530 : vector<16xi32>
      %select_n3A_532 = arith.select %and3A_529, %add3A_531, %rem3A_517 : vector<16xi1>, vector<16xi32>
      %mul3A_533 = arith.constant 200 : i32
      %mul3A_534 = arith.muli %scan3A_179, %mul3A_533 : i32
      %add3A_535 = arith.constant 12800 : i32
      %add3A_536 = arith.addi %add3A_535, %mul3A_534 : i32
      %add3A_537 = arith.constant 32 : i32
      %add3A_538 = arith.addi %add3A_536, %add3A_537 : i32
      %swap3A_539 = arith.index_cast %add3A_538 : i32 to index
      %swap3A_540 = tpu.vector_load %arg7[%swap3A_539] {strides = array<i32>} : memref<25600xi32, #tpu.memory_space<vmem>>, vector<16xi32>,
      tpu.vector_store %arg7[%swap3A_539], %select_n3A_532 {strides = array<i32>} : memref<25600xi32, #tpu.memory_space<vmem>>, vector<16xi32>,
      %mul3A_541 = arith.constant 208 : i32
      %mul3A_542 = arith.muli %scan3A_179, %mul3A_541 : i32
      %add3A_543 = arith.constant 3 : i32
      %add3A_544 = arith.addi %mul3A_542, %add3A_543 : i32
      %add3A_545 = arith.constant 48 : i32
      %add3A_546 = arith.addi %add3A_544, %add3A_545 : i32
      %sub3A_547 = arith.constant 0 : i32
      %sub3A_548 = arith.subi %add3A_546, %sub3A_547 : i32
      %get3A_549 = arith.index_cast %sub3A_548 : i32 to index
      %get3A_550 = tpu.vector_load %arg6[%get3A_549] {strides = array<i32>} : memref<13312xi32, #tpu.memory_space<vmem>>, vector<16xi32>,
      %mul3A_551 = arith.constant 208 : i32
      %mul3A_552 = arith.muli %scan3A_179, %mul3A_551 : i32
      %add3A_553 = arith.constant 3 : i32
      %add3A_554 = arith.addi %mul3A_552, %add3A_553 : i32
      %add3A_555 = arith.constant 48 : i32
      %add3A_556 = arith.addi %add3A_554, %add3A_555 : i32
      %sub3A_557 = arith.constant 1 : i32
      %sub3A_558 = arith.subi %add3A_556, %sub3A_557 : i32
      %get3A_559 = arith.index_cast %sub3A_558 : i32 to index
      %get3A_560 = tpu.vector_load %arg6[%get3A_559] {strides = array<i32>} : memref<13312xi32, #tpu.memory_space<vmem>>, vector<16xi32>,
      %mul3A_561 = arith.constant 208 : i32
      %mul3A_562 = arith.muli %scan3A_179, %mul3A_561 : i32
      %add3A_563 = arith.constant 3 : i32
      %add3A_564 = arith.addi %mul3A_562, %add3A_563 : i32
      %add3A_565 = arith.constant 48 : i32
      %add3A_566 = arith.addi %add3A_564, %add3A_565 : i32
      %sub3A_567 = arith.constant 2 : i32
      %sub3A_568 = arith.subi %add3A_566, %sub3A_567 : i32
      %get3A_569 = arith.index_cast %sub3A_568 : i32 to index
      %get3A_570 = tpu.vector_load %arg6[%get3A_569] {strides = array<i32>} : memref<13312xi32, #tpu.memory_space<vmem>>, vector<16xi32>,
      %mul3A_571 = arith.constant 208 : i32
      %mul3A_572 = arith.muli %scan3A_179, %mul3A_571 : i32
      %add3A_573 = arith.constant 3 : i32
      %add3A_574 = arith.addi %mul3A_572, %add3A_573 : i32
      %add3A_575 = arith.constant 48 : i32
      %add3A_576 = arith.addi %add3A_574, %add3A_575 : i32
      %sub3A_577 = arith.constant 3 : i32
      %sub3A_578 = arith.subi %add3A_576, %sub3A_577 : i32
      %get3A_579 = arith.index_cast %sub3A_578 : i32 to index
      %get3A_580 = tpu.vector_load %arg6[%get3A_579] {strides = array<i32>} : memref<13312xi32, #tpu.memory_space<vmem>>, vector<16xi32>,
      %mul3A_581 = vector.broadcast %select_n3A : i32 to vector<16xi32>
      %mul3A_582 = arith.muli %get3A_550, %mul3A_581 : vector<16xi32>
      %mul3A_583 = vector.broadcast %select_n3A_10 : i32 to vector<16xi32>
      %mul3A_584 = arith.muli %get3A_560, %mul3A_583 : vector<16xi32>
      %add3A_585 = arith.addi %mul3A_582, %mul3A_584 : vector<16xi32>
      %mul3A_586 = vector.broadcast %select_n3A_15 : i32 to vector<16xi32>
      %mul3A_587 = arith.muli %get3A_570, %mul3A_586 : vector<16xi32>
      %add3A_588 = arith.addi %add3A_585, %mul3A_587 : vector<16xi32>
      %mul3A_589 = vector.broadcast %select_n3A_20 : i32 to vector<16xi32>
      %mul3A_590 = arith.muli %get3A_580, %mul3A_589 : vector<16xi32>
      %add3A_591 = arith.addi %add3A_588, %mul3A_590 : vector<16xi32>
      %jit3A_592 = arith.constant 1000000 : i32
      %eq3A_593 = arith.constant 0 : i32
      %eq3A_594 = arith.cmpi eq, %jit3A_592, %eq3A_593 : i32
      %jit3A_595 = arith.constant 1 : i32
      %select_n3A_596 = arith.select %eq3A_594, %jit3A_595, %jit3A_592 : i32
      %rem3A_597 = vector.broadcast %select_n3A_596 : i32 to vector<16xi32>
      %rem3A_598 = arith.remui %add3A_591, %rem3A_597 : vector<16xi32>
      %ne3A_599 = arith.constant 0 : i32
      %ne3A_600 = vector.broadcast %ne3A_599 : i32 to vector<16xi32>
      %ne3A_601 = arith.cmpi ne, %rem3A_598, %ne3A_600 : vector<16xi32>
      %lt3A_602 = arith.constant 0 : i32
      %lt3A_603 = vector.broadcast %lt3A_602 : i32 to vector<16xi32>
      %lt3A_604 = arith.cmpi ult, %rem3A_598, %lt3A_603 : vector<16xi32>
      %lt3A_605 = arith.constant 0 : i32
      %lt3A_606 = arith.cmpi ult, %select_n3A_596, %lt3A_605 : i32
      %ne3A_607 = vector.broadcast %lt3A_606 : i1 to vector<16xi1>
      %ne3A_608 = vector.broadcast %ne3A_607 : vector<16xi1> to vector<16xi1>
      %ne3A_609 = arith.xori %lt3A_604, %ne3A_608 : vector<16xi1>
      %and3A_610 = arith.andi %ne3A_609, %ne3A_601 : vector<16xi1>
      %add3A_611 = vector.broadcast %select_n3A_596 : i32 to vector<16xi32>
      %add3A_612 = arith.addi %rem3A_598, %add3A_611 : vector<16xi32>
      %select_n3A_613 = arith.select %and3A_610, %add3A_612, %rem3A_598 : vector<16xi1>, vector<16xi32>
      %mul3A_614 = arith.constant 200 : i32
      %mul3A_615 = arith.muli %scan3A_179, %mul3A_614 : i32
      %add3A_616 = arith.constant 0 : i32
      %add3A_617 = arith.addi %add3A_616, %mul3A_615 : i32
      %add3A_618 = arith.constant 48 : i32
      %add3A_619 = arith.addi %add3A_617, %add3A_618 : i32
      %swap3A_620 = arith.index_cast %add3A_619 : i32 to index
      %swap3A_621 = tpu.vector_load %arg7[%swap3A_620] {strides = array<i32>} : memref<25600xi32, #tpu.memory_space<vmem>>, vector<16xi32>,
      tpu.vector_store %arg7[%swap3A_620], %select_n3A_613 {strides = array<i32>} : memref<25600xi32, #tpu.memory_space<vmem>>, vector<16xi32>,
      %mul3A_622 = vector.broadcast %select_n3A_25 : i32 to vector<16xi32>
      %mul3A_623 = arith.muli %get3A_550, %mul3A_622 : vector<16xi32>
      %mul3A_624 = vector.broadcast %select_n3A_30 : i32 to vector<16xi32>
      %mul3A_625 = arith.muli %get3A_560, %mul3A_624 : vector<16xi32>
      %add3A_626 = arith.addi %mul3A_623, %mul3A_625 : vector<16xi32>
      %mul3A_627 = vector.broadcast %select_n3A_35 : i32 to vector<16xi32>
      %mul3A_628 = arith.muli %get3A_570, %mul3A_627 : vector<16xi32>
      %add3A_629 = arith.addi %add3A_626, %mul3A_628 : vector<16xi32>
      %mul3A_630 = vector.broadcast %select_n3A_40 : i32 to vector<16xi32>
      %mul3A_631 = arith.muli %get3A_580, %mul3A_630 : vector<16xi32>
      %add3A_632 = arith.addi %add3A_629, %mul3A_631 : vector<16xi32>
      %jit3A_633 = arith.constant 1000000 : i32
      %eq3A_634 = arith.constant 0 : i32
      %eq3A_635 = arith.cmpi eq, %jit3A_633, %eq3A_634 : i32
      %jit3A_636 = arith.constant 1 : i32
      %select_n3A_637 = arith.select %eq3A_635, %jit3A_636, %jit3A_633 : i32
      %rem3A_638 = vector.broadcast %select_n3A_637 : i32 to vector<16xi32>
      %rem3A_639 = arith.remui %add3A_632, %rem3A_638 : vector<16xi32>
      %ne3A_640 = arith.constant 0 : i32
      %ne3A_641 = vector.broadcast %ne3A_640 : i32 to vector<16xi32>
      %ne3A_642 = arith.cmpi ne, %rem3A_639, %ne3A_641 : vector<16xi32>
      %lt3A_643 = arith.constant 0 : i32
      %lt3A_644 = vector.broadcast %lt3A_643 : i32 to vector<16xi32>
      %lt3A_645 = arith.cmpi ult, %rem3A_639, %lt3A_644 : vector<16xi32>
      %lt3A_646 = arith.constant 0 : i32
      %lt3A_647 = arith.cmpi ult, %select_n3A_637, %lt3A_646 : i32
      %ne3A_648 = vector.broadcast %lt3A_647 : i1 to vector<16xi1>
      %ne3A_649 = vector.broadcast %ne3A_648 : vector<16xi1> to vector<16xi1>
      %ne3A_650 = arith.xori %lt3A_645, %ne3A_649 : vector<16xi1>
      %and3A_651 = arith.andi %ne3A_650, %ne3A_642 : vector<16xi1>
      %add3A_652 = vector.broadcast %select_n3A_637 : i32 to vector<16xi32>
      %add3A_653 = arith.addi %rem3A_639, %add3A_652 : vector<16xi32>
      %select_n3A_654 = arith.select %and3A_651, %add3A_653, %rem3A_639 : vector<16xi1>, vector<16xi32>
      %mul3A_655 = arith.constant 200 : i32
      %mul3A_656 = arith.muli %scan3A_179, %mul3A_655 : i32
      %add3A_657 = arith.constant 12800 : i32
      %add3A_658 = arith.addi %add3A_657, %mul3A_656 : i32
      %add3A_659 = arith.constant 48 : i32
      %add3A_660 = arith.addi %add3A_658, %add3A_659 : i32
      %swap3A_661 = arith.index_cast %add3A_660 : i32 to index
      %swap3A_662 = tpu.vector_load %arg7[%swap3A_661] {strides = array<i32>} : memref<25600xi32, #tpu.memory_space<vmem>>, vector<16xi32>,
      tpu.vector_store %arg7[%swap3A_661], %select_n3A_654 {strides = array<i32>} : memref<25600xi32, #tpu.memory_space<vmem>>, vector<16xi32>,
      %mul3A_663 = arith.constant 208 : i32
      %mul3A_664 = arith.muli %scan3A_179, %mul3A_663 : i32
      %add3A_665 = arith.constant 3 : i32
      %add3A_666 = arith.addi %mul3A_664, %add3A_665 : i32
      %add3A_667 = arith.constant 64 : i32
      %add3A_668 = arith.addi %add3A_666, %add3A_667 : i32
      %sub3A_669 = arith.constant 0 : i32
      %sub3A_670 = arith.subi %add3A_668, %sub3A_669 : i32
      %get3A_671 = arith.index_cast %sub3A_670 : i32 to index
      %get3A_672 = tpu.vector_load %arg6[%get3A_671] {strides = array<i32>} : memref<13312xi32, #tpu.memory_space<vmem>>, vector<16xi32>,
      %mul3A_673 = arith.constant 208 : i32
      %mul3A_674 = arith.muli %scan3A_179, %mul3A_673 : i32
      %add3A_675 = arith.constant 3 : i32
      %add3A_676 = arith.addi %mul3A_674, %add3A_675 : i32
      %add3A_677 = arith.constant 64 : i32
      %add3A_678 = arith.addi %add3A_676, %add3A_677 : i32
      %sub3A_679 = arith.constant 1 : i32
      %sub3A_680 = arith.subi %add3A_678, %sub3A_679 : i32
      %get3A_681 = arith.index_cast %sub3A_680 : i32 to index
      %get3A_682 = tpu.vector_load %arg6[%get3A_681] {strides = array<i32>} : memref<13312xi32, #tpu.memory_space<vmem>>, vector<16xi32>,
      %mul3A_683 = arith.constant 208 : i32
      %mul3A_684 = arith.muli %scan3A_179, %mul3A_683 : i32
      %add3A_685 = arith.constant 3 : i32
      %add3A_686 = arith.addi %mul3A_684, %add3A_685 : i32
      %add3A_687 = arith.constant 64 : i32
      %add3A_688 = arith.addi %add3A_686, %add3A_687 : i32
      %sub3A_689 = arith.constant 2 : i32
      %sub3A_690 = arith.subi %add3A_688, %sub3A_689 : i32
      %get3A_691 = arith.index_cast %sub3A_690 : i32 to index
      %get3A_692 = tpu.vector_load %arg6[%get3A_691] {strides = array<i32>} : memref<13312xi32, #tpu.memory_space<vmem>>, vector<16xi32>,
      %mul3A_693 = arith.constant 208 : i32
      %mul3A_694 = arith.muli %scan3A_179, %mul3A_693 : i32
      %add3A_695 = arith.constant 3 : i32
      %add3A_696 = arith.addi %mul3A_694, %add3A_695 : i32
      %add3A_697 = arith.constant 64 : i32
      %add3A_698 = arith.addi %add3A_696, %add3A_697 : i32
      %sub3A_699 = arith.constant 3 : i32
      %sub3A_700 = arith.subi %add3A_698, %sub3A_699 : i32
      %get3A_701 = arith.index_cast %sub3A_700 : i32 to index
      %get3A_702 = tpu.vector_load %arg6[%get3A_701] {strides = array<i32>} : memref<13312xi32, #tpu.memory_space<vmem>>, vector<16xi32>,
      %mul3A_703 = vector.broadcast %select_n3A : i32 to vector<16xi32>
      %mul3A_704 = arith.muli %get3A_672, %mul3A_703 : vector<16xi32>
      %mul3A_705 = vector.broadcast %select_n3A_10 : i32 to vector<16xi32>
      %mul3A_706 = arith.muli %get3A_682, %mul3A_705 : vector<16xi32>
      %add3A_707 = arith.addi %mul3A_704, %mul3A_706 : vector<16xi32>
      %mul3A_708 = vector.broadcast %select_n3A_15 : i32 to vector<16xi32>
      %mul3A_709 = arith.muli %get3A_692, %mul3A_708 : vector<16xi32>
      %add3A_710 = arith.addi %add3A_707, %mul3A_709 : vector<16xi32>
      %mul3A_711 = vector.broadcast %select_n3A_20 : i32 to vector<16xi32>
      %mul3A_712 = arith.muli %get3A_702, %mul3A_711 : vector<16xi32>
      %add3A_713 = arith.addi %add3A_710, %mul3A_712 : vector<16xi32>
      %jit3A_714 = arith.constant 1000000 : i32
      %eq3A_715 = arith.constant 0 : i32
      %eq3A_716 = arith.cmpi eq, %jit3A_714, %eq3A_715 : i32
      %jit3A_717 = arith.constant 1 : i32
      %select_n3A_718 = arith.select %eq3A_716, %jit3A_717, %jit3A_714 : i32
      %rem3A_719 = vector.broadcast %select_n3A_718 : i32 to vector<16xi32>
      %rem3A_720 = arith.remui %add3A_713, %rem3A_719 : vector<16xi32>
      %ne3A_721 = arith.constant 0 : i32
      %ne3A_722 = vector.broadcast %ne3A_721 : i32 to vector<16xi32>
      %ne3A_723 = arith.cmpi ne, %rem3A_720, %ne3A_722 : vector<16xi32>
      %lt3A_724 = arith.constant 0 : i32
      %lt3A_725 = vector.broadcast %lt3A_724 : i32 to vector<16xi32>
      %lt3A_726 = arith.cmpi ult, %rem3A_720, %lt3A_725 : vector<16xi32>
      %lt3A_727 = arith.constant 0 : i32
      %lt3A_728 = arith.cmpi ult, %select_n3A_718, %lt3A_727 : i32
      %ne3A_729 = vector.broadcast %lt3A_728 : i1 to vector<16xi1>
      %ne3A_730 = vector.broadcast %ne3A_729 : vector<16xi1> to vector<16xi1>
      %ne3A_731 = arith.xori %lt3A_726, %ne3A_730 : vector<16xi1>
      %and3A_732 = arith.andi %ne3A_731, %ne3A_723 : vector<16xi1>
      %add3A_733 = vector.broadcast %select_n3A_718 : i32 to vector<16xi32>
      %add3A_734 = arith.addi %rem3A_720, %add3A_733 : vector<16xi32>
      %select_n3A_735 = arith.select %and3A_732, %add3A_734, %rem3A_720 : vector<16xi1>, vector<16xi32>
      %mul3A_736 = arith.constant 200 : i32
      %mul3A_737 = arith.muli %scan3A_179, %mul3A_736 : i32
      %add3A_738 = arith.constant 0 : i32
      %add3A_739 = arith.addi %add3A_738, %mul3A_737 : i32
      %add3A_740 = arith.constant 64 : i32
      %add3A_741 = arith.addi %add3A_739, %add3A_740 : i32
      %swap3A_742 = arith.index_cast %add3A_741 : i32 to index
      %swap3A_743 = tpu.vector_load %arg7[%swap3A_742] {strides = array<i32>} : memref<25600xi32, #tpu.memory_space<vmem>>, vector<16xi32>,
      tpu.vector_store %arg7[%swap3A_742], %select_n3A_735 {strides = array<i32>} : memref<25600xi32, #tpu.memory_space<vmem>>, vector<16xi32>,
      %mul3A_744 = vector.broadcast %select_n3A_25 : i32 to vector<16xi32>
      %mul3A_745 = arith.muli %get3A_672, %mul3A_744 : vector<16xi32>
      %mul3A_746 = vector.broadcast %select_n3A_30 : i32 to vector<16xi32>
      %mul3A_747 = arith.muli %get3A_682, %mul3A_746 : vector<16xi32>
      %add3A_748 = arith.addi %mul3A_745, %mul3A_747 : vector<16xi32>
      %mul3A_749 = vector.broadcast %select_n3A_35 : i32 to vector<16xi32>
      %mul3A_750 = arith.muli %get3A_692, %mul3A_749 : vector<16xi32>
      %add3A_751 = arith.addi %add3A_748, %mul3A_750 : vector<16xi32>
      %mul3A_752 = vector.broadcast %select_n3A_40 : i32 to vector<16xi32>
      %mul3A_753 = arith.muli %get3A_702, %mul3A_752 : vector<16xi32>
      %add3A_754 = arith.addi %add3A_751, %mul3A_753 : vector<16xi32>
      %jit3A_755 = arith.constant 1000000 : i32
      %eq3A_756 = arith.constant 0 : i32
      %eq3A_757 = arith.cmpi eq, %jit3A_755, %eq3A_756 : i32
      %jit3A_758 = arith.constant 1 : i32
      %select_n3A_759 = arith.select %eq3A_757, %jit3A_758, %jit3A_755 : i32
      %rem3A_760 = vector.broadcast %select_n3A_759 : i32 to vector<16xi32>
      %rem3A_761 = arith.remui %add3A_754, %rem3A_760 : vector<16xi32>
      %ne3A_762 = arith.constant 0 : i32
      %ne3A_763 = vector.broadcast %ne3A_762 : i32 to vector<16xi32>
      %ne3A_764 = arith.cmpi ne, %rem3A_761, %ne3A_763 : vector<16xi32>
      %lt3A_765 = arith.constant 0 : i32
      %lt3A_766 = vector.broadcast %lt3A_765 : i32 to vector<16xi32>
      %lt3A_767 = arith.cmpi ult, %rem3A_761, %lt3A_766 : vector<16xi32>
      %lt3A_768 = arith.constant 0 : i32
      %lt3A_769 = arith.cmpi ult, %select_n3A_759, %lt3A_768 : i32
      %ne3A_770 = vector.broadcast %lt3A_769 : i1 to vector<16xi1>
      %ne3A_771 = vector.broadcast %ne3A_770 : vector<16xi1> to vector<16xi1>
      %ne3A_772 = arith.xori %lt3A_767, %ne3A_771 : vector<16xi1>
      %and3A_773 = arith.andi %ne3A_772, %ne3A_764 : vector<16xi1>
      %add3A_774 = vector.broadcast %select_n3A_759 : i32 to vector<16xi32>
      %add3A_775 = arith.addi %rem3A_761, %add3A_774 : vector<16xi32>
      %select_n3A_776 = arith.select %and3A_773, %add3A_775, %rem3A_761 : vector<16xi1>, vector<16xi32>
      %mul3A_777 = arith.constant 200 : i32
      %mul3A_778 = arith.muli %scan3A_179, %mul3A_777 : i32
      %add3A_779 = arith.constant 12800 : i32
      %add3A_780 = arith.addi %add3A_779, %mul3A_778 : i32
      %add3A_781 = arith.constant 64 : i32
      %add3A_782 = arith.addi %add3A_780, %add3A_781 : i32
      %swap3A_783 = arith.index_cast %add3A_782 : i32 to index
      %swap3A_784 = tpu.vector_load %arg7[%swap3A_783] {strides = array<i32>} : memref<25600xi32, #tpu.memory_space<vmem>>, vector<16xi32>,
      tpu.vector_store %arg7[%swap3A_783], %select_n3A_776 {strides = array<i32>} : memref<25600xi32, #tpu.memory_space<vmem>>, vector<16xi32>,
      %mul3A_785 = arith.constant 208 : i32
      %mul3A_786 = arith.muli %scan3A_179, %mul3A_785 : i32
      %add3A_787 = arith.constant 3 : i32
      %add3A_788 = arith.addi %mul3A_786, %add3A_787 : i32
      %add3A_789 = arith.constant 80 : i32
      %add3A_790 = arith.addi %add3A_788, %add3A_789 : i32
      %sub3A_791 = arith.constant 0 : i32
      %sub3A_792 = arith.subi %add3A_790, %sub3A_791 : i32
      %get3A_793 = arith.index_cast %sub3A_792 : i32 to index
      %get3A_794 = tpu.vector_load %arg6[%get3A_793] {strides = array<i32>} : memref<13312xi32, #tpu.memory_space<vmem>>, vector<16xi32>,
      %mul3A_795 = arith.constant 208 : i32
      %mul3A_796 = arith.muli %scan3A_179, %mul3A_795 : i32
      %add3A_797 = arith.constant 3 : i32
      %add3A_798 = arith.addi %mul3A_796, %add3A_797 : i32
      %add3A_799 = arith.constant 80 : i32
      %add3A_800 = arith.addi %add3A_798, %add3A_799 : i32
      %sub3A_801 = arith.constant 1 : i32
      %sub3A_802 = arith.subi %add3A_800, %sub3A_801 : i32
      %get3A_803 = arith.index_cast %sub3A_802 : i32 to index
      %get3A_804 = tpu.vector_load %arg6[%get3A_803] {strides = array<i32>} : memref<13312xi32, #tpu.memory_space<vmem>>, vector<16xi32>,
      %mul3A_805 = arith.constant 208 : i32
      %mul3A_806 = arith.muli %scan3A_179, %mul3A_805 : i32
      %add3A_807 = arith.constant 3 : i32
      %add3A_808 = arith.addi %mul3A_806, %add3A_807 : i32
      %add3A_809 = arith.constant 80 : i32
      %add3A_810 = arith.addi %add3A_808, %add3A_809 : i32
      %sub3A_811 = arith.constant 2 : i32
      %sub3A_812 = arith.subi %add3A_810, %sub3A_811 : i32
      %get3A_813 = arith.index_cast %sub3A_812 : i32 to index
      %get3A_814 = tpu.vector_load %arg6[%get3A_813] {strides = array<i32>} : memref<13312xi32, #tpu.memory_space<vmem>>, vector<16xi32>,
      %mul3A_815 = arith.constant 208 : i32
      %mul3A_816 = arith.muli %scan3A_179, %mul3A_815 : i32
      %add3A_817 = arith.constant 3 : i32
      %add3A_818 = arith.addi %mul3A_816, %add3A_817 : i32
      %add3A_819 = arith.constant 80 : i32
      %add3A_820 = arith.addi %add3A_818, %add3A_819 : i32
      %sub3A_821 = arith.constant 3 : i32
      %sub3A_822 = arith.subi %add3A_820, %sub3A_821 : i32
      %get3A_823 = arith.index_cast %sub3A_822 : i32 to index
      %get3A_824 = tpu.vector_load %arg6[%get3A_823] {strides = array<i32>} : memref<13312xi32, #tpu.memory_space<vmem>>, vector<16xi32>,
      %mul3A_825 = vector.broadcast %select_n3A : i32 to vector<16xi32>
      %mul3A_826 = arith.muli %get3A_794, %mul3A_825 : vector<16xi32>
      %mul3A_827 = vector.broadcast %select_n3A_10 : i32 to vector<16xi32>
      %mul3A_828 = arith.muli %get3A_804, %mul3A_827 : vector<16xi32>
      %add3A_829 = arith.addi %mul3A_826, %mul3A_828 : vector<16xi32>
      %mul3A_830 = vector.broadcast %select_n3A_15 : i32 to vector<16xi32>
      %mul3A_831 = arith.muli %get3A_814, %mul3A_830 : vector<16xi32>
      %add3A_832 = arith.addi %add3A_829, %mul3A_831 : vector<16xi32>
      %mul3A_833 = vector.broadcast %select_n3A_20 : i32 to vector<16xi32>
      %mul3A_834 = arith.muli %get3A_824, %mul3A_833 : vector<16xi32>
      %add3A_835 = arith.addi %add3A_832, %mul3A_834 : vector<16xi32>
      %jit3A_836 = arith.constant 1000000 : i32
      %eq3A_837 = arith.constant 0 : i32
      %eq3A_838 = arith.cmpi eq, %jit3A_836, %eq3A_837 : i32
      %jit3A_839 = arith.constant 1 : i32
      %select_n3A_840 = arith.select %eq3A_838, %jit3A_839, %jit3A_836 : i32
      %rem3A_841 = vector.broadcast %select_n3A_840 : i32 to vector<16xi32>
      %rem3A_842 = arith.remui %add3A_835, %rem3A_841 : vector<16xi32>
      %ne3A_843 = arith.constant 0 : i32
      %ne3A_844 = vector.broadcast %ne3A_843 : i32 to vector<16xi32>
      %ne3A_845 = arith.cmpi ne, %rem3A_842, %ne3A_844 : vector<16xi32>
      %lt3A_846 = arith.constant 0 : i32
      %lt3A_847 = vector.broadcast %lt3A_846 : i32 to vector<16xi32>
      %lt3A_848 = arith.cmpi ult, %rem3A_842, %lt3A_847 : vector<16xi32>
      %lt3A_849 = arith.constant 0 : i32
      %lt3A_850 = arith.cmpi ult, %select_n3A_840, %lt3A_849 : i32
      %ne3A_851 = vector.broadcast %lt3A_850 : i1 to vector<16xi1>
      %ne3A_852 = vector.broadcast %ne3A_851 : vector<16xi1> to vector<16xi1>
      %ne3A_853 = arith.xori %lt3A_848, %ne3A_852 : vector<16xi1>
      %and3A_854 = arith.andi %ne3A_853, %ne3A_845 : vector<16xi1>
      %add3A_855 = vector.broadcast %select_n3A_840 : i32 to vector<16xi32>
      %add3A_856 = arith.addi %rem3A_842, %add3A_855 : vector<16xi32>
      %select_n3A_857 = arith.select %and3A_854, %add3A_856, %rem3A_842 : vector<16xi1>, vector<16xi32>
      %mul3A_858 = arith.constant 200 : i32
      %mul3A_859 = arith.muli %scan3A_179, %mul3A_858 : i32
      %add3A_860 = arith.constant 0 : i32
      %add3A_861 = arith.addi %add3A_860, %mul3A_859 : i32
      %add3A_862 = arith.constant 80 : i32
      %add3A_863 = arith.addi %add3A_861, %add3A_862 : i32
      %swap3A_864 = arith.index_cast %add3A_863 : i32 to index
      %swap3A_865 = tpu.vector_load %arg7[%swap3A_864] {strides = array<i32>} : memref<25600xi32, #tpu.memory_space<vmem>>, vector<16xi32>,
      tpu.vector_store %arg7[%swap3A_864], %select_n3A_857 {strides = array<i32>} : memref<25600xi32, #tpu.memory_space<vmem>>, vector<16xi32>,
      %mul3A_866 = vector.broadcast %select_n3A_25 : i32 to vector<16xi32>
      %mul3A_867 = arith.muli %get3A_794, %mul3A_866 : vector<16xi32>
      %mul3A_868 = vector.broadcast %select_n3A_30 : i32 to vector<16xi32>
      %mul3A_869 = arith.muli %get3A_804, %mul3A_868 : vector<16xi32>
      %add3A_870 = arith.addi %mul3A_867, %mul3A_869 : vector<16xi32>
      %mul3A_871 = vector.broadcast %select_n3A_35 : i32 to vector<16xi32>
      %mul3A_872 = arith.muli %get3A_814, %mul3A_871 : vector<16xi32>
      %add3A_873 = arith.addi %add3A_870, %mul3A_872 : vector<16xi32>
      %mul3A_874 = vector.broadcast %select_n3A_40 : i32 to vector<16xi32>
      %mul3A_875 = arith.muli %get3A_824, %mul3A_874 : vector<16xi32>
      %add3A_876 = arith.addi %add3A_873, %mul3A_875 : vector<16xi32>
      %jit3A_877 = arith.constant 1000000 : i32
      %eq3A_878 = arith.constant 0 : i32
      %eq3A_879 = arith.cmpi eq, %jit3A_877, %eq3A_878 : i32
      %jit3A_880 = arith.constant 1 : i32
      %select_n3A_881 = arith.select %eq3A_879, %jit3A_880, %jit3A_877 : i32
      %rem3A_882 = vector.broadcast %select_n3A_881 : i32 to vector<16xi32>
      %rem3A_883 = arith.remui %add3A_876, %rem3A_882 : vector<16xi32>
      %ne3A_884 = arith.constant 0 : i32
      %ne3A_885 = vector.broadcast %ne3A_884 : i32 to vector<16xi32>
      %ne3A_886 = arith.cmpi ne, %rem3A_883, %ne3A_885 : vector<16xi32>
      %lt3A_887 = arith.constant 0 : i32
      %lt3A_888 = vector.broadcast %lt3A_887 : i32 to vector<16xi32>
      %lt3A_889 = arith.cmpi ult, %rem3A_883, %lt3A_888 : vector<16xi32>
      %lt3A_890 = arith.constant 0 : i32
      %lt3A_891 = arith.cmpi ult, %select_n3A_881, %lt3A_890 : i32
      %ne3A_892 = vector.broadcast %lt3A_891 : i1 to vector<16xi1>
      %ne3A_893 = vector.broadcast %ne3A_892 : vector<16xi1> to vector<16xi1>
      %ne3A_894 = arith.xori %lt3A_889, %ne3A_893 : vector<16xi1>
      %and3A_895 = arith.andi %ne3A_894, %ne3A_886 : vector<16xi1>
      %add3A_896 = vector.broadcast %select_n3A_881 : i32 to vector<16xi32>
      %add3A_897 = arith.addi %rem3A_883, %add3A_896 : vector<16xi32>
      %select_n3A_898 = arith.select %and3A_895, %add3A_897, %rem3A_883 : vector<16xi1>, vector<16xi32>
      %mul3A_899 = arith.constant 200 : i32
      %mul3A_900 = arith.muli %scan3A_179, %mul3A_899 : i32
      %add3A_901 = arith.constant 12800 : i32
      %add3A_902 = arith.addi %add3A_901, %mul3A_900 : i32
      %add3A_903 = arith.constant 80 : i32
      %add3A_904 = arith.addi %add3A_902, %add3A_903 : i32
      %swap3A_905 = arith.index_cast %add3A_904 : i32 to index
      %swap3A_906 = tpu.vector_load %arg7[%swap3A_905] {strides = array<i32>} : memref<25600xi32, #tpu.memory_space<vmem>>, vector<16xi32>,
      tpu.vector_store %arg7[%swap3A_905], %select_n3A_898 {strides = array<i32>} : memref<25600xi32, #tpu.memory_space<vmem>>, vector<16xi32>,
      %mul3A_907 = arith.constant 208 : i32
      %mul3A_908 = arith.muli %scan3A_179, %mul3A_907 : i32
      %add3A_909 = arith.constant 3 : i32
      %add3A_910 = arith.addi %mul3A_908, %add3A_909 : i32
      %add3A_911 = arith.constant 96 : i32
      %add3A_912 = arith.addi %add3A_910, %add3A_911 : i32
      %sub3A_913 = arith.constant 0 : i32
      %sub3A_914 = arith.subi %add3A_912, %sub3A_913 : i32
      %get3A_915 = arith.index_cast %sub3A_914 : i32 to index
      %get3A_916 = tpu.vector_load %arg6[%get3A_915] {strides = array<i32>} : memref<13312xi32, #tpu.memory_space<vmem>>, vector<16xi32>,
      %mul3A_917 = arith.constant 208 : i32
      %mul3A_918 = arith.muli %scan3A_179, %mul3A_917 : i32
      %add3A_919 = arith.constant 3 : i32
      %add3A_920 = arith.addi %mul3A_918, %add3A_919 : i32
      %add3A_921 = arith.constant 96 : i32
      %add3A_922 = arith.addi %add3A_920, %add3A_921 : i32
      %sub3A_923 = arith.constant 1 : i32
      %sub3A_924 = arith.subi %add3A_922, %sub3A_923 : i32
      %get3A_925 = arith.index_cast %sub3A_924 : i32 to index
      %get3A_926 = tpu.vector_load %arg6[%get3A_925] {strides = array<i32>} : memref<13312xi32, #tpu.memory_space<vmem>>, vector<16xi32>,
      %mul3A_927 = arith.constant 208 : i32
      %mul3A_928 = arith.muli %scan3A_179, %mul3A_927 : i32
      %add3A_929 = arith.constant 3 : i32
      %add3A_930 = arith.addi %mul3A_928, %add3A_929 : i32
      %add3A_931 = arith.constant 96 : i32
      %add3A_932 = arith.addi %add3A_930, %add3A_931 : i32
      %sub3A_933 = arith.constant 2 : i32
      %sub3A_934 = arith.subi %add3A_932, %sub3A_933 : i32
      %get3A_935 = arith.index_cast %sub3A_934 : i32 to index
      %get3A_936 = tpu.vector_load %arg6[%get3A_935] {strides = array<i32>} : memref<13312xi32, #tpu.memory_space<vmem>>, vector<16xi32>,
      %mul3A_937 = arith.constant 208 : i32
      %mul3A_938 = arith.muli %scan3A_179, %mul3A_937 : i32
      %add3A_939 = arith.constant 3 : i32
      %add3A_940 = arith.addi %mul3A_938, %add3A_939 : i32
      %add3A_941 = arith.constant 96 : i32
      %add3A_942 = arith.addi %add3A_940, %add3A_941 : i32
      %sub3A_943 = arith.constant 3 : i32
      %sub3A_944 = arith.subi %add3A_942, %sub3A_943 : i32
      %get3A_945 = arith.index_cast %sub3A_944 : i32 to index
      %get3A_946 = tpu.vector_load %arg6[%get3A_945] {strides = array<i32>} : memref<13312xi32, #tpu.memory_space<vmem>>, vector<16xi32>,
      %mul3A_947 = vector.broadcast %select_n3A : i32 to vector<16xi32>
      %mul3A_948 = arith.muli %get3A_916, %mul3A_947 : vector<16xi32>
      %mul3A_949 = vector.broadcast %select_n3A_10 : i32 to vector<16xi32>
      %mul3A_950 = arith.muli %get3A_926, %mul3A_949 : vector<16xi32>
      %add3A_951 = arith.addi %mul3A_948, %mul3A_950 : vector<16xi32>
      %mul3A_952 = vector.broadcast %select_n3A_15 : i32 to vector<16xi32>
      %mul3A_953 = arith.muli %get3A_936, %mul3A_952 : vector<16xi32>
      %add3A_954 = arith.addi %add3A_951, %mul3A_953 : vector<16xi32>
      %mul3A_955 = vector.broadcast %select_n3A_20 : i32 to vector<16xi32>
      %mul3A_956 = arith.muli %get3A_946, %mul3A_955 : vector<16xi32>
      %add3A_957 = arith.addi %add3A_954, %mul3A_956 : vector<16xi32>
      %jit3A_958 = arith.constant 1000000 : i32
      %eq3A_959 = arith.constant 0 : i32
      %eq3A_960 = arith.cmpi eq, %jit3A_958, %eq3A_959 : i32
      %jit3A_961 = arith.constant 1 : i32
      %select_n3A_962 = arith.select %eq3A_960, %jit3A_961, %jit3A_958 : i32
      %rem3A_963 = vector.broadcast %select_n3A_962 : i32 to vector<16xi32>
      %rem3A_964 = arith.remui %add3A_957, %rem3A_963 : vector<16xi32>
      %ne3A_965 = arith.constant 0 : i32
      %ne3A_966 = vector.broadcast %ne3A_965 : i32 to vector<16xi32>
      %ne3A_967 = arith.cmpi ne, %rem3A_964, %ne3A_966 : vector<16xi32>
      %lt3A_968 = arith.constant 0 : i32
      %lt3A_969 = vector.broadcast %lt3A_968 : i32 to vector<16xi32>
      %lt3A_970 = arith.cmpi ult, %rem3A_964, %lt3A_969 : vector<16xi32>
      %lt3A_971 = arith.constant 0 : i32
      %lt3A_972 = arith.cmpi ult, %select_n3A_962, %lt3A_971 : i32
      %ne3A_973 = vector.broadcast %lt3A_972 : i1 to vector<16xi1>
      %ne3A_974 = vector.broadcast %ne3A_973 : vector<16xi1> to vector<16xi1>
      %ne3A_975 = arith.xori %lt3A_970, %ne3A_974 : vector<16xi1>
      %and3A_976 = arith.andi %ne3A_975, %ne3A_967 : vector<16xi1>
      %add3A_977 = vector.broadcast %select_n3A_962 : i32 to vector<16xi32>
      %add3A_978 = arith.addi %rem3A_964, %add3A_977 : vector<16xi32>
      %select_n3A_979 = arith.select %and3A_976, %add3A_978, %rem3A_964 : vector<16xi1>, vector<16xi32>
      %mul3A_980 = arith.constant 200 : i32
      %mul3A_981 = arith.muli %scan3A_179, %mul3A_980 : i32
      %add3A_982 = arith.constant 0 : i32
      %add3A_983 = arith.addi %add3A_982, %mul3A_981 : i32
      %add3A_984 = arith.constant 96 : i32
      %add3A_985 = arith.addi %add3A_983, %add3A_984 : i32
      %swap3A_986 = arith.index_cast %add3A_985 : i32 to index
      %swap3A_987 = tpu.vector_load %arg7[%swap3A_986] {strides = array<i32>} : memref<25600xi32, #tpu.memory_space<vmem>>, vector<16xi32>,
      tpu.vector_store %arg7[%swap3A_986], %select_n3A_979 {strides = array<i32>} : memref<25600xi32, #tpu.memory_space<vmem>>, vector<16xi32>,
      %mul3A_988 = vector.broadcast %select_n3A_25 : i32 to vector<16xi32>
      %mul3A_989 = arith.muli %get3A_916, %mul3A_988 : vector<16xi32>
      %mul3A_990 = vector.broadcast %select_n3A_30 : i32 to vector<16xi32>
      %mul3A_991 = arith.muli %get3A_926, %mul3A_990 : vector<16xi32>
      %add3A_992 = arith.addi %mul3A_989, %mul3A_991 : vector<16xi32>
      %mul3A_993 = vector.broadcast %select_n3A_35 : i32 to vector<16xi32>
      %mul3A_994 = arith.muli %get3A_936, %mul3A_993 : vector<16xi32>
      %add3A_995 = arith.addi %add3A_992, %mul3A_994 : vector<16xi32>
      %mul3A_996 = vector.broadcast %select_n3A_40 : i32 to vector<16xi32>
      %mul3A_997 = arith.muli %get3A_946, %mul3A_996 : vector<16xi32>
      %add3A_998 = arith.addi %add3A_995, %mul3A_997 : vector<16xi32>
      %jit3A_999 = arith.constant 1000000 : i32
      %eq3A_1000 = arith.constant 0 : i32
      %eq3A_1001 = arith.cmpi eq, %jit3A_999, %eq3A_1000 : i32
      %jit3A_1002 = arith.constant 1 : i32
      %select_n3A_1003 = arith.select %eq3A_1001, %jit3A_1002, %jit3A_999 : i32
      %rem3A_1004 = vector.broadcast %select_n3A_1003 : i32 to vector<16xi32>
      %rem3A_1005 = arith.remui %add3A_998, %rem3A_1004 : vector<16xi32>
      %ne3A_1006 = arith.constant 0 : i32
      %ne3A_1007 = vector.broadcast %ne3A_1006 : i32 to vector<16xi32>
      %ne3A_1008 = arith.cmpi ne, %rem3A_1005, %ne3A_1007 : vector<16xi32>
      %lt3A_1009 = arith.constant 0 : i32
      %lt3A_1010 = vector.broadcast %lt3A_1009 : i32 to vector<16xi32>
      %lt3A_1011 = arith.cmpi ult, %rem3A_1005, %lt3A_1010 : vector<16xi32>
      %lt3A_1012 = arith.constant 0 : i32
      %lt3A_1013 = arith.cmpi ult, %select_n3A_1003, %lt3A_1012 : i32
      %ne3A_1014 = vector.broadcast %lt3A_1013 : i1 to vector<16xi1>
      %ne3A_1015 = vector.broadcast %ne3A_1014 : vector<16xi1> to vector<16xi1>
      %ne3A_1016 = arith.xori %lt3A_1011, %ne3A_1015 : vector<16xi1>
      %and3A_1017 = arith.andi %ne3A_1016, %ne3A_1008 : vector<16xi1>
      %add3A_1018 = vector.broadcast %select_n3A_1003 : i32 to vector<16xi32>
      %add3A_1019 = arith.addi %rem3A_1005, %add3A_1018 : vector<16xi32>
      %select_n3A_1020 = arith.select %and3A_1017, %add3A_1019, %rem3A_1005 : vector<16xi1>, vector<16xi32>
      %mul3A_1021 = arith.constant 200 : i32
      %mul3A_1022 = arith.muli %scan3A_179, %mul3A_1021 : i32
      %add3A_1023 = arith.constant 12800 : i32
      %add3A_1024 = arith.addi %add3A_1023, %mul3A_1022 : i32
      %add3A_1025 = arith.constant 96 : i32
      %add3A_1026 = arith.addi %add3A_1024, %add3A_1025 : i32
      %swap3A_1027 = arith.index_cast %add3A_1026 : i32 to index
      %swap3A_1028 = tpu.vector_load %arg7[%swap3A_1027] {strides = array<i32>} : memref<25600xi32, #tpu.memory_space<vmem>>, vector<16xi32>,
      tpu.vector_store %arg7[%swap3A_1027], %select_n3A_1020 {strides = array<i32>} : memref<25600xi32, #tpu.memory_space<vmem>>, vector<16xi32>,
      %mul3A_1029 = arith.constant 208 : i32
      %mul3A_1030 = arith.muli %scan3A_179, %mul3A_1029 : i32
      %add3A_1031 = arith.constant 3 : i32
      %add3A_1032 = arith.addi %mul3A_1030, %add3A_1031 : i32
      %add3A_1033 = arith.constant 112 : i32
      %add3A_1034 = arith.addi %add3A_1032, %add3A_1033 : i32
      %sub3A_1035 = arith.constant 0 : i32
      %sub3A_1036 = arith.subi %add3A_1034, %sub3A_1035 : i32
      %get3A_1037 = arith.index_cast %sub3A_1036 : i32 to index
      %get3A_1038 = tpu.vector_load %arg6[%get3A_1037] {strides = array<i32>} : memref<13312xi32, #tpu.memory_space<vmem>>, vector<16xi32>,
      %mul3A_1039 = arith.constant 208 : i32
      %mul3A_1040 = arith.muli %scan3A_179, %mul3A_1039 : i32
      %add3A_1041 = arith.constant 3 : i32
      %add3A_1042 = arith.addi %mul3A_1040, %add3A_1041 : i32
      %add3A_1043 = arith.constant 112 : i32
      %add3A_1044 = arith.addi %add3A_1042, %add3A_1043 : i32
      %sub3A_1045 = arith.constant 1 : i32
      %sub3A_1046 = arith.subi %add3A_1044, %sub3A_1045 : i32
      %get3A_1047 = arith.index_cast %sub3A_1046 : i32 to index
      %get3A_1048 = tpu.vector_load %arg6[%get3A_1047] {strides = array<i32>} : memref<13312xi32, #tpu.memory_space<vmem>>, vector<16xi32>,
      %mul3A_1049 = arith.constant 208 : i32
      %mul3A_1050 = arith.muli %scan3A_179, %mul3A_1049 : i32
      %add3A_1051 = arith.constant 3 : i32
      %add3A_1052 = arith.addi %mul3A_1050, %add3A_1051 : i32
      %add3A_1053 = arith.constant 112 : i32
      %add3A_1054 = arith.addi %add3A_1052, %add3A_1053 : i32
      %sub3A_1055 = arith.constant 2 : i32
      %sub3A_1056 = arith.subi %add3A_1054, %sub3A_1055 : i32
      %get3A_1057 = arith.index_cast %sub3A_1056 : i32 to index
      %get3A_1058 = tpu.vector_load %arg6[%get3A_1057] {strides = array<i32>} : memref<13312xi32, #tpu.memory_space<vmem>>, vector<16xi32>,
      %mul3A_1059 = arith.constant 208 : i32
      %mul3A_1060 = arith.muli %scan3A_179, %mul3A_1059 : i32
      %add3A_1061 = arith.constant 3 : i32
      %add3A_1062 = arith.addi %mul3A_1060, %add3A_1061 : i32
      %add3A_1063 = arith.constant 112 : i32
      %add3A_1064 = arith.addi %add3A_1062, %add3A_1063 : i32
      %sub3A_1065 = arith.constant 3 : i32
      %sub3A_1066 = arith.subi %add3A_1064, %sub3A_1065 : i32
      %get3A_1067 = arith.index_cast %sub3A_1066 : i32 to index
      %get3A_1068 = tpu.vector_load %arg6[%get3A_1067] {strides = array<i32>} : memref<13312xi32, #tpu.memory_space<vmem>>, vector<16xi32>,
      %mul3A_1069 = vector.broadcast %select_n3A : i32 to vector<16xi32>
      %mul3A_1070 = arith.muli %get3A_1038, %mul3A_1069 : vector<16xi32>
      %mul3A_1071 = vector.broadcast %select_n3A_10 : i32 to vector<16xi32>
      %mul3A_1072 = arith.muli %get3A_1048, %mul3A_1071 : vector<16xi32>
      %add3A_1073 = arith.addi %mul3A_1070, %mul3A_1072 : vector<16xi32>
      %mul3A_1074 = vector.broadcast %select_n3A_15 : i32 to vector<16xi32>
      %mul3A_1075 = arith.muli %get3A_1058, %mul3A_1074 : vector<16xi32>
      %add3A_1076 = arith.addi %add3A_1073, %mul3A_1075 : vector<16xi32>
      %mul3A_1077 = vector.broadcast %select_n3A_20 : i32 to vector<16xi32>
      %mul3A_1078 = arith.muli %get3A_1068, %mul3A_1077 : vector<16xi32>
      %add3A_1079 = arith.addi %add3A_1076, %mul3A_1078 : vector<16xi32>
      %jit3A_1080 = arith.constant 1000000 : i32
      %eq3A_1081 = arith.constant 0 : i32
      %eq3A_1082 = arith.cmpi eq, %jit3A_1080, %eq3A_1081 : i32
      %jit3A_1083 = arith.constant 1 : i32
      %select_n3A_1084 = arith.select %eq3A_1082, %jit3A_1083, %jit3A_1080 : i32
      %rem3A_1085 = vector.broadcast %select_n3A_1084 : i32 to vector<16xi32>
      %rem3A_1086 = arith.remui %add3A_1079, %rem3A_1085 : vector<16xi32>
      %ne3A_1087 = arith.constant 0 : i32
      %ne3A_1088 = vector.broadcast %ne3A_1087 : i32 to vector<16xi32>
      %ne3A_1089 = arith.cmpi ne, %rem3A_1086, %ne3A_1088 : vector<16xi32>
      %lt3A_1090 = arith.constant 0 : i32
      %lt3A_1091 = vector.broadcast %lt3A_1090 : i32 to vector<16xi32>
      %lt3A_1092 = arith.cmpi ult, %rem3A_1086, %lt3A_1091 : vector<16xi32>
      %lt3A_1093 = arith.constant 0 : i32
      %lt3A_1094 = arith.cmpi ult, %select_n3A_1084, %lt3A_1093 : i32
      %ne3A_1095 = vector.broadcast %lt3A_1094 : i1 to vector<16xi1>
      %ne3A_1096 = vector.broadcast %ne3A_1095 : vector<16xi1> to vector<16xi1>
      %ne3A_1097 = arith.xori %lt3A_1092, %ne3A_1096 : vector<16xi1>
      %and3A_1098 = arith.andi %ne3A_1097, %ne3A_1089 : vector<16xi1>
      %add3A_1099 = vector.broadcast %select_n3A_1084 : i32 to vector<16xi32>
      %add3A_1100 = arith.addi %rem3A_1086, %add3A_1099 : vector<16xi32>
      %select_n3A_1101 = arith.select %and3A_1098, %add3A_1100, %rem3A_1086 : vector<16xi1>, vector<16xi32>
      %mul3A_1102 = arith.constant 200 : i32
      %mul3A_1103 = arith.muli %scan3A_179, %mul3A_1102 : i32
      %add3A_1104 = arith.constant 0 : i32
      %add3A_1105 = arith.addi %add3A_1104, %mul3A_1103 : i32
      %add3A_1106 = arith.constant 112 : i32
      %add3A_1107 = arith.addi %add3A_1105, %add3A_1106 : i32
      %swap3A_1108 = arith.index_cast %add3A_1107 : i32 to index
      %swap3A_1109 = tpu.vector_load %arg7[%swap3A_1108] {strides = array<i32>} : memref<25600xi32, #tpu.memory_space<vmem>>, vector<16xi32>,
      tpu.vector_store %arg7[%swap3A_1108], %select_n3A_1101 {strides = array<i32>} : memref<25600xi32, #tpu.memory_space<vmem>>, vector<16xi32>,
      %mul3A_1110 = vector.broadcast %select_n3A_25 : i32 to vector<16xi32>
      %mul3A_1111 = arith.muli %get3A_1038, %mul3A_1110 : vector<16xi32>
      %mul3A_1112 = vector.broadcast %select_n3A_30 : i32 to vector<16xi32>
      %mul3A_1113 = arith.muli %get3A_1048, %mul3A_1112 : vector<16xi32>
      %add3A_1114 = arith.addi %mul3A_1111, %mul3A_1113 : vector<16xi32>
      %mul3A_1115 = vector.broadcast %select_n3A_35 : i32 to vector<16xi32>
      %mul3A_1116 = arith.muli %get3A_1058, %mul3A_1115 : vector<16xi32>
      %add3A_1117 = arith.addi %add3A_1114, %mul3A_1116 : vector<16xi32>
      %mul3A_1118 = vector.broadcast %select_n3A_40 : i32 to vector<16xi32>
      %mul3A_1119 = arith.muli %get3A_1068, %mul3A_1118 : vector<16xi32>
      %add3A_1120 = arith.addi %add3A_1117, %mul3A_1119 : vector<16xi32>
      %jit3A_1121 = arith.constant 1000000 : i32
      %eq3A_1122 = arith.constant 0 : i32
      %eq3A_1123 = arith.cmpi eq, %jit3A_1121, %eq3A_1122 : i32
      %jit3A_1124 = arith.constant 1 : i32
      %select_n3A_1125 = arith.select %eq3A_1123, %jit3A_1124, %jit3A_1121 : i32
      %rem3A_1126 = vector.broadcast %select_n3A_1125 : i32 to vector<16xi32>
      %rem3A_1127 = arith.remui %add3A_1120, %rem3A_1126 : vector<16xi32>
      %ne3A_1128 = arith.constant 0 : i32
      %ne3A_1129 = vector.broadcast %ne3A_1128 : i32 to vector<16xi32>
      %ne3A_1130 = arith.cmpi ne, %rem3A_1127, %ne3A_1129 : vector<16xi32>
      %lt3A_1131 = arith.constant 0 : i32
      %lt3A_1132 = vector.broadcast %lt3A_1131 : i32 to vector<16xi32>
      %lt3A_1133 = arith.cmpi ult, %rem3A_1127, %lt3A_1132 : vector<16xi32>
      %lt3A_1134 = arith.constant 0 : i32
      %lt3A_1135 = arith.cmpi ult, %select_n3A_1125, %lt3A_1134 : i32
      %ne3A_1136 = vector.broadcast %lt3A_1135 : i1 to vector<16xi1>
      %ne3A_1137 = vector.broadcast %ne3A_1136 : vector<16xi1> to vector<16xi1>
      %ne3A_1138 = arith.xori %lt3A_1133, %ne3A_1137 : vector<16xi1>
      %and3A_1139 = arith.andi %ne3A_1138, %ne3A_1130 : vector<16xi1>
      %add3A_1140 = vector.broadcast %select_n3A_1125 : i32 to vector<16xi32>
      %add3A_1141 = arith.addi %rem3A_1127, %add3A_1140 : vector<16xi32>
      %select_n3A_1142 = arith.select %and3A_1139, %add3A_1141, %rem3A_1127 : vector<16xi1>, vector<16xi32>
      %mul3A_1143 = arith.constant 200 : i32
      %mul3A_1144 = arith.muli %scan3A_179, %mul3A_1143 : i32
      %add3A_1145 = arith.constant 12800 : i32
      %add3A_1146 = arith.addi %add3A_1145, %mul3A_1144 : i32
      %add3A_1147 = arith.constant 112 : i32
      %add3A_1148 = arith.addi %add3A_1146, %add3A_1147 : i32
      %swap3A_1149 = arith.index_cast %add3A_1148 : i32 to index
      %swap3A_1150 = tpu.vector_load %arg7[%swap3A_1149] {strides = array<i32>} : memref<25600xi32, #tpu.memory_space<vmem>>, vector<16xi32>,
      tpu.vector_store %arg7[%swap3A_1149], %select_n3A_1142 {strides = array<i32>} : memref<25600xi32, #tpu.memory_space<vmem>>, vector<16xi32>,
      %mul3A_1151 = arith.constant 208 : i32
      %mul3A_1152 = arith.muli %scan3A_179, %mul3A_1151 : i32
      %add3A_1153 = arith.constant 3 : i32
      %add3A_1154 = arith.addi %mul3A_1152, %add3A_1153 : i32
      %add3A_1155 = arith.constant 128 : i32
      %add3A_1156 = arith.addi %add3A_1154, %add3A_1155 : i32
      %sub3A_1157 = arith.constant 0 : i32
      %sub3A_1158 = arith.subi %add3A_1156, %sub3A_1157 : i32
      %get3A_1159 = arith.index_cast %sub3A_1158 : i32 to index
      %get3A_1160 = tpu.vector_load %arg6[%get3A_1159] {strides = array<i32>} : memref<13312xi32, #tpu.memory_space<vmem>>, vector<16xi32>,
      %mul3A_1161 = arith.constant 208 : i32
      %mul3A_1162 = arith.muli %scan3A_179, %mul3A_1161 : i32
      %add3A_1163 = arith.constant 3 : i32
      %add3A_1164 = arith.addi %mul3A_1162, %add3A_1163 : i32
      %add3A_1165 = arith.constant 128 : i32
      %add3A_1166 = arith.addi %add3A_1164, %add3A_1165 : i32
      %sub3A_1167 = arith.constant 1 : i32
      %sub3A_1168 = arith.subi %add3A_1166, %sub3A_1167 : i32
      %get3A_1169 = arith.index_cast %sub3A_1168 : i32 to index
      %get3A_1170 = tpu.vector_load %arg6[%get3A_1169] {strides = array<i32>} : memref<13312xi32, #tpu.memory_space<vmem>>, vector<16xi32>,
      %mul3A_1171 = arith.constant 208 : i32
      %mul3A_1172 = arith.muli %scan3A_179, %mul3A_1171 : i32
      %add3A_1173 = arith.constant 3 : i32
      %add3A_1174 = arith.addi %mul3A_1172, %add3A_1173 : i32
      %add3A_1175 = arith.constant 128 : i32
      %add3A_1176 = arith.addi %add3A_1174, %add3A_1175 : i32
      %sub3A_1177 = arith.constant 2 : i32
      %sub3A_1178 = arith.subi %add3A_1176, %sub3A_1177 : i32
      %get3A_1179 = arith.index_cast %sub3A_1178 : i32 to index
      %get3A_1180 = tpu.vector_load %arg6[%get3A_1179] {strides = array<i32>} : memref<13312xi32, #tpu.memory_space<vmem>>, vector<16xi32>,
      %mul3A_1181 = arith.constant 208 : i32
      %mul3A_1182 = arith.muli %scan3A_179, %mul3A_1181 : i32
      %add3A_1183 = arith.constant 3 : i32
      %add3A_1184 = arith.addi %mul3A_1182, %add3A_1183 : i32
      %add3A_1185 = arith.constant 128 : i32
      %add3A_1186 = arith.addi %add3A_1184, %add3A_1185 : i32
      %sub3A_1187 = arith.constant 3 : i32
      %sub3A_1188 = arith.subi %add3A_1186, %sub3A_1187 : i32
      %get3A_1189 = arith.index_cast %sub3A_1188 : i32 to index
      %get3A_1190 = tpu.vector_load %arg6[%get3A_1189] {strides = array<i32>} : memref<13312xi32, #tpu.memory_space<vmem>>, vector<16xi32>,
      %mul3A_1191 = vector.broadcast %select_n3A : i32 to vector<16xi32>
      %mul3A_1192 = arith.muli %get3A_1160, %mul3A_1191 : vector<16xi32>
      %mul3A_1193 = vector.broadcast %select_n3A_10 : i32 to vector<16xi32>
      %mul3A_1194 = arith.muli %get3A_1170, %mul3A_1193 : vector<16xi32>
      %add3A_1195 = arith.addi %mul3A_1192, %mul3A_1194 : vector<16xi32>
      %mul3A_1196 = vector.broadcast %select_n3A_15 : i32 to vector<16xi32>
      %mul3A_1197 = arith.muli %get3A_1180, %mul3A_1196 : vector<16xi32>
      %add3A_1198 = arith.addi %add3A_1195, %mul3A_1197 : vector<16xi32>
      %mul3A_1199 = vector.broadcast %select_n3A_20 : i32 to vector<16xi32>
      %mul3A_1200 = arith.muli %get3A_1190, %mul3A_1199 : vector<16xi32>
      %add3A_1201 = arith.addi %add3A_1198, %mul3A_1200 : vector<16xi32>
      %jit3A_1202 = arith.constant 1000000 : i32
      %eq3A_1203 = arith.constant 0 : i32
      %eq3A_1204 = arith.cmpi eq, %jit3A_1202, %eq3A_1203 : i32
      %jit3A_1205 = arith.constant 1 : i32
      %select_n3A_1206 = arith.select %eq3A_1204, %jit3A_1205, %jit3A_1202 : i32
      %rem3A_1207 = vector.broadcast %select_n3A_1206 : i32 to vector<16xi32>
      %rem3A_1208 = arith.remui %add3A_1201, %rem3A_1207 : vector<16xi32>
      %ne3A_1209 = arith.constant 0 : i32
      %ne3A_1210 = vector.broadcast %ne3A_1209 : i32 to vector<16xi32>
      %ne3A_1211 = arith.cmpi ne, %rem3A_1208, %ne3A_1210 : vector<16xi32>
      %lt3A_1212 = arith.constant 0 : i32
      %lt3A_1213 = vector.broadcast %lt3A_1212 : i32 to vector<16xi32>
      %lt3A_1214 = arith.cmpi ult, %rem3A_1208, %lt3A_1213 : vector<16xi32>
      %lt3A_1215 = arith.constant 0 : i32
      %lt3A_1216 = arith.cmpi ult, %select_n3A_1206, %lt3A_1215 : i32
      %ne3A_1217 = vector.broadcast %lt3A_1216 : i1 to vector<16xi1>
      %ne3A_1218 = vector.broadcast %ne3A_1217 : vector<16xi1> to vector<16xi1>
      %ne3A_1219 = arith.xori %lt3A_1214, %ne3A_1218 : vector<16xi1>
      %and3A_1220 = arith.andi %ne3A_1219, %ne3A_1211 : vector<16xi1>
      %add3A_1221 = vector.broadcast %select_n3A_1206 : i32 to vector<16xi32>
      %add3A_1222 = arith.addi %rem3A_1208, %add3A_1221 : vector<16xi32>
      %select_n3A_1223 = arith.select %and3A_1220, %add3A_1222, %rem3A_1208 : vector<16xi1>, vector<16xi32>
      %mul3A_1224 = arith.constant 200 : i32
      %mul3A_1225 = arith.muli %scan3A_179, %mul3A_1224 : i32
      %add3A_1226 = arith.constant 0 : i32
      %add3A_1227 = arith.addi %add3A_1226, %mul3A_1225 : i32
      %add3A_1228 = arith.constant 128 : i32
      %add3A_1229 = arith.addi %add3A_1227, %add3A_1228 : i32
      %swap3A_1230 = arith.index_cast %add3A_1229 : i32 to index
      %swap3A_1231 = tpu.vector_load %arg7[%swap3A_1230] {strides = array<i32>} : memref<25600xi32, #tpu.memory_space<vmem>>, vector<16xi32>,
      tpu.vector_store %arg7[%swap3A_1230], %select_n3A_1223 {strides = array<i32>} : memref<25600xi32, #tpu.memory_space<vmem>>, vector<16xi32>,
      %mul3A_1232 = vector.broadcast %select_n3A_25 : i32 to vector<16xi32>
      %mul3A_1233 = arith.muli %get3A_1160, %mul3A_1232 : vector<16xi32>
      %mul3A_1234 = vector.broadcast %select_n3A_30 : i32 to vector<16xi32>
      %mul3A_1235 = arith.muli %get3A_1170, %mul3A_1234 : vector<16xi32>
      %add3A_1236 = arith.addi %mul3A_1233, %mul3A_1235 : vector<16xi32>
      %mul3A_1237 = vector.broadcast %select_n3A_35 : i32 to vector<16xi32>
      %mul3A_1238 = arith.muli %get3A_1180, %mul3A_1237 : vector<16xi32>
      %add3A_1239 = arith.addi %add3A_1236, %mul3A_1238 : vector<16xi32>
      %mul3A_1240 = vector.broadcast %select_n3A_40 : i32 to vector<16xi32>
      %mul3A_1241 = arith.muli %get3A_1190, %mul3A_1240 : vector<16xi32>
      %add3A_1242 = arith.addi %add3A_1239, %mul3A_1241 : vector<16xi32>
      %jit3A_1243 = arith.constant 1000000 : i32
      %eq3A_1244 = arith.constant 0 : i32
      %eq3A_1245 = arith.cmpi eq, %jit3A_1243, %eq3A_1244 : i32
      %jit3A_1246 = arith.constant 1 : i32
      %select_n3A_1247 = arith.select %eq3A_1245, %jit3A_1246, %jit3A_1243 : i32
      %rem3A_1248 = vector.broadcast %select_n3A_1247 : i32 to vector<16xi32>
      %rem3A_1249 = arith.remui %add3A_1242, %rem3A_1248 : vector<16xi32>
      %ne3A_1250 = arith.constant 0 : i32
      %ne3A_1251 = vector.broadcast %ne3A_1250 : i32 to vector<16xi32>
      %ne3A_1252 = arith.cmpi ne, %rem3A_1249, %ne3A_1251 : vector<16xi32>
      %lt3A_1253 = arith.constant 0 : i32
      %lt3A_1254 = vector.broadcast %lt3A_1253 : i32 to vector<16xi32>
      %lt3A_1255 = arith.cmpi ult, %rem3A_1249, %lt3A_1254 : vector<16xi32>
      %lt3A_1256 = arith.constant 0 : i32
      %lt3A_1257 = arith.cmpi ult, %select_n3A_1247, %lt3A_1256 : i32
      %ne3A_1258 = vector.broadcast %lt3A_1257 : i1 to vector<16xi1>
      %ne3A_1259 = vector.broadcast %ne3A_1258 : vector<16xi1> to vector<16xi1>
      %ne3A_1260 = arith.xori %lt3A_1255, %ne3A_1259 : vector<16xi1>
      %and3A_1261 = arith.andi %ne3A_1260, %ne3A_1252 : vector<16xi1>
      %add3A_1262 = vector.broadcast %select_n3A_1247 : i32 to vector<16xi32>
      %add3A_1263 = arith.addi %rem3A_1249, %add3A_1262 : vector<16xi32>
      %select_n3A_1264 = arith.select %and3A_1261, %add3A_1263, %rem3A_1249 : vector<16xi1>, vector<16xi32>
      %mul3A_1265 = arith.constant 200 : i32
      %mul3A_1266 = arith.muli %scan3A_179, %mul3A_1265 : i32
      %add3A_1267 = arith.constant 12800 : i32
      %add3A_1268 = arith.addi %add3A_1267, %mul3A_1266 : i32
      %add3A_1269 = arith.constant 128 : i32
      %add3A_1270 = arith.addi %add3A_1268, %add3A_1269 : i32
      %swap3A_1271 = arith.index_cast %add3A_1270 : i32 to index
      %swap3A_1272 = tpu.vector_load %arg7[%swap3A_1271] {strides = array<i32>} : memref<25600xi32, #tpu.memory_space<vmem>>, vector<16xi32>,
      tpu.vector_store %arg7[%swap3A_1271], %select_n3A_1264 {strides = array<i32>} : memref<25600xi32, #tpu.memory_space<vmem>>, vector<16xi32>,
      %mul3A_1273 = arith.constant 208 : i32
      %mul3A_1274 = arith.muli %scan3A_179, %mul3A_1273 : i32
      %add3A_1275 = arith.constant 3 : i32
      %add3A_1276 = arith.addi %mul3A_1274, %add3A_1275 : i32
      %add3A_1277 = arith.constant 144 : i32
      %add3A_1278 = arith.addi %add3A_1276, %add3A_1277 : i32
      %sub3A_1279 = arith.constant 0 : i32
      %sub3A_1280 = arith.subi %add3A_1278, %sub3A_1279 : i32
      %get3A_1281 = arith.index_cast %sub3A_1280 : i32 to index
      %get3A_1282 = tpu.vector_load %arg6[%get3A_1281] {strides = array<i32>} : memref<13312xi32, #tpu.memory_space<vmem>>, vector<16xi32>,
      %mul3A_1283 = arith.constant 208 : i32
      %mul3A_1284 = arith.muli %scan3A_179, %mul3A_1283 : i32
      %add3A_1285 = arith.constant 3 : i32
      %add3A_1286 = arith.addi %mul3A_1284, %add3A_1285 : i32
      %add3A_1287 = arith.constant 144 : i32
      %add3A_1288 = arith.addi %add3A_1286, %add3A_1287 : i32
      %sub3A_1289 = arith.constant 1 : i32
      %sub3A_1290 = arith.subi %add3A_1288, %sub3A_1289 : i32
      %get3A_1291 = arith.index_cast %sub3A_1290 : i32 to index
      %get3A_1292 = tpu.vector_load %arg6[%get3A_1291] {strides = array<i32>} : memref<13312xi32, #tpu.memory_space<vmem>>, vector<16xi32>,
      %mul3A_1293 = arith.constant 208 : i32
      %mul3A_1294 = arith.muli %scan3A_179, %mul3A_1293 : i32
      %add3A_1295 = arith.constant 3 : i32
      %add3A_1296 = arith.addi %mul3A_1294, %add3A_1295 : i32
      %add3A_1297 = arith.constant 144 : i32
      %add3A_1298 = arith.addi %add3A_1296, %add3A_1297 : i32
      %sub3A_1299 = arith.constant 2 : i32
      %sub3A_1300 = arith.subi %add3A_1298, %sub3A_1299 : i32
      %get3A_1301 = arith.index_cast %sub3A_1300 : i32 to index
      %get3A_1302 = tpu.vector_load %arg6[%get3A_1301] {strides = array<i32>} : memref<13312xi32, #tpu.memory_space<vmem>>, vector<16xi32>,
      %mul3A_1303 = arith.constant 208 : i32
      %mul3A_1304 = arith.muli %scan3A_179, %mul3A_1303 : i32
      %add3A_1305 = arith.constant 3 : i32
      %add3A_1306 = arith.addi %mul3A_1304, %add3A_1305 : i32
      %add3A_1307 = arith.constant 144 : i32
      %add3A_1308 = arith.addi %add3A_1306, %add3A_1307 : i32
      %sub3A_1309 = arith.constant 3 : i32
      %sub3A_1310 = arith.subi %add3A_1308, %sub3A_1309 : i32
      %get3A_1311 = arith.index_cast %sub3A_1310 : i32 to index
      %get3A_1312 = tpu.vector_load %arg6[%get3A_1311] {strides = array<i32>} : memref<13312xi32, #tpu.memory_space<vmem>>, vector<16xi32>,
      %mul3A_1313 = vector.broadcast %select_n3A : i32 to vector<16xi32>
      %mul3A_1314 = arith.muli %get3A_1282, %mul3A_1313 : vector<16xi32>
      %mul3A_1315 = vector.broadcast %select_n3A_10 : i32 to vector<16xi32>
      %mul3A_1316 = arith.muli %get3A_1292, %mul3A_1315 : vector<16xi32>
      %add3A_1317 = arith.addi %mul3A_1314, %mul3A_1316 : vector<16xi32>
      %mul3A_1318 = vector.broadcast %select_n3A_15 : i32 to vector<16xi32>
      %mul3A_1319 = arith.muli %get3A_1302, %mul3A_1318 : vector<16xi32>
      %add3A_1320 = arith.addi %add3A_1317, %mul3A_1319 : vector<16xi32>
      %mul3A_1321 = vector.broadcast %select_n3A_20 : i32 to vector<16xi32>
      %mul3A_1322 = arith.muli %get3A_1312, %mul3A_1321 : vector<16xi32>
      %add3A_1323 = arith.addi %add3A_1320, %mul3A_1322 : vector<16xi32>
      %jit3A_1324 = arith.constant 1000000 : i32
      %eq3A_1325 = arith.constant 0 : i32
      %eq3A_1326 = arith.cmpi eq, %jit3A_1324, %eq3A_1325 : i32
      %jit3A_1327 = arith.constant 1 : i32
      %select_n3A_1328 = arith.select %eq3A_1326, %jit3A_1327, %jit3A_1324 : i32
      %rem3A_1329 = vector.broadcast %select_n3A_1328 : i32 to vector<16xi32>
      %rem3A_1330 = arith.remui %add3A_1323, %rem3A_1329 : vector<16xi32>
      %ne3A_1331 = arith.constant 0 : i32
      %ne3A_1332 = vector.broadcast %ne3A_1331 : i32 to vector<16xi32>
      %ne3A_1333 = arith.cmpi ne, %rem3A_1330, %ne3A_1332 : vector<16xi32>
      %lt3A_1334 = arith.constant 0 : i32
      %lt3A_1335 = vector.broadcast %lt3A_1334 : i32 to vector<16xi32>
      %lt3A_1336 = arith.cmpi ult, %rem3A_1330, %lt3A_1335 : vector<16xi32>
      %lt3A_1337 = arith.constant 0 : i32
      %lt3A_1338 = arith.cmpi ult, %select_n3A_1328, %lt3A_1337 : i32
      %ne3A_1339 = vector.broadcast %lt3A_1338 : i1 to vector<16xi1>
      %ne3A_1340 = vector.broadcast %ne3A_1339 : vector<16xi1> to vector<16xi1>
      %ne3A_1341 = arith.xori %lt3A_1336, %ne3A_1340 : vector<16xi1>
      %and3A_1342 = arith.andi %ne3A_1341, %ne3A_1333 : vector<16xi1>
      %add3A_1343 = vector.broadcast %select_n3A_1328 : i32 to vector<16xi32>
      %add3A_1344 = arith.addi %rem3A_1330, %add3A_1343 : vector<16xi32>
      %select_n3A_1345 = arith.select %and3A_1342, %add3A_1344, %rem3A_1330 : vector<16xi1>, vector<16xi32>
      %mul3A_1346 = arith.constant 200 : i32
      %mul3A_1347 = arith.muli %scan3A_179, %mul3A_1346 : i32
      %add3A_1348 = arith.constant 0 : i32
      %add3A_1349 = arith.addi %add3A_1348, %mul3A_1347 : i32
      %add3A_1350 = arith.constant 144 : i32
      %add3A_1351 = arith.addi %add3A_1349, %add3A_1350 : i32
      %swap3A_1352 = arith.index_cast %add3A_1351 : i32 to index
      %swap3A_1353 = tpu.vector_load %arg7[%swap3A_1352] {strides = array<i32>} : memref<25600xi32, #tpu.memory_space<vmem>>, vector<16xi32>,
      tpu.vector_store %arg7[%swap3A_1352], %select_n3A_1345 {strides = array<i32>} : memref<25600xi32, #tpu.memory_space<vmem>>, vector<16xi32>,
      %mul3A_1354 = vector.broadcast %select_n3A_25 : i32 to vector<16xi32>
      %mul3A_1355 = arith.muli %get3A_1282, %mul3A_1354 : vector<16xi32>
      %mul3A_1356 = vector.broadcast %select_n3A_30 : i32 to vector<16xi32>
      %mul3A_1357 = arith.muli %get3A_1292, %mul3A_1356 : vector<16xi32>
      %add3A_1358 = arith.addi %mul3A_1355, %mul3A_1357 : vector<16xi32>
      %mul3A_1359 = vector.broadcast %select_n3A_35 : i32 to vector<16xi32>
      %mul3A_1360 = arith.muli %get3A_1302, %mul3A_1359 : vector<16xi32>
      %add3A_1361 = arith.addi %add3A_1358, %mul3A_1360 : vector<16xi32>
      %mul3A_1362 = vector.broadcast %select_n3A_40 : i32 to vector<16xi32>
      %mul3A_1363 = arith.muli %get3A_1312, %mul3A_1362 : vector<16xi32>
      %add3A_1364 = arith.addi %add3A_1361, %mul3A_1363 : vector<16xi32>
      %jit3A_1365 = arith.constant 1000000 : i32
      %eq3A_1366 = arith.constant 0 : i32
      %eq3A_1367 = arith.cmpi eq, %jit3A_1365, %eq3A_1366 : i32
      %jit3A_1368 = arith.constant 1 : i32
      %select_n3A_1369 = arith.select %eq3A_1367, %jit3A_1368, %jit3A_1365 : i32
      %rem3A_1370 = vector.broadcast %select_n3A_1369 : i32 to vector<16xi32>
      %rem3A_1371 = arith.remui %add3A_1364, %rem3A_1370 : vector<16xi32>
      %ne3A_1372 = arith.constant 0 : i32
      %ne3A_1373 = vector.broadcast %ne3A_1372 : i32 to vector<16xi32>
      %ne3A_1374 = arith.cmpi ne, %rem3A_1371, %ne3A_1373 : vector<16xi32>
      %lt3A_1375 = arith.constant 0 : i32
      %lt3A_1376 = vector.broadcast %lt3A_1375 : i32 to vector<16xi32>
      %lt3A_1377 = arith.cmpi ult, %rem3A_1371, %lt3A_1376 : vector<16xi32>
      %lt3A_1378 = arith.constant 0 : i32
      %lt3A_1379 = arith.cmpi ult, %select_n3A_1369, %lt3A_1378 : i32
      %ne3A_1380 = vector.broadcast %lt3A_1379 : i1 to vector<16xi1>
      %ne3A_1381 = vector.broadcast %ne3A_1380 : vector<16xi1> to vector<16xi1>
      %ne3A_1382 = arith.xori %lt3A_1377, %ne3A_1381 : vector<16xi1>
      %and3A_1383 = arith.andi %ne3A_1382, %ne3A_1374 : vector<16xi1>
      %add3A_1384 = vector.broadcast %select_n3A_1369 : i32 to vector<16xi32>
      %add3A_1385 = arith.addi %rem3A_1371, %add3A_1384 : vector<16xi32>
      %select_n3A_1386 = arith.select %and3A_1383, %add3A_1385, %rem3A_1371 : vector<16xi1>, vector<16xi32>
      %mul3A_1387 = arith.constant 200 : i32
      %mul3A_1388 = arith.muli %scan3A_179, %mul3A_1387 : i32
      %add3A_1389 = arith.constant 12800 : i32
      %add3A_1390 = arith.addi %add3A_1389, %mul3A_1388 : i32
      %add3A_1391 = arith.constant 144 : i32
      %add3A_1392 = arith.addi %add3A_1390, %add3A_1391 : i32
      %swap3A_1393 = arith.index_cast %add3A_1392 : i32 to index
      %swap3A_1394 = tpu.vector_load %arg7[%swap3A_1393] {strides = array<i32>} : memref<25600xi32, #tpu.memory_space<vmem>>, vector<16xi32>,
      tpu.vector_store %arg7[%swap3A_1393], %select_n3A_1386 {strides = array<i32>} : memref<25600xi32, #tpu.memory_space<vmem>>, vector<16xi32>,
      %mul3A_1395 = arith.constant 208 : i32
      %mul3A_1396 = arith.muli %scan3A_179, %mul3A_1395 : i32
      %add3A_1397 = arith.constant 3 : i32
      %add3A_1398 = arith.addi %mul3A_1396, %add3A_1397 : i32
      %add3A_1399 = arith.constant 160 : i32
      %add3A_1400 = arith.addi %add3A_1398, %add3A_1399 : i32
      %sub3A_1401 = arith.constant 0 : i32
      %sub3A_1402 = arith.subi %add3A_1400, %sub3A_1401 : i32
      %get3A_1403 = arith.index_cast %sub3A_1402 : i32 to index
      %get3A_1404 = tpu.vector_load %arg6[%get3A_1403] {strides = array<i32>} : memref<13312xi32, #tpu.memory_space<vmem>>, vector<16xi32>,
      %mul3A_1405 = arith.constant 208 : i32
      %mul3A_1406 = arith.muli %scan3A_179, %mul3A_1405 : i32
      %add3A_1407 = arith.constant 3 : i32
      %add3A_1408 = arith.addi %mul3A_1406, %add3A_1407 : i32
      %add3A_1409 = arith.constant 160 : i32
      %add3A_1410 = arith.addi %add3A_1408, %add3A_1409 : i32
      %sub3A_1411 = arith.constant 1 : i32
      %sub3A_1412 = arith.subi %add3A_1410, %sub3A_1411 : i32
      %get3A_1413 = arith.index_cast %sub3A_1412 : i32 to index
      %get3A_1414 = tpu.vector_load %arg6[%get3A_1413] {strides = array<i32>} : memref<13312xi32, #tpu.memory_space<vmem>>, vector<16xi32>,
      %mul3A_1415 = arith.constant 208 : i32
      %mul3A_1416 = arith.muli %scan3A_179, %mul3A_1415 : i32
      %add3A_1417 = arith.constant 3 : i32
      %add3A_1418 = arith.addi %mul3A_1416, %add3A_1417 : i32
      %add3A_1419 = arith.constant 160 : i32
      %add3A_1420 = arith.addi %add3A_1418, %add3A_1419 : i32
      %sub3A_1421 = arith.constant 2 : i32
      %sub3A_1422 = arith.subi %add3A_1420, %sub3A_1421 : i32
      %get3A_1423 = arith.index_cast %sub3A_1422 : i32 to index
      %get3A_1424 = tpu.vector_load %arg6[%get3A_1423] {strides = array<i32>} : memref<13312xi32, #tpu.memory_space<vmem>>, vector<16xi32>,
      %mul3A_1425 = arith.constant 208 : i32
      %mul3A_1426 = arith.muli %scan3A_179, %mul3A_1425 : i32
      %add3A_1427 = arith.constant 3 : i32
      %add3A_1428 = arith.addi %mul3A_1426, %add3A_1427 : i32
      %add3A_1429 = arith.constant 160 : i32
      %add3A_1430 = arith.addi %add3A_1428, %add3A_1429 : i32
      %sub3A_1431 = arith.constant 3 : i32
      %sub3A_1432 = arith.subi %add3A_1430, %sub3A_1431 : i32
      %get3A_1433 = arith.index_cast %sub3A_1432 : i32 to index
      %get3A_1434 = tpu.vector_load %arg6[%get3A_1433] {strides = array<i32>} : memref<13312xi32, #tpu.memory_space<vmem>>, vector<16xi32>,
      %mul3A_1435 = vector.broadcast %select_n3A : i32 to vector<16xi32>
      %mul3A_1436 = arith.muli %get3A_1404, %mul3A_1435 : vector<16xi32>
      %mul3A_1437 = vector.broadcast %select_n3A_10 : i32 to vector<16xi32>
      %mul3A_1438 = arith.muli %get3A_1414, %mul3A_1437 : vector<16xi32>
      %add3A_1439 = arith.addi %mul3A_1436, %mul3A_1438 : vector<16xi32>
      %mul3A_1440 = vector.broadcast %select_n3A_15 : i32 to vector<16xi32>
      %mul3A_1441 = arith.muli %get3A_1424, %mul3A_1440 : vector<16xi32>
      %add3A_1442 = arith.addi %add3A_1439, %mul3A_1441 : vector<16xi32>
      %mul3A_1443 = vector.broadcast %select_n3A_20 : i32 to vector<16xi32>
      %mul3A_1444 = arith.muli %get3A_1434, %mul3A_1443 : vector<16xi32>
      %add3A_1445 = arith.addi %add3A_1442, %mul3A_1444 : vector<16xi32>
      %jit3A_1446 = arith.constant 1000000 : i32
      %eq3A_1447 = arith.constant 0 : i32
      %eq3A_1448 = arith.cmpi eq, %jit3A_1446, %eq3A_1447 : i32
      %jit3A_1449 = arith.constant 1 : i32
      %select_n3A_1450 = arith.select %eq3A_1448, %jit3A_1449, %jit3A_1446 : i32
      %rem3A_1451 = vector.broadcast %select_n3A_1450 : i32 to vector<16xi32>
      %rem3A_1452 = arith.remui %add3A_1445, %rem3A_1451 : vector<16xi32>
      %ne3A_1453 = arith.constant 0 : i32
      %ne3A_1454 = vector.broadcast %ne3A_1453 : i32 to vector<16xi32>
      %ne3A_1455 = arith.cmpi ne, %rem3A_1452, %ne3A_1454 : vector<16xi32>
      %lt3A_1456 = arith.constant 0 : i32
      %lt3A_1457 = vector.broadcast %lt3A_1456 : i32 to vector<16xi32>
      %lt3A_1458 = arith.cmpi ult, %rem3A_1452, %lt3A_1457 : vector<16xi32>
      %lt3A_1459 = arith.constant 0 : i32
      %lt3A_1460 = arith.cmpi ult, %select_n3A_1450, %lt3A_1459 : i32
      %ne3A_1461 = vector.broadcast %lt3A_1460 : i1 to vector<16xi1>
      %ne3A_1462 = vector.broadcast %ne3A_1461 : vector<16xi1> to vector<16xi1>
      %ne3A_1463 = arith.xori %lt3A_1458, %ne3A_1462 : vector<16xi1>
      %and3A_1464 = arith.andi %ne3A_1463, %ne3A_1455 : vector<16xi1>
      %add3A_1465 = vector.broadcast %select_n3A_1450 : i32 to vector<16xi32>
      %add3A_1466 = arith.addi %rem3A_1452, %add3A_1465 : vector<16xi32>
      %select_n3A_1467 = arith.select %and3A_1464, %add3A_1466, %rem3A_1452 : vector<16xi1>, vector<16xi32>
      %mul3A_1468 = arith.constant 200 : i32
      %mul3A_1469 = arith.muli %scan3A_179, %mul3A_1468 : i32
      %add3A_1470 = arith.constant 0 : i32
      %add3A_1471 = arith.addi %add3A_1470, %mul3A_1469 : i32
      %add3A_1472 = arith.constant 160 : i32
      %add3A_1473 = arith.addi %add3A_1471, %add3A_1472 : i32
      %swap3A_1474 = arith.index_cast %add3A_1473 : i32 to index
      %swap3A_1475 = tpu.vector_load %arg7[%swap3A_1474] {strides = array<i32>} : memref<25600xi32, #tpu.memory_space<vmem>>, vector<16xi32>,
      tpu.vector_store %arg7[%swap3A_1474], %select_n3A_1467 {strides = array<i32>} : memref<25600xi32, #tpu.memory_space<vmem>>, vector<16xi32>,
      %mul3A_1476 = vector.broadcast %select_n3A_25 : i32 to vector<16xi32>
      %mul3A_1477 = arith.muli %get3A_1404, %mul3A_1476 : vector<16xi32>
      %mul3A_1478 = vector.broadcast %select_n3A_30 : i32 to vector<16xi32>
      %mul3A_1479 = arith.muli %get3A_1414, %mul3A_1478 : vector<16xi32>
      %add3A_1480 = arith.addi %mul3A_1477, %mul3A_1479 : vector<16xi32>
      %mul3A_1481 = vector.broadcast %select_n3A_35 : i32 to vector<16xi32>
      %mul3A_1482 = arith.muli %get3A_1424, %mul3A_1481 : vector<16xi32>
      %add3A_1483 = arith.addi %add3A_1480, %mul3A_1482 : vector<16xi32>
      %mul3A_1484 = vector.broadcast %select_n3A_40 : i32 to vector<16xi32>
      %mul3A_1485 = arith.muli %get3A_1434, %mul3A_1484 : vector<16xi32>
      %add3A_1486 = arith.addi %add3A_1483, %mul3A_1485 : vector<16xi32>
      %jit3A_1487 = arith.constant 1000000 : i32
      %eq3A_1488 = arith.constant 0 : i32
      %eq3A_1489 = arith.cmpi eq, %jit3A_1487, %eq3A_1488 : i32
      %jit3A_1490 = arith.constant 1 : i32
      %select_n3A_1491 = arith.select %eq3A_1489, %jit3A_1490, %jit3A_1487 : i32
      %rem3A_1492 = vector.broadcast %select_n3A_1491 : i32 to vector<16xi32>
      %rem3A_1493 = arith.remui %add3A_1486, %rem3A_1492 : vector<16xi32>
      %ne3A_1494 = arith.constant 0 : i32
      %ne3A_1495 = vector.broadcast %ne3A_1494 : i32 to vector<16xi32>
      %ne3A_1496 = arith.cmpi ne, %rem3A_1493, %ne3A_1495 : vector<16xi32>
      %lt3A_1497 = arith.constant 0 : i32
      %lt3A_1498 = vector.broadcast %lt3A_1497 : i32 to vector<16xi32>
      %lt3A_1499 = arith.cmpi ult, %rem3A_1493, %lt3A_1498 : vector<16xi32>
      %lt3A_1500 = arith.constant 0 : i32
      %lt3A_1501 = arith.cmpi ult, %select_n3A_1491, %lt3A_1500 : i32
      %ne3A_1502 = vector.broadcast %lt3A_1501 : i1 to vector<16xi1>
      %ne3A_1503 = vector.broadcast %ne3A_1502 : vector<16xi1> to vector<16xi1>
      %ne3A_1504 = arith.xori %lt3A_1499, %ne3A_1503 : vector<16xi1>
      %and3A_1505 = arith.andi %ne3A_1504, %ne3A_1496 : vector<16xi1>
      %add3A_1506 = vector.broadcast %select_n3A_1491 : i32 to vector<16xi32>
      %add3A_1507 = arith.addi %rem3A_1493, %add3A_1506 : vector<16xi32>
      %select_n3A_1508 = arith.select %and3A_1505, %add3A_1507, %rem3A_1493 : vector<16xi1>, vector<16xi32>
      %mul3A_1509 = arith.constant 200 : i32
      %mul3A_1510 = arith.muli %scan3A_179, %mul3A_1509 : i32
      %add3A_1511 = arith.constant 12800 : i32
      %add3A_1512 = arith.addi %add3A_1511, %mul3A_1510 : i32
      %add3A_1513 = arith.constant 160 : i32
      %add3A_1514 = arith.addi %add3A_1512, %add3A_1513 : i32
      %swap3A_1515 = arith.index_cast %add3A_1514 : i32 to index
      %swap3A_1516 = tpu.vector_load %arg7[%swap3A_1515] {strides = array<i32>} : memref<25600xi32, #tpu.memory_space<vmem>>, vector<16xi32>,
      tpu.vector_store %arg7[%swap3A_1515], %select_n3A_1508 {strides = array<i32>} : memref<25600xi32, #tpu.memory_space<vmem>>, vector<16xi32>,
      %mul3A_1517 = arith.constant 208 : i32
      %mul3A_1518 = arith.muli %scan3A_179, %mul3A_1517 : i32
      %add3A_1519 = arith.constant 3 : i32
      %add3A_1520 = arith.addi %mul3A_1518, %add3A_1519 : i32
      %add3A_1521 = arith.constant 176 : i32
      %add3A_1522 = arith.addi %add3A_1520, %add3A_1521 : i32
      %sub3A_1523 = arith.constant 0 : i32
      %sub3A_1524 = arith.subi %add3A_1522, %sub3A_1523 : i32
      %get3A_1525 = arith.index_cast %sub3A_1524 : i32 to index
      %get3A_1526 = tpu.vector_load %arg6[%get3A_1525] {strides = array<i32>} : memref<13312xi32, #tpu.memory_space<vmem>>, vector<16xi32>,
      %mul3A_1527 = arith.constant 208 : i32
      %mul3A_1528 = arith.muli %scan3A_179, %mul3A_1527 : i32
      %add3A_1529 = arith.constant 3 : i32
      %add3A_1530 = arith.addi %mul3A_1528, %add3A_1529 : i32
      %add3A_1531 = arith.constant 176 : i32
      %add3A_1532 = arith.addi %add3A_1530, %add3A_1531 : i32
      %sub3A_1533 = arith.constant 1 : i32
      %sub3A_1534 = arith.subi %add3A_1532, %sub3A_1533 : i32
      %get3A_1535 = arith.index_cast %sub3A_1534 : i32 to index
      %get3A_1536 = tpu.vector_load %arg6[%get3A_1535] {strides = array<i32>} : memref<13312xi32, #tpu.memory_space<vmem>>, vector<16xi32>,
      %mul3A_1537 = arith.constant 208 : i32
      %mul3A_1538 = arith.muli %scan3A_179, %mul3A_1537 : i32
      %add3A_1539 = arith.constant 3 : i32
      %add3A_1540 = arith.addi %mul3A_1538, %add3A_1539 : i32
      %add3A_1541 = arith.constant 176 : i32
      %add3A_1542 = arith.addi %add3A_1540, %add3A_1541 : i32
      %sub3A_1543 = arith.constant 2 : i32
      %sub3A_1544 = arith.subi %add3A_1542, %sub3A_1543 : i32
      %get3A_1545 = arith.index_cast %sub3A_1544 : i32 to index
      %get3A_1546 = tpu.vector_load %arg6[%get3A_1545] {strides = array<i32>} : memref<13312xi32, #tpu.memory_space<vmem>>, vector<16xi32>,
      %mul3A_1547 = arith.constant 208 : i32
      %mul3A_1548 = arith.muli %scan3A_179, %mul3A_1547 : i32
      %add3A_1549 = arith.constant 3 : i32
      %add3A_1550 = arith.addi %mul3A_1548, %add3A_1549 : i32
      %add3A_1551 = arith.constant 176 : i32
      %add3A_1552 = arith.addi %add3A_1550, %add3A_1551 : i32
      %sub3A_1553 = arith.constant 3 : i32
      %sub3A_1554 = arith.subi %add3A_1552, %sub3A_1553 : i32
      %get3A_1555 = arith.index_cast %sub3A_1554 : i32 to index
      %get3A_1556 = tpu.vector_load %arg6[%get3A_1555] {strides = array<i32>} : memref<13312xi32, #tpu.memory_space<vmem>>, vector<16xi32>,
      %mul3A_1557 = vector.broadcast %select_n3A : i32 to vector<16xi32>
      %mul3A_1558 = arith.muli %get3A_1526, %mul3A_1557 : vector<16xi32>
      %mul3A_1559 = vector.broadcast %select_n3A_10 : i32 to vector<16xi32>
      %mul3A_1560 = arith.muli %get3A_1536, %mul3A_1559 : vector<16xi32>
      %add3A_1561 = arith.addi %mul3A_1558, %mul3A_1560 : vector<16xi32>
      %mul3A_1562 = vector.broadcast %select_n3A_15 : i32 to vector<16xi32>
      %mul3A_1563 = arith.muli %get3A_1546, %mul3A_1562 : vector<16xi32>
      %add3A_1564 = arith.addi %add3A_1561, %mul3A_1563 : vector<16xi32>
      %mul3A_1565 = vector.broadcast %select_n3A_20 : i32 to vector<16xi32>
      %mul3A_1566 = arith.muli %get3A_1556, %mul3A_1565 : vector<16xi32>
      %add3A_1567 = arith.addi %add3A_1564, %mul3A_1566 : vector<16xi32>
      %jit3A_1568 = arith.constant 1000000 : i32
      %eq3A_1569 = arith.constant 0 : i32
      %eq3A_1570 = arith.cmpi eq, %jit3A_1568, %eq3A_1569 : i32
      %jit3A_1571 = arith.constant 1 : i32
      %select_n3A_1572 = arith.select %eq3A_1570, %jit3A_1571, %jit3A_1568 : i32
      %rem3A_1573 = vector.broadcast %select_n3A_1572 : i32 to vector<16xi32>
      %rem3A_1574 = arith.remui %add3A_1567, %rem3A_1573 : vector<16xi32>
      %ne3A_1575 = arith.constant 0 : i32
      %ne3A_1576 = vector.broadcast %ne3A_1575 : i32 to vector<16xi32>
      %ne3A_1577 = arith.cmpi ne, %rem3A_1574, %ne3A_1576 : vector<16xi32>
      %lt3A_1578 = arith.constant 0 : i32
      %lt3A_1579 = vector.broadcast %lt3A_1578 : i32 to vector<16xi32>
      %lt3A_1580 = arith.cmpi ult, %rem3A_1574, %lt3A_1579 : vector<16xi32>
      %lt3A_1581 = arith.constant 0 : i32
      %lt3A_1582 = arith.cmpi ult, %select_n3A_1572, %lt3A_1581 : i32
      %ne3A_1583 = vector.broadcast %lt3A_1582 : i1 to vector<16xi1>
      %ne3A_1584 = vector.broadcast %ne3A_1583 : vector<16xi1> to vector<16xi1>
      %ne3A_1585 = arith.xori %lt3A_1580, %ne3A_1584 : vector<16xi1>
      %and3A_1586 = arith.andi %ne3A_1585, %ne3A_1577 : vector<16xi1>
      %add3A_1587 = vector.broadcast %select_n3A_1572 : i32 to vector<16xi32>
      %add3A_1588 = arith.addi %rem3A_1574, %add3A_1587 : vector<16xi32>
      %select_n3A_1589 = arith.select %and3A_1586, %add3A_1588, %rem3A_1574 : vector<16xi1>, vector<16xi32>
      %mul3A_1590 = arith.constant 200 : i32
      %mul3A_1591 = arith.muli %scan3A_179, %mul3A_1590 : i32
      %add3A_1592 = arith.constant 0 : i32
      %add3A_1593 = arith.addi %add3A_1592, %mul3A_1591 : i32
      %add3A_1594 = arith.constant 176 : i32
      %add3A_1595 = arith.addi %add3A_1593, %add3A_1594 : i32
      %swap3A_1596 = arith.index_cast %add3A_1595 : i32 to index
      %swap3A_1597 = tpu.vector_load %arg7[%swap3A_1596] {strides = array<i32>} : memref<25600xi32, #tpu.memory_space<vmem>>, vector<16xi32>,
      tpu.vector_store %arg7[%swap3A_1596], %select_n3A_1589 {strides = array<i32>} : memref<25600xi32, #tpu.memory_space<vmem>>, vector<16xi32>,
      %mul3A_1598 = vector.broadcast %select_n3A_25 : i32 to vector<16xi32>
      %mul3A_1599 = arith.muli %get3A_1526, %mul3A_1598 : vector<16xi32>
      %mul3A_1600 = vector.broadcast %select_n3A_30 : i32 to vector<16xi32>
      %mul3A_1601 = arith.muli %get3A_1536, %mul3A_1600 : vector<16xi32>
      %add3A_1602 = arith.addi %mul3A_1599, %mul3A_1601 : vector<16xi32>
      %mul3A_1603 = vector.broadcast %select_n3A_35 : i32 to vector<16xi32>
      %mul3A_1604 = arith.muli %get3A_1546, %mul3A_1603 : vector<16xi32>
      %add3A_1605 = arith.addi %add3A_1602, %mul3A_1604 : vector<16xi32>
      %mul3A_1606 = vector.broadcast %select_n3A_40 : i32 to vector<16xi32>
      %mul3A_1607 = arith.muli %get3A_1556, %mul3A_1606 : vector<16xi32>
      %add3A_1608 = arith.addi %add3A_1605, %mul3A_1607 : vector<16xi32>
      %jit3A_1609 = arith.constant 1000000 : i32
      %eq3A_1610 = arith.constant 0 : i32
      %eq3A_1611 = arith.cmpi eq, %jit3A_1609, %eq3A_1610 : i32
      %jit3A_1612 = arith.constant 1 : i32
      %select_n3A_1613 = arith.select %eq3A_1611, %jit3A_1612, %jit3A_1609 : i32
      %rem3A_1614 = vector.broadcast %select_n3A_1613 : i32 to vector<16xi32>
      %rem3A_1615 = arith.remui %add3A_1608, %rem3A_1614 : vector<16xi32>
      %ne3A_1616 = arith.constant 0 : i32
      %ne3A_1617 = vector.broadcast %ne3A_1616 : i32 to vector<16xi32>
      %ne3A_1618 = arith.cmpi ne, %rem3A_1615, %ne3A_1617 : vector<16xi32>
      %lt3A_1619 = arith.constant 0 : i32
      %lt3A_1620 = vector.broadcast %lt3A_1619 : i32 to vector<16xi32>
      %lt3A_1621 = arith.cmpi ult, %rem3A_1615, %lt3A_1620 : vector<16xi32>
      %lt3A_1622 = arith.constant 0 : i32
      %lt3A_1623 = arith.cmpi ult, %select_n3A_1613, %lt3A_1622 : i32
      %ne3A_1624 = vector.broadcast %lt3A_1623 : i1 to vector<16xi1>
      %ne3A_1625 = vector.broadcast %ne3A_1624 : vector<16xi1> to vector<16xi1>
      %ne3A_1626 = arith.xori %lt3A_1621, %ne3A_1625 : vector<16xi1>
      %and3A_1627 = arith.andi %ne3A_1626, %ne3A_1618 : vector<16xi1>
      %add3A_1628 = vector.broadcast %select_n3A_1613 : i32 to vector<16xi32>
      %add3A_1629 = arith.addi %rem3A_1615, %add3A_1628 : vector<16xi32>
      %select_n3A_1630 = arith.select %and3A_1627, %add3A_1629, %rem3A_1615 : vector<16xi1>, vector<16xi32>
      %mul3A_1631 = arith.constant 200 : i32
      %mul3A_1632 = arith.muli %scan3A_179, %mul3A_1631 : i32
      %add3A_1633 = arith.constant 12800 : i32
      %add3A_1634 = arith.addi %add3A_1633, %mul3A_1632 : i32
      %add3A_1635 = arith.constant 176 : i32
      %add3A_1636 = arith.addi %add3A_1634, %add3A_1635 : i32
      %swap3A_1637 = arith.index_cast %add3A_1636 : i32 to index
      %swap3A_1638 = tpu.vector_load %arg7[%swap3A_1637] {strides = array<i32>} : memref<25600xi32, #tpu.memory_space<vmem>>, vector<16xi32>,
      tpu.vector_store %arg7[%swap3A_1637], %select_n3A_1630 {strides = array<i32>} : memref<25600xi32, #tpu.memory_space<vmem>>, vector<16xi32>,
      %mul3A_1639 = arith.constant 208 : i32
      %mul3A_1640 = arith.muli %scan3A_179, %mul3A_1639 : i32
      %add3A_1641 = arith.constant 3 : i32
      %add3A_1642 = arith.addi %mul3A_1640, %add3A_1641 : i32
      %add3A_1643 = arith.constant 184 : i32
      %add3A_1644 = arith.addi %add3A_1642, %add3A_1643 : i32
      %sub3A_1645 = arith.constant 0 : i32
      %sub3A_1646 = arith.subi %add3A_1644, %sub3A_1645 : i32
      %get3A_1647 = arith.index_cast %sub3A_1646 : i32 to index
      %get3A_1648 = tpu.vector_load %arg6[%get3A_1647] {strides = array<i32>} : memref<13312xi32, #tpu.memory_space<vmem>>, vector<16xi32>,
      %mul3A_1649 = arith.constant 208 : i32
      %mul3A_1650 = arith.muli %scan3A_179, %mul3A_1649 : i32
      %add3A_1651 = arith.constant 3 : i32
      %add3A_1652 = arith.addi %mul3A_1650, %add3A_1651 : i32
      %add3A_1653 = arith.constant 184 : i32
      %add3A_1654 = arith.addi %add3A_1652, %add3A_1653 : i32
      %sub3A_1655 = arith.constant 1 : i32
      %sub3A_1656 = arith.subi %add3A_1654, %sub3A_1655 : i32
      %get3A_1657 = arith.index_cast %sub3A_1656 : i32 to index
      %get3A_1658 = tpu.vector_load %arg6[%get3A_1657] {strides = array<i32>} : memref<13312xi32, #tpu.memory_space<vmem>>, vector<16xi32>,
      %mul3A_1659 = arith.constant 208 : i32
      %mul3A_1660 = arith.muli %scan3A_179, %mul3A_1659 : i32
      %add3A_1661 = arith.constant 3 : i32
      %add3A_1662 = arith.addi %mul3A_1660, %add3A_1661 : i32
      %add3A_1663 = arith.constant 184 : i32
      %add3A_1664 = arith.addi %add3A_1662, %add3A_1663 : i32
      %sub3A_1665 = arith.constant 2 : i32
      %sub3A_1666 = arith.subi %add3A_1664, %sub3A_1665 : i32
      %get3A_1667 = arith.index_cast %sub3A_1666 : i32 to index
      %get3A_1668 = tpu.vector_load %arg6[%get3A_1667] {strides = array<i32>} : memref<13312xi32, #tpu.memory_space<vmem>>, vector<16xi32>,
      %mul3A_1669 = arith.constant 208 : i32
      %mul3A_1670 = arith.muli %scan3A_179, %mul3A_1669 : i32
      %add3A_1671 = arith.constant 3 : i32
      %add3A_1672 = arith.addi %mul3A_1670, %add3A_1671 : i32
      %add3A_1673 = arith.constant 184 : i32
      %add3A_1674 = arith.addi %add3A_1672, %add3A_1673 : i32
      %sub3A_1675 = arith.constant 3 : i32
      %sub3A_1676 = arith.subi %add3A_1674, %sub3A_1675 : i32
      %get3A_1677 = arith.index_cast %sub3A_1676 : i32 to index
      %get3A_1678 = tpu.vector_load %arg6[%get3A_1677] {strides = array<i32>} : memref<13312xi32, #tpu.memory_space<vmem>>, vector<16xi32>,
      %mul3A_1679 = vector.broadcast %select_n3A : i32 to vector<16xi32>
      %mul3A_1680 = arith.muli %get3A_1648, %mul3A_1679 : vector<16xi32>
      %mul3A_1681 = vector.broadcast %select_n3A_10 : i32 to vector<16xi32>
      %mul3A_1682 = arith.muli %get3A_1658, %mul3A_1681 : vector<16xi32>
      %add3A_1683 = arith.addi %mul3A_1680, %mul3A_1682 : vector<16xi32>
      %mul3A_1684 = vector.broadcast %select_n3A_15 : i32 to vector<16xi32>
      %mul3A_1685 = arith.muli %get3A_1668, %mul3A_1684 : vector<16xi32>
      %add3A_1686 = arith.addi %add3A_1683, %mul3A_1685 : vector<16xi32>
      %mul3A_1687 = vector.broadcast %select_n3A_20 : i32 to vector<16xi32>
      %mul3A_1688 = arith.muli %get3A_1678, %mul3A_1687 : vector<16xi32>
      %add3A_1689 = arith.addi %add3A_1686, %mul3A_1688 : vector<16xi32>
      %jit3A_1690 = arith.constant 1000000 : i32
      %eq3A_1691 = arith.constant 0 : i32
      %eq3A_1692 = arith.cmpi eq, %jit3A_1690, %eq3A_1691 : i32
      %jit3A_1693 = arith.constant 1 : i32
      %select_n3A_1694 = arith.select %eq3A_1692, %jit3A_1693, %jit3A_1690 : i32
      %rem3A_1695 = vector.broadcast %select_n3A_1694 : i32 to vector<16xi32>
      %rem3A_1696 = arith.remui %add3A_1689, %rem3A_1695 : vector<16xi32>
      %ne3A_1697 = arith.constant 0 : i32
      %ne3A_1698 = vector.broadcast %ne3A_1697 : i32 to vector<16xi32>
      %ne3A_1699 = arith.cmpi ne, %rem3A_1696, %ne3A_1698 : vector<16xi32>
      %lt3A_1700 = arith.constant 0 : i32
      %lt3A_1701 = vector.broadcast %lt3A_1700 : i32 to vector<16xi32>
      %lt3A_1702 = arith.cmpi ult, %rem3A_1696, %lt3A_1701 : vector<16xi32>
      %lt3A_1703 = arith.constant 0 : i32
      %lt3A_1704 = arith.cmpi ult, %select_n3A_1694, %lt3A_1703 : i32
      %ne3A_1705 = vector.broadcast %lt3A_1704 : i1 to vector<16xi1>
      %ne3A_1706 = vector.broadcast %ne3A_1705 : vector<16xi1> to vector<16xi1>
      %ne3A_1707 = arith.xori %lt3A_1702, %ne3A_1706 : vector<16xi1>
      %and3A_1708 = arith.andi %ne3A_1707, %ne3A_1699 : vector<16xi1>
      %add3A_1709 = vector.broadcast %select_n3A_1694 : i32 to vector<16xi32>
      %add3A_1710 = arith.addi %rem3A_1696, %add3A_1709 : vector<16xi32>
      %select_n3A_1711 = arith.select %and3A_1708, %add3A_1710, %rem3A_1696 : vector<16xi1>, vector<16xi32>
      %mul3A_1712 = arith.constant 200 : i32
      %mul3A_1713 = arith.muli %scan3A_179, %mul3A_1712 : i32
      %add3A_1714 = arith.constant 0 : i32
      %add3A_1715 = arith.addi %add3A_1714, %mul3A_1713 : i32
      %add3A_1716 = arith.constant 184 : i32
      %add3A_1717 = arith.addi %add3A_1715, %add3A_1716 : i32
      %swap3A_1718 = arith.index_cast %add3A_1717 : i32 to index
      %swap3A_1719 = tpu.vector_load %arg7[%swap3A_1718] {strides = array<i32>} : memref<25600xi32, #tpu.memory_space<vmem>>, vector<16xi32>,
      tpu.vector_store %arg7[%swap3A_1718], %select_n3A_1711 {strides = array<i32>} : memref<25600xi32, #tpu.memory_space<vmem>>, vector<16xi32>,
      %mul3A_1720 = vector.broadcast %select_n3A_25 : i32 to vector<16xi32>
      %mul3A_1721 = arith.muli %get3A_1648, %mul3A_1720 : vector<16xi32>
      %mul3A_1722 = vector.broadcast %select_n3A_30 : i32 to vector<16xi32>
      %mul3A_1723 = arith.muli %get3A_1658, %mul3A_1722 : vector<16xi32>
      %add3A_1724 = arith.addi %mul3A_1721, %mul3A_1723 : vector<16xi32>
      %mul3A_1725 = vector.broadcast %select_n3A_35 : i32 to vector<16xi32>
      %mul3A_1726 = arith.muli %get3A_1668, %mul3A_1725 : vector<16xi32>
      %add3A_1727 = arith.addi %add3A_1724, %mul3A_1726 : vector<16xi32>
      %mul3A_1728 = vector.broadcast %select_n3A_40 : i32 to vector<16xi32>
      %mul3A_1729 = arith.muli %get3A_1678, %mul3A_1728 : vector<16xi32>
      %add3A_1730 = arith.addi %add3A_1727, %mul3A_1729 : vector<16xi32>
      %jit3A_1731 = arith.constant 1000000 : i32
      %eq3A_1732 = arith.constant 0 : i32
      %eq3A_1733 = arith.cmpi eq, %jit3A_1731, %eq3A_1732 : i32
      %jit3A_1734 = arith.constant 1 : i32
      %select_n3A_1735 = arith.select %eq3A_1733, %jit3A_1734, %jit3A_1731 : i32
      %rem3A_1736 = vector.broadcast %select_n3A_1735 : i32 to vector<16xi32>
      %rem3A_1737 = arith.remui %add3A_1730, %rem3A_1736 : vector<16xi32>
      %ne3A_1738 = arith.constant 0 : i32
      %ne3A_1739 = vector.broadcast %ne3A_1738 : i32 to vector<16xi32>
      %ne3A_1740 = arith.cmpi ne, %rem3A_1737, %ne3A_1739 : vector<16xi32>
      %lt3A_1741 = arith.constant 0 : i32
      %lt3A_1742 = vector.broadcast %lt3A_1741 : i32 to vector<16xi32>
      %lt3A_1743 = arith.cmpi ult, %rem3A_1737, %lt3A_1742 : vector<16xi32>
      %lt3A_1744 = arith.constant 0 : i32
      %lt3A_1745 = arith.cmpi ult, %select_n3A_1735, %lt3A_1744 : i32
      %ne3A_1746 = vector.broadcast %lt3A_1745 : i1 to vector<16xi1>
      %ne3A_1747 = vector.broadcast %ne3A_1746 : vector<16xi1> to vector<16xi1>
      %ne3A_1748 = arith.xori %lt3A_1743, %ne3A_1747 : vector<16xi1>
      %and3A_1749 = arith.andi %ne3A_1748, %ne3A_1740 : vector<16xi1>
      %add3A_1750 = vector.broadcast %select_n3A_1735 : i32 to vector<16xi32>
      %add3A_1751 = arith.addi %rem3A_1737, %add3A_1750 : vector<16xi32>
      %select_n3A_1752 = arith.select %and3A_1749, %add3A_1751, %rem3A_1737 : vector<16xi1>, vector<16xi32>
      %mul3A_1753 = arith.constant 200 : i32
      %mul3A_1754 = arith.muli %scan3A_179, %mul3A_1753 : i32
      %add3A_1755 = arith.constant 12800 : i32
      %add3A_1756 = arith.addi %add3A_1755, %mul3A_1754 : i32
      %add3A_1757 = arith.constant 184 : i32
      %add3A_1758 = arith.addi %add3A_1756, %add3A_1757 : i32
      %swap3A_1759 = arith.index_cast %add3A_1758 : i32 to index
      %swap3A_1760 = tpu.vector_load %arg7[%swap3A_1759] {strides = array<i32>} : memref<25600xi32, #tpu.memory_space<vmem>>, vector<16xi32>,
      tpu.vector_store %arg7[%swap3A_1759], %select_n3A_1752 {strides = array<i32>} : memref<25600xi32, #tpu.memory_space<vmem>>, vector<16xi32>,
    }
    %scan3A_117 = arith.constant 64 : i32
    %scan3A_118 = arith.constant 0 : i32
    %scan3A_119 = arith.constant 0 : i32
    %scan3A_120 = arith.constant 32 : i32
    %scan3A_121 = arith.addi %scan3A_119, %scan3A_120 : i32
    %scan3A_122 = arith.constant 1 : i32
    scf.for %scan3A_179 = %scan3A_119 to %scan3A_121 step %scan3A_122  : i32 {
      %jit3A_180 = arith.constant 16 : i32
      %div3A_181 = arith.divsi %scan3A_179, %jit3A_180 : i32
      %sign3A = arith.constant 0 : i32
      %sign3A_182 = arith.cmpi sgt, %scan3A_179, %sign3A : i32
      %sign3A_183 = arith.extui %sign3A_182 : i1 to i32
      %sign3A_184 = arith.constant 0 : i32
      %sign3A_185 = arith.cmpi slt, %scan3A_179, %sign3A_184 : i32
      %sign3A_186 = arith.extui %sign3A_185 : i1 to i32
      %sign3A_187 = arith.subi %sign3A_183, %sign3A_186 : i32
      %sign3A_188 = arith.constant 0 : i32
      %sign3A_189 = arith.cmpi sgt, %jit3A_180, %sign3A_188 : i32
      %sign3A_190 = arith.extui %sign3A_189 : i1 to i32
      %sign3A_191 = arith.constant 0 : i32
      %sign3A_192 = arith.cmpi slt, %jit3A_180, %sign3A_191 : i32
      %sign3A_193 = arith.extui %sign3A_192 : i1 to i32
      %sign3A_194 = arith.subi %sign3A_190, %sign3A_193 : i32
      %ne3A = arith.cmpi ne, %sign3A_187, %sign3A_194 : i32
      %rem3A = arith.remsi %scan3A_179, %jit3A_180 : i32
      %ne3A_195 = arith.constant 0 : i32
      %ne3A_196 = arith.cmpi ne, %rem3A, %ne3A_195 : i32
      %and3A = arith.andi %ne3A, %ne3A_196 : i1
      %sub3A = arith.constant 1 : i32
      %sub3A_197 = arith.subi %div3A_181, %sub3A : i32
      %select_n3A_198 = arith.select %and3A, %sub3A_197, %div3A_181 : i32
      %rem3A_199 = arith.constant 16 : i32
      %rem3A_200 = arith.remsi %scan3A_179, %rem3A_199 : i32
      %mul3A_201 = arith.constant 2 : i32
      %mul3A_202 = arith.muli %mul3A_201, %arg0 : i32
      %add3A_203 = arith.addi %mul3A_202, %select_n3A_198 : i32
      %eq3A_204 = arith.constant 0 : i32
      %eq3A_205 = arith.cmpi eq, %arg1, %eq3A_204 : i32
      %convert_element_type3A_206 = arith.extui %eq3A_205 : i1 to i32
      %cond3A_207 = arith.constant 0 : i32
      %cond3A_208 = arith.cmpi ne, %convert_element_type3A_206, %cond3A_207 : i32
      scf.if %cond3A_208 {
        %dma_wait3A_1877 = arith.constant 0 : i32
        %dma_wait3A_1878 = tpu.memref_slice %arg3[%add3A_203, %rem3A_200, %dma_wait3A_1877] : memref<4x16x1000000xf32, #tpu.memory_space<hbm>> -> memref<1x1x1000000xf32, #tpu.memory_space<hbm>>
        %dma_wait3A_1879 = tpu.memref_squeeze %dma_wait3A_1878 : memref<1x1x1000000xf32, #tpu.memory_space<hbm>> -> memref<1000000xf32, #tpu.memory_space<hbm>>
        tpu.wait_dma2 semaphore(%arg11 : memref<!tpu.dma_semaphore, #tpu.memory_space<semaphore_mem>>) src(%dma_wait3A_1879 : memref<1000000xf32, #tpu.memory_space<hbm>>) dst(%arg10 : memref<1000000xf32, #tpu.memory_space<vmem_shared>>)
      } else {
      }
      %gt3A = arith.constant 0 : i32
      %gt3A_209 = arith.cmpi sgt, %scan3A_179, %gt3A : i32
      %convert_element_type3A_210 = arith.extui %gt3A_209 : i1 to i32
      %cond3A_211 = arith.constant 0 : i32
      %cond3A_212 = arith.cmpi ne, %convert_element_type3A_210, %cond3A_211 : i32
      scf.if %cond3A_212 {
        %mul3A_1877 = arith.constant 12800 : i32
        %mul3A_1878 = arith.muli %arg1, %mul3A_1877 : i32
        %add3A_1879 = arith.constant 0 : i32
        %add3A_1880 = arith.addi %mul3A_1878, %add3A_1879 : i32
        %dma_wait3A_1881 = arith.constant 0 : i32
        %dma_wait3A_1882 = tpu.memref_slice %arg8[%dma_wait3A_1881] : memref<12800xf32, #tpu.memory_space<vmem>> -> memref<3200xf32, #tpu.memory_space<vmem>>
        %dma_wait3A_1883 = tpu.memref_slice %arg5[%add3A_203, %rem3A_200, %add3A_1880] : memref<4x16x204800xf32, #tpu.memory_space<hbm>> -> memref<1x1x3200xf32, #tpu.memory_space<hbm>>
        %dma_wait3A_1884 = tpu.memref_squeeze %dma_wait3A_1883 : memref<1x1x3200xf32, #tpu.memory_space<hbm>> -> memref<3200xf32, #tpu.memory_space<hbm>>
        %dma_wait3A_1885 = tpu.memref_slice %arg5[%add3A_203, %rem3A_200, %add3A_1880] : memref<4x16x204800xf32, #tpu.memory_space<hbm>> -> memref<1x1x3200xf32, #tpu.memory_space<hbm>>
        %dma_wait3A_1886 = tpu.memref_squeeze %dma_wait3A_1885 : memref<1x1x3200xf32, #tpu.memory_space<hbm>> -> memref<3200xf32, #tpu.memory_space<hbm>>
        %dma_wait3A_1887 = arith.constant 0 : i32
        %dma_wait3A_1888 = tpu.memref_slice %arg8[%dma_wait3A_1887] : memref<12800xf32, #tpu.memory_space<vmem>> -> memref<3200xf32, #tpu.memory_space<vmem>>
        tpu.wait_dma2 semaphore(%arg13 : memref<!tpu.dma_semaphore, #tpu.memory_space<semaphore_mem>>) src(%dma_wait3A_1888 : memref<3200xf32, #tpu.memory_space<vmem>>) dst(%dma_wait3A_1886 : memref<3200xf32, #tpu.memory_space<hbm>>)
        %mul3A_1889 = arith.constant 12800 : i32
        %mul3A_1890 = arith.muli %arg1, %mul3A_1889 : i32
        %add3A_1891 = arith.constant 3200 : i32
        %add3A_1892 = arith.addi %mul3A_1890, %add3A_1891 : i32
        %dma_wait3A_1893 = arith.constant 3200 : i32
        %dma_wait3A_1894 = tpu.memref_slice %arg8[%dma_wait3A_1893] : memref<12800xf32, #tpu.memory_space<vmem>> -> memref<3200xf32, #tpu.memory_space<vmem>>
        %dma_wait3A_1895 = tpu.memref_slice %arg5[%add3A_203, %rem3A_200, %add3A_1892] : memref<4x16x204800xf32, #tpu.memory_space<hbm>> -> memref<1x1x3200xf32, #tpu.memory_space<hbm>>
        %dma_wait3A_1896 = tpu.memref_squeeze %dma_wait3A_1895 : memref<1x1x3200xf32, #tpu.memory_space<hbm>> -> memref<3200xf32, #tpu.memory_space<hbm>>
        %dma_wait3A_1897 = tpu.memref_slice %arg5[%add3A_203, %rem3A_200, %add3A_1892] : memref<4x16x204800xf32, #tpu.memory_space<hbm>> -> memref<1x1x3200xf32, #tpu.memory_space<hbm>>
        %dma_wait3A_1898 = tpu.memref_squeeze %dma_wait3A_1897 : memref<1x1x3200xf32, #tpu.memory_space<hbm>> -> memref<3200xf32, #tpu.memory_space<hbm>>
        %dma_wait3A_1899 = arith.constant 3200 : i32
        %dma_wait3A_1900 = tpu.memref_slice %arg8[%dma_wait3A_1899] : memref<12800xf32, #tpu.memory_space<vmem>> -> memref<3200xf32, #tpu.memory_space<vmem>>
        tpu.wait_dma2 semaphore(%arg13 : memref<!tpu.dma_semaphore, #tpu.memory_space<semaphore_mem>>) src(%dma_wait3A_1900 : memref<3200xf32, #tpu.memory_space<vmem>>) dst(%dma_wait3A_1898 : memref<3200xf32, #tpu.memory_space<hbm>>)
        %mul3A_1901 = arith.constant 12800 : i32
        %mul3A_1902 = arith.muli %arg1, %mul3A_1901 : i32
        %add3A_1903 = arith.constant 6400 : i32
        %add3A_1904 = arith.addi %mul3A_1902, %add3A_1903 : i32
        %dma_wait3A_1905 = arith.constant 6400 : i32
        %dma_wait3A_1906 = tpu.memref_slice %arg8[%dma_wait3A_1905] : memref<12800xf32, #tpu.memory_space<vmem>> -> memref<3200xf32, #tpu.memory_space<vmem>>
        %dma_wait3A_1907 = tpu.memref_slice %arg5[%add3A_203, %rem3A_200, %add3A_1904] : memref<4x16x204800xf32, #tpu.memory_space<hbm>> -> memref<1x1x3200xf32, #tpu.memory_space<hbm>>
        %dma_wait3A_1908 = tpu.memref_squeeze %dma_wait3A_1907 : memref<1x1x3200xf32, #tpu.memory_space<hbm>> -> memref<3200xf32, #tpu.memory_space<hbm>>
        %dma_wait3A_1909 = tpu.memref_slice %arg5[%add3A_203, %rem3A_200, %add3A_1904] : memref<4x16x204800xf32, #tpu.memory_space<hbm>> -> memref<1x1x3200xf32, #tpu.memory_space<hbm>>
        %dma_wait3A_1910 = tpu.memref_squeeze %dma_wait3A_1909 : memref<1x1x3200xf32, #tpu.memory_space<hbm>> -> memref<3200xf32, #tpu.memory_space<hbm>>
        %dma_wait3A_1911 = arith.constant 6400 : i32
        %dma_wait3A_1912 = tpu.memref_slice %arg8[%dma_wait3A_1911] : memref<12800xf32, #tpu.memory_space<vmem>> -> memref<3200xf32, #tpu.memory_space<vmem>>
        tpu.wait_dma2 semaphore(%arg13 : memref<!tpu.dma_semaphore, #tpu.memory_space<semaphore_mem>>) src(%dma_wait3A_1912 : memref<3200xf32, #tpu.memory_space<vmem>>) dst(%dma_wait3A_1910 : memref<3200xf32, #tpu.memory_space<hbm>>)
        %mul3A_1913 = arith.constant 12800 : i32
        %mul3A_1914 = arith.muli %arg1, %mul3A_1913 : i32
        %add3A_1915 = arith.constant 9600 : i32
        %add3A_1916 = arith.addi %mul3A_1914, %add3A_1915 : i32
        %dma_wait3A_1917 = arith.constant 9600 : i32
        %dma_wait3A_1918 = tpu.memref_slice %arg8[%dma_wait3A_1917] : memref<12800xf32, #tpu.memory_space<vmem>> -> memref<3200xf32, #tpu.memory_space<vmem>>
        %dma_wait3A_1919 = tpu.memref_slice %arg5[%add3A_203, %rem3A_200, %add3A_1916] : memref<4x16x204800xf32, #tpu.memory_space<hbm>> -> memref<1x1x3200xf32, #tpu.memory_space<hbm>>
        %dma_wait3A_1920 = tpu.memref_squeeze %dma_wait3A_1919 : memref<1x1x3200xf32, #tpu.memory_space<hbm>> -> memref<3200xf32, #tpu.memory_space<hbm>>
        %dma_wait3A_1921 = tpu.memref_slice %arg5[%add3A_203, %rem3A_200, %add3A_1916] : memref<4x16x204800xf32, #tpu.memory_space<hbm>> -> memref<1x1x3200xf32, #tpu.memory_space<hbm>>
        %dma_wait3A_1922 = tpu.memref_squeeze %dma_wait3A_1921 : memref<1x1x3200xf32, #tpu.memory_space<hbm>> -> memref<3200xf32, #tpu.memory_space<hbm>>
        %dma_wait3A_1923 = arith.constant 9600 : i32
        %dma_wait3A_1924 = tpu.memref_slice %arg8[%dma_wait3A_1923] : memref<12800xf32, #tpu.memory_space<vmem>> -> memref<3200xf32, #tpu.memory_space<vmem>>
        tpu.wait_dma2 semaphore(%arg13 : memref<!tpu.dma_semaphore, #tpu.memory_space<semaphore_mem>>) src(%dma_wait3A_1924 : memref<3200xf32, #tpu.memory_space<vmem>>) dst(%dma_wait3A_1922 : memref<3200xf32, #tpu.memory_space<hbm>>)
      } else {
      }
      %barrier3A = arith.constant 0 : index
      tpu.barrier barrier_id(%barrier3A)
      %mul3A_213 = arith.constant 100 : i32
      %mul3A_214 = arith.muli %select_n3A_198, %mul3A_213 : i32
      %add3A_215 = arith.constant 0 : i32
      %add3A_216 = arith.addi %mul3A_214, %add3A_215 : i32
      %mul3A_217 = arith.constant 128 : i32
      %mul3A_218 = arith.muli %add3A_216, %mul3A_217 : i32
      %dma_start3A = arith.constant 0 : i32
      %dma_start3A_219 = tpu.memref_slice %arg8[%dma_start3A] : memref<12800xf32, #tpu.memory_space<vmem>> -> memref<128xf32, #tpu.memory_space<vmem>>
      %dma_start3A_220 = tpu.memref_slice %arg7[%mul3A_218] : memref<25600xi32, #tpu.memory_space<vmem>> -> memref<128xi32, #tpu.memory_space<vmem>>
      %dma_start3A_221 = arith.constant 0 : i32
      %dma_start3A_222 = tpu.memref_slice %arg10[%dma_start3A_221] : memref<1000000xf32, #tpu.memory_space<vmem_shared>> -> memref<1000000xf32, #tpu.memory_space<vmem_shared>>
      tpu.enqueue_indirect_dma source(%dma_start3A_222 : memref<1000000xf32, #tpu.memory_space<vmem_shared>>) target(%dma_start3A_219 : memref<128xf32, #tpu.memory_space<vmem>>) offsets(%dma_start3A_220 : memref<128xi32, #tpu.memory_space<vmem>>) semaphore(%arg12 : memref<!tpu.dma_semaphore, #tpu.memory_space<semaphore_mem>>)
      %mul3A_223 = arith.constant 100 : i32
      %mul3A_224 = arith.muli %select_n3A_198, %mul3A_223 : i32
      %add3A_225 = arith.constant 1 : i32
      %add3A_226 = arith.addi %mul3A_224, %add3A_225 : i32
      %mul3A_227 = arith.constant 128 : i32
      %mul3A_228 = arith.muli %add3A_226, %mul3A_227 : i32
      %dma_start3A_229 = arith.constant 128 : i32
      %dma_start3A_230 = tpu.memref_slice %arg8[%dma_start3A_229] : memref<12800xf32, #tpu.memory_space<vmem>> -> memref<128xf32, #tpu.memory_space<vmem>>
      %dma_start3A_231 = tpu.memref_slice %arg7[%mul3A_228] : memref<25600xi32, #tpu.memory_space<vmem>> -> memref<128xi32, #tpu.memory_space<vmem>>
      %dma_start3A_232 = arith.constant 0 : i32
      %dma_start3A_233 = tpu.memref_slice %arg10[%dma_start3A_232] : memref<1000000xf32, #tpu.memory_space<vmem_shared>> -> memref<1000000xf32, #tpu.memory_space<vmem_shared>>
      tpu.enqueue_indirect_dma source(%dma_start3A_233 : memref<1000000xf32, #tpu.memory_space<vmem_shared>>) target(%dma_start3A_230 : memref<128xf32, #tpu.memory_space<vmem>>) offsets(%dma_start3A_231 : memref<128xi32, #tpu.memory_space<vmem>>) semaphore(%arg12 : memref<!tpu.dma_semaphore, #tpu.memory_space<semaphore_mem>>)
      %mul3A_234 = arith.constant 100 : i32
      %mul3A_235 = arith.muli %select_n3A_198, %mul3A_234 : i32
      %add3A_236 = arith.constant 2 : i32
      %add3A_237 = arith.addi %mul3A_235, %add3A_236 : i32
      %mul3A_238 = arith.constant 128 : i32
      %mul3A_239 = arith.muli %add3A_237, %mul3A_238 : i32
      %dma_start3A_240 = arith.constant 256 : i32
      %dma_start3A_241 = tpu.memref_slice %arg8[%dma_start3A_240] : memref<12800xf32, #tpu.memory_space<vmem>> -> memref<128xf32, #tpu.memory_space<vmem>>
      %dma_start3A_242 = tpu.memref_slice %arg7[%mul3A_239] : memref<25600xi32, #tpu.memory_space<vmem>> -> memref<128xi32, #tpu.memory_space<vmem>>
      %dma_start3A_243 = arith.constant 0 : i32
      %dma_start3A_244 = tpu.memref_slice %arg10[%dma_start3A_243] : memref<1000000xf32, #tpu.memory_space<vmem_shared>> -> memref<1000000xf32, #tpu.memory_space<vmem_shared>>
      tpu.enqueue_indirect_dma source(%dma_start3A_244 : memref<1000000xf32, #tpu.memory_space<vmem_shared>>) target(%dma_start3A_241 : memref<128xf32, #tpu.memory_space<vmem>>) offsets(%dma_start3A_242 : memref<128xi32, #tpu.memory_space<vmem>>) semaphore(%arg12 : memref<!tpu.dma_semaphore, #tpu.memory_space<semaphore_mem>>)
      %mul3A_245 = arith.constant 100 : i32
      %mul3A_246 = arith.muli %select_n3A_198, %mul3A_245 : i32
      %add3A_247 = arith.constant 3 : i32
      %add3A_248 = arith.addi %mul3A_246, %add3A_247 : i32
      %mul3A_249 = arith.constant 128 : i32
      %mul3A_250 = arith.muli %add3A_248, %mul3A_249 : i32
      %dma_start3A_251 = arith.constant 384 : i32
      %dma_start3A_252 = tpu.memref_slice %arg8[%dma_start3A_251] : memref<12800xf32, #tpu.memory_space<vmem>> -> memref<128xf32, #tpu.memory_space<vmem>>
      %dma_start3A_253 = tpu.memref_slice %arg7[%mul3A_250] : memref<25600xi32, #tpu.memory_space<vmem>> -> memref<128xi32, #tpu.memory_space<vmem>>
      %dma_start3A_254 = arith.constant 0 : i32
      %dma_start3A_255 = tpu.memref_slice %arg10[%dma_start3A_254] : memref<1000000xf32, #tpu.memory_space<vmem_shared>> -> memref<1000000xf32, #tpu.memory_space<vmem_shared>>
      tpu.enqueue_indirect_dma source(%dma_start3A_255 : memref<1000000xf32, #tpu.memory_space<vmem_shared>>) target(%dma_start3A_252 : memref<128xf32, #tpu.memory_space<vmem>>) offsets(%dma_start3A_253 : memref<128xi32, #tpu.memory_space<vmem>>) semaphore(%arg12 : memref<!tpu.dma_semaphore, #tpu.memory_space<semaphore_mem>>)
      %mul3A_256 = arith.constant 100 : i32
      %mul3A_257 = arith.muli %select_n3A_198, %mul3A_256 : i32
      %add3A_258 = arith.constant 4 : i32
      %add3A_259 = arith.addi %mul3A_257, %add3A_258 : i32
      %mul3A_260 = arith.constant 128 : i32
      %mul3A_261 = arith.muli %add3A_259, %mul3A_260 : i32
      %dma_start3A_262 = arith.constant 512 : i32
      %dma_start3A_263 = tpu.memref_slice %arg8[%dma_start3A_262] : memref<12800xf32, #tpu.memory_space<vmem>> -> memref<128xf32, #tpu.memory_space<vmem>>
      %dma_start3A_264 = tpu.memref_slice %arg7[%mul3A_261] : memref<25600xi32, #tpu.memory_space<vmem>> -> memref<128xi32, #tpu.memory_space<vmem>>
      %dma_start3A_265 = arith.constant 0 : i32
      %dma_start3A_266 = tpu.memref_slice %arg10[%dma_start3A_265] : memref<1000000xf32, #tpu.memory_space<vmem_shared>> -> memref<1000000xf32, #tpu.memory_space<vmem_shared>>
      tpu.enqueue_indirect_dma source(%dma_start3A_266 : memref<1000000xf32, #tpu.memory_space<vmem_shared>>) target(%dma_start3A_263 : memref<128xf32, #tpu.memory_space<vmem>>) offsets(%dma_start3A_264 : memref<128xi32, #tpu.memory_space<vmem>>) semaphore(%arg12 : memref<!tpu.dma_semaphore, #tpu.memory_space<semaphore_mem>>)
      %mul3A_267 = arith.constant 100 : i32
      %mul3A_268 = arith.muli %select_n3A_198, %mul3A_267 : i32
      %add3A_269 = arith.constant 5 : i32
      %add3A_270 = arith.addi %mul3A_268, %add3A_269 : i32
      %mul3A_271 = arith.constant 128 : i32
      %mul3A_272 = arith.muli %add3A_270, %mul3A_271 : i32
      %dma_start3A_273 = arith.constant 640 : i32
      %dma_start3A_274 = tpu.memref_slice %arg8[%dma_start3A_273] : memref<12800xf32, #tpu.memory_space<vmem>> -> memref<128xf32, #tpu.memory_space<vmem>>
      %dma_start3A_275 = tpu.memref_slice %arg7[%mul3A_272] : memref<25600xi32, #tpu.memory_space<vmem>> -> memref<128xi32, #tpu.memory_space<vmem>>
      %dma_start3A_276 = arith.constant 0 : i32
      %dma_start3A_277 = tpu.memref_slice %arg10[%dma_start3A_276] : memref<1000000xf32, #tpu.memory_space<vmem_shared>> -> memref<1000000xf32, #tpu.memory_space<vmem_shared>>
      tpu.enqueue_indirect_dma source(%dma_start3A_277 : memref<1000000xf32, #tpu.memory_space<vmem_shared>>) target(%dma_start3A_274 : memref<128xf32, #tpu.memory_space<vmem>>) offsets(%dma_start3A_275 : memref<128xi32, #tpu.memory_space<vmem>>) semaphore(%arg12 : memref<!tpu.dma_semaphore, #tpu.memory_space<semaphore_mem>>)
      %mul3A_278 = arith.constant 100 : i32
      %mul3A_279 = arith.muli %select_n3A_198, %mul3A_278 : i32
      %add3A_280 = arith.constant 6 : i32
      %add3A_281 = arith.addi %mul3A_279, %add3A_280 : i32
      %mul3A_282 = arith.constant 128 : i32
      %mul3A_283 = arith.muli %add3A_281, %mul3A_282 : i32
      %dma_start3A_284 = arith.constant 768 : i32
      %dma_start3A_285 = tpu.memref_slice %arg8[%dma_start3A_284] : memref<12800xf32, #tpu.memory_space<vmem>> -> memref<128xf32, #tpu.memory_space<vmem>>
      %dma_start3A_286 = tpu.memref_slice %arg7[%mul3A_283] : memref<25600xi32, #tpu.memory_space<vmem>> -> memref<128xi32, #tpu.memory_space<vmem>>
      %dma_start3A_287 = arith.constant 0 : i32
      %dma_start3A_288 = tpu.memref_slice %arg10[%dma_start3A_287] : memref<1000000xf32, #tpu.memory_space<vmem_shared>> -> memref<1000000xf32, #tpu.memory_space<vmem_shared>>
      tpu.enqueue_indirect_dma source(%dma_start3A_288 : memref<1000000xf32, #tpu.memory_space<vmem_shared>>) target(%dma_start3A_285 : memref<128xf32, #tpu.memory_space<vmem>>) offsets(%dma_start3A_286 : memref<128xi32, #tpu.memory_space<vmem>>) semaphore(%arg12 : memref<!tpu.dma_semaphore, #tpu.memory_space<semaphore_mem>>)
      %mul3A_289 = arith.constant 100 : i32
      %mul3A_290 = arith.muli %select_n3A_198, %mul3A_289 : i32
      %add3A_291 = arith.constant 7 : i32
      %add3A_292 = arith.addi %mul3A_290, %add3A_291 : i32
      %mul3A_293 = arith.constant 128 : i32
      %mul3A_294 = arith.muli %add3A_292, %mul3A_293 : i32
      %dma_start3A_295 = arith.constant 896 : i32
      %dma_start3A_296 = tpu.memref_slice %arg8[%dma_start3A_295] : memref<12800xf32, #tpu.memory_space<vmem>> -> memref<128xf32, #tpu.memory_space<vmem>>
      %dma_start3A_297 = tpu.memref_slice %arg7[%mul3A_294] : memref<25600xi32, #tpu.memory_space<vmem>> -> memref<128xi32, #tpu.memory_space<vmem>>
      %dma_start3A_298 = arith.constant 0 : i32
      %dma_start3A_299 = tpu.memref_slice %arg10[%dma_start3A_298] : memref<1000000xf32, #tpu.memory_space<vmem_shared>> -> memref<1000000xf32, #tpu.memory_space<vmem_shared>>
      tpu.enqueue_indirect_dma source(%dma_start3A_299 : memref<1000000xf32, #tpu.memory_space<vmem_shared>>) target(%dma_start3A_296 : memref<128xf32, #tpu.memory_space<vmem>>) offsets(%dma_start3A_297 : memref<128xi32, #tpu.memory_space<vmem>>) semaphore(%arg12 : memref<!tpu.dma_semaphore, #tpu.memory_space<semaphore_mem>>)
      %mul3A_300 = arith.constant 100 : i32
      %mul3A_301 = arith.muli %select_n3A_198, %mul3A_300 : i32
      %add3A_302 = arith.constant 8 : i32
      %add3A_303 = arith.addi %mul3A_301, %add3A_302 : i32
      %mul3A_304 = arith.constant 128 : i32
      %mul3A_305 = arith.muli %add3A_303, %mul3A_304 : i32
      %dma_start3A_306 = arith.constant 1024 : i32
      %dma_start3A_307 = tpu.memref_slice %arg8[%dma_start3A_306] : memref<12800xf32, #tpu.memory_space<vmem>> -> memref<128xf32, #tpu.memory_space<vmem>>
      %dma_start3A_308 = tpu.memref_slice %arg7[%mul3A_305] : memref<25600xi32, #tpu.memory_space<vmem>> -> memref<128xi32, #tpu.memory_space<vmem>>
      %dma_start3A_309 = arith.constant 0 : i32
      %dma_start3A_310 = tpu.memref_slice %arg10[%dma_start3A_309] : memref<1000000xf32, #tpu.memory_space<vmem_shared>> -> memref<1000000xf32, #tpu.memory_space<vmem_shared>>
      tpu.enqueue_indirect_dma source(%dma_start3A_310 : memref<1000000xf32, #tpu.memory_space<vmem_shared>>) target(%dma_start3A_307 : memref<128xf32, #tpu.memory_space<vmem>>) offsets(%dma_start3A_308 : memref<128xi32, #tpu.memory_space<vmem>>) semaphore(%arg12 : memref<!tpu.dma_semaphore, #tpu.memory_space<semaphore_mem>>)
      %mul3A_311 = arith.constant 100 : i32
      %mul3A_312 = arith.muli %select_n3A_198, %mul3A_311 : i32
      %add3A_313 = arith.constant 9 : i32
      %add3A_314 = arith.addi %mul3A_312, %add3A_313 : i32
      %mul3A_315 = arith.constant 128 : i32
      %mul3A_316 = arith.muli %add3A_314, %mul3A_315 : i32
      %dma_start3A_317 = arith.constant 1152 : i32
      %dma_start3A_318 = tpu.memref_slice %arg8[%dma_start3A_317] : memref<12800xf32, #tpu.memory_space<vmem>> -> memref<128xf32, #tpu.memory_space<vmem>>
      %dma_start3A_319 = tpu.memref_slice %arg7[%mul3A_316] : memref<25600xi32, #tpu.memory_space<vmem>> -> memref<128xi32, #tpu.memory_space<vmem>>
      %dma_start3A_320 = arith.constant 0 : i32
      %dma_start3A_321 = tpu.memref_slice %arg10[%dma_start3A_320] : memref<1000000xf32, #tpu.memory_space<vmem_shared>> -> memref<1000000xf32, #tpu.memory_space<vmem_shared>>
      tpu.enqueue_indirect_dma source(%dma_start3A_321 : memref<1000000xf32, #tpu.memory_space<vmem_shared>>) target(%dma_start3A_318 : memref<128xf32, #tpu.memory_space<vmem>>) offsets(%dma_start3A_319 : memref<128xi32, #tpu.memory_space<vmem>>) semaphore(%arg12 : memref<!tpu.dma_semaphore, #tpu.memory_space<semaphore_mem>>)
      %mul3A_322 = arith.constant 100 : i32
      %mul3A_323 = arith.muli %select_n3A_198, %mul3A_322 : i32
      %add3A_324 = arith.constant 10 : i32
      %add3A_325 = arith.addi %mul3A_323, %add3A_324 : i32
      %mul3A_326 = arith.constant 128 : i32
      %mul3A_327 = arith.muli %add3A_325, %mul3A_326 : i32
      %dma_start3A_328 = arith.constant 1280 : i32
      %dma_start3A_329 = tpu.memref_slice %arg8[%dma_start3A_328] : memref<12800xf32, #tpu.memory_space<vmem>> -> memref<128xf32, #tpu.memory_space<vmem>>
      %dma_start3A_330 = tpu.memref_slice %arg7[%mul3A_327] : memref<25600xi32, #tpu.memory_space<vmem>> -> memref<128xi32, #tpu.memory_space<vmem>>
      %dma_start3A_331 = arith.constant 0 : i32
      %dma_start3A_332 = tpu.memref_slice %arg10[%dma_start3A_331] : memref<1000000xf32, #tpu.memory_space<vmem_shared>> -> memref<1000000xf32, #tpu.memory_space<vmem_shared>>
      tpu.enqueue_indirect_dma source(%dma_start3A_332 : memref<1000000xf32, #tpu.memory_space<vmem_shared>>) target(%dma_start3A_329 : memref<128xf32, #tpu.memory_space<vmem>>) offsets(%dma_start3A_330 : memref<128xi32, #tpu.memory_space<vmem>>) semaphore(%arg12 : memref<!tpu.dma_semaphore, #tpu.memory_space<semaphore_mem>>)
      %mul3A_333 = arith.constant 100 : i32
      %mul3A_334 = arith.muli %select_n3A_198, %mul3A_333 : i32
      %add3A_335 = arith.constant 11 : i32
      %add3A_336 = arith.addi %mul3A_334, %add3A_335 : i32
      %mul3A_337 = arith.constant 128 : i32
      %mul3A_338 = arith.muli %add3A_336, %mul3A_337 : i32
      %dma_start3A_339 = arith.constant 1408 : i32
      %dma_start3A_340 = tpu.memref_slice %arg8[%dma_start3A_339] : memref<12800xf32, #tpu.memory_space<vmem>> -> memref<128xf32, #tpu.memory_space<vmem>>
      %dma_start3A_341 = tpu.memref_slice %arg7[%mul3A_338] : memref<25600xi32, #tpu.memory_space<vmem>> -> memref<128xi32, #tpu.memory_space<vmem>>
      %dma_start3A_342 = arith.constant 0 : i32
      %dma_start3A_343 = tpu.memref_slice %arg10[%dma_start3A_342] : memref<1000000xf32, #tpu.memory_space<vmem_shared>> -> memref<1000000xf32, #tpu.memory_space<vmem_shared>>
      tpu.enqueue_indirect_dma source(%dma_start3A_343 : memref<1000000xf32, #tpu.memory_space<vmem_shared>>) target(%dma_start3A_340 : memref<128xf32, #tpu.memory_space<vmem>>) offsets(%dma_start3A_341 : memref<128xi32, #tpu.memory_space<vmem>>) semaphore(%arg12 : memref<!tpu.dma_semaphore, #tpu.memory_space<semaphore_mem>>)
      %mul3A_344 = arith.constant 100 : i32
      %mul3A_345 = arith.muli %select_n3A_198, %mul3A_344 : i32
      %add3A_346 = arith.constant 12 : i32
      %add3A_347 = arith.addi %mul3A_345, %add3A_346 : i32
      %mul3A_348 = arith.constant 128 : i32
      %mul3A_349 = arith.muli %add3A_347, %mul3A_348 : i32
      %dma_start3A_350 = arith.constant 1536 : i32
      %dma_start3A_351 = tpu.memref_slice %arg8[%dma_start3A_350] : memref<12800xf32, #tpu.memory_space<vmem>> -> memref<128xf32, #tpu.memory_space<vmem>>
      %dma_start3A_352 = tpu.memref_slice %arg7[%mul3A_349] : memref<25600xi32, #tpu.memory_space<vmem>> -> memref<128xi32, #tpu.memory_space<vmem>>
      %dma_start3A_353 = arith.constant 0 : i32
      %dma_start3A_354 = tpu.memref_slice %arg10[%dma_start3A_353] : memref<1000000xf32, #tpu.memory_space<vmem_shared>> -> memref<1000000xf32, #tpu.memory_space<vmem_shared>>
      tpu.enqueue_indirect_dma source(%dma_start3A_354 : memref<1000000xf32, #tpu.memory_space<vmem_shared>>) target(%dma_start3A_351 : memref<128xf32, #tpu.memory_space<vmem>>) offsets(%dma_start3A_352 : memref<128xi32, #tpu.memory_space<vmem>>) semaphore(%arg12 : memref<!tpu.dma_semaphore, #tpu.memory_space<semaphore_mem>>)
      %mul3A_355 = arith.constant 100 : i32
      %mul3A_356 = arith.muli %select_n3A_198, %mul3A_355 : i32
      %add3A_357 = arith.constant 13 : i32
      %add3A_358 = arith.addi %mul3A_356, %add3A_357 : i32
      %mul3A_359 = arith.constant 128 : i32
      %mul3A_360 = arith.muli %add3A_358, %mul3A_359 : i32
      %dma_start3A_361 = arith.constant 1664 : i32
      %dma_start3A_362 = tpu.memref_slice %arg8[%dma_start3A_361] : memref<12800xf32, #tpu.memory_space<vmem>> -> memref<128xf32, #tpu.memory_space<vmem>>
      %dma_start3A_363 = tpu.memref_slice %arg7[%mul3A_360] : memref<25600xi32, #tpu.memory_space<vmem>> -> memref<128xi32, #tpu.memory_space<vmem>>
      %dma_start3A_364 = arith.constant 0 : i32
      %dma_start3A_365 = tpu.memref_slice %arg10[%dma_start3A_364] : memref<1000000xf32, #tpu.memory_space<vmem_shared>> -> memref<1000000xf32, #tpu.memory_space<vmem_shared>>
      tpu.enqueue_indirect_dma source(%dma_start3A_365 : memref<1000000xf32, #tpu.memory_space<vmem_shared>>) target(%dma_start3A_362 : memref<128xf32, #tpu.memory_space<vmem>>) offsets(%dma_start3A_363 : memref<128xi32, #tpu.memory_space<vmem>>) semaphore(%arg12 : memref<!tpu.dma_semaphore, #tpu.memory_space<semaphore_mem>>)
      %mul3A_366 = arith.constant 100 : i32
      %mul3A_367 = arith.muli %select_n3A_198, %mul3A_366 : i32
      %add3A_368 = arith.constant 14 : i32
      %add3A_369 = arith.addi %mul3A_367, %add3A_368 : i32
      %mul3A_370 = arith.constant 128 : i32
      %mul3A_371 = arith.muli %add3A_369, %mul3A_370 : i32
      %dma_start3A_372 = arith.constant 1792 : i32
      %dma_start3A_373 = tpu.memref_slice %arg8[%dma_start3A_372] : memref<12800xf32, #tpu.memory_space<vmem>> -> memref<128xf32, #tpu.memory_space<vmem>>
      %dma_start3A_374 = tpu.memref_slice %arg7[%mul3A_371] : memref<25600xi32, #tpu.memory_space<vmem>> -> memref<128xi32, #tpu.memory_space<vmem>>
      %dma_start3A_375 = arith.constant 0 : i32
      %dma_start3A_376 = tpu.memref_slice %arg10[%dma_start3A_375] : memref<1000000xf32, #tpu.memory_space<vmem_shared>> -> memref<1000000xf32, #tpu.memory_space<vmem_shared>>
      tpu.enqueue_indirect_dma source(%dma_start3A_376 : memref<1000000xf32, #tpu.memory_space<vmem_shared>>) target(%dma_start3A_373 : memref<128xf32, #tpu.memory_space<vmem>>) offsets(%dma_start3A_374 : memref<128xi32, #tpu.memory_space<vmem>>) semaphore(%arg12 : memref<!tpu.dma_semaphore, #tpu.memory_space<semaphore_mem>>)
      %mul3A_377 = arith.constant 100 : i32
      %mul3A_378 = arith.muli %select_n3A_198, %mul3A_377 : i32
      %add3A_379 = arith.constant 15 : i32
      %add3A_380 = arith.addi %mul3A_378, %add3A_379 : i32
      %mul3A_381 = arith.constant 128 : i32
      %mul3A_382 = arith.muli %add3A_380, %mul3A_381 : i32
      %dma_start3A_383 = arith.constant 1920 : i32
      %dma_start3A_384 = tpu.memref_slice %arg8[%dma_start3A_383] : memref<12800xf32, #tpu.memory_space<vmem>> -> memref<128xf32, #tpu.memory_space<vmem>>
      %dma_start3A_385 = tpu.memref_slice %arg7[%mul3A_382] : memref<25600xi32, #tpu.memory_space<vmem>> -> memref<128xi32, #tpu.memory_space<vmem>>
      %dma_start3A_386 = arith.constant 0 : i32
      %dma_start3A_387 = tpu.memref_slice %arg10[%dma_start3A_386] : memref<1000000xf32, #tpu.memory_space<vmem_shared>> -> memref<1000000xf32, #tpu.memory_space<vmem_shared>>
      tpu.enqueue_indirect_dma source(%dma_start3A_387 : memref<1000000xf32, #tpu.memory_space<vmem_shared>>) target(%dma_start3A_384 : memref<128xf32, #tpu.memory_space<vmem>>) offsets(%dma_start3A_385 : memref<128xi32, #tpu.memory_space<vmem>>) semaphore(%arg12 : memref<!tpu.dma_semaphore, #tpu.memory_space<semaphore_mem>>)
      %mul3A_388 = arith.constant 100 : i32
      %mul3A_389 = arith.muli %select_n3A_198, %mul3A_388 : i32
      %add3A_390 = arith.constant 16 : i32
      %add3A_391 = arith.addi %mul3A_389, %add3A_390 : i32
      %mul3A_392 = arith.constant 128 : i32
      %mul3A_393 = arith.muli %add3A_391, %mul3A_392 : i32
      %dma_start3A_394 = arith.constant 2048 : i32
      %dma_start3A_395 = tpu.memref_slice %arg8[%dma_start3A_394] : memref<12800xf32, #tpu.memory_space<vmem>> -> memref<128xf32, #tpu.memory_space<vmem>>
      %dma_start3A_396 = tpu.memref_slice %arg7[%mul3A_393] : memref<25600xi32, #tpu.memory_space<vmem>> -> memref<128xi32, #tpu.memory_space<vmem>>
      %dma_start3A_397 = arith.constant 0 : i32
      %dma_start3A_398 = tpu.memref_slice %arg10[%dma_start3A_397] : memref<1000000xf32, #tpu.memory_space<vmem_shared>> -> memref<1000000xf32, #tpu.memory_space<vmem_shared>>
      tpu.enqueue_indirect_dma source(%dma_start3A_398 : memref<1000000xf32, #tpu.memory_space<vmem_shared>>) target(%dma_start3A_395 : memref<128xf32, #tpu.memory_space<vmem>>) offsets(%dma_start3A_396 : memref<128xi32, #tpu.memory_space<vmem>>) semaphore(%arg12 : memref<!tpu.dma_semaphore, #tpu.memory_space<semaphore_mem>>)
      %mul3A_399 = arith.constant 100 : i32
      %mul3A_400 = arith.muli %select_n3A_198, %mul3A_399 : i32
      %add3A_401 = arith.constant 17 : i32
      %add3A_402 = arith.addi %mul3A_400, %add3A_401 : i32
      %mul3A_403 = arith.constant 128 : i32
      %mul3A_404 = arith.muli %add3A_402, %mul3A_403 : i32
      %dma_start3A_405 = arith.constant 2176 : i32
      %dma_start3A_406 = tpu.memref_slice %arg8[%dma_start3A_405] : memref<12800xf32, #tpu.memory_space<vmem>> -> memref<128xf32, #tpu.memory_space<vmem>>
      %dma_start3A_407 = tpu.memref_slice %arg7[%mul3A_404] : memref<25600xi32, #tpu.memory_space<vmem>> -> memref<128xi32, #tpu.memory_space<vmem>>
      %dma_start3A_408 = arith.constant 0 : i32
      %dma_start3A_409 = tpu.memref_slice %arg10[%dma_start3A_408] : memref<1000000xf32, #tpu.memory_space<vmem_shared>> -> memref<1000000xf32, #tpu.memory_space<vmem_shared>>
      tpu.enqueue_indirect_dma source(%dma_start3A_409 : memref<1000000xf32, #tpu.memory_space<vmem_shared>>) target(%dma_start3A_406 : memref<128xf32, #tpu.memory_space<vmem>>) offsets(%dma_start3A_407 : memref<128xi32, #tpu.memory_space<vmem>>) semaphore(%arg12 : memref<!tpu.dma_semaphore, #tpu.memory_space<semaphore_mem>>)
      %mul3A_410 = arith.constant 100 : i32
      %mul3A_411 = arith.muli %select_n3A_198, %mul3A_410 : i32
      %add3A_412 = arith.constant 18 : i32
      %add3A_413 = arith.addi %mul3A_411, %add3A_412 : i32
      %mul3A_414 = arith.constant 128 : i32
      %mul3A_415 = arith.muli %add3A_413, %mul3A_414 : i32
      %dma_start3A_416 = arith.constant 2304 : i32
      %dma_start3A_417 = tpu.memref_slice %arg8[%dma_start3A_416] : memref<12800xf32, #tpu.memory_space<vmem>> -> memref<128xf32, #tpu.memory_space<vmem>>
      %dma_start3A_418 = tpu.memref_slice %arg7[%mul3A_415] : memref<25600xi32, #tpu.memory_space<vmem>> -> memref<128xi32, #tpu.memory_space<vmem>>
      %dma_start3A_419 = arith.constant 0 : i32
      %dma_start3A_420 = tpu.memref_slice %arg10[%dma_start3A_419] : memref<1000000xf32, #tpu.memory_space<vmem_shared>> -> memref<1000000xf32, #tpu.memory_space<vmem_shared>>
      tpu.enqueue_indirect_dma source(%dma_start3A_420 : memref<1000000xf32, #tpu.memory_space<vmem_shared>>) target(%dma_start3A_417 : memref<128xf32, #tpu.memory_space<vmem>>) offsets(%dma_start3A_418 : memref<128xi32, #tpu.memory_space<vmem>>) semaphore(%arg12 : memref<!tpu.dma_semaphore, #tpu.memory_space<semaphore_mem>>)
      %mul3A_421 = arith.constant 100 : i32
      %mul3A_422 = arith.muli %select_n3A_198, %mul3A_421 : i32
      %add3A_423 = arith.constant 19 : i32
      %add3A_424 = arith.addi %mul3A_422, %add3A_423 : i32
      %mul3A_425 = arith.constant 128 : i32
      %mul3A_426 = arith.muli %add3A_424, %mul3A_425 : i32
      %dma_start3A_427 = arith.constant 2432 : i32
      %dma_start3A_428 = tpu.memref_slice %arg8[%dma_start3A_427] : memref<12800xf32, #tpu.memory_space<vmem>> -> memref<128xf32, #tpu.memory_space<vmem>>
      %dma_start3A_429 = tpu.memref_slice %arg7[%mul3A_426] : memref<25600xi32, #tpu.memory_space<vmem>> -> memref<128xi32, #tpu.memory_space<vmem>>
      %dma_start3A_430 = arith.constant 0 : i32
      %dma_start3A_431 = tpu.memref_slice %arg10[%dma_start3A_430] : memref<1000000xf32, #tpu.memory_space<vmem_shared>> -> memref<1000000xf32, #tpu.memory_space<vmem_shared>>
      tpu.enqueue_indirect_dma source(%dma_start3A_431 : memref<1000000xf32, #tpu.memory_space<vmem_shared>>) target(%dma_start3A_428 : memref<128xf32, #tpu.memory_space<vmem>>) offsets(%dma_start3A_429 : memref<128xi32, #tpu.memory_space<vmem>>) semaphore(%arg12 : memref<!tpu.dma_semaphore, #tpu.memory_space<semaphore_mem>>)
      %mul3A_432 = arith.constant 100 : i32
      %mul3A_433 = arith.muli %select_n3A_198, %mul3A_432 : i32
      %add3A_434 = arith.constant 20 : i32
      %add3A_435 = arith.addi %mul3A_433, %add3A_434 : i32
      %mul3A_436 = arith.constant 128 : i32
      %mul3A_437 = arith.muli %add3A_435, %mul3A_436 : i32
      %dma_start3A_438 = arith.constant 2560 : i32
      %dma_start3A_439 = tpu.memref_slice %arg8[%dma_start3A_438] : memref<12800xf32, #tpu.memory_space<vmem>> -> memref<128xf32, #tpu.memory_space<vmem>>
      %dma_start3A_440 = tpu.memref_slice %arg7[%mul3A_437] : memref<25600xi32, #tpu.memory_space<vmem>> -> memref<128xi32, #tpu.memory_space<vmem>>
      %dma_start3A_441 = arith.constant 0 : i32
      %dma_start3A_442 = tpu.memref_slice %arg10[%dma_start3A_441] : memref<1000000xf32, #tpu.memory_space<vmem_shared>> -> memref<1000000xf32, #tpu.memory_space<vmem_shared>>
      tpu.enqueue_indirect_dma source(%dma_start3A_442 : memref<1000000xf32, #tpu.memory_space<vmem_shared>>) target(%dma_start3A_439 : memref<128xf32, #tpu.memory_space<vmem>>) offsets(%dma_start3A_440 : memref<128xi32, #tpu.memory_space<vmem>>) semaphore(%arg12 : memref<!tpu.dma_semaphore, #tpu.memory_space<semaphore_mem>>)
      %mul3A_443 = arith.constant 100 : i32
      %mul3A_444 = arith.muli %select_n3A_198, %mul3A_443 : i32
      %add3A_445 = arith.constant 21 : i32
      %add3A_446 = arith.addi %mul3A_444, %add3A_445 : i32
      %mul3A_447 = arith.constant 128 : i32
      %mul3A_448 = arith.muli %add3A_446, %mul3A_447 : i32
      %dma_start3A_449 = arith.constant 2688 : i32
      %dma_start3A_450 = tpu.memref_slice %arg8[%dma_start3A_449] : memref<12800xf32, #tpu.memory_space<vmem>> -> memref<128xf32, #tpu.memory_space<vmem>>
      %dma_start3A_451 = tpu.memref_slice %arg7[%mul3A_448] : memref<25600xi32, #tpu.memory_space<vmem>> -> memref<128xi32, #tpu.memory_space<vmem>>
      %dma_start3A_452 = arith.constant 0 : i32
      %dma_start3A_453 = tpu.memref_slice %arg10[%dma_start3A_452] : memref<1000000xf32, #tpu.memory_space<vmem_shared>> -> memref<1000000xf32, #tpu.memory_space<vmem_shared>>
      tpu.enqueue_indirect_dma source(%dma_start3A_453 : memref<1000000xf32, #tpu.memory_space<vmem_shared>>) target(%dma_start3A_450 : memref<128xf32, #tpu.memory_space<vmem>>) offsets(%dma_start3A_451 : memref<128xi32, #tpu.memory_space<vmem>>) semaphore(%arg12 : memref<!tpu.dma_semaphore, #tpu.memory_space<semaphore_mem>>)
      %mul3A_454 = arith.constant 100 : i32
      %mul3A_455 = arith.muli %select_n3A_198, %mul3A_454 : i32
      %add3A_456 = arith.constant 22 : i32
      %add3A_457 = arith.addi %mul3A_455, %add3A_456 : i32
      %mul3A_458 = arith.constant 128 : i32
      %mul3A_459 = arith.muli %add3A_457, %mul3A_458 : i32
      %dma_start3A_460 = arith.constant 2816 : i32
      %dma_start3A_461 = tpu.memref_slice %arg8[%dma_start3A_460] : memref<12800xf32, #tpu.memory_space<vmem>> -> memref<128xf32, #tpu.memory_space<vmem>>
      %dma_start3A_462 = tpu.memref_slice %arg7[%mul3A_459] : memref<25600xi32, #tpu.memory_space<vmem>> -> memref<128xi32, #tpu.memory_space<vmem>>
      %dma_start3A_463 = arith.constant 0 : i32
      %dma_start3A_464 = tpu.memref_slice %arg10[%dma_start3A_463] : memref<1000000xf32, #tpu.memory_space<vmem_shared>> -> memref<1000000xf32, #tpu.memory_space<vmem_shared>>
      tpu.enqueue_indirect_dma source(%dma_start3A_464 : memref<1000000xf32, #tpu.memory_space<vmem_shared>>) target(%dma_start3A_461 : memref<128xf32, #tpu.memory_space<vmem>>) offsets(%dma_start3A_462 : memref<128xi32, #tpu.memory_space<vmem>>) semaphore(%arg12 : memref<!tpu.dma_semaphore, #tpu.memory_space<semaphore_mem>>)
      %mul3A_465 = arith.constant 100 : i32
      %mul3A_466 = arith.muli %select_n3A_198, %mul3A_465 : i32
      %add3A_467 = arith.constant 23 : i32
      %add3A_468 = arith.addi %mul3A_466, %add3A_467 : i32
      %mul3A_469 = arith.constant 128 : i32
      %mul3A_470 = arith.muli %add3A_468, %mul3A_469 : i32
      %dma_start3A_471 = arith.constant 2944 : i32
      %dma_start3A_472 = tpu.memref_slice %arg8[%dma_start3A_471] : memref<12800xf32, #tpu.memory_space<vmem>> -> memref<128xf32, #tpu.memory_space<vmem>>
      %dma_start3A_473 = tpu.memref_slice %arg7[%mul3A_470] : memref<25600xi32, #tpu.memory_space<vmem>> -> memref<128xi32, #tpu.memory_space<vmem>>
      %dma_start3A_474 = arith.constant 0 : i32
      %dma_start3A_475 = tpu.memref_slice %arg10[%dma_start3A_474] : memref<1000000xf32, #tpu.memory_space<vmem_shared>> -> memref<1000000xf32, #tpu.memory_space<vmem_shared>>
      tpu.enqueue_indirect_dma source(%dma_start3A_475 : memref<1000000xf32, #tpu.memory_space<vmem_shared>>) target(%dma_start3A_472 : memref<128xf32, #tpu.memory_space<vmem>>) offsets(%dma_start3A_473 : memref<128xi32, #tpu.memory_space<vmem>>) semaphore(%arg12 : memref<!tpu.dma_semaphore, #tpu.memory_space<semaphore_mem>>)
      %mul3A_476 = arith.constant 100 : i32
      %mul3A_477 = arith.muli %select_n3A_198, %mul3A_476 : i32
      %add3A_478 = arith.constant 24 : i32
      %add3A_479 = arith.addi %mul3A_477, %add3A_478 : i32
      %mul3A_480 = arith.constant 128 : i32
      %mul3A_481 = arith.muli %add3A_479, %mul3A_480 : i32
      %dma_start3A_482 = arith.constant 3072 : i32
      %dma_start3A_483 = tpu.memref_slice %arg8[%dma_start3A_482] : memref<12800xf32, #tpu.memory_space<vmem>> -> memref<128xf32, #tpu.memory_space<vmem>>
      %dma_start3A_484 = tpu.memref_slice %arg7[%mul3A_481] : memref<25600xi32, #tpu.memory_space<vmem>> -> memref<128xi32, #tpu.memory_space<vmem>>
      %dma_start3A_485 = arith.constant 0 : i32
      %dma_start3A_486 = tpu.memref_slice %arg10[%dma_start3A_485] : memref<1000000xf32, #tpu.memory_space<vmem_shared>> -> memref<1000000xf32, #tpu.memory_space<vmem_shared>>
      tpu.enqueue_indirect_dma source(%dma_start3A_486 : memref<1000000xf32, #tpu.memory_space<vmem_shared>>) target(%dma_start3A_483 : memref<128xf32, #tpu.memory_space<vmem>>) offsets(%dma_start3A_484 : memref<128xi32, #tpu.memory_space<vmem>>) semaphore(%arg12 : memref<!tpu.dma_semaphore, #tpu.memory_space<semaphore_mem>>)
      %mul3A_487 = arith.constant 100 : i32
      %mul3A_488 = arith.muli %select_n3A_198, %mul3A_487 : i32
      %add3A_489 = arith.constant 25 : i32
      %add3A_490 = arith.addi %mul3A_488, %add3A_489 : i32
      %mul3A_491 = arith.constant 128 : i32
      %mul3A_492 = arith.muli %add3A_490, %mul3A_491 : i32
      %dma_start3A_493 = arith.constant 3200 : i32
      %dma_start3A_494 = tpu.memref_slice %arg8[%dma_start3A_493] : memref<12800xf32, #tpu.memory_space<vmem>> -> memref<128xf32, #tpu.memory_space<vmem>>
      %dma_start3A_495 = tpu.memref_slice %arg7[%mul3A_492] : memref<25600xi32, #tpu.memory_space<vmem>> -> memref<128xi32, #tpu.memory_space<vmem>>
      %dma_start3A_496 = arith.constant 0 : i32
      %dma_start3A_497 = tpu.memref_slice %arg10[%dma_start3A_496] : memref<1000000xf32, #tpu.memory_space<vmem_shared>> -> memref<1000000xf32, #tpu.memory_space<vmem_shared>>
      tpu.enqueue_indirect_dma source(%dma_start3A_497 : memref<1000000xf32, #tpu.memory_space<vmem_shared>>) target(%dma_start3A_494 : memref<128xf32, #tpu.memory_space<vmem>>) offsets(%dma_start3A_495 : memref<128xi32, #tpu.memory_space<vmem>>) semaphore(%arg12 : memref<!tpu.dma_semaphore, #tpu.memory_space<semaphore_mem>>)
      %mul3A_498 = arith.constant 100 : i32
      %mul3A_499 = arith.muli %select_n3A_198, %mul3A_498 : i32
      %add3A_500 = arith.constant 26 : i32
      %add3A_501 = arith.addi %mul3A_499, %add3A_500 : i32
      %mul3A_502 = arith.constant 128 : i32
      %mul3A_503 = arith.muli %add3A_501, %mul3A_502 : i32
      %dma_start3A_504 = arith.constant 3328 : i32
      %dma_start3A_505 = tpu.memref_slice %arg8[%dma_start3A_504] : memref<12800xf32, #tpu.memory_space<vmem>> -> memref<128xf32, #tpu.memory_space<vmem>>
      %dma_start3A_506 = tpu.memref_slice %arg7[%mul3A_503] : memref<25600xi32, #tpu.memory_space<vmem>> -> memref<128xi32, #tpu.memory_space<vmem>>
      %dma_start3A_507 = arith.constant 0 : i32
      %dma_start3A_508 = tpu.memref_slice %arg10[%dma_start3A_507] : memref<1000000xf32, #tpu.memory_space<vmem_shared>> -> memref<1000000xf32, #tpu.memory_space<vmem_shared>>
      tpu.enqueue_indirect_dma source(%dma_start3A_508 : memref<1000000xf32, #tpu.memory_space<vmem_shared>>) target(%dma_start3A_505 : memref<128xf32, #tpu.memory_space<vmem>>) offsets(%dma_start3A_506 : memref<128xi32, #tpu.memory_space<vmem>>) semaphore(%arg12 : memref<!tpu.dma_semaphore, #tpu.memory_space<semaphore_mem>>)
      %mul3A_509 = arith.constant 100 : i32
      %mul3A_510 = arith.muli %select_n3A_198, %mul3A_509 : i32
      %add3A_511 = arith.constant 27 : i32
      %add3A_512 = arith.addi %mul3A_510, %add3A_511 : i32
      %mul3A_513 = arith.constant 128 : i32
      %mul3A_514 = arith.muli %add3A_512, %mul3A_513 : i32
      %dma_start3A_515 = arith.constant 3456 : i32
      %dma_start3A_516 = tpu.memref_slice %arg8[%dma_start3A_515] : memref<12800xf32, #tpu.memory_space<vmem>> -> memref<128xf32, #tpu.memory_space<vmem>>
      %dma_start3A_517 = tpu.memref_slice %arg7[%mul3A_514] : memref<25600xi32, #tpu.memory_space<vmem>> -> memref<128xi32, #tpu.memory_space<vmem>>
      %dma_start3A_518 = arith.constant 0 : i32
      %dma_start3A_519 = tpu.memref_slice %arg10[%dma_start3A_518] : memref<1000000xf32, #tpu.memory_space<vmem_shared>> -> memref<1000000xf32, #tpu.memory_space<vmem_shared>>
      tpu.enqueue_indirect_dma source(%dma_start3A_519 : memref<1000000xf32, #tpu.memory_space<vmem_shared>>) target(%dma_start3A_516 : memref<128xf32, #tpu.memory_space<vmem>>) offsets(%dma_start3A_517 : memref<128xi32, #tpu.memory_space<vmem>>) semaphore(%arg12 : memref<!tpu.dma_semaphore, #tpu.memory_space<semaphore_mem>>)
      %mul3A_520 = arith.constant 100 : i32
      %mul3A_521 = arith.muli %select_n3A_198, %mul3A_520 : i32
      %add3A_522 = arith.constant 28 : i32
      %add3A_523 = arith.addi %mul3A_521, %add3A_522 : i32
      %mul3A_524 = arith.constant 128 : i32
      %mul3A_525 = arith.muli %add3A_523, %mul3A_524 : i32
      %dma_start3A_526 = arith.constant 3584 : i32
      %dma_start3A_527 = tpu.memref_slice %arg8[%dma_start3A_526] : memref<12800xf32, #tpu.memory_space<vmem>> -> memref<128xf32, #tpu.memory_space<vmem>>
      %dma_start3A_528 = tpu.memref_slice %arg7[%mul3A_525] : memref<25600xi32, #tpu.memory_space<vmem>> -> memref<128xi32, #tpu.memory_space<vmem>>
      %dma_start3A_529 = arith.constant 0 : i32
      %dma_start3A_530 = tpu.memref_slice %arg10[%dma_start3A_529] : memref<1000000xf32, #tpu.memory_space<vmem_shared>> -> memref<1000000xf32, #tpu.memory_space<vmem_shared>>
      tpu.enqueue_indirect_dma source(%dma_start3A_530 : memref<1000000xf32, #tpu.memory_space<vmem_shared>>) target(%dma_start3A_527 : memref<128xf32, #tpu.memory_space<vmem>>) offsets(%dma_start3A_528 : memref<128xi32, #tpu.memory_space<vmem>>) semaphore(%arg12 : memref<!tpu.dma_semaphore, #tpu.memory_space<semaphore_mem>>)
      %mul3A_531 = arith.constant 100 : i32
      %mul3A_532 = arith.muli %select_n3A_198, %mul3A_531 : i32
      %add3A_533 = arith.constant 29 : i32
      %add3A_534 = arith.addi %mul3A_532, %add3A_533 : i32
      %mul3A_535 = arith.constant 128 : i32
      %mul3A_536 = arith.muli %add3A_534, %mul3A_535 : i32
      %dma_start3A_537 = arith.constant 3712 : i32
      %dma_start3A_538 = tpu.memref_slice %arg8[%dma_start3A_537] : memref<12800xf32, #tpu.memory_space<vmem>> -> memref<128xf32, #tpu.memory_space<vmem>>
      %dma_start3A_539 = tpu.memref_slice %arg7[%mul3A_536] : memref<25600xi32, #tpu.memory_space<vmem>> -> memref<128xi32, #tpu.memory_space<vmem>>
      %dma_start3A_540 = arith.constant 0 : i32
      %dma_start3A_541 = tpu.memref_slice %arg10[%dma_start3A_540] : memref<1000000xf32, #tpu.memory_space<vmem_shared>> -> memref<1000000xf32, #tpu.memory_space<vmem_shared>>
      tpu.enqueue_indirect_dma source(%dma_start3A_541 : memref<1000000xf32, #tpu.memory_space<vmem_shared>>) target(%dma_start3A_538 : memref<128xf32, #tpu.memory_space<vmem>>) offsets(%dma_start3A_539 : memref<128xi32, #tpu.memory_space<vmem>>) semaphore(%arg12 : memref<!tpu.dma_semaphore, #tpu.memory_space<semaphore_mem>>)
      %mul3A_542 = arith.constant 100 : i32
      %mul3A_543 = arith.muli %select_n3A_198, %mul3A_542 : i32
      %add3A_544 = arith.constant 30 : i32
      %add3A_545 = arith.addi %mul3A_543, %add3A_544 : i32
      %mul3A_546 = arith.constant 128 : i32
      %mul3A_547 = arith.muli %add3A_545, %mul3A_546 : i32
      %dma_start3A_548 = arith.constant 3840 : i32
      %dma_start3A_549 = tpu.memref_slice %arg8[%dma_start3A_548] : memref<12800xf32, #tpu.memory_space<vmem>> -> memref<128xf32, #tpu.memory_space<vmem>>
      %dma_start3A_550 = tpu.memref_slice %arg7[%mul3A_547] : memref<25600xi32, #tpu.memory_space<vmem>> -> memref<128xi32, #tpu.memory_space<vmem>>
      %dma_start3A_551 = arith.constant 0 : i32
      %dma_start3A_552 = tpu.memref_slice %arg10[%dma_start3A_551] : memref<1000000xf32, #tpu.memory_space<vmem_shared>> -> memref<1000000xf32, #tpu.memory_space<vmem_shared>>
      tpu.enqueue_indirect_dma source(%dma_start3A_552 : memref<1000000xf32, #tpu.memory_space<vmem_shared>>) target(%dma_start3A_549 : memref<128xf32, #tpu.memory_space<vmem>>) offsets(%dma_start3A_550 : memref<128xi32, #tpu.memory_space<vmem>>) semaphore(%arg12 : memref<!tpu.dma_semaphore, #tpu.memory_space<semaphore_mem>>)
      %mul3A_553 = arith.constant 100 : i32
      %mul3A_554 = arith.muli %select_n3A_198, %mul3A_553 : i32
      %add3A_555 = arith.constant 31 : i32
      %add3A_556 = arith.addi %mul3A_554, %add3A_555 : i32
      %mul3A_557 = arith.constant 128 : i32
      %mul3A_558 = arith.muli %add3A_556, %mul3A_557 : i32
      %dma_start3A_559 = arith.constant 3968 : i32
      %dma_start3A_560 = tpu.memref_slice %arg8[%dma_start3A_559] : memref<12800xf32, #tpu.memory_space<vmem>> -> memref<128xf32, #tpu.memory_space<vmem>>
      %dma_start3A_561 = tpu.memref_slice %arg7[%mul3A_558] : memref<25600xi32, #tpu.memory_space<vmem>> -> memref<128xi32, #tpu.memory_space<vmem>>
      %dma_start3A_562 = arith.constant 0 : i32
      %dma_start3A_563 = tpu.memref_slice %arg10[%dma_start3A_562] : memref<1000000xf32, #tpu.memory_space<vmem_shared>> -> memref<1000000xf32, #tpu.memory_space<vmem_shared>>
      tpu.enqueue_indirect_dma source(%dma_start3A_563 : memref<1000000xf32, #tpu.memory_space<vmem_shared>>) target(%dma_start3A_560 : memref<128xf32, #tpu.memory_space<vmem>>) offsets(%dma_start3A_561 : memref<128xi32, #tpu.memory_space<vmem>>) semaphore(%arg12 : memref<!tpu.dma_semaphore, #tpu.memory_space<semaphore_mem>>)
      %mul3A_564 = arith.constant 100 : i32
      %mul3A_565 = arith.muli %select_n3A_198, %mul3A_564 : i32
      %add3A_566 = arith.constant 32 : i32
      %add3A_567 = arith.addi %mul3A_565, %add3A_566 : i32
      %mul3A_568 = arith.constant 128 : i32
      %mul3A_569 = arith.muli %add3A_567, %mul3A_568 : i32
      %dma_start3A_570 = arith.constant 4096 : i32
      %dma_start3A_571 = tpu.memref_slice %arg8[%dma_start3A_570] : memref<12800xf32, #tpu.memory_space<vmem>> -> memref<128xf32, #tpu.memory_space<vmem>>
      %dma_start3A_572 = tpu.memref_slice %arg7[%mul3A_569] : memref<25600xi32, #tpu.memory_space<vmem>> -> memref<128xi32, #tpu.memory_space<vmem>>
      %dma_start3A_573 = arith.constant 0 : i32
      %dma_start3A_574 = tpu.memref_slice %arg10[%dma_start3A_573] : memref<1000000xf32, #tpu.memory_space<vmem_shared>> -> memref<1000000xf32, #tpu.memory_space<vmem_shared>>
      tpu.enqueue_indirect_dma source(%dma_start3A_574 : memref<1000000xf32, #tpu.memory_space<vmem_shared>>) target(%dma_start3A_571 : memref<128xf32, #tpu.memory_space<vmem>>) offsets(%dma_start3A_572 : memref<128xi32, #tpu.memory_space<vmem>>) semaphore(%arg12 : memref<!tpu.dma_semaphore, #tpu.memory_space<semaphore_mem>>)
      %mul3A_575 = arith.constant 100 : i32
      %mul3A_576 = arith.muli %select_n3A_198, %mul3A_575 : i32
      %add3A_577 = arith.constant 33 : i32
      %add3A_578 = arith.addi %mul3A_576, %add3A_577 : i32
      %mul3A_579 = arith.constant 128 : i32
      %mul3A_580 = arith.muli %add3A_578, %mul3A_579 : i32
      %dma_start3A_581 = arith.constant 4224 : i32
      %dma_start3A_582 = tpu.memref_slice %arg8[%dma_start3A_581] : memref<12800xf32, #tpu.memory_space<vmem>> -> memref<128xf32, #tpu.memory_space<vmem>>
      %dma_start3A_583 = tpu.memref_slice %arg7[%mul3A_580] : memref<25600xi32, #tpu.memory_space<vmem>> -> memref<128xi32, #tpu.memory_space<vmem>>
      %dma_start3A_584 = arith.constant 0 : i32
      %dma_start3A_585 = tpu.memref_slice %arg10[%dma_start3A_584] : memref<1000000xf32, #tpu.memory_space<vmem_shared>> -> memref<1000000xf32, #tpu.memory_space<vmem_shared>>
      tpu.enqueue_indirect_dma source(%dma_start3A_585 : memref<1000000xf32, #tpu.memory_space<vmem_shared>>) target(%dma_start3A_582 : memref<128xf32, #tpu.memory_space<vmem>>) offsets(%dma_start3A_583 : memref<128xi32, #tpu.memory_space<vmem>>) semaphore(%arg12 : memref<!tpu.dma_semaphore, #tpu.memory_space<semaphore_mem>>)
      %mul3A_586 = arith.constant 100 : i32
      %mul3A_587 = arith.muli %select_n3A_198, %mul3A_586 : i32
      %add3A_588 = arith.constant 34 : i32
      %add3A_589 = arith.addi %mul3A_587, %add3A_588 : i32
      %mul3A_590 = arith.constant 128 : i32
      %mul3A_591 = arith.muli %add3A_589, %mul3A_590 : i32
      %dma_start3A_592 = arith.constant 4352 : i32
      %dma_start3A_593 = tpu.memref_slice %arg8[%dma_start3A_592] : memref<12800xf32, #tpu.memory_space<vmem>> -> memref<128xf32, #tpu.memory_space<vmem>>
      %dma_start3A_594 = tpu.memref_slice %arg7[%mul3A_591] : memref<25600xi32, #tpu.memory_space<vmem>> -> memref<128xi32, #tpu.memory_space<vmem>>
      %dma_start3A_595 = arith.constant 0 : i32
      %dma_start3A_596 = tpu.memref_slice %arg10[%dma_start3A_595] : memref<1000000xf32, #tpu.memory_space<vmem_shared>> -> memref<1000000xf32, #tpu.memory_space<vmem_shared>>
      tpu.enqueue_indirect_dma source(%dma_start3A_596 : memref<1000000xf32, #tpu.memory_space<vmem_shared>>) target(%dma_start3A_593 : memref<128xf32, #tpu.memory_space<vmem>>) offsets(%dma_start3A_594 : memref<128xi32, #tpu.memory_space<vmem>>) semaphore(%arg12 : memref<!tpu.dma_semaphore, #tpu.memory_space<semaphore_mem>>)
      %mul3A_597 = arith.constant 100 : i32
      %mul3A_598 = arith.muli %select_n3A_198, %mul3A_597 : i32
      %add3A_599 = arith.constant 35 : i32
      %add3A_600 = arith.addi %mul3A_598, %add3A_599 : i32
      %mul3A_601 = arith.constant 128 : i32
      %mul3A_602 = arith.muli %add3A_600, %mul3A_601 : i32
      %dma_start3A_603 = arith.constant 4480 : i32
      %dma_start3A_604 = tpu.memref_slice %arg8[%dma_start3A_603] : memref<12800xf32, #tpu.memory_space<vmem>> -> memref<128xf32, #tpu.memory_space<vmem>>
      %dma_start3A_605 = tpu.memref_slice %arg7[%mul3A_602] : memref<25600xi32, #tpu.memory_space<vmem>> -> memref<128xi32, #tpu.memory_space<vmem>>
      %dma_start3A_606 = arith.constant 0 : i32
      %dma_start3A_607 = tpu.memref_slice %arg10[%dma_start3A_606] : memref<1000000xf32, #tpu.memory_space<vmem_shared>> -> memref<1000000xf32, #tpu.memory_space<vmem_shared>>
      tpu.enqueue_indirect_dma source(%dma_start3A_607 : memref<1000000xf32, #tpu.memory_space<vmem_shared>>) target(%dma_start3A_604 : memref<128xf32, #tpu.memory_space<vmem>>) offsets(%dma_start3A_605 : memref<128xi32, #tpu.memory_space<vmem>>) semaphore(%arg12 : memref<!tpu.dma_semaphore, #tpu.memory_space<semaphore_mem>>)
      %mul3A_608 = arith.constant 100 : i32
      %mul3A_609 = arith.muli %select_n3A_198, %mul3A_608 : i32
      %add3A_610 = arith.constant 36 : i32
      %add3A_611 = arith.addi %mul3A_609, %add3A_610 : i32
      %mul3A_612 = arith.constant 128 : i32
      %mul3A_613 = arith.muli %add3A_611, %mul3A_612 : i32
      %dma_start3A_614 = arith.constant 4608 : i32
      %dma_start3A_615 = tpu.memref_slice %arg8[%dma_start3A_614] : memref<12800xf32, #tpu.memory_space<vmem>> -> memref<128xf32, #tpu.memory_space<vmem>>
      %dma_start3A_616 = tpu.memref_slice %arg7[%mul3A_613] : memref<25600xi32, #tpu.memory_space<vmem>> -> memref<128xi32, #tpu.memory_space<vmem>>
      %dma_start3A_617 = arith.constant 0 : i32
      %dma_start3A_618 = tpu.memref_slice %arg10[%dma_start3A_617] : memref<1000000xf32, #tpu.memory_space<vmem_shared>> -> memref<1000000xf32, #tpu.memory_space<vmem_shared>>
      tpu.enqueue_indirect_dma source(%dma_start3A_618 : memref<1000000xf32, #tpu.memory_space<vmem_shared>>) target(%dma_start3A_615 : memref<128xf32, #tpu.memory_space<vmem>>) offsets(%dma_start3A_616 : memref<128xi32, #tpu.memory_space<vmem>>) semaphore(%arg12 : memref<!tpu.dma_semaphore, #tpu.memory_space<semaphore_mem>>)
      %mul3A_619 = arith.constant 100 : i32
      %mul3A_620 = arith.muli %select_n3A_198, %mul3A_619 : i32
      %add3A_621 = arith.constant 37 : i32
      %add3A_622 = arith.addi %mul3A_620, %add3A_621 : i32
      %mul3A_623 = arith.constant 128 : i32
      %mul3A_624 = arith.muli %add3A_622, %mul3A_623 : i32
      %dma_start3A_625 = arith.constant 4736 : i32
      %dma_start3A_626 = tpu.memref_slice %arg8[%dma_start3A_625] : memref<12800xf32, #tpu.memory_space<vmem>> -> memref<128xf32, #tpu.memory_space<vmem>>
      %dma_start3A_627 = tpu.memref_slice %arg7[%mul3A_624] : memref<25600xi32, #tpu.memory_space<vmem>> -> memref<128xi32, #tpu.memory_space<vmem>>
      %dma_start3A_628 = arith.constant 0 : i32
      %dma_start3A_629 = tpu.memref_slice %arg10[%dma_start3A_628] : memref<1000000xf32, #tpu.memory_space<vmem_shared>> -> memref<1000000xf32, #tpu.memory_space<vmem_shared>>
      tpu.enqueue_indirect_dma source(%dma_start3A_629 : memref<1000000xf32, #tpu.memory_space<vmem_shared>>) target(%dma_start3A_626 : memref<128xf32, #tpu.memory_space<vmem>>) offsets(%dma_start3A_627 : memref<128xi32, #tpu.memory_space<vmem>>) semaphore(%arg12 : memref<!tpu.dma_semaphore, #tpu.memory_space<semaphore_mem>>)
      %mul3A_630 = arith.constant 100 : i32
      %mul3A_631 = arith.muli %select_n3A_198, %mul3A_630 : i32
      %add3A_632 = arith.constant 38 : i32
      %add3A_633 = arith.addi %mul3A_631, %add3A_632 : i32
      %mul3A_634 = arith.constant 128 : i32
      %mul3A_635 = arith.muli %add3A_633, %mul3A_634 : i32
      %dma_start3A_636 = arith.constant 4864 : i32
      %dma_start3A_637 = tpu.memref_slice %arg8[%dma_start3A_636] : memref<12800xf32, #tpu.memory_space<vmem>> -> memref<128xf32, #tpu.memory_space<vmem>>
      %dma_start3A_638 = tpu.memref_slice %arg7[%mul3A_635] : memref<25600xi32, #tpu.memory_space<vmem>> -> memref<128xi32, #tpu.memory_space<vmem>>
      %dma_start3A_639 = arith.constant 0 : i32
      %dma_start3A_640 = tpu.memref_slice %arg10[%dma_start3A_639] : memref<1000000xf32, #tpu.memory_space<vmem_shared>> -> memref<1000000xf32, #tpu.memory_space<vmem_shared>>
      tpu.enqueue_indirect_dma source(%dma_start3A_640 : memref<1000000xf32, #tpu.memory_space<vmem_shared>>) target(%dma_start3A_637 : memref<128xf32, #tpu.memory_space<vmem>>) offsets(%dma_start3A_638 : memref<128xi32, #tpu.memory_space<vmem>>) semaphore(%arg12 : memref<!tpu.dma_semaphore, #tpu.memory_space<semaphore_mem>>)
      %mul3A_641 = arith.constant 100 : i32
      %mul3A_642 = arith.muli %select_n3A_198, %mul3A_641 : i32
      %add3A_643 = arith.constant 39 : i32
      %add3A_644 = arith.addi %mul3A_642, %add3A_643 : i32
      %mul3A_645 = arith.constant 128 : i32
      %mul3A_646 = arith.muli %add3A_644, %mul3A_645 : i32
      %dma_start3A_647 = arith.constant 4992 : i32
      %dma_start3A_648 = tpu.memref_slice %arg8[%dma_start3A_647] : memref<12800xf32, #tpu.memory_space<vmem>> -> memref<128xf32, #tpu.memory_space<vmem>>
      %dma_start3A_649 = tpu.memref_slice %arg7[%mul3A_646] : memref<25600xi32, #tpu.memory_space<vmem>> -> memref<128xi32, #tpu.memory_space<vmem>>
      %dma_start3A_650 = arith.constant 0 : i32
      %dma_start3A_651 = tpu.memref_slice %arg10[%dma_start3A_650] : memref<1000000xf32, #tpu.memory_space<vmem_shared>> -> memref<1000000xf32, #tpu.memory_space<vmem_shared>>
      tpu.enqueue_indirect_dma source(%dma_start3A_651 : memref<1000000xf32, #tpu.memory_space<vmem_shared>>) target(%dma_start3A_648 : memref<128xf32, #tpu.memory_space<vmem>>) offsets(%dma_start3A_649 : memref<128xi32, #tpu.memory_space<vmem>>) semaphore(%arg12 : memref<!tpu.dma_semaphore, #tpu.memory_space<semaphore_mem>>)
      %mul3A_652 = arith.constant 100 : i32
      %mul3A_653 = arith.muli %select_n3A_198, %mul3A_652 : i32
      %add3A_654 = arith.constant 40 : i32
      %add3A_655 = arith.addi %mul3A_653, %add3A_654 : i32
      %mul3A_656 = arith.constant 128 : i32
      %mul3A_657 = arith.muli %add3A_655, %mul3A_656 : i32
      %dma_start3A_658 = arith.constant 5120 : i32
      %dma_start3A_659 = tpu.memref_slice %arg8[%dma_start3A_658] : memref<12800xf32, #tpu.memory_space<vmem>> -> memref<128xf32, #tpu.memory_space<vmem>>
      %dma_start3A_660 = tpu.memref_slice %arg7[%mul3A_657] : memref<25600xi32, #tpu.memory_space<vmem>> -> memref<128xi32, #tpu.memory_space<vmem>>
      %dma_start3A_661 = arith.constant 0 : i32
      %dma_start3A_662 = tpu.memref_slice %arg10[%dma_start3A_661] : memref<1000000xf32, #tpu.memory_space<vmem_shared>> -> memref<1000000xf32, #tpu.memory_space<vmem_shared>>
      tpu.enqueue_indirect_dma source(%dma_start3A_662 : memref<1000000xf32, #tpu.memory_space<vmem_shared>>) target(%dma_start3A_659 : memref<128xf32, #tpu.memory_space<vmem>>) offsets(%dma_start3A_660 : memref<128xi32, #tpu.memory_space<vmem>>) semaphore(%arg12 : memref<!tpu.dma_semaphore, #tpu.memory_space<semaphore_mem>>)
      %mul3A_663 = arith.constant 100 : i32
      %mul3A_664 = arith.muli %select_n3A_198, %mul3A_663 : i32
      %add3A_665 = arith.constant 41 : i32
      %add3A_666 = arith.addi %mul3A_664, %add3A_665 : i32
      %mul3A_667 = arith.constant 128 : i32
      %mul3A_668 = arith.muli %add3A_666, %mul3A_667 : i32
      %dma_start3A_669 = arith.constant 5248 : i32
      %dma_start3A_670 = tpu.memref_slice %arg8[%dma_start3A_669] : memref<12800xf32, #tpu.memory_space<vmem>> -> memref<128xf32, #tpu.memory_space<vmem>>
      %dma_start3A_671 = tpu.memref_slice %arg7[%mul3A_668] : memref<25600xi32, #tpu.memory_space<vmem>> -> memref<128xi32, #tpu.memory_space<vmem>>
      %dma_start3A_672 = arith.constant 0 : i32
      %dma_start3A_673 = tpu.memref_slice %arg10[%dma_start3A_672] : memref<1000000xf32, #tpu.memory_space<vmem_shared>> -> memref<1000000xf32, #tpu.memory_space<vmem_shared>>
      tpu.enqueue_indirect_dma source(%dma_start3A_673 : memref<1000000xf32, #tpu.memory_space<vmem_shared>>) target(%dma_start3A_670 : memref<128xf32, #tpu.memory_space<vmem>>) offsets(%dma_start3A_671 : memref<128xi32, #tpu.memory_space<vmem>>) semaphore(%arg12 : memref<!tpu.dma_semaphore, #tpu.memory_space<semaphore_mem>>)
      %mul3A_674 = arith.constant 100 : i32
      %mul3A_675 = arith.muli %select_n3A_198, %mul3A_674 : i32
      %add3A_676 = arith.constant 42 : i32
      %add3A_677 = arith.addi %mul3A_675, %add3A_676 : i32
      %mul3A_678 = arith.constant 128 : i32
      %mul3A_679 = arith.muli %add3A_677, %mul3A_678 : i32
      %dma_start3A_680 = arith.constant 5376 : i32
      %dma_start3A_681 = tpu.memref_slice %arg8[%dma_start3A_680] : memref<12800xf32, #tpu.memory_space<vmem>> -> memref<128xf32, #tpu.memory_space<vmem>>
      %dma_start3A_682 = tpu.memref_slice %arg7[%mul3A_679] : memref<25600xi32, #tpu.memory_space<vmem>> -> memref<128xi32, #tpu.memory_space<vmem>>
      %dma_start3A_683 = arith.constant 0 : i32
      %dma_start3A_684 = tpu.memref_slice %arg10[%dma_start3A_683] : memref<1000000xf32, #tpu.memory_space<vmem_shared>> -> memref<1000000xf32, #tpu.memory_space<vmem_shared>>
      tpu.enqueue_indirect_dma source(%dma_start3A_684 : memref<1000000xf32, #tpu.memory_space<vmem_shared>>) target(%dma_start3A_681 : memref<128xf32, #tpu.memory_space<vmem>>) offsets(%dma_start3A_682 : memref<128xi32, #tpu.memory_space<vmem>>) semaphore(%arg12 : memref<!tpu.dma_semaphore, #tpu.memory_space<semaphore_mem>>)
      %mul3A_685 = arith.constant 100 : i32
      %mul3A_686 = arith.muli %select_n3A_198, %mul3A_685 : i32
      %add3A_687 = arith.constant 43 : i32
      %add3A_688 = arith.addi %mul3A_686, %add3A_687 : i32
      %mul3A_689 = arith.constant 128 : i32
      %mul3A_690 = arith.muli %add3A_688, %mul3A_689 : i32
      %dma_start3A_691 = arith.constant 5504 : i32
      %dma_start3A_692 = tpu.memref_slice %arg8[%dma_start3A_691] : memref<12800xf32, #tpu.memory_space<vmem>> -> memref<128xf32, #tpu.memory_space<vmem>>
      %dma_start3A_693 = tpu.memref_slice %arg7[%mul3A_690] : memref<25600xi32, #tpu.memory_space<vmem>> -> memref<128xi32, #tpu.memory_space<vmem>>
      %dma_start3A_694 = arith.constant 0 : i32
      %dma_start3A_695 = tpu.memref_slice %arg10[%dma_start3A_694] : memref<1000000xf32, #tpu.memory_space<vmem_shared>> -> memref<1000000xf32, #tpu.memory_space<vmem_shared>>
      tpu.enqueue_indirect_dma source(%dma_start3A_695 : memref<1000000xf32, #tpu.memory_space<vmem_shared>>) target(%dma_start3A_692 : memref<128xf32, #tpu.memory_space<vmem>>) offsets(%dma_start3A_693 : memref<128xi32, #tpu.memory_space<vmem>>) semaphore(%arg12 : memref<!tpu.dma_semaphore, #tpu.memory_space<semaphore_mem>>)
      %mul3A_696 = arith.constant 100 : i32
      %mul3A_697 = arith.muli %select_n3A_198, %mul3A_696 : i32
      %add3A_698 = arith.constant 44 : i32
      %add3A_699 = arith.addi %mul3A_697, %add3A_698 : i32
      %mul3A_700 = arith.constant 128 : i32
      %mul3A_701 = arith.muli %add3A_699, %mul3A_700 : i32
      %dma_start3A_702 = arith.constant 5632 : i32
      %dma_start3A_703 = tpu.memref_slice %arg8[%dma_start3A_702] : memref<12800xf32, #tpu.memory_space<vmem>> -> memref<128xf32, #tpu.memory_space<vmem>>
      %dma_start3A_704 = tpu.memref_slice %arg7[%mul3A_701] : memref<25600xi32, #tpu.memory_space<vmem>> -> memref<128xi32, #tpu.memory_space<vmem>>
      %dma_start3A_705 = arith.constant 0 : i32
      %dma_start3A_706 = tpu.memref_slice %arg10[%dma_start3A_705] : memref<1000000xf32, #tpu.memory_space<vmem_shared>> -> memref<1000000xf32, #tpu.memory_space<vmem_shared>>
      tpu.enqueue_indirect_dma source(%dma_start3A_706 : memref<1000000xf32, #tpu.memory_space<vmem_shared>>) target(%dma_start3A_703 : memref<128xf32, #tpu.memory_space<vmem>>) offsets(%dma_start3A_704 : memref<128xi32, #tpu.memory_space<vmem>>) semaphore(%arg12 : memref<!tpu.dma_semaphore, #tpu.memory_space<semaphore_mem>>)
      %mul3A_707 = arith.constant 100 : i32
      %mul3A_708 = arith.muli %select_n3A_198, %mul3A_707 : i32
      %add3A_709 = arith.constant 45 : i32
      %add3A_710 = arith.addi %mul3A_708, %add3A_709 : i32
      %mul3A_711 = arith.constant 128 : i32
      %mul3A_712 = arith.muli %add3A_710, %mul3A_711 : i32
      %dma_start3A_713 = arith.constant 5760 : i32
      %dma_start3A_714 = tpu.memref_slice %arg8[%dma_start3A_713] : memref<12800xf32, #tpu.memory_space<vmem>> -> memref<128xf32, #tpu.memory_space<vmem>>
      %dma_start3A_715 = tpu.memref_slice %arg7[%mul3A_712] : memref<25600xi32, #tpu.memory_space<vmem>> -> memref<128xi32, #tpu.memory_space<vmem>>
      %dma_start3A_716 = arith.constant 0 : i32
      %dma_start3A_717 = tpu.memref_slice %arg10[%dma_start3A_716] : memref<1000000xf32, #tpu.memory_space<vmem_shared>> -> memref<1000000xf32, #tpu.memory_space<vmem_shared>>
      tpu.enqueue_indirect_dma source(%dma_start3A_717 : memref<1000000xf32, #tpu.memory_space<vmem_shared>>) target(%dma_start3A_714 : memref<128xf32, #tpu.memory_space<vmem>>) offsets(%dma_start3A_715 : memref<128xi32, #tpu.memory_space<vmem>>) semaphore(%arg12 : memref<!tpu.dma_semaphore, #tpu.memory_space<semaphore_mem>>)
      %mul3A_718 = arith.constant 100 : i32
      %mul3A_719 = arith.muli %select_n3A_198, %mul3A_718 : i32
      %add3A_720 = arith.constant 46 : i32
      %add3A_721 = arith.addi %mul3A_719, %add3A_720 : i32
      %mul3A_722 = arith.constant 128 : i32
      %mul3A_723 = arith.muli %add3A_721, %mul3A_722 : i32
      %dma_start3A_724 = arith.constant 5888 : i32
      %dma_start3A_725 = tpu.memref_slice %arg8[%dma_start3A_724] : memref<12800xf32, #tpu.memory_space<vmem>> -> memref<128xf32, #tpu.memory_space<vmem>>
      %dma_start3A_726 = tpu.memref_slice %arg7[%mul3A_723] : memref<25600xi32, #tpu.memory_space<vmem>> -> memref<128xi32, #tpu.memory_space<vmem>>
      %dma_start3A_727 = arith.constant 0 : i32
      %dma_start3A_728 = tpu.memref_slice %arg10[%dma_start3A_727] : memref<1000000xf32, #tpu.memory_space<vmem_shared>> -> memref<1000000xf32, #tpu.memory_space<vmem_shared>>
      tpu.enqueue_indirect_dma source(%dma_start3A_728 : memref<1000000xf32, #tpu.memory_space<vmem_shared>>) target(%dma_start3A_725 : memref<128xf32, #tpu.memory_space<vmem>>) offsets(%dma_start3A_726 : memref<128xi32, #tpu.memory_space<vmem>>) semaphore(%arg12 : memref<!tpu.dma_semaphore, #tpu.memory_space<semaphore_mem>>)
      %mul3A_729 = arith.constant 100 : i32
      %mul3A_730 = arith.muli %select_n3A_198, %mul3A_729 : i32
      %add3A_731 = arith.constant 47 : i32
      %add3A_732 = arith.addi %mul3A_730, %add3A_731 : i32
      %mul3A_733 = arith.constant 128 : i32
      %mul3A_734 = arith.muli %add3A_732, %mul3A_733 : i32
      %dma_start3A_735 = arith.constant 6016 : i32
      %dma_start3A_736 = tpu.memref_slice %arg8[%dma_start3A_735] : memref<12800xf32, #tpu.memory_space<vmem>> -> memref<128xf32, #tpu.memory_space<vmem>>
      %dma_start3A_737 = tpu.memref_slice %arg7[%mul3A_734] : memref<25600xi32, #tpu.memory_space<vmem>> -> memref<128xi32, #tpu.memory_space<vmem>>
      %dma_start3A_738 = arith.constant 0 : i32
      %dma_start3A_739 = tpu.memref_slice %arg10[%dma_start3A_738] : memref<1000000xf32, #tpu.memory_space<vmem_shared>> -> memref<1000000xf32, #tpu.memory_space<vmem_shared>>
      tpu.enqueue_indirect_dma source(%dma_start3A_739 : memref<1000000xf32, #tpu.memory_space<vmem_shared>>) target(%dma_start3A_736 : memref<128xf32, #tpu.memory_space<vmem>>) offsets(%dma_start3A_737 : memref<128xi32, #tpu.memory_space<vmem>>) semaphore(%arg12 : memref<!tpu.dma_semaphore, #tpu.memory_space<semaphore_mem>>)
      %mul3A_740 = arith.constant 100 : i32
      %mul3A_741 = arith.muli %select_n3A_198, %mul3A_740 : i32
      %add3A_742 = arith.constant 48 : i32
      %add3A_743 = arith.addi %mul3A_741, %add3A_742 : i32
      %mul3A_744 = arith.constant 128 : i32
      %mul3A_745 = arith.muli %add3A_743, %mul3A_744 : i32
      %dma_start3A_746 = arith.constant 6144 : i32
      %dma_start3A_747 = tpu.memref_slice %arg8[%dma_start3A_746] : memref<12800xf32, #tpu.memory_space<vmem>> -> memref<128xf32, #tpu.memory_space<vmem>>
      %dma_start3A_748 = tpu.memref_slice %arg7[%mul3A_745] : memref<25600xi32, #tpu.memory_space<vmem>> -> memref<128xi32, #tpu.memory_space<vmem>>
      %dma_start3A_749 = arith.constant 0 : i32
      %dma_start3A_750 = tpu.memref_slice %arg10[%dma_start3A_749] : memref<1000000xf32, #tpu.memory_space<vmem_shared>> -> memref<1000000xf32, #tpu.memory_space<vmem_shared>>
      tpu.enqueue_indirect_dma source(%dma_start3A_750 : memref<1000000xf32, #tpu.memory_space<vmem_shared>>) target(%dma_start3A_747 : memref<128xf32, #tpu.memory_space<vmem>>) offsets(%dma_start3A_748 : memref<128xi32, #tpu.memory_space<vmem>>) semaphore(%arg12 : memref<!tpu.dma_semaphore, #tpu.memory_space<semaphore_mem>>)
      %mul3A_751 = arith.constant 100 : i32
      %mul3A_752 = arith.muli %select_n3A_198, %mul3A_751 : i32
      %add3A_753 = arith.constant 49 : i32
      %add3A_754 = arith.addi %mul3A_752, %add3A_753 : i32
      %mul3A_755 = arith.constant 128 : i32
      %mul3A_756 = arith.muli %add3A_754, %mul3A_755 : i32
      %dma_start3A_757 = arith.constant 6272 : i32
      %dma_start3A_758 = tpu.memref_slice %arg8[%dma_start3A_757] : memref<12800xf32, #tpu.memory_space<vmem>> -> memref<128xf32, #tpu.memory_space<vmem>>
      %dma_start3A_759 = tpu.memref_slice %arg7[%mul3A_756] : memref<25600xi32, #tpu.memory_space<vmem>> -> memref<128xi32, #tpu.memory_space<vmem>>
      %dma_start3A_760 = arith.constant 0 : i32
      %dma_start3A_761 = tpu.memref_slice %arg10[%dma_start3A_760] : memref<1000000xf32, #tpu.memory_space<vmem_shared>> -> memref<1000000xf32, #tpu.memory_space<vmem_shared>>
      tpu.enqueue_indirect_dma source(%dma_start3A_761 : memref<1000000xf32, #tpu.memory_space<vmem_shared>>) target(%dma_start3A_758 : memref<128xf32, #tpu.memory_space<vmem>>) offsets(%dma_start3A_759 : memref<128xi32, #tpu.memory_space<vmem>>) semaphore(%arg12 : memref<!tpu.dma_semaphore, #tpu.memory_space<semaphore_mem>>)
      %mul3A_762 = arith.constant 100 : i32
      %mul3A_763 = arith.muli %select_n3A_198, %mul3A_762 : i32
      %add3A_764 = arith.constant 50 : i32
      %add3A_765 = arith.addi %mul3A_763, %add3A_764 : i32
      %mul3A_766 = arith.constant 128 : i32
      %mul3A_767 = arith.muli %add3A_765, %mul3A_766 : i32
      %dma_start3A_768 = arith.constant 6400 : i32
      %dma_start3A_769 = tpu.memref_slice %arg8[%dma_start3A_768] : memref<12800xf32, #tpu.memory_space<vmem>> -> memref<128xf32, #tpu.memory_space<vmem>>
      %dma_start3A_770 = tpu.memref_slice %arg7[%mul3A_767] : memref<25600xi32, #tpu.memory_space<vmem>> -> memref<128xi32, #tpu.memory_space<vmem>>
      %dma_start3A_771 = arith.constant 0 : i32
      %dma_start3A_772 = tpu.memref_slice %arg10[%dma_start3A_771] : memref<1000000xf32, #tpu.memory_space<vmem_shared>> -> memref<1000000xf32, #tpu.memory_space<vmem_shared>>
      tpu.enqueue_indirect_dma source(%dma_start3A_772 : memref<1000000xf32, #tpu.memory_space<vmem_shared>>) target(%dma_start3A_769 : memref<128xf32, #tpu.memory_space<vmem>>) offsets(%dma_start3A_770 : memref<128xi32, #tpu.memory_space<vmem>>) semaphore(%arg12 : memref<!tpu.dma_semaphore, #tpu.memory_space<semaphore_mem>>)
      %mul3A_773 = arith.constant 100 : i32
      %mul3A_774 = arith.muli %select_n3A_198, %mul3A_773 : i32
      %add3A_775 = arith.constant 51 : i32
      %add3A_776 = arith.addi %mul3A_774, %add3A_775 : i32
      %mul3A_777 = arith.constant 128 : i32
      %mul3A_778 = arith.muli %add3A_776, %mul3A_777 : i32
      %dma_start3A_779 = arith.constant 6528 : i32
      %dma_start3A_780 = tpu.memref_slice %arg8[%dma_start3A_779] : memref<12800xf32, #tpu.memory_space<vmem>> -> memref<128xf32, #tpu.memory_space<vmem>>
      %dma_start3A_781 = tpu.memref_slice %arg7[%mul3A_778] : memref<25600xi32, #tpu.memory_space<vmem>> -> memref<128xi32, #tpu.memory_space<vmem>>
      %dma_start3A_782 = arith.constant 0 : i32
      %dma_start3A_783 = tpu.memref_slice %arg10[%dma_start3A_782] : memref<1000000xf32, #tpu.memory_space<vmem_shared>> -> memref<1000000xf32, #tpu.memory_space<vmem_shared>>
      tpu.enqueue_indirect_dma source(%dma_start3A_783 : memref<1000000xf32, #tpu.memory_space<vmem_shared>>) target(%dma_start3A_780 : memref<128xf32, #tpu.memory_space<vmem>>) offsets(%dma_start3A_781 : memref<128xi32, #tpu.memory_space<vmem>>) semaphore(%arg12 : memref<!tpu.dma_semaphore, #tpu.memory_space<semaphore_mem>>)
      %mul3A_784 = arith.constant 100 : i32
      %mul3A_785 = arith.muli %select_n3A_198, %mul3A_784 : i32
      %add3A_786 = arith.constant 52 : i32
      %add3A_787 = arith.addi %mul3A_785, %add3A_786 : i32
      %mul3A_788 = arith.constant 128 : i32
      %mul3A_789 = arith.muli %add3A_787, %mul3A_788 : i32
      %dma_start3A_790 = arith.constant 6656 : i32
      %dma_start3A_791 = tpu.memref_slice %arg8[%dma_start3A_790] : memref<12800xf32, #tpu.memory_space<vmem>> -> memref<128xf32, #tpu.memory_space<vmem>>
      %dma_start3A_792 = tpu.memref_slice %arg7[%mul3A_789] : memref<25600xi32, #tpu.memory_space<vmem>> -> memref<128xi32, #tpu.memory_space<vmem>>
      %dma_start3A_793 = arith.constant 0 : i32
      %dma_start3A_794 = tpu.memref_slice %arg10[%dma_start3A_793] : memref<1000000xf32, #tpu.memory_space<vmem_shared>> -> memref<1000000xf32, #tpu.memory_space<vmem_shared>>
      tpu.enqueue_indirect_dma source(%dma_start3A_794 : memref<1000000xf32, #tpu.memory_space<vmem_shared>>) target(%dma_start3A_791 : memref<128xf32, #tpu.memory_space<vmem>>) offsets(%dma_start3A_792 : memref<128xi32, #tpu.memory_space<vmem>>) semaphore(%arg12 : memref<!tpu.dma_semaphore, #tpu.memory_space<semaphore_mem>>)
      %mul3A_795 = arith.constant 100 : i32
      %mul3A_796 = arith.muli %select_n3A_198, %mul3A_795 : i32
      %add3A_797 = arith.constant 53 : i32
      %add3A_798 = arith.addi %mul3A_796, %add3A_797 : i32
      %mul3A_799 = arith.constant 128 : i32
      %mul3A_800 = arith.muli %add3A_798, %mul3A_799 : i32
      %dma_start3A_801 = arith.constant 6784 : i32
      %dma_start3A_802 = tpu.memref_slice %arg8[%dma_start3A_801] : memref<12800xf32, #tpu.memory_space<vmem>> -> memref<128xf32, #tpu.memory_space<vmem>>
      %dma_start3A_803 = tpu.memref_slice %arg7[%mul3A_800] : memref<25600xi32, #tpu.memory_space<vmem>> -> memref<128xi32, #tpu.memory_space<vmem>>
      %dma_start3A_804 = arith.constant 0 : i32
      %dma_start3A_805 = tpu.memref_slice %arg10[%dma_start3A_804] : memref<1000000xf32, #tpu.memory_space<vmem_shared>> -> memref<1000000xf32, #tpu.memory_space<vmem_shared>>
      tpu.enqueue_indirect_dma source(%dma_start3A_805 : memref<1000000xf32, #tpu.memory_space<vmem_shared>>) target(%dma_start3A_802 : memref<128xf32, #tpu.memory_space<vmem>>) offsets(%dma_start3A_803 : memref<128xi32, #tpu.memory_space<vmem>>) semaphore(%arg12 : memref<!tpu.dma_semaphore, #tpu.memory_space<semaphore_mem>>)
      %mul3A_806 = arith.constant 100 : i32
      %mul3A_807 = arith.muli %select_n3A_198, %mul3A_806 : i32
      %add3A_808 = arith.constant 54 : i32
      %add3A_809 = arith.addi %mul3A_807, %add3A_808 : i32
      %mul3A_810 = arith.constant 128 : i32
      %mul3A_811 = arith.muli %add3A_809, %mul3A_810 : i32
      %dma_start3A_812 = arith.constant 6912 : i32
      %dma_start3A_813 = tpu.memref_slice %arg8[%dma_start3A_812] : memref<12800xf32, #tpu.memory_space<vmem>> -> memref<128xf32, #tpu.memory_space<vmem>>
      %dma_start3A_814 = tpu.memref_slice %arg7[%mul3A_811] : memref<25600xi32, #tpu.memory_space<vmem>> -> memref<128xi32, #tpu.memory_space<vmem>>
      %dma_start3A_815 = arith.constant 0 : i32
      %dma_start3A_816 = tpu.memref_slice %arg10[%dma_start3A_815] : memref<1000000xf32, #tpu.memory_space<vmem_shared>> -> memref<1000000xf32, #tpu.memory_space<vmem_shared>>
      tpu.enqueue_indirect_dma source(%dma_start3A_816 : memref<1000000xf32, #tpu.memory_space<vmem_shared>>) target(%dma_start3A_813 : memref<128xf32, #tpu.memory_space<vmem>>) offsets(%dma_start3A_814 : memref<128xi32, #tpu.memory_space<vmem>>) semaphore(%arg12 : memref<!tpu.dma_semaphore, #tpu.memory_space<semaphore_mem>>)
      %mul3A_817 = arith.constant 100 : i32
      %mul3A_818 = arith.muli %select_n3A_198, %mul3A_817 : i32
      %add3A_819 = arith.constant 55 : i32
      %add3A_820 = arith.addi %mul3A_818, %add3A_819 : i32
      %mul3A_821 = arith.constant 128 : i32
      %mul3A_822 = arith.muli %add3A_820, %mul3A_821 : i32
      %dma_start3A_823 = arith.constant 7040 : i32
      %dma_start3A_824 = tpu.memref_slice %arg8[%dma_start3A_823] : memref<12800xf32, #tpu.memory_space<vmem>> -> memref<128xf32, #tpu.memory_space<vmem>>
      %dma_start3A_825 = tpu.memref_slice %arg7[%mul3A_822] : memref<25600xi32, #tpu.memory_space<vmem>> -> memref<128xi32, #tpu.memory_space<vmem>>
      %dma_start3A_826 = arith.constant 0 : i32
      %dma_start3A_827 = tpu.memref_slice %arg10[%dma_start3A_826] : memref<1000000xf32, #tpu.memory_space<vmem_shared>> -> memref<1000000xf32, #tpu.memory_space<vmem_shared>>
      tpu.enqueue_indirect_dma source(%dma_start3A_827 : memref<1000000xf32, #tpu.memory_space<vmem_shared>>) target(%dma_start3A_824 : memref<128xf32, #tpu.memory_space<vmem>>) offsets(%dma_start3A_825 : memref<128xi32, #tpu.memory_space<vmem>>) semaphore(%arg12 : memref<!tpu.dma_semaphore, #tpu.memory_space<semaphore_mem>>)
      %mul3A_828 = arith.constant 100 : i32
      %mul3A_829 = arith.muli %select_n3A_198, %mul3A_828 : i32
      %add3A_830 = arith.constant 56 : i32
      %add3A_831 = arith.addi %mul3A_829, %add3A_830 : i32
      %mul3A_832 = arith.constant 128 : i32
      %mul3A_833 = arith.muli %add3A_831, %mul3A_832 : i32
      %dma_start3A_834 = arith.constant 7168 : i32
      %dma_start3A_835 = tpu.memref_slice %arg8[%dma_start3A_834] : memref<12800xf32, #tpu.memory_space<vmem>> -> memref<128xf32, #tpu.memory_space<vmem>>
      %dma_start3A_836 = tpu.memref_slice %arg7[%mul3A_833] : memref<25600xi32, #tpu.memory_space<vmem>> -> memref<128xi32, #tpu.memory_space<vmem>>
      %dma_start3A_837 = arith.constant 0 : i32
      %dma_start3A_838 = tpu.memref_slice %arg10[%dma_start3A_837] : memref<1000000xf32, #tpu.memory_space<vmem_shared>> -> memref<1000000xf32, #tpu.memory_space<vmem_shared>>
      tpu.enqueue_indirect_dma source(%dma_start3A_838 : memref<1000000xf32, #tpu.memory_space<vmem_shared>>) target(%dma_start3A_835 : memref<128xf32, #tpu.memory_space<vmem>>) offsets(%dma_start3A_836 : memref<128xi32, #tpu.memory_space<vmem>>) semaphore(%arg12 : memref<!tpu.dma_semaphore, #tpu.memory_space<semaphore_mem>>)
      %mul3A_839 = arith.constant 100 : i32
      %mul3A_840 = arith.muli %select_n3A_198, %mul3A_839 : i32
      %add3A_841 = arith.constant 57 : i32
      %add3A_842 = arith.addi %mul3A_840, %add3A_841 : i32
      %mul3A_843 = arith.constant 128 : i32
      %mul3A_844 = arith.muli %add3A_842, %mul3A_843 : i32
      %dma_start3A_845 = arith.constant 7296 : i32
      %dma_start3A_846 = tpu.memref_slice %arg8[%dma_start3A_845] : memref<12800xf32, #tpu.memory_space<vmem>> -> memref<128xf32, #tpu.memory_space<vmem>>
      %dma_start3A_847 = tpu.memref_slice %arg7[%mul3A_844] : memref<25600xi32, #tpu.memory_space<vmem>> -> memref<128xi32, #tpu.memory_space<vmem>>
      %dma_start3A_848 = arith.constant 0 : i32
      %dma_start3A_849 = tpu.memref_slice %arg10[%dma_start3A_848] : memref<1000000xf32, #tpu.memory_space<vmem_shared>> -> memref<1000000xf32, #tpu.memory_space<vmem_shared>>
      tpu.enqueue_indirect_dma source(%dma_start3A_849 : memref<1000000xf32, #tpu.memory_space<vmem_shared>>) target(%dma_start3A_846 : memref<128xf32, #tpu.memory_space<vmem>>) offsets(%dma_start3A_847 : memref<128xi32, #tpu.memory_space<vmem>>) semaphore(%arg12 : memref<!tpu.dma_semaphore, #tpu.memory_space<semaphore_mem>>)
      %mul3A_850 = arith.constant 100 : i32
      %mul3A_851 = arith.muli %select_n3A_198, %mul3A_850 : i32
      %add3A_852 = arith.constant 58 : i32
      %add3A_853 = arith.addi %mul3A_851, %add3A_852 : i32
      %mul3A_854 = arith.constant 128 : i32
      %mul3A_855 = arith.muli %add3A_853, %mul3A_854 : i32
      %dma_start3A_856 = arith.constant 7424 : i32
      %dma_start3A_857 = tpu.memref_slice %arg8[%dma_start3A_856] : memref<12800xf32, #tpu.memory_space<vmem>> -> memref<128xf32, #tpu.memory_space<vmem>>
      %dma_start3A_858 = tpu.memref_slice %arg7[%mul3A_855] : memref<25600xi32, #tpu.memory_space<vmem>> -> memref<128xi32, #tpu.memory_space<vmem>>
      %dma_start3A_859 = arith.constant 0 : i32
      %dma_start3A_860 = tpu.memref_slice %arg10[%dma_start3A_859] : memref<1000000xf32, #tpu.memory_space<vmem_shared>> -> memref<1000000xf32, #tpu.memory_space<vmem_shared>>
      tpu.enqueue_indirect_dma source(%dma_start3A_860 : memref<1000000xf32, #tpu.memory_space<vmem_shared>>) target(%dma_start3A_857 : memref<128xf32, #tpu.memory_space<vmem>>) offsets(%dma_start3A_858 : memref<128xi32, #tpu.memory_space<vmem>>) semaphore(%arg12 : memref<!tpu.dma_semaphore, #tpu.memory_space<semaphore_mem>>)
      %mul3A_861 = arith.constant 100 : i32
      %mul3A_862 = arith.muli %select_n3A_198, %mul3A_861 : i32
      %add3A_863 = arith.constant 59 : i32
      %add3A_864 = arith.addi %mul3A_862, %add3A_863 : i32
      %mul3A_865 = arith.constant 128 : i32
      %mul3A_866 = arith.muli %add3A_864, %mul3A_865 : i32
      %dma_start3A_867 = arith.constant 7552 : i32
      %dma_start3A_868 = tpu.memref_slice %arg8[%dma_start3A_867] : memref<12800xf32, #tpu.memory_space<vmem>> -> memref<128xf32, #tpu.memory_space<vmem>>
      %dma_start3A_869 = tpu.memref_slice %arg7[%mul3A_866] : memref<25600xi32, #tpu.memory_space<vmem>> -> memref<128xi32, #tpu.memory_space<vmem>>
      %dma_start3A_870 = arith.constant 0 : i32
      %dma_start3A_871 = tpu.memref_slice %arg10[%dma_start3A_870] : memref<1000000xf32, #tpu.memory_space<vmem_shared>> -> memref<1000000xf32, #tpu.memory_space<vmem_shared>>
      tpu.enqueue_indirect_dma source(%dma_start3A_871 : memref<1000000xf32, #tpu.memory_space<vmem_shared>>) target(%dma_start3A_868 : memref<128xf32, #tpu.memory_space<vmem>>) offsets(%dma_start3A_869 : memref<128xi32, #tpu.memory_space<vmem>>) semaphore(%arg12 : memref<!tpu.dma_semaphore, #tpu.memory_space<semaphore_mem>>)
      %mul3A_872 = arith.constant 100 : i32
      %mul3A_873 = arith.muli %select_n3A_198, %mul3A_872 : i32
      %add3A_874 = arith.constant 60 : i32
      %add3A_875 = arith.addi %mul3A_873, %add3A_874 : i32
      %mul3A_876 = arith.constant 128 : i32
      %mul3A_877 = arith.muli %add3A_875, %mul3A_876 : i32
      %dma_start3A_878 = arith.constant 7680 : i32
      %dma_start3A_879 = tpu.memref_slice %arg8[%dma_start3A_878] : memref<12800xf32, #tpu.memory_space<vmem>> -> memref<128xf32, #tpu.memory_space<vmem>>
      %dma_start3A_880 = tpu.memref_slice %arg7[%mul3A_877] : memref<25600xi32, #tpu.memory_space<vmem>> -> memref<128xi32, #tpu.memory_space<vmem>>
      %dma_start3A_881 = arith.constant 0 : i32
      %dma_start3A_882 = tpu.memref_slice %arg10[%dma_start3A_881] : memref<1000000xf32, #tpu.memory_space<vmem_shared>> -> memref<1000000xf32, #tpu.memory_space<vmem_shared>>
      tpu.enqueue_indirect_dma source(%dma_start3A_882 : memref<1000000xf32, #tpu.memory_space<vmem_shared>>) target(%dma_start3A_879 : memref<128xf32, #tpu.memory_space<vmem>>) offsets(%dma_start3A_880 : memref<128xi32, #tpu.memory_space<vmem>>) semaphore(%arg12 : memref<!tpu.dma_semaphore, #tpu.memory_space<semaphore_mem>>)
      %mul3A_883 = arith.constant 100 : i32
      %mul3A_884 = arith.muli %select_n3A_198, %mul3A_883 : i32
      %add3A_885 = arith.constant 61 : i32
      %add3A_886 = arith.addi %mul3A_884, %add3A_885 : i32
      %mul3A_887 = arith.constant 128 : i32
      %mul3A_888 = arith.muli %add3A_886, %mul3A_887 : i32
      %dma_start3A_889 = arith.constant 7808 : i32
      %dma_start3A_890 = tpu.memref_slice %arg8[%dma_start3A_889] : memref<12800xf32, #tpu.memory_space<vmem>> -> memref<128xf32, #tpu.memory_space<vmem>>
      %dma_start3A_891 = tpu.memref_slice %arg7[%mul3A_888] : memref<25600xi32, #tpu.memory_space<vmem>> -> memref<128xi32, #tpu.memory_space<vmem>>
      %dma_start3A_892 = arith.constant 0 : i32
      %dma_start3A_893 = tpu.memref_slice %arg10[%dma_start3A_892] : memref<1000000xf32, #tpu.memory_space<vmem_shared>> -> memref<1000000xf32, #tpu.memory_space<vmem_shared>>
      tpu.enqueue_indirect_dma source(%dma_start3A_893 : memref<1000000xf32, #tpu.memory_space<vmem_shared>>) target(%dma_start3A_890 : memref<128xf32, #tpu.memory_space<vmem>>) offsets(%dma_start3A_891 : memref<128xi32, #tpu.memory_space<vmem>>) semaphore(%arg12 : memref<!tpu.dma_semaphore, #tpu.memory_space<semaphore_mem>>)
      %mul3A_894 = arith.constant 100 : i32
      %mul3A_895 = arith.muli %select_n3A_198, %mul3A_894 : i32
      %add3A_896 = arith.constant 62 : i32
      %add3A_897 = arith.addi %mul3A_895, %add3A_896 : i32
      %mul3A_898 = arith.constant 128 : i32
      %mul3A_899 = arith.muli %add3A_897, %mul3A_898 : i32
      %dma_start3A_900 = arith.constant 7936 : i32
      %dma_start3A_901 = tpu.memref_slice %arg8[%dma_start3A_900] : memref<12800xf32, #tpu.memory_space<vmem>> -> memref<128xf32, #tpu.memory_space<vmem>>
      %dma_start3A_902 = tpu.memref_slice %arg7[%mul3A_899] : memref<25600xi32, #tpu.memory_space<vmem>> -> memref<128xi32, #tpu.memory_space<vmem>>
      %dma_start3A_903 = arith.constant 0 : i32
      %dma_start3A_904 = tpu.memref_slice %arg10[%dma_start3A_903] : memref<1000000xf32, #tpu.memory_space<vmem_shared>> -> memref<1000000xf32, #tpu.memory_space<vmem_shared>>
      tpu.enqueue_indirect_dma source(%dma_start3A_904 : memref<1000000xf32, #tpu.memory_space<vmem_shared>>) target(%dma_start3A_901 : memref<128xf32, #tpu.memory_space<vmem>>) offsets(%dma_start3A_902 : memref<128xi32, #tpu.memory_space<vmem>>) semaphore(%arg12 : memref<!tpu.dma_semaphore, #tpu.memory_space<semaphore_mem>>)
      %mul3A_905 = arith.constant 100 : i32
      %mul3A_906 = arith.muli %select_n3A_198, %mul3A_905 : i32
      %add3A_907 = arith.constant 63 : i32
      %add3A_908 = arith.addi %mul3A_906, %add3A_907 : i32
      %mul3A_909 = arith.constant 128 : i32
      %mul3A_910 = arith.muli %add3A_908, %mul3A_909 : i32
      %dma_start3A_911 = arith.constant 8064 : i32
      %dma_start3A_912 = tpu.memref_slice %arg8[%dma_start3A_911] : memref<12800xf32, #tpu.memory_space<vmem>> -> memref<128xf32, #tpu.memory_space<vmem>>
      %dma_start3A_913 = tpu.memref_slice %arg7[%mul3A_910] : memref<25600xi32, #tpu.memory_space<vmem>> -> memref<128xi32, #tpu.memory_space<vmem>>
      %dma_start3A_914 = arith.constant 0 : i32
      %dma_start3A_915 = tpu.memref_slice %arg10[%dma_start3A_914] : memref<1000000xf32, #tpu.memory_space<vmem_shared>> -> memref<1000000xf32, #tpu.memory_space<vmem_shared>>
      tpu.enqueue_indirect_dma source(%dma_start3A_915 : memref<1000000xf32, #tpu.memory_space<vmem_shared>>) target(%dma_start3A_912 : memref<128xf32, #tpu.memory_space<vmem>>) offsets(%dma_start3A_913 : memref<128xi32, #tpu.memory_space<vmem>>) semaphore(%arg12 : memref<!tpu.dma_semaphore, #tpu.memory_space<semaphore_mem>>)
      %mul3A_916 = arith.constant 100 : i32
      %mul3A_917 = arith.muli %select_n3A_198, %mul3A_916 : i32
      %add3A_918 = arith.constant 64 : i32
      %add3A_919 = arith.addi %mul3A_917, %add3A_918 : i32
      %mul3A_920 = arith.constant 128 : i32
      %mul3A_921 = arith.muli %add3A_919, %mul3A_920 : i32
      %dma_start3A_922 = arith.constant 8192 : i32
      %dma_start3A_923 = tpu.memref_slice %arg8[%dma_start3A_922] : memref<12800xf32, #tpu.memory_space<vmem>> -> memref<128xf32, #tpu.memory_space<vmem>>
      %dma_start3A_924 = tpu.memref_slice %arg7[%mul3A_921] : memref<25600xi32, #tpu.memory_space<vmem>> -> memref<128xi32, #tpu.memory_space<vmem>>
      %dma_start3A_925 = arith.constant 0 : i32
      %dma_start3A_926 = tpu.memref_slice %arg10[%dma_start3A_925] : memref<1000000xf32, #tpu.memory_space<vmem_shared>> -> memref<1000000xf32, #tpu.memory_space<vmem_shared>>
      tpu.enqueue_indirect_dma source(%dma_start3A_926 : memref<1000000xf32, #tpu.memory_space<vmem_shared>>) target(%dma_start3A_923 : memref<128xf32, #tpu.memory_space<vmem>>) offsets(%dma_start3A_924 : memref<128xi32, #tpu.memory_space<vmem>>) semaphore(%arg12 : memref<!tpu.dma_semaphore, #tpu.memory_space<semaphore_mem>>)
      %mul3A_927 = arith.constant 100 : i32
      %mul3A_928 = arith.muli %select_n3A_198, %mul3A_927 : i32
      %add3A_929 = arith.constant 65 : i32
      %add3A_930 = arith.addi %mul3A_928, %add3A_929 : i32
      %mul3A_931 = arith.constant 128 : i32
      %mul3A_932 = arith.muli %add3A_930, %mul3A_931 : i32
      %dma_start3A_933 = arith.constant 8320 : i32
      %dma_start3A_934 = tpu.memref_slice %arg8[%dma_start3A_933] : memref<12800xf32, #tpu.memory_space<vmem>> -> memref<128xf32, #tpu.memory_space<vmem>>
      %dma_start3A_935 = tpu.memref_slice %arg7[%mul3A_932] : memref<25600xi32, #tpu.memory_space<vmem>> -> memref<128xi32, #tpu.memory_space<vmem>>
      %dma_start3A_936 = arith.constant 0 : i32
      %dma_start3A_937 = tpu.memref_slice %arg10[%dma_start3A_936] : memref<1000000xf32, #tpu.memory_space<vmem_shared>> -> memref<1000000xf32, #tpu.memory_space<vmem_shared>>
      tpu.enqueue_indirect_dma source(%dma_start3A_937 : memref<1000000xf32, #tpu.memory_space<vmem_shared>>) target(%dma_start3A_934 : memref<128xf32, #tpu.memory_space<vmem>>) offsets(%dma_start3A_935 : memref<128xi32, #tpu.memory_space<vmem>>) semaphore(%arg12 : memref<!tpu.dma_semaphore, #tpu.memory_space<semaphore_mem>>)
      %mul3A_938 = arith.constant 100 : i32
      %mul3A_939 = arith.muli %select_n3A_198, %mul3A_938 : i32
      %add3A_940 = arith.constant 66 : i32
      %add3A_941 = arith.addi %mul3A_939, %add3A_940 : i32
      %mul3A_942 = arith.constant 128 : i32
      %mul3A_943 = arith.muli %add3A_941, %mul3A_942 : i32
      %dma_start3A_944 = arith.constant 8448 : i32
      %dma_start3A_945 = tpu.memref_slice %arg8[%dma_start3A_944] : memref<12800xf32, #tpu.memory_space<vmem>> -> memref<128xf32, #tpu.memory_space<vmem>>
      %dma_start3A_946 = tpu.memref_slice %arg7[%mul3A_943] : memref<25600xi32, #tpu.memory_space<vmem>> -> memref<128xi32, #tpu.memory_space<vmem>>
      %dma_start3A_947 = arith.constant 0 : i32
      %dma_start3A_948 = tpu.memref_slice %arg10[%dma_start3A_947] : memref<1000000xf32, #tpu.memory_space<vmem_shared>> -> memref<1000000xf32, #tpu.memory_space<vmem_shared>>
      tpu.enqueue_indirect_dma source(%dma_start3A_948 : memref<1000000xf32, #tpu.memory_space<vmem_shared>>) target(%dma_start3A_945 : memref<128xf32, #tpu.memory_space<vmem>>) offsets(%dma_start3A_946 : memref<128xi32, #tpu.memory_space<vmem>>) semaphore(%arg12 : memref<!tpu.dma_semaphore, #tpu.memory_space<semaphore_mem>>)
      %mul3A_949 = arith.constant 100 : i32
      %mul3A_950 = arith.muli %select_n3A_198, %mul3A_949 : i32
      %add3A_951 = arith.constant 67 : i32
      %add3A_952 = arith.addi %mul3A_950, %add3A_951 : i32
      %mul3A_953 = arith.constant 128 : i32
      %mul3A_954 = arith.muli %add3A_952, %mul3A_953 : i32
      %dma_start3A_955 = arith.constant 8576 : i32
      %dma_start3A_956 = tpu.memref_slice %arg8[%dma_start3A_955] : memref<12800xf32, #tpu.memory_space<vmem>> -> memref<128xf32, #tpu.memory_space<vmem>>
      %dma_start3A_957 = tpu.memref_slice %arg7[%mul3A_954] : memref<25600xi32, #tpu.memory_space<vmem>> -> memref<128xi32, #tpu.memory_space<vmem>>
      %dma_start3A_958 = arith.constant 0 : i32
      %dma_start3A_959 = tpu.memref_slice %arg10[%dma_start3A_958] : memref<1000000xf32, #tpu.memory_space<vmem_shared>> -> memref<1000000xf32, #tpu.memory_space<vmem_shared>>
      tpu.enqueue_indirect_dma source(%dma_start3A_959 : memref<1000000xf32, #tpu.memory_space<vmem_shared>>) target(%dma_start3A_956 : memref<128xf32, #tpu.memory_space<vmem>>) offsets(%dma_start3A_957 : memref<128xi32, #tpu.memory_space<vmem>>) semaphore(%arg12 : memref<!tpu.dma_semaphore, #tpu.memory_space<semaphore_mem>>)
      %mul3A_960 = arith.constant 100 : i32
      %mul3A_961 = arith.muli %select_n3A_198, %mul3A_960 : i32
      %add3A_962 = arith.constant 68 : i32
      %add3A_963 = arith.addi %mul3A_961, %add3A_962 : i32
      %mul3A_964 = arith.constant 128 : i32
      %mul3A_965 = arith.muli %add3A_963, %mul3A_964 : i32
      %dma_start3A_966 = arith.constant 8704 : i32
      %dma_start3A_967 = tpu.memref_slice %arg8[%dma_start3A_966] : memref<12800xf32, #tpu.memory_space<vmem>> -> memref<128xf32, #tpu.memory_space<vmem>>
      %dma_start3A_968 = tpu.memref_slice %arg7[%mul3A_965] : memref<25600xi32, #tpu.memory_space<vmem>> -> memref<128xi32, #tpu.memory_space<vmem>>
      %dma_start3A_969 = arith.constant 0 : i32
      %dma_start3A_970 = tpu.memref_slice %arg10[%dma_start3A_969] : memref<1000000xf32, #tpu.memory_space<vmem_shared>> -> memref<1000000xf32, #tpu.memory_space<vmem_shared>>
      tpu.enqueue_indirect_dma source(%dma_start3A_970 : memref<1000000xf32, #tpu.memory_space<vmem_shared>>) target(%dma_start3A_967 : memref<128xf32, #tpu.memory_space<vmem>>) offsets(%dma_start3A_968 : memref<128xi32, #tpu.memory_space<vmem>>) semaphore(%arg12 : memref<!tpu.dma_semaphore, #tpu.memory_space<semaphore_mem>>)
      %mul3A_971 = arith.constant 100 : i32
      %mul3A_972 = arith.muli %select_n3A_198, %mul3A_971 : i32
      %add3A_973 = arith.constant 69 : i32
      %add3A_974 = arith.addi %mul3A_972, %add3A_973 : i32
      %mul3A_975 = arith.constant 128 : i32
      %mul3A_976 = arith.muli %add3A_974, %mul3A_975 : i32
      %dma_start3A_977 = arith.constant 8832 : i32
      %dma_start3A_978 = tpu.memref_slice %arg8[%dma_start3A_977] : memref<12800xf32, #tpu.memory_space<vmem>> -> memref<128xf32, #tpu.memory_space<vmem>>
      %dma_start3A_979 = tpu.memref_slice %arg7[%mul3A_976] : memref<25600xi32, #tpu.memory_space<vmem>> -> memref<128xi32, #tpu.memory_space<vmem>>
      %dma_start3A_980 = arith.constant 0 : i32
      %dma_start3A_981 = tpu.memref_slice %arg10[%dma_start3A_980] : memref<1000000xf32, #tpu.memory_space<vmem_shared>> -> memref<1000000xf32, #tpu.memory_space<vmem_shared>>
      tpu.enqueue_indirect_dma source(%dma_start3A_981 : memref<1000000xf32, #tpu.memory_space<vmem_shared>>) target(%dma_start3A_978 : memref<128xf32, #tpu.memory_space<vmem>>) offsets(%dma_start3A_979 : memref<128xi32, #tpu.memory_space<vmem>>) semaphore(%arg12 : memref<!tpu.dma_semaphore, #tpu.memory_space<semaphore_mem>>)
      %mul3A_982 = arith.constant 100 : i32
      %mul3A_983 = arith.muli %select_n3A_198, %mul3A_982 : i32
      %add3A_984 = arith.constant 70 : i32
      %add3A_985 = arith.addi %mul3A_983, %add3A_984 : i32
      %mul3A_986 = arith.constant 128 : i32
      %mul3A_987 = arith.muli %add3A_985, %mul3A_986 : i32
      %dma_start3A_988 = arith.constant 8960 : i32
      %dma_start3A_989 = tpu.memref_slice %arg8[%dma_start3A_988] : memref<12800xf32, #tpu.memory_space<vmem>> -> memref<128xf32, #tpu.memory_space<vmem>>
      %dma_start3A_990 = tpu.memref_slice %arg7[%mul3A_987] : memref<25600xi32, #tpu.memory_space<vmem>> -> memref<128xi32, #tpu.memory_space<vmem>>
      %dma_start3A_991 = arith.constant 0 : i32
      %dma_start3A_992 = tpu.memref_slice %arg10[%dma_start3A_991] : memref<1000000xf32, #tpu.memory_space<vmem_shared>> -> memref<1000000xf32, #tpu.memory_space<vmem_shared>>
      tpu.enqueue_indirect_dma source(%dma_start3A_992 : memref<1000000xf32, #tpu.memory_space<vmem_shared>>) target(%dma_start3A_989 : memref<128xf32, #tpu.memory_space<vmem>>) offsets(%dma_start3A_990 : memref<128xi32, #tpu.memory_space<vmem>>) semaphore(%arg12 : memref<!tpu.dma_semaphore, #tpu.memory_space<semaphore_mem>>)
      %mul3A_993 = arith.constant 100 : i32
      %mul3A_994 = arith.muli %select_n3A_198, %mul3A_993 : i32
      %add3A_995 = arith.constant 71 : i32
      %add3A_996 = arith.addi %mul3A_994, %add3A_995 : i32
      %mul3A_997 = arith.constant 128 : i32
      %mul3A_998 = arith.muli %add3A_996, %mul3A_997 : i32
      %dma_start3A_999 = arith.constant 9088 : i32
      %dma_start3A_1000 = tpu.memref_slice %arg8[%dma_start3A_999] : memref<12800xf32, #tpu.memory_space<vmem>> -> memref<128xf32, #tpu.memory_space<vmem>>
      %dma_start3A_1001 = tpu.memref_slice %arg7[%mul3A_998] : memref<25600xi32, #tpu.memory_space<vmem>> -> memref<128xi32, #tpu.memory_space<vmem>>
      %dma_start3A_1002 = arith.constant 0 : i32
      %dma_start3A_1003 = tpu.memref_slice %arg10[%dma_start3A_1002] : memref<1000000xf32, #tpu.memory_space<vmem_shared>> -> memref<1000000xf32, #tpu.memory_space<vmem_shared>>
      tpu.enqueue_indirect_dma source(%dma_start3A_1003 : memref<1000000xf32, #tpu.memory_space<vmem_shared>>) target(%dma_start3A_1000 : memref<128xf32, #tpu.memory_space<vmem>>) offsets(%dma_start3A_1001 : memref<128xi32, #tpu.memory_space<vmem>>) semaphore(%arg12 : memref<!tpu.dma_semaphore, #tpu.memory_space<semaphore_mem>>)
      %mul3A_1004 = arith.constant 100 : i32
      %mul3A_1005 = arith.muli %select_n3A_198, %mul3A_1004 : i32
      %add3A_1006 = arith.constant 72 : i32
      %add3A_1007 = arith.addi %mul3A_1005, %add3A_1006 : i32
      %mul3A_1008 = arith.constant 128 : i32
      %mul3A_1009 = arith.muli %add3A_1007, %mul3A_1008 : i32
      %dma_start3A_1010 = arith.constant 9216 : i32
      %dma_start3A_1011 = tpu.memref_slice %arg8[%dma_start3A_1010] : memref<12800xf32, #tpu.memory_space<vmem>> -> memref<128xf32, #tpu.memory_space<vmem>>
      %dma_start3A_1012 = tpu.memref_slice %arg7[%mul3A_1009] : memref<25600xi32, #tpu.memory_space<vmem>> -> memref<128xi32, #tpu.memory_space<vmem>>
      %dma_start3A_1013 = arith.constant 0 : i32
      %dma_start3A_1014 = tpu.memref_slice %arg10[%dma_start3A_1013] : memref<1000000xf32, #tpu.memory_space<vmem_shared>> -> memref<1000000xf32, #tpu.memory_space<vmem_shared>>
      tpu.enqueue_indirect_dma source(%dma_start3A_1014 : memref<1000000xf32, #tpu.memory_space<vmem_shared>>) target(%dma_start3A_1011 : memref<128xf32, #tpu.memory_space<vmem>>) offsets(%dma_start3A_1012 : memref<128xi32, #tpu.memory_space<vmem>>) semaphore(%arg12 : memref<!tpu.dma_semaphore, #tpu.memory_space<semaphore_mem>>)
      %mul3A_1015 = arith.constant 100 : i32
      %mul3A_1016 = arith.muli %select_n3A_198, %mul3A_1015 : i32
      %add3A_1017 = arith.constant 73 : i32
      %add3A_1018 = arith.addi %mul3A_1016, %add3A_1017 : i32
      %mul3A_1019 = arith.constant 128 : i32
      %mul3A_1020 = arith.muli %add3A_1018, %mul3A_1019 : i32
      %dma_start3A_1021 = arith.constant 9344 : i32
      %dma_start3A_1022 = tpu.memref_slice %arg8[%dma_start3A_1021] : memref<12800xf32, #tpu.memory_space<vmem>> -> memref<128xf32, #tpu.memory_space<vmem>>
      %dma_start3A_1023 = tpu.memref_slice %arg7[%mul3A_1020] : memref<25600xi32, #tpu.memory_space<vmem>> -> memref<128xi32, #tpu.memory_space<vmem>>
      %dma_start3A_1024 = arith.constant 0 : i32
      %dma_start3A_1025 = tpu.memref_slice %arg10[%dma_start3A_1024] : memref<1000000xf32, #tpu.memory_space<vmem_shared>> -> memref<1000000xf32, #tpu.memory_space<vmem_shared>>
      tpu.enqueue_indirect_dma source(%dma_start3A_1025 : memref<1000000xf32, #tpu.memory_space<vmem_shared>>) target(%dma_start3A_1022 : memref<128xf32, #tpu.memory_space<vmem>>) offsets(%dma_start3A_1023 : memref<128xi32, #tpu.memory_space<vmem>>) semaphore(%arg12 : memref<!tpu.dma_semaphore, #tpu.memory_space<semaphore_mem>>)
      %mul3A_1026 = arith.constant 100 : i32
      %mul3A_1027 = arith.muli %select_n3A_198, %mul3A_1026 : i32
      %add3A_1028 = arith.constant 74 : i32
      %add3A_1029 = arith.addi %mul3A_1027, %add3A_1028 : i32
      %mul3A_1030 = arith.constant 128 : i32
      %mul3A_1031 = arith.muli %add3A_1029, %mul3A_1030 : i32
      %dma_start3A_1032 = arith.constant 9472 : i32
      %dma_start3A_1033 = tpu.memref_slice %arg8[%dma_start3A_1032] : memref<12800xf32, #tpu.memory_space<vmem>> -> memref<128xf32, #tpu.memory_space<vmem>>
      %dma_start3A_1034 = tpu.memref_slice %arg7[%mul3A_1031] : memref<25600xi32, #tpu.memory_space<vmem>> -> memref<128xi32, #tpu.memory_space<vmem>>
      %dma_start3A_1035 = arith.constant 0 : i32
      %dma_start3A_1036 = tpu.memref_slice %arg10[%dma_start3A_1035] : memref<1000000xf32, #tpu.memory_space<vmem_shared>> -> memref<1000000xf32, #tpu.memory_space<vmem_shared>>
      tpu.enqueue_indirect_dma source(%dma_start3A_1036 : memref<1000000xf32, #tpu.memory_space<vmem_shared>>) target(%dma_start3A_1033 : memref<128xf32, #tpu.memory_space<vmem>>) offsets(%dma_start3A_1034 : memref<128xi32, #tpu.memory_space<vmem>>) semaphore(%arg12 : memref<!tpu.dma_semaphore, #tpu.memory_space<semaphore_mem>>)
      %mul3A_1037 = arith.constant 100 : i32
      %mul3A_1038 = arith.muli %select_n3A_198, %mul3A_1037 : i32
      %add3A_1039 = arith.constant 75 : i32
      %add3A_1040 = arith.addi %mul3A_1038, %add3A_1039 : i32
      %mul3A_1041 = arith.constant 128 : i32
      %mul3A_1042 = arith.muli %add3A_1040, %mul3A_1041 : i32
      %dma_start3A_1043 = arith.constant 9600 : i32
      %dma_start3A_1044 = tpu.memref_slice %arg8[%dma_start3A_1043] : memref<12800xf32, #tpu.memory_space<vmem>> -> memref<128xf32, #tpu.memory_space<vmem>>
      %dma_start3A_1045 = tpu.memref_slice %arg7[%mul3A_1042] : memref<25600xi32, #tpu.memory_space<vmem>> -> memref<128xi32, #tpu.memory_space<vmem>>
      %dma_start3A_1046 = arith.constant 0 : i32
      %dma_start3A_1047 = tpu.memref_slice %arg10[%dma_start3A_1046] : memref<1000000xf32, #tpu.memory_space<vmem_shared>> -> memref<1000000xf32, #tpu.memory_space<vmem_shared>>
      tpu.enqueue_indirect_dma source(%dma_start3A_1047 : memref<1000000xf32, #tpu.memory_space<vmem_shared>>) target(%dma_start3A_1044 : memref<128xf32, #tpu.memory_space<vmem>>) offsets(%dma_start3A_1045 : memref<128xi32, #tpu.memory_space<vmem>>) semaphore(%arg12 : memref<!tpu.dma_semaphore, #tpu.memory_space<semaphore_mem>>)
      %mul3A_1048 = arith.constant 100 : i32
      %mul3A_1049 = arith.muli %select_n3A_198, %mul3A_1048 : i32
      %add3A_1050 = arith.constant 76 : i32
      %add3A_1051 = arith.addi %mul3A_1049, %add3A_1050 : i32
      %mul3A_1052 = arith.constant 128 : i32
      %mul3A_1053 = arith.muli %add3A_1051, %mul3A_1052 : i32
      %dma_start3A_1054 = arith.constant 9728 : i32
      %dma_start3A_1055 = tpu.memref_slice %arg8[%dma_start3A_1054] : memref<12800xf32, #tpu.memory_space<vmem>> -> memref<128xf32, #tpu.memory_space<vmem>>
      %dma_start3A_1056 = tpu.memref_slice %arg7[%mul3A_1053] : memref<25600xi32, #tpu.memory_space<vmem>> -> memref<128xi32, #tpu.memory_space<vmem>>
      %dma_start3A_1057 = arith.constant 0 : i32
      %dma_start3A_1058 = tpu.memref_slice %arg10[%dma_start3A_1057] : memref<1000000xf32, #tpu.memory_space<vmem_shared>> -> memref<1000000xf32, #tpu.memory_space<vmem_shared>>
      tpu.enqueue_indirect_dma source(%dma_start3A_1058 : memref<1000000xf32, #tpu.memory_space<vmem_shared>>) target(%dma_start3A_1055 : memref<128xf32, #tpu.memory_space<vmem>>) offsets(%dma_start3A_1056 : memref<128xi32, #tpu.memory_space<vmem>>) semaphore(%arg12 : memref<!tpu.dma_semaphore, #tpu.memory_space<semaphore_mem>>)
      %mul3A_1059 = arith.constant 100 : i32
      %mul3A_1060 = arith.muli %select_n3A_198, %mul3A_1059 : i32
      %add3A_1061 = arith.constant 77 : i32
      %add3A_1062 = arith.addi %mul3A_1060, %add3A_1061 : i32
      %mul3A_1063 = arith.constant 128 : i32
      %mul3A_1064 = arith.muli %add3A_1062, %mul3A_1063 : i32
      %dma_start3A_1065 = arith.constant 9856 : i32
      %dma_start3A_1066 = tpu.memref_slice %arg8[%dma_start3A_1065] : memref<12800xf32, #tpu.memory_space<vmem>> -> memref<128xf32, #tpu.memory_space<vmem>>
      %dma_start3A_1067 = tpu.memref_slice %arg7[%mul3A_1064] : memref<25600xi32, #tpu.memory_space<vmem>> -> memref<128xi32, #tpu.memory_space<vmem>>
      %dma_start3A_1068 = arith.constant 0 : i32
      %dma_start3A_1069 = tpu.memref_slice %arg10[%dma_start3A_1068] : memref<1000000xf32, #tpu.memory_space<vmem_shared>> -> memref<1000000xf32, #tpu.memory_space<vmem_shared>>
      tpu.enqueue_indirect_dma source(%dma_start3A_1069 : memref<1000000xf32, #tpu.memory_space<vmem_shared>>) target(%dma_start3A_1066 : memref<128xf32, #tpu.memory_space<vmem>>) offsets(%dma_start3A_1067 : memref<128xi32, #tpu.memory_space<vmem>>) semaphore(%arg12 : memref<!tpu.dma_semaphore, #tpu.memory_space<semaphore_mem>>)
      %mul3A_1070 = arith.constant 100 : i32
      %mul3A_1071 = arith.muli %select_n3A_198, %mul3A_1070 : i32
      %add3A_1072 = arith.constant 78 : i32
      %add3A_1073 = arith.addi %mul3A_1071, %add3A_1072 : i32
      %mul3A_1074 = arith.constant 128 : i32
      %mul3A_1075 = arith.muli %add3A_1073, %mul3A_1074 : i32
      %dma_start3A_1076 = arith.constant 9984 : i32
      %dma_start3A_1077 = tpu.memref_slice %arg8[%dma_start3A_1076] : memref<12800xf32, #tpu.memory_space<vmem>> -> memref<128xf32, #tpu.memory_space<vmem>>
      %dma_start3A_1078 = tpu.memref_slice %arg7[%mul3A_1075] : memref<25600xi32, #tpu.memory_space<vmem>> -> memref<128xi32, #tpu.memory_space<vmem>>
      %dma_start3A_1079 = arith.constant 0 : i32
      %dma_start3A_1080 = tpu.memref_slice %arg10[%dma_start3A_1079] : memref<1000000xf32, #tpu.memory_space<vmem_shared>> -> memref<1000000xf32, #tpu.memory_space<vmem_shared>>
      tpu.enqueue_indirect_dma source(%dma_start3A_1080 : memref<1000000xf32, #tpu.memory_space<vmem_shared>>) target(%dma_start3A_1077 : memref<128xf32, #tpu.memory_space<vmem>>) offsets(%dma_start3A_1078 : memref<128xi32, #tpu.memory_space<vmem>>) semaphore(%arg12 : memref<!tpu.dma_semaphore, #tpu.memory_space<semaphore_mem>>)
      %mul3A_1081 = arith.constant 100 : i32
      %mul3A_1082 = arith.muli %select_n3A_198, %mul3A_1081 : i32
      %add3A_1083 = arith.constant 79 : i32
      %add3A_1084 = arith.addi %mul3A_1082, %add3A_1083 : i32
      %mul3A_1085 = arith.constant 128 : i32
      %mul3A_1086 = arith.muli %add3A_1084, %mul3A_1085 : i32
      %dma_start3A_1087 = arith.constant 10112 : i32
      %dma_start3A_1088 = tpu.memref_slice %arg8[%dma_start3A_1087] : memref<12800xf32, #tpu.memory_space<vmem>> -> memref<128xf32, #tpu.memory_space<vmem>>
      %dma_start3A_1089 = tpu.memref_slice %arg7[%mul3A_1086] : memref<25600xi32, #tpu.memory_space<vmem>> -> memref<128xi32, #tpu.memory_space<vmem>>
      %dma_start3A_1090 = arith.constant 0 : i32
      %dma_start3A_1091 = tpu.memref_slice %arg10[%dma_start3A_1090] : memref<1000000xf32, #tpu.memory_space<vmem_shared>> -> memref<1000000xf32, #tpu.memory_space<vmem_shared>>
      tpu.enqueue_indirect_dma source(%dma_start3A_1091 : memref<1000000xf32, #tpu.memory_space<vmem_shared>>) target(%dma_start3A_1088 : memref<128xf32, #tpu.memory_space<vmem>>) offsets(%dma_start3A_1089 : memref<128xi32, #tpu.memory_space<vmem>>) semaphore(%arg12 : memref<!tpu.dma_semaphore, #tpu.memory_space<semaphore_mem>>)
      %mul3A_1092 = arith.constant 100 : i32
      %mul3A_1093 = arith.muli %select_n3A_198, %mul3A_1092 : i32
      %add3A_1094 = arith.constant 80 : i32
      %add3A_1095 = arith.addi %mul3A_1093, %add3A_1094 : i32
      %mul3A_1096 = arith.constant 128 : i32
      %mul3A_1097 = arith.muli %add3A_1095, %mul3A_1096 : i32
      %dma_start3A_1098 = arith.constant 10240 : i32
      %dma_start3A_1099 = tpu.memref_slice %arg8[%dma_start3A_1098] : memref<12800xf32, #tpu.memory_space<vmem>> -> memref<128xf32, #tpu.memory_space<vmem>>
      %dma_start3A_1100 = tpu.memref_slice %arg7[%mul3A_1097] : memref<25600xi32, #tpu.memory_space<vmem>> -> memref<128xi32, #tpu.memory_space<vmem>>
      %dma_start3A_1101 = arith.constant 0 : i32
      %dma_start3A_1102 = tpu.memref_slice %arg10[%dma_start3A_1101] : memref<1000000xf32, #tpu.memory_space<vmem_shared>> -> memref<1000000xf32, #tpu.memory_space<vmem_shared>>
      tpu.enqueue_indirect_dma source(%dma_start3A_1102 : memref<1000000xf32, #tpu.memory_space<vmem_shared>>) target(%dma_start3A_1099 : memref<128xf32, #tpu.memory_space<vmem>>) offsets(%dma_start3A_1100 : memref<128xi32, #tpu.memory_space<vmem>>) semaphore(%arg12 : memref<!tpu.dma_semaphore, #tpu.memory_space<semaphore_mem>>)
      %mul3A_1103 = arith.constant 100 : i32
      %mul3A_1104 = arith.muli %select_n3A_198, %mul3A_1103 : i32
      %add3A_1105 = arith.constant 81 : i32
      %add3A_1106 = arith.addi %mul3A_1104, %add3A_1105 : i32
      %mul3A_1107 = arith.constant 128 : i32
      %mul3A_1108 = arith.muli %add3A_1106, %mul3A_1107 : i32
      %dma_start3A_1109 = arith.constant 10368 : i32
      %dma_start3A_1110 = tpu.memref_slice %arg8[%dma_start3A_1109] : memref<12800xf32, #tpu.memory_space<vmem>> -> memref<128xf32, #tpu.memory_space<vmem>>
      %dma_start3A_1111 = tpu.memref_slice %arg7[%mul3A_1108] : memref<25600xi32, #tpu.memory_space<vmem>> -> memref<128xi32, #tpu.memory_space<vmem>>
      %dma_start3A_1112 = arith.constant 0 : i32
      %dma_start3A_1113 = tpu.memref_slice %arg10[%dma_start3A_1112] : memref<1000000xf32, #tpu.memory_space<vmem_shared>> -> memref<1000000xf32, #tpu.memory_space<vmem_shared>>
      tpu.enqueue_indirect_dma source(%dma_start3A_1113 : memref<1000000xf32, #tpu.memory_space<vmem_shared>>) target(%dma_start3A_1110 : memref<128xf32, #tpu.memory_space<vmem>>) offsets(%dma_start3A_1111 : memref<128xi32, #tpu.memory_space<vmem>>) semaphore(%arg12 : memref<!tpu.dma_semaphore, #tpu.memory_space<semaphore_mem>>)
      %mul3A_1114 = arith.constant 100 : i32
      %mul3A_1115 = arith.muli %select_n3A_198, %mul3A_1114 : i32
      %add3A_1116 = arith.constant 82 : i32
      %add3A_1117 = arith.addi %mul3A_1115, %add3A_1116 : i32
      %mul3A_1118 = arith.constant 128 : i32
      %mul3A_1119 = arith.muli %add3A_1117, %mul3A_1118 : i32
      %dma_start3A_1120 = arith.constant 10496 : i32
      %dma_start3A_1121 = tpu.memref_slice %arg8[%dma_start3A_1120] : memref<12800xf32, #tpu.memory_space<vmem>> -> memref<128xf32, #tpu.memory_space<vmem>>
      %dma_start3A_1122 = tpu.memref_slice %arg7[%mul3A_1119] : memref<25600xi32, #tpu.memory_space<vmem>> -> memref<128xi32, #tpu.memory_space<vmem>>
      %dma_start3A_1123 = arith.constant 0 : i32
      %dma_start3A_1124 = tpu.memref_slice %arg10[%dma_start3A_1123] : memref<1000000xf32, #tpu.memory_space<vmem_shared>> -> memref<1000000xf32, #tpu.memory_space<vmem_shared>>
      tpu.enqueue_indirect_dma source(%dma_start3A_1124 : memref<1000000xf32, #tpu.memory_space<vmem_shared>>) target(%dma_start3A_1121 : memref<128xf32, #tpu.memory_space<vmem>>) offsets(%dma_start3A_1122 : memref<128xi32, #tpu.memory_space<vmem>>) semaphore(%arg12 : memref<!tpu.dma_semaphore, #tpu.memory_space<semaphore_mem>>)
      %mul3A_1125 = arith.constant 100 : i32
      %mul3A_1126 = arith.muli %select_n3A_198, %mul3A_1125 : i32
      %add3A_1127 = arith.constant 83 : i32
      %add3A_1128 = arith.addi %mul3A_1126, %add3A_1127 : i32
      %mul3A_1129 = arith.constant 128 : i32
      %mul3A_1130 = arith.muli %add3A_1128, %mul3A_1129 : i32
      %dma_start3A_1131 = arith.constant 10624 : i32
      %dma_start3A_1132 = tpu.memref_slice %arg8[%dma_start3A_1131] : memref<12800xf32, #tpu.memory_space<vmem>> -> memref<128xf32, #tpu.memory_space<vmem>>
      %dma_start3A_1133 = tpu.memref_slice %arg7[%mul3A_1130] : memref<25600xi32, #tpu.memory_space<vmem>> -> memref<128xi32, #tpu.memory_space<vmem>>
      %dma_start3A_1134 = arith.constant 0 : i32
      %dma_start3A_1135 = tpu.memref_slice %arg10[%dma_start3A_1134] : memref<1000000xf32, #tpu.memory_space<vmem_shared>> -> memref<1000000xf32, #tpu.memory_space<vmem_shared>>
      tpu.enqueue_indirect_dma source(%dma_start3A_1135 : memref<1000000xf32, #tpu.memory_space<vmem_shared>>) target(%dma_start3A_1132 : memref<128xf32, #tpu.memory_space<vmem>>) offsets(%dma_start3A_1133 : memref<128xi32, #tpu.memory_space<vmem>>) semaphore(%arg12 : memref<!tpu.dma_semaphore, #tpu.memory_space<semaphore_mem>>)
      %mul3A_1136 = arith.constant 100 : i32
      %mul3A_1137 = arith.muli %select_n3A_198, %mul3A_1136 : i32
      %add3A_1138 = arith.constant 84 : i32
      %add3A_1139 = arith.addi %mul3A_1137, %add3A_1138 : i32
      %mul3A_1140 = arith.constant 128 : i32
      %mul3A_1141 = arith.muli %add3A_1139, %mul3A_1140 : i32
      %dma_start3A_1142 = arith.constant 10752 : i32
      %dma_start3A_1143 = tpu.memref_slice %arg8[%dma_start3A_1142] : memref<12800xf32, #tpu.memory_space<vmem>> -> memref<128xf32, #tpu.memory_space<vmem>>
      %dma_start3A_1144 = tpu.memref_slice %arg7[%mul3A_1141] : memref<25600xi32, #tpu.memory_space<vmem>> -> memref<128xi32, #tpu.memory_space<vmem>>
      %dma_start3A_1145 = arith.constant 0 : i32
      %dma_start3A_1146 = tpu.memref_slice %arg10[%dma_start3A_1145] : memref<1000000xf32, #tpu.memory_space<vmem_shared>> -> memref<1000000xf32, #tpu.memory_space<vmem_shared>>
      tpu.enqueue_indirect_dma source(%dma_start3A_1146 : memref<1000000xf32, #tpu.memory_space<vmem_shared>>) target(%dma_start3A_1143 : memref<128xf32, #tpu.memory_space<vmem>>) offsets(%dma_start3A_1144 : memref<128xi32, #tpu.memory_space<vmem>>) semaphore(%arg12 : memref<!tpu.dma_semaphore, #tpu.memory_space<semaphore_mem>>)
      %mul3A_1147 = arith.constant 100 : i32
      %mul3A_1148 = arith.muli %select_n3A_198, %mul3A_1147 : i32
      %add3A_1149 = arith.constant 85 : i32
      %add3A_1150 = arith.addi %mul3A_1148, %add3A_1149 : i32
      %mul3A_1151 = arith.constant 128 : i32
      %mul3A_1152 = arith.muli %add3A_1150, %mul3A_1151 : i32
      %dma_start3A_1153 = arith.constant 10880 : i32
      %dma_start3A_1154 = tpu.memref_slice %arg8[%dma_start3A_1153] : memref<12800xf32, #tpu.memory_space<vmem>> -> memref<128xf32, #tpu.memory_space<vmem>>
      %dma_start3A_1155 = tpu.memref_slice %arg7[%mul3A_1152] : memref<25600xi32, #tpu.memory_space<vmem>> -> memref<128xi32, #tpu.memory_space<vmem>>
      %dma_start3A_1156 = arith.constant 0 : i32
      %dma_start3A_1157 = tpu.memref_slice %arg10[%dma_start3A_1156] : memref<1000000xf32, #tpu.memory_space<vmem_shared>> -> memref<1000000xf32, #tpu.memory_space<vmem_shared>>
      tpu.enqueue_indirect_dma source(%dma_start3A_1157 : memref<1000000xf32, #tpu.memory_space<vmem_shared>>) target(%dma_start3A_1154 : memref<128xf32, #tpu.memory_space<vmem>>) offsets(%dma_start3A_1155 : memref<128xi32, #tpu.memory_space<vmem>>) semaphore(%arg12 : memref<!tpu.dma_semaphore, #tpu.memory_space<semaphore_mem>>)
      %mul3A_1158 = arith.constant 100 : i32
      %mul3A_1159 = arith.muli %select_n3A_198, %mul3A_1158 : i32
      %add3A_1160 = arith.constant 86 : i32
      %add3A_1161 = arith.addi %mul3A_1159, %add3A_1160 : i32
      %mul3A_1162 = arith.constant 128 : i32
      %mul3A_1163 = arith.muli %add3A_1161, %mul3A_1162 : i32
      %dma_start3A_1164 = arith.constant 11008 : i32
      %dma_start3A_1165 = tpu.memref_slice %arg8[%dma_start3A_1164] : memref<12800xf32, #tpu.memory_space<vmem>> -> memref<128xf32, #tpu.memory_space<vmem>>
      %dma_start3A_1166 = tpu.memref_slice %arg7[%mul3A_1163] : memref<25600xi32, #tpu.memory_space<vmem>> -> memref<128xi32, #tpu.memory_space<vmem>>
      %dma_start3A_1167 = arith.constant 0 : i32
      %dma_start3A_1168 = tpu.memref_slice %arg10[%dma_start3A_1167] : memref<1000000xf32, #tpu.memory_space<vmem_shared>> -> memref<1000000xf32, #tpu.memory_space<vmem_shared>>
      tpu.enqueue_indirect_dma source(%dma_start3A_1168 : memref<1000000xf32, #tpu.memory_space<vmem_shared>>) target(%dma_start3A_1165 : memref<128xf32, #tpu.memory_space<vmem>>) offsets(%dma_start3A_1166 : memref<128xi32, #tpu.memory_space<vmem>>) semaphore(%arg12 : memref<!tpu.dma_semaphore, #tpu.memory_space<semaphore_mem>>)
      %mul3A_1169 = arith.constant 100 : i32
      %mul3A_1170 = arith.muli %select_n3A_198, %mul3A_1169 : i32
      %add3A_1171 = arith.constant 87 : i32
      %add3A_1172 = arith.addi %mul3A_1170, %add3A_1171 : i32
      %mul3A_1173 = arith.constant 128 : i32
      %mul3A_1174 = arith.muli %add3A_1172, %mul3A_1173 : i32
      %dma_start3A_1175 = arith.constant 11136 : i32
      %dma_start3A_1176 = tpu.memref_slice %arg8[%dma_start3A_1175] : memref<12800xf32, #tpu.memory_space<vmem>> -> memref<128xf32, #tpu.memory_space<vmem>>
      %dma_start3A_1177 = tpu.memref_slice %arg7[%mul3A_1174] : memref<25600xi32, #tpu.memory_space<vmem>> -> memref<128xi32, #tpu.memory_space<vmem>>
      %dma_start3A_1178 = arith.constant 0 : i32
      %dma_start3A_1179 = tpu.memref_slice %arg10[%dma_start3A_1178] : memref<1000000xf32, #tpu.memory_space<vmem_shared>> -> memref<1000000xf32, #tpu.memory_space<vmem_shared>>
      tpu.enqueue_indirect_dma source(%dma_start3A_1179 : memref<1000000xf32, #tpu.memory_space<vmem_shared>>) target(%dma_start3A_1176 : memref<128xf32, #tpu.memory_space<vmem>>) offsets(%dma_start3A_1177 : memref<128xi32, #tpu.memory_space<vmem>>) semaphore(%arg12 : memref<!tpu.dma_semaphore, #tpu.memory_space<semaphore_mem>>)
      %mul3A_1180 = arith.constant 100 : i32
      %mul3A_1181 = arith.muli %select_n3A_198, %mul3A_1180 : i32
      %add3A_1182 = arith.constant 88 : i32
      %add3A_1183 = arith.addi %mul3A_1181, %add3A_1182 : i32
      %mul3A_1184 = arith.constant 128 : i32
      %mul3A_1185 = arith.muli %add3A_1183, %mul3A_1184 : i32
      %dma_start3A_1186 = arith.constant 11264 : i32
      %dma_start3A_1187 = tpu.memref_slice %arg8[%dma_start3A_1186] : memref<12800xf32, #tpu.memory_space<vmem>> -> memref<128xf32, #tpu.memory_space<vmem>>
      %dma_start3A_1188 = tpu.memref_slice %arg7[%mul3A_1185] : memref<25600xi32, #tpu.memory_space<vmem>> -> memref<128xi32, #tpu.memory_space<vmem>>
      %dma_start3A_1189 = arith.constant 0 : i32
      %dma_start3A_1190 = tpu.memref_slice %arg10[%dma_start3A_1189] : memref<1000000xf32, #tpu.memory_space<vmem_shared>> -> memref<1000000xf32, #tpu.memory_space<vmem_shared>>
      tpu.enqueue_indirect_dma source(%dma_start3A_1190 : memref<1000000xf32, #tpu.memory_space<vmem_shared>>) target(%dma_start3A_1187 : memref<128xf32, #tpu.memory_space<vmem>>) offsets(%dma_start3A_1188 : memref<128xi32, #tpu.memory_space<vmem>>) semaphore(%arg12 : memref<!tpu.dma_semaphore, #tpu.memory_space<semaphore_mem>>)
      %mul3A_1191 = arith.constant 100 : i32
      %mul3A_1192 = arith.muli %select_n3A_198, %mul3A_1191 : i32
      %add3A_1193 = arith.constant 89 : i32
      %add3A_1194 = arith.addi %mul3A_1192, %add3A_1193 : i32
      %mul3A_1195 = arith.constant 128 : i32
      %mul3A_1196 = arith.muli %add3A_1194, %mul3A_1195 : i32
      %dma_start3A_1197 = arith.constant 11392 : i32
      %dma_start3A_1198 = tpu.memref_slice %arg8[%dma_start3A_1197] : memref<12800xf32, #tpu.memory_space<vmem>> -> memref<128xf32, #tpu.memory_space<vmem>>
      %dma_start3A_1199 = tpu.memref_slice %arg7[%mul3A_1196] : memref<25600xi32, #tpu.memory_space<vmem>> -> memref<128xi32, #tpu.memory_space<vmem>>
      %dma_start3A_1200 = arith.constant 0 : i32
      %dma_start3A_1201 = tpu.memref_slice %arg10[%dma_start3A_1200] : memref<1000000xf32, #tpu.memory_space<vmem_shared>> -> memref<1000000xf32, #tpu.memory_space<vmem_shared>>
      tpu.enqueue_indirect_dma source(%dma_start3A_1201 : memref<1000000xf32, #tpu.memory_space<vmem_shared>>) target(%dma_start3A_1198 : memref<128xf32, #tpu.memory_space<vmem>>) offsets(%dma_start3A_1199 : memref<128xi32, #tpu.memory_space<vmem>>) semaphore(%arg12 : memref<!tpu.dma_semaphore, #tpu.memory_space<semaphore_mem>>)
      %mul3A_1202 = arith.constant 100 : i32
      %mul3A_1203 = arith.muli %select_n3A_198, %mul3A_1202 : i32
      %add3A_1204 = arith.constant 90 : i32
      %add3A_1205 = arith.addi %mul3A_1203, %add3A_1204 : i32
      %mul3A_1206 = arith.constant 128 : i32
      %mul3A_1207 = arith.muli %add3A_1205, %mul3A_1206 : i32
      %dma_start3A_1208 = arith.constant 11520 : i32
      %dma_start3A_1209 = tpu.memref_slice %arg8[%dma_start3A_1208] : memref<12800xf32, #tpu.memory_space<vmem>> -> memref<128xf32, #tpu.memory_space<vmem>>
      %dma_start3A_1210 = tpu.memref_slice %arg7[%mul3A_1207] : memref<25600xi32, #tpu.memory_space<vmem>> -> memref<128xi32, #tpu.memory_space<vmem>>
      %dma_start3A_1211 = arith.constant 0 : i32
      %dma_start3A_1212 = tpu.memref_slice %arg10[%dma_start3A_1211] : memref<1000000xf32, #tpu.memory_space<vmem_shared>> -> memref<1000000xf32, #tpu.memory_space<vmem_shared>>
      tpu.enqueue_indirect_dma source(%dma_start3A_1212 : memref<1000000xf32, #tpu.memory_space<vmem_shared>>) target(%dma_start3A_1209 : memref<128xf32, #tpu.memory_space<vmem>>) offsets(%dma_start3A_1210 : memref<128xi32, #tpu.memory_space<vmem>>) semaphore(%arg12 : memref<!tpu.dma_semaphore, #tpu.memory_space<semaphore_mem>>)
      %mul3A_1213 = arith.constant 100 : i32
      %mul3A_1214 = arith.muli %select_n3A_198, %mul3A_1213 : i32
      %add3A_1215 = arith.constant 91 : i32
      %add3A_1216 = arith.addi %mul3A_1214, %add3A_1215 : i32
      %mul3A_1217 = arith.constant 128 : i32
      %mul3A_1218 = arith.muli %add3A_1216, %mul3A_1217 : i32
      %dma_start3A_1219 = arith.constant 11648 : i32
      %dma_start3A_1220 = tpu.memref_slice %arg8[%dma_start3A_1219] : memref<12800xf32, #tpu.memory_space<vmem>> -> memref<128xf32, #tpu.memory_space<vmem>>
      %dma_start3A_1221 = tpu.memref_slice %arg7[%mul3A_1218] : memref<25600xi32, #tpu.memory_space<vmem>> -> memref<128xi32, #tpu.memory_space<vmem>>
      %dma_start3A_1222 = arith.constant 0 : i32
      %dma_start3A_1223 = tpu.memref_slice %arg10[%dma_start3A_1222] : memref<1000000xf32, #tpu.memory_space<vmem_shared>> -> memref<1000000xf32, #tpu.memory_space<vmem_shared>>
      tpu.enqueue_indirect_dma source(%dma_start3A_1223 : memref<1000000xf32, #tpu.memory_space<vmem_shared>>) target(%dma_start3A_1220 : memref<128xf32, #tpu.memory_space<vmem>>) offsets(%dma_start3A_1221 : memref<128xi32, #tpu.memory_space<vmem>>) semaphore(%arg12 : memref<!tpu.dma_semaphore, #tpu.memory_space<semaphore_mem>>)
      %mul3A_1224 = arith.constant 100 : i32
      %mul3A_1225 = arith.muli %select_n3A_198, %mul3A_1224 : i32
      %add3A_1226 = arith.constant 92 : i32
      %add3A_1227 = arith.addi %mul3A_1225, %add3A_1226 : i32
      %mul3A_1228 = arith.constant 128 : i32
      %mul3A_1229 = arith.muli %add3A_1227, %mul3A_1228 : i32
      %dma_start3A_1230 = arith.constant 11776 : i32
      %dma_start3A_1231 = tpu.memref_slice %arg8[%dma_start3A_1230] : memref<12800xf32, #tpu.memory_space<vmem>> -> memref<128xf32, #tpu.memory_space<vmem>>
      %dma_start3A_1232 = tpu.memref_slice %arg7[%mul3A_1229] : memref<25600xi32, #tpu.memory_space<vmem>> -> memref<128xi32, #tpu.memory_space<vmem>>
      %dma_start3A_1233 = arith.constant 0 : i32
      %dma_start3A_1234 = tpu.memref_slice %arg10[%dma_start3A_1233] : memref<1000000xf32, #tpu.memory_space<vmem_shared>> -> memref<1000000xf32, #tpu.memory_space<vmem_shared>>
      tpu.enqueue_indirect_dma source(%dma_start3A_1234 : memref<1000000xf32, #tpu.memory_space<vmem_shared>>) target(%dma_start3A_1231 : memref<128xf32, #tpu.memory_space<vmem>>) offsets(%dma_start3A_1232 : memref<128xi32, #tpu.memory_space<vmem>>) semaphore(%arg12 : memref<!tpu.dma_semaphore, #tpu.memory_space<semaphore_mem>>)
      %mul3A_1235 = arith.constant 100 : i32
      %mul3A_1236 = arith.muli %select_n3A_198, %mul3A_1235 : i32
      %add3A_1237 = arith.constant 93 : i32
      %add3A_1238 = arith.addi %mul3A_1236, %add3A_1237 : i32
      %mul3A_1239 = arith.constant 128 : i32
      %mul3A_1240 = arith.muli %add3A_1238, %mul3A_1239 : i32
      %dma_start3A_1241 = arith.constant 11904 : i32
      %dma_start3A_1242 = tpu.memref_slice %arg8[%dma_start3A_1241] : memref<12800xf32, #tpu.memory_space<vmem>> -> memref<128xf32, #tpu.memory_space<vmem>>
      %dma_start3A_1243 = tpu.memref_slice %arg7[%mul3A_1240] : memref<25600xi32, #tpu.memory_space<vmem>> -> memref<128xi32, #tpu.memory_space<vmem>>
      %dma_start3A_1244 = arith.constant 0 : i32
      %dma_start3A_1245 = tpu.memref_slice %arg10[%dma_start3A_1244] : memref<1000000xf32, #tpu.memory_space<vmem_shared>> -> memref<1000000xf32, #tpu.memory_space<vmem_shared>>
      tpu.enqueue_indirect_dma source(%dma_start3A_1245 : memref<1000000xf32, #tpu.memory_space<vmem_shared>>) target(%dma_start3A_1242 : memref<128xf32, #tpu.memory_space<vmem>>) offsets(%dma_start3A_1243 : memref<128xi32, #tpu.memory_space<vmem>>) semaphore(%arg12 : memref<!tpu.dma_semaphore, #tpu.memory_space<semaphore_mem>>)
      %mul3A_1246 = arith.constant 100 : i32
      %mul3A_1247 = arith.muli %select_n3A_198, %mul3A_1246 : i32
      %add3A_1248 = arith.constant 94 : i32
      %add3A_1249 = arith.addi %mul3A_1247, %add3A_1248 : i32
      %mul3A_1250 = arith.constant 128 : i32
      %mul3A_1251 = arith.muli %add3A_1249, %mul3A_1250 : i32
      %dma_start3A_1252 = arith.constant 12032 : i32
      %dma_start3A_1253 = tpu.memref_slice %arg8[%dma_start3A_1252] : memref<12800xf32, #tpu.memory_space<vmem>> -> memref<128xf32, #tpu.memory_space<vmem>>
      %dma_start3A_1254 = tpu.memref_slice %arg7[%mul3A_1251] : memref<25600xi32, #tpu.memory_space<vmem>> -> memref<128xi32, #tpu.memory_space<vmem>>
      %dma_start3A_1255 = arith.constant 0 : i32
      %dma_start3A_1256 = tpu.memref_slice %arg10[%dma_start3A_1255] : memref<1000000xf32, #tpu.memory_space<vmem_shared>> -> memref<1000000xf32, #tpu.memory_space<vmem_shared>>
      tpu.enqueue_indirect_dma source(%dma_start3A_1256 : memref<1000000xf32, #tpu.memory_space<vmem_shared>>) target(%dma_start3A_1253 : memref<128xf32, #tpu.memory_space<vmem>>) offsets(%dma_start3A_1254 : memref<128xi32, #tpu.memory_space<vmem>>) semaphore(%arg12 : memref<!tpu.dma_semaphore, #tpu.memory_space<semaphore_mem>>)
      %mul3A_1257 = arith.constant 100 : i32
      %mul3A_1258 = arith.muli %select_n3A_198, %mul3A_1257 : i32
      %add3A_1259 = arith.constant 95 : i32
      %add3A_1260 = arith.addi %mul3A_1258, %add3A_1259 : i32
      %mul3A_1261 = arith.constant 128 : i32
      %mul3A_1262 = arith.muli %add3A_1260, %mul3A_1261 : i32
      %dma_start3A_1263 = arith.constant 12160 : i32
      %dma_start3A_1264 = tpu.memref_slice %arg8[%dma_start3A_1263] : memref<12800xf32, #tpu.memory_space<vmem>> -> memref<128xf32, #tpu.memory_space<vmem>>
      %dma_start3A_1265 = tpu.memref_slice %arg7[%mul3A_1262] : memref<25600xi32, #tpu.memory_space<vmem>> -> memref<128xi32, #tpu.memory_space<vmem>>
      %dma_start3A_1266 = arith.constant 0 : i32
      %dma_start3A_1267 = tpu.memref_slice %arg10[%dma_start3A_1266] : memref<1000000xf32, #tpu.memory_space<vmem_shared>> -> memref<1000000xf32, #tpu.memory_space<vmem_shared>>
      tpu.enqueue_indirect_dma source(%dma_start3A_1267 : memref<1000000xf32, #tpu.memory_space<vmem_shared>>) target(%dma_start3A_1264 : memref<128xf32, #tpu.memory_space<vmem>>) offsets(%dma_start3A_1265 : memref<128xi32, #tpu.memory_space<vmem>>) semaphore(%arg12 : memref<!tpu.dma_semaphore, #tpu.memory_space<semaphore_mem>>)
      %mul3A_1268 = arith.constant 100 : i32
      %mul3A_1269 = arith.muli %select_n3A_198, %mul3A_1268 : i32
      %add3A_1270 = arith.constant 96 : i32
      %add3A_1271 = arith.addi %mul3A_1269, %add3A_1270 : i32
      %mul3A_1272 = arith.constant 128 : i32
      %mul3A_1273 = arith.muli %add3A_1271, %mul3A_1272 : i32
      %dma_start3A_1274 = arith.constant 12288 : i32
      %dma_start3A_1275 = tpu.memref_slice %arg8[%dma_start3A_1274] : memref<12800xf32, #tpu.memory_space<vmem>> -> memref<128xf32, #tpu.memory_space<vmem>>
      %dma_start3A_1276 = tpu.memref_slice %arg7[%mul3A_1273] : memref<25600xi32, #tpu.memory_space<vmem>> -> memref<128xi32, #tpu.memory_space<vmem>>
      %dma_start3A_1277 = arith.constant 0 : i32
      %dma_start3A_1278 = tpu.memref_slice %arg10[%dma_start3A_1277] : memref<1000000xf32, #tpu.memory_space<vmem_shared>> -> memref<1000000xf32, #tpu.memory_space<vmem_shared>>
      tpu.enqueue_indirect_dma source(%dma_start3A_1278 : memref<1000000xf32, #tpu.memory_space<vmem_shared>>) target(%dma_start3A_1275 : memref<128xf32, #tpu.memory_space<vmem>>) offsets(%dma_start3A_1276 : memref<128xi32, #tpu.memory_space<vmem>>) semaphore(%arg12 : memref<!tpu.dma_semaphore, #tpu.memory_space<semaphore_mem>>)
      %mul3A_1279 = arith.constant 100 : i32
      %mul3A_1280 = arith.muli %select_n3A_198, %mul3A_1279 : i32
      %add3A_1281 = arith.constant 97 : i32
      %add3A_1282 = arith.addi %mul3A_1280, %add3A_1281 : i32
      %mul3A_1283 = arith.constant 128 : i32
      %mul3A_1284 = arith.muli %add3A_1282, %mul3A_1283 : i32
      %dma_start3A_1285 = arith.constant 12416 : i32
      %dma_start3A_1286 = tpu.memref_slice %arg8[%dma_start3A_1285] : memref<12800xf32, #tpu.memory_space<vmem>> -> memref<128xf32, #tpu.memory_space<vmem>>
      %dma_start3A_1287 = tpu.memref_slice %arg7[%mul3A_1284] : memref<25600xi32, #tpu.memory_space<vmem>> -> memref<128xi32, #tpu.memory_space<vmem>>
      %dma_start3A_1288 = arith.constant 0 : i32
      %dma_start3A_1289 = tpu.memref_slice %arg10[%dma_start3A_1288] : memref<1000000xf32, #tpu.memory_space<vmem_shared>> -> memref<1000000xf32, #tpu.memory_space<vmem_shared>>
      tpu.enqueue_indirect_dma source(%dma_start3A_1289 : memref<1000000xf32, #tpu.memory_space<vmem_shared>>) target(%dma_start3A_1286 : memref<128xf32, #tpu.memory_space<vmem>>) offsets(%dma_start3A_1287 : memref<128xi32, #tpu.memory_space<vmem>>) semaphore(%arg12 : memref<!tpu.dma_semaphore, #tpu.memory_space<semaphore_mem>>)
      %mul3A_1290 = arith.constant 100 : i32
      %mul3A_1291 = arith.muli %select_n3A_198, %mul3A_1290 : i32
      %add3A_1292 = arith.constant 98 : i32
      %add3A_1293 = arith.addi %mul3A_1291, %add3A_1292 : i32
      %mul3A_1294 = arith.constant 128 : i32
      %mul3A_1295 = arith.muli %add3A_1293, %mul3A_1294 : i32
      %dma_start3A_1296 = arith.constant 12544 : i32
      %dma_start3A_1297 = tpu.memref_slice %arg8[%dma_start3A_1296] : memref<12800xf32, #tpu.memory_space<vmem>> -> memref<128xf32, #tpu.memory_space<vmem>>
      %dma_start3A_1298 = tpu.memref_slice %arg7[%mul3A_1295] : memref<25600xi32, #tpu.memory_space<vmem>> -> memref<128xi32, #tpu.memory_space<vmem>>
      %dma_start3A_1299 = arith.constant 0 : i32
      %dma_start3A_1300 = tpu.memref_slice %arg10[%dma_start3A_1299] : memref<1000000xf32, #tpu.memory_space<vmem_shared>> -> memref<1000000xf32, #tpu.memory_space<vmem_shared>>
      tpu.enqueue_indirect_dma source(%dma_start3A_1300 : memref<1000000xf32, #tpu.memory_space<vmem_shared>>) target(%dma_start3A_1297 : memref<128xf32, #tpu.memory_space<vmem>>) offsets(%dma_start3A_1298 : memref<128xi32, #tpu.memory_space<vmem>>) semaphore(%arg12 : memref<!tpu.dma_semaphore, #tpu.memory_space<semaphore_mem>>)
      %mul3A_1301 = arith.constant 100 : i32
      %mul3A_1302 = arith.muli %select_n3A_198, %mul3A_1301 : i32
      %add3A_1303 = arith.constant 99 : i32
      %add3A_1304 = arith.addi %mul3A_1302, %add3A_1303 : i32
      %mul3A_1305 = arith.constant 128 : i32
      %mul3A_1306 = arith.muli %add3A_1304, %mul3A_1305 : i32
      %dma_start3A_1307 = arith.constant 12672 : i32
      %dma_start3A_1308 = tpu.memref_slice %arg8[%dma_start3A_1307] : memref<12800xf32, #tpu.memory_space<vmem>> -> memref<128xf32, #tpu.memory_space<vmem>>
      %dma_start3A_1309 = tpu.memref_slice %arg7[%mul3A_1306] : memref<25600xi32, #tpu.memory_space<vmem>> -> memref<128xi32, #tpu.memory_space<vmem>>
      %dma_start3A_1310 = arith.constant 0 : i32
      %dma_start3A_1311 = tpu.memref_slice %arg10[%dma_start3A_1310] : memref<1000000xf32, #tpu.memory_space<vmem_shared>> -> memref<1000000xf32, #tpu.memory_space<vmem_shared>>
      tpu.enqueue_indirect_dma source(%dma_start3A_1311 : memref<1000000xf32, #tpu.memory_space<vmem_shared>>) target(%dma_start3A_1308 : memref<128xf32, #tpu.memory_space<vmem>>) offsets(%dma_start3A_1309 : memref<128xi32, #tpu.memory_space<vmem>>) semaphore(%arg12 : memref<!tpu.dma_semaphore, #tpu.memory_space<semaphore_mem>>)
      %dma_wait3A_1312 = arith.constant 0 : i32
      %dma_wait3A_1313 = tpu.memref_slice %arg8[%dma_wait3A_1312] : memref<12800xf32, #tpu.memory_space<vmem>> -> memref<128xf32, #tpu.memory_space<vmem>>
      %dma_wait3A_1314 = tpu.memref_slice %arg7[%mul3A_218] : memref<25600xi32, #tpu.memory_space<vmem>> -> memref<128xi32, #tpu.memory_space<vmem>>
      %dma_wait3A_1315 = arith.constant 0 : i32
      %dma_wait3A_1316 = tpu.memref_slice %arg10[%dma_wait3A_1315] : memref<1000000xf32, #tpu.memory_space<vmem_shared>> -> memref<1000000xf32, #tpu.memory_space<vmem_shared>>
      tpu.wait_indirect_dma semaphore(%arg12 : memref<!tpu.dma_semaphore, #tpu.memory_space<semaphore_mem>>) src(%dma_wait3A_1316 : memref<1000000xf32, #tpu.memory_space<vmem_shared>>) dst(%dma_wait3A_1313 : memref<128xf32, #tpu.memory_space<vmem>>)
      %dma_wait3A_1317 = arith.constant 128 : i32
      %dma_wait3A_1318 = tpu.memref_slice %arg8[%dma_wait3A_1317] : memref<12800xf32, #tpu.memory_space<vmem>> -> memref<128xf32, #tpu.memory_space<vmem>>
      %dma_wait3A_1319 = tpu.memref_slice %arg7[%mul3A_228] : memref<25600xi32, #tpu.memory_space<vmem>> -> memref<128xi32, #tpu.memory_space<vmem>>
      %dma_wait3A_1320 = arith.constant 0 : i32
      %dma_wait3A_1321 = tpu.memref_slice %arg10[%dma_wait3A_1320] : memref<1000000xf32, #tpu.memory_space<vmem_shared>> -> memref<1000000xf32, #tpu.memory_space<vmem_shared>>
      tpu.wait_indirect_dma semaphore(%arg12 : memref<!tpu.dma_semaphore, #tpu.memory_space<semaphore_mem>>) src(%dma_wait3A_1321 : memref<1000000xf32, #tpu.memory_space<vmem_shared>>) dst(%dma_wait3A_1318 : memref<128xf32, #tpu.memory_space<vmem>>)
      %dma_wait3A_1322 = arith.constant 256 : i32
      %dma_wait3A_1323 = tpu.memref_slice %arg8[%dma_wait3A_1322] : memref<12800xf32, #tpu.memory_space<vmem>> -> memref<128xf32, #tpu.memory_space<vmem>>
      %dma_wait3A_1324 = tpu.memref_slice %arg7[%mul3A_239] : memref<25600xi32, #tpu.memory_space<vmem>> -> memref<128xi32, #tpu.memory_space<vmem>>
      %dma_wait3A_1325 = arith.constant 0 : i32
      %dma_wait3A_1326 = tpu.memref_slice %arg10[%dma_wait3A_1325] : memref<1000000xf32, #tpu.memory_space<vmem_shared>> -> memref<1000000xf32, #tpu.memory_space<vmem_shared>>
      tpu.wait_indirect_dma semaphore(%arg12 : memref<!tpu.dma_semaphore, #tpu.memory_space<semaphore_mem>>) src(%dma_wait3A_1326 : memref<1000000xf32, #tpu.memory_space<vmem_shared>>) dst(%dma_wait3A_1323 : memref<128xf32, #tpu.memory_space<vmem>>)
      %dma_wait3A_1327 = arith.constant 384 : i32
      %dma_wait3A_1328 = tpu.memref_slice %arg8[%dma_wait3A_1327] : memref<12800xf32, #tpu.memory_space<vmem>> -> memref<128xf32, #tpu.memory_space<vmem>>
      %dma_wait3A_1329 = tpu.memref_slice %arg7[%mul3A_250] : memref<25600xi32, #tpu.memory_space<vmem>> -> memref<128xi32, #tpu.memory_space<vmem>>
      %dma_wait3A_1330 = arith.constant 0 : i32
      %dma_wait3A_1331 = tpu.memref_slice %arg10[%dma_wait3A_1330] : memref<1000000xf32, #tpu.memory_space<vmem_shared>> -> memref<1000000xf32, #tpu.memory_space<vmem_shared>>
      tpu.wait_indirect_dma semaphore(%arg12 : memref<!tpu.dma_semaphore, #tpu.memory_space<semaphore_mem>>) src(%dma_wait3A_1331 : memref<1000000xf32, #tpu.memory_space<vmem_shared>>) dst(%dma_wait3A_1328 : memref<128xf32, #tpu.memory_space<vmem>>)
      %dma_wait3A_1332 = arith.constant 512 : i32
      %dma_wait3A_1333 = tpu.memref_slice %arg8[%dma_wait3A_1332] : memref<12800xf32, #tpu.memory_space<vmem>> -> memref<128xf32, #tpu.memory_space<vmem>>
      %dma_wait3A_1334 = tpu.memref_slice %arg7[%mul3A_261] : memref<25600xi32, #tpu.memory_space<vmem>> -> memref<128xi32, #tpu.memory_space<vmem>>
      %dma_wait3A_1335 = arith.constant 0 : i32
      %dma_wait3A_1336 = tpu.memref_slice %arg10[%dma_wait3A_1335] : memref<1000000xf32, #tpu.memory_space<vmem_shared>> -> memref<1000000xf32, #tpu.memory_space<vmem_shared>>
      tpu.wait_indirect_dma semaphore(%arg12 : memref<!tpu.dma_semaphore, #tpu.memory_space<semaphore_mem>>) src(%dma_wait3A_1336 : memref<1000000xf32, #tpu.memory_space<vmem_shared>>) dst(%dma_wait3A_1333 : memref<128xf32, #tpu.memory_space<vmem>>)
      %dma_wait3A_1337 = arith.constant 640 : i32
      %dma_wait3A_1338 = tpu.memref_slice %arg8[%dma_wait3A_1337] : memref<12800xf32, #tpu.memory_space<vmem>> -> memref<128xf32, #tpu.memory_space<vmem>>
      %dma_wait3A_1339 = tpu.memref_slice %arg7[%mul3A_272] : memref<25600xi32, #tpu.memory_space<vmem>> -> memref<128xi32, #tpu.memory_space<vmem>>
      %dma_wait3A_1340 = arith.constant 0 : i32
      %dma_wait3A_1341 = tpu.memref_slice %arg10[%dma_wait3A_1340] : memref<1000000xf32, #tpu.memory_space<vmem_shared>> -> memref<1000000xf32, #tpu.memory_space<vmem_shared>>
      tpu.wait_indirect_dma semaphore(%arg12 : memref<!tpu.dma_semaphore, #tpu.memory_space<semaphore_mem>>) src(%dma_wait3A_1341 : memref<1000000xf32, #tpu.memory_space<vmem_shared>>) dst(%dma_wait3A_1338 : memref<128xf32, #tpu.memory_space<vmem>>)
      %dma_wait3A_1342 = arith.constant 768 : i32
      %dma_wait3A_1343 = tpu.memref_slice %arg8[%dma_wait3A_1342] : memref<12800xf32, #tpu.memory_space<vmem>> -> memref<128xf32, #tpu.memory_space<vmem>>
      %dma_wait3A_1344 = tpu.memref_slice %arg7[%mul3A_283] : memref<25600xi32, #tpu.memory_space<vmem>> -> memref<128xi32, #tpu.memory_space<vmem>>
      %dma_wait3A_1345 = arith.constant 0 : i32
      %dma_wait3A_1346 = tpu.memref_slice %arg10[%dma_wait3A_1345] : memref<1000000xf32, #tpu.memory_space<vmem_shared>> -> memref<1000000xf32, #tpu.memory_space<vmem_shared>>
      tpu.wait_indirect_dma semaphore(%arg12 : memref<!tpu.dma_semaphore, #tpu.memory_space<semaphore_mem>>) src(%dma_wait3A_1346 : memref<1000000xf32, #tpu.memory_space<vmem_shared>>) dst(%dma_wait3A_1343 : memref<128xf32, #tpu.memory_space<vmem>>)
      %dma_wait3A_1347 = arith.constant 896 : i32
      %dma_wait3A_1348 = tpu.memref_slice %arg8[%dma_wait3A_1347] : memref<12800xf32, #tpu.memory_space<vmem>> -> memref<128xf32, #tpu.memory_space<vmem>>
      %dma_wait3A_1349 = tpu.memref_slice %arg7[%mul3A_294] : memref<25600xi32, #tpu.memory_space<vmem>> -> memref<128xi32, #tpu.memory_space<vmem>>
      %dma_wait3A_1350 = arith.constant 0 : i32
      %dma_wait3A_1351 = tpu.memref_slice %arg10[%dma_wait3A_1350] : memref<1000000xf32, #tpu.memory_space<vmem_shared>> -> memref<1000000xf32, #tpu.memory_space<vmem_shared>>
      tpu.wait_indirect_dma semaphore(%arg12 : memref<!tpu.dma_semaphore, #tpu.memory_space<semaphore_mem>>) src(%dma_wait3A_1351 : memref<1000000xf32, #tpu.memory_space<vmem_shared>>) dst(%dma_wait3A_1348 : memref<128xf32, #tpu.memory_space<vmem>>)
      %dma_wait3A_1352 = arith.constant 1024 : i32
      %dma_wait3A_1353 = tpu.memref_slice %arg8[%dma_wait3A_1352] : memref<12800xf32, #tpu.memory_space<vmem>> -> memref<128xf32, #tpu.memory_space<vmem>>
      %dma_wait3A_1354 = tpu.memref_slice %arg7[%mul3A_305] : memref<25600xi32, #tpu.memory_space<vmem>> -> memref<128xi32, #tpu.memory_space<vmem>>
      %dma_wait3A_1355 = arith.constant 0 : i32
      %dma_wait3A_1356 = tpu.memref_slice %arg10[%dma_wait3A_1355] : memref<1000000xf32, #tpu.memory_space<vmem_shared>> -> memref<1000000xf32, #tpu.memory_space<vmem_shared>>
      tpu.wait_indirect_dma semaphore(%arg12 : memref<!tpu.dma_semaphore, #tpu.memory_space<semaphore_mem>>) src(%dma_wait3A_1356 : memref<1000000xf32, #tpu.memory_space<vmem_shared>>) dst(%dma_wait3A_1353 : memref<128xf32, #tpu.memory_space<vmem>>)
      %dma_wait3A_1357 = arith.constant 1152 : i32
      %dma_wait3A_1358 = tpu.memref_slice %arg8[%dma_wait3A_1357] : memref<12800xf32, #tpu.memory_space<vmem>> -> memref<128xf32, #tpu.memory_space<vmem>>
      %dma_wait3A_1359 = tpu.memref_slice %arg7[%mul3A_316] : memref<25600xi32, #tpu.memory_space<vmem>> -> memref<128xi32, #tpu.memory_space<vmem>>
      %dma_wait3A_1360 = arith.constant 0 : i32
      %dma_wait3A_1361 = tpu.memref_slice %arg10[%dma_wait3A_1360] : memref<1000000xf32, #tpu.memory_space<vmem_shared>> -> memref<1000000xf32, #tpu.memory_space<vmem_shared>>
      tpu.wait_indirect_dma semaphore(%arg12 : memref<!tpu.dma_semaphore, #tpu.memory_space<semaphore_mem>>) src(%dma_wait3A_1361 : memref<1000000xf32, #tpu.memory_space<vmem_shared>>) dst(%dma_wait3A_1358 : memref<128xf32, #tpu.memory_space<vmem>>)
      %dma_wait3A_1362 = arith.constant 1280 : i32
      %dma_wait3A_1363 = tpu.memref_slice %arg8[%dma_wait3A_1362] : memref<12800xf32, #tpu.memory_space<vmem>> -> memref<128xf32, #tpu.memory_space<vmem>>
      %dma_wait3A_1364 = tpu.memref_slice %arg7[%mul3A_327] : memref<25600xi32, #tpu.memory_space<vmem>> -> memref<128xi32, #tpu.memory_space<vmem>>
      %dma_wait3A_1365 = arith.constant 0 : i32
      %dma_wait3A_1366 = tpu.memref_slice %arg10[%dma_wait3A_1365] : memref<1000000xf32, #tpu.memory_space<vmem_shared>> -> memref<1000000xf32, #tpu.memory_space<vmem_shared>>
      tpu.wait_indirect_dma semaphore(%arg12 : memref<!tpu.dma_semaphore, #tpu.memory_space<semaphore_mem>>) src(%dma_wait3A_1366 : memref<1000000xf32, #tpu.memory_space<vmem_shared>>) dst(%dma_wait3A_1363 : memref<128xf32, #tpu.memory_space<vmem>>)
      %dma_wait3A_1367 = arith.constant 1408 : i32
      %dma_wait3A_1368 = tpu.memref_slice %arg8[%dma_wait3A_1367] : memref<12800xf32, #tpu.memory_space<vmem>> -> memref<128xf32, #tpu.memory_space<vmem>>
      %dma_wait3A_1369 = tpu.memref_slice %arg7[%mul3A_338] : memref<25600xi32, #tpu.memory_space<vmem>> -> memref<128xi32, #tpu.memory_space<vmem>>
      %dma_wait3A_1370 = arith.constant 0 : i32
      %dma_wait3A_1371 = tpu.memref_slice %arg10[%dma_wait3A_1370] : memref<1000000xf32, #tpu.memory_space<vmem_shared>> -> memref<1000000xf32, #tpu.memory_space<vmem_shared>>
      tpu.wait_indirect_dma semaphore(%arg12 : memref<!tpu.dma_semaphore, #tpu.memory_space<semaphore_mem>>) src(%dma_wait3A_1371 : memref<1000000xf32, #tpu.memory_space<vmem_shared>>) dst(%dma_wait3A_1368 : memref<128xf32, #tpu.memory_space<vmem>>)
      %dma_wait3A_1372 = arith.constant 1536 : i32
      %dma_wait3A_1373 = tpu.memref_slice %arg8[%dma_wait3A_1372] : memref<12800xf32, #tpu.memory_space<vmem>> -> memref<128xf32, #tpu.memory_space<vmem>>
      %dma_wait3A_1374 = tpu.memref_slice %arg7[%mul3A_349] : memref<25600xi32, #tpu.memory_space<vmem>> -> memref<128xi32, #tpu.memory_space<vmem>>
      %dma_wait3A_1375 = arith.constant 0 : i32
      %dma_wait3A_1376 = tpu.memref_slice %arg10[%dma_wait3A_1375] : memref<1000000xf32, #tpu.memory_space<vmem_shared>> -> memref<1000000xf32, #tpu.memory_space<vmem_shared>>
      tpu.wait_indirect_dma semaphore(%arg12 : memref<!tpu.dma_semaphore, #tpu.memory_space<semaphore_mem>>) src(%dma_wait3A_1376 : memref<1000000xf32, #tpu.memory_space<vmem_shared>>) dst(%dma_wait3A_1373 : memref<128xf32, #tpu.memory_space<vmem>>)
      %dma_wait3A_1377 = arith.constant 1664 : i32
      %dma_wait3A_1378 = tpu.memref_slice %arg8[%dma_wait3A_1377] : memref<12800xf32, #tpu.memory_space<vmem>> -> memref<128xf32, #tpu.memory_space<vmem>>
      %dma_wait3A_1379 = tpu.memref_slice %arg7[%mul3A_360] : memref<25600xi32, #tpu.memory_space<vmem>> -> memref<128xi32, #tpu.memory_space<vmem>>
      %dma_wait3A_1380 = arith.constant 0 : i32
      %dma_wait3A_1381 = tpu.memref_slice %arg10[%dma_wait3A_1380] : memref<1000000xf32, #tpu.memory_space<vmem_shared>> -> memref<1000000xf32, #tpu.memory_space<vmem_shared>>
      tpu.wait_indirect_dma semaphore(%arg12 : memref<!tpu.dma_semaphore, #tpu.memory_space<semaphore_mem>>) src(%dma_wait3A_1381 : memref<1000000xf32, #tpu.memory_space<vmem_shared>>) dst(%dma_wait3A_1378 : memref<128xf32, #tpu.memory_space<vmem>>)
      %dma_wait3A_1382 = arith.constant 1792 : i32
      %dma_wait3A_1383 = tpu.memref_slice %arg8[%dma_wait3A_1382] : memref<12800xf32, #tpu.memory_space<vmem>> -> memref<128xf32, #tpu.memory_space<vmem>>
      %dma_wait3A_1384 = tpu.memref_slice %arg7[%mul3A_371] : memref<25600xi32, #tpu.memory_space<vmem>> -> memref<128xi32, #tpu.memory_space<vmem>>
      %dma_wait3A_1385 = arith.constant 0 : i32
      %dma_wait3A_1386 = tpu.memref_slice %arg10[%dma_wait3A_1385] : memref<1000000xf32, #tpu.memory_space<vmem_shared>> -> memref<1000000xf32, #tpu.memory_space<vmem_shared>>
      tpu.wait_indirect_dma semaphore(%arg12 : memref<!tpu.dma_semaphore, #tpu.memory_space<semaphore_mem>>) src(%dma_wait3A_1386 : memref<1000000xf32, #tpu.memory_space<vmem_shared>>) dst(%dma_wait3A_1383 : memref<128xf32, #tpu.memory_space<vmem>>)
      %dma_wait3A_1387 = arith.constant 1920 : i32
      %dma_wait3A_1388 = tpu.memref_slice %arg8[%dma_wait3A_1387] : memref<12800xf32, #tpu.memory_space<vmem>> -> memref<128xf32, #tpu.memory_space<vmem>>
      %dma_wait3A_1389 = tpu.memref_slice %arg7[%mul3A_382] : memref<25600xi32, #tpu.memory_space<vmem>> -> memref<128xi32, #tpu.memory_space<vmem>>
      %dma_wait3A_1390 = arith.constant 0 : i32
      %dma_wait3A_1391 = tpu.memref_slice %arg10[%dma_wait3A_1390] : memref<1000000xf32, #tpu.memory_space<vmem_shared>> -> memref<1000000xf32, #tpu.memory_space<vmem_shared>>
      tpu.wait_indirect_dma semaphore(%arg12 : memref<!tpu.dma_semaphore, #tpu.memory_space<semaphore_mem>>) src(%dma_wait3A_1391 : memref<1000000xf32, #tpu.memory_space<vmem_shared>>) dst(%dma_wait3A_1388 : memref<128xf32, #tpu.memory_space<vmem>>)
      %dma_wait3A_1392 = arith.constant 2048 : i32
      %dma_wait3A_1393 = tpu.memref_slice %arg8[%dma_wait3A_1392] : memref<12800xf32, #tpu.memory_space<vmem>> -> memref<128xf32, #tpu.memory_space<vmem>>
      %dma_wait3A_1394 = tpu.memref_slice %arg7[%mul3A_393] : memref<25600xi32, #tpu.memory_space<vmem>> -> memref<128xi32, #tpu.memory_space<vmem>>
      %dma_wait3A_1395 = arith.constant 0 : i32
      %dma_wait3A_1396 = tpu.memref_slice %arg10[%dma_wait3A_1395] : memref<1000000xf32, #tpu.memory_space<vmem_shared>> -> memref<1000000xf32, #tpu.memory_space<vmem_shared>>
      tpu.wait_indirect_dma semaphore(%arg12 : memref<!tpu.dma_semaphore, #tpu.memory_space<semaphore_mem>>) src(%dma_wait3A_1396 : memref<1000000xf32, #tpu.memory_space<vmem_shared>>) dst(%dma_wait3A_1393 : memref<128xf32, #tpu.memory_space<vmem>>)
      %dma_wait3A_1397 = arith.constant 2176 : i32
      %dma_wait3A_1398 = tpu.memref_slice %arg8[%dma_wait3A_1397] : memref<12800xf32, #tpu.memory_space<vmem>> -> memref<128xf32, #tpu.memory_space<vmem>>
      %dma_wait3A_1399 = tpu.memref_slice %arg7[%mul3A_404] : memref<25600xi32, #tpu.memory_space<vmem>> -> memref<128xi32, #tpu.memory_space<vmem>>
      %dma_wait3A_1400 = arith.constant 0 : i32
      %dma_wait3A_1401 = tpu.memref_slice %arg10[%dma_wait3A_1400] : memref<1000000xf32, #tpu.memory_space<vmem_shared>> -> memref<1000000xf32, #tpu.memory_space<vmem_shared>>
      tpu.wait_indirect_dma semaphore(%arg12 : memref<!tpu.dma_semaphore, #tpu.memory_space<semaphore_mem>>) src(%dma_wait3A_1401 : memref<1000000xf32, #tpu.memory_space<vmem_shared>>) dst(%dma_wait3A_1398 : memref<128xf32, #tpu.memory_space<vmem>>)
      %dma_wait3A_1402 = arith.constant 2304 : i32
      %dma_wait3A_1403 = tpu.memref_slice %arg8[%dma_wait3A_1402] : memref<12800xf32, #tpu.memory_space<vmem>> -> memref<128xf32, #tpu.memory_space<vmem>>
      %dma_wait3A_1404 = tpu.memref_slice %arg7[%mul3A_415] : memref<25600xi32, #tpu.memory_space<vmem>> -> memref<128xi32, #tpu.memory_space<vmem>>
      %dma_wait3A_1405 = arith.constant 0 : i32
      %dma_wait3A_1406 = tpu.memref_slice %arg10[%dma_wait3A_1405] : memref<1000000xf32, #tpu.memory_space<vmem_shared>> -> memref<1000000xf32, #tpu.memory_space<vmem_shared>>
      tpu.wait_indirect_dma semaphore(%arg12 : memref<!tpu.dma_semaphore, #tpu.memory_space<semaphore_mem>>) src(%dma_wait3A_1406 : memref<1000000xf32, #tpu.memory_space<vmem_shared>>) dst(%dma_wait3A_1403 : memref<128xf32, #tpu.memory_space<vmem>>)
      %dma_wait3A_1407 = arith.constant 2432 : i32
      %dma_wait3A_1408 = tpu.memref_slice %arg8[%dma_wait3A_1407] : memref<12800xf32, #tpu.memory_space<vmem>> -> memref<128xf32, #tpu.memory_space<vmem>>
      %dma_wait3A_1409 = tpu.memref_slice %arg7[%mul3A_426] : memref<25600xi32, #tpu.memory_space<vmem>> -> memref<128xi32, #tpu.memory_space<vmem>>
      %dma_wait3A_1410 = arith.constant 0 : i32
      %dma_wait3A_1411 = tpu.memref_slice %arg10[%dma_wait3A_1410] : memref<1000000xf32, #tpu.memory_space<vmem_shared>> -> memref<1000000xf32, #tpu.memory_space<vmem_shared>>
      tpu.wait_indirect_dma semaphore(%arg12 : memref<!tpu.dma_semaphore, #tpu.memory_space<semaphore_mem>>) src(%dma_wait3A_1411 : memref<1000000xf32, #tpu.memory_space<vmem_shared>>) dst(%dma_wait3A_1408 : memref<128xf32, #tpu.memory_space<vmem>>)
      %dma_wait3A_1412 = arith.constant 2560 : i32
      %dma_wait3A_1413 = tpu.memref_slice %arg8[%dma_wait3A_1412] : memref<12800xf32, #tpu.memory_space<vmem>> -> memref<128xf32, #tpu.memory_space<vmem>>
      %dma_wait3A_1414 = tpu.memref_slice %arg7[%mul3A_437] : memref<25600xi32, #tpu.memory_space<vmem>> -> memref<128xi32, #tpu.memory_space<vmem>>
      %dma_wait3A_1415 = arith.constant 0 : i32
      %dma_wait3A_1416 = tpu.memref_slice %arg10[%dma_wait3A_1415] : memref<1000000xf32, #tpu.memory_space<vmem_shared>> -> memref<1000000xf32, #tpu.memory_space<vmem_shared>>
      tpu.wait_indirect_dma semaphore(%arg12 : memref<!tpu.dma_semaphore, #tpu.memory_space<semaphore_mem>>) src(%dma_wait3A_1416 : memref<1000000xf32, #tpu.memory_space<vmem_shared>>) dst(%dma_wait3A_1413 : memref<128xf32, #tpu.memory_space<vmem>>)
      %dma_wait3A_1417 = arith.constant 2688 : i32
      %dma_wait3A_1418 = tpu.memref_slice %arg8[%dma_wait3A_1417] : memref<12800xf32, #tpu.memory_space<vmem>> -> memref<128xf32, #tpu.memory_space<vmem>>
      %dma_wait3A_1419 = tpu.memref_slice %arg7[%mul3A_448] : memref<25600xi32, #tpu.memory_space<vmem>> -> memref<128xi32, #tpu.memory_space<vmem>>
      %dma_wait3A_1420 = arith.constant 0 : i32
      %dma_wait3A_1421 = tpu.memref_slice %arg10[%dma_wait3A_1420] : memref<1000000xf32, #tpu.memory_space<vmem_shared>> -> memref<1000000xf32, #tpu.memory_space<vmem_shared>>
      tpu.wait_indirect_dma semaphore(%arg12 : memref<!tpu.dma_semaphore, #tpu.memory_space<semaphore_mem>>) src(%dma_wait3A_1421 : memref<1000000xf32, #tpu.memory_space<vmem_shared>>) dst(%dma_wait3A_1418 : memref<128xf32, #tpu.memory_space<vmem>>)
      %dma_wait3A_1422 = arith.constant 2816 : i32
      %dma_wait3A_1423 = tpu.memref_slice %arg8[%dma_wait3A_1422] : memref<12800xf32, #tpu.memory_space<vmem>> -> memref<128xf32, #tpu.memory_space<vmem>>
      %dma_wait3A_1424 = tpu.memref_slice %arg7[%mul3A_459] : memref<25600xi32, #tpu.memory_space<vmem>> -> memref<128xi32, #tpu.memory_space<vmem>>
      %dma_wait3A_1425 = arith.constant 0 : i32
      %dma_wait3A_1426 = tpu.memref_slice %arg10[%dma_wait3A_1425] : memref<1000000xf32, #tpu.memory_space<vmem_shared>> -> memref<1000000xf32, #tpu.memory_space<vmem_shared>>
      tpu.wait_indirect_dma semaphore(%arg12 : memref<!tpu.dma_semaphore, #tpu.memory_space<semaphore_mem>>) src(%dma_wait3A_1426 : memref<1000000xf32, #tpu.memory_space<vmem_shared>>) dst(%dma_wait3A_1423 : memref<128xf32, #tpu.memory_space<vmem>>)
      %dma_wait3A_1427 = arith.constant 2944 : i32
      %dma_wait3A_1428 = tpu.memref_slice %arg8[%dma_wait3A_1427] : memref<12800xf32, #tpu.memory_space<vmem>> -> memref<128xf32, #tpu.memory_space<vmem>>
      %dma_wait3A_1429 = tpu.memref_slice %arg7[%mul3A_470] : memref<25600xi32, #tpu.memory_space<vmem>> -> memref<128xi32, #tpu.memory_space<vmem>>
      %dma_wait3A_1430 = arith.constant 0 : i32
      %dma_wait3A_1431 = tpu.memref_slice %arg10[%dma_wait3A_1430] : memref<1000000xf32, #tpu.memory_space<vmem_shared>> -> memref<1000000xf32, #tpu.memory_space<vmem_shared>>
      tpu.wait_indirect_dma semaphore(%arg12 : memref<!tpu.dma_semaphore, #tpu.memory_space<semaphore_mem>>) src(%dma_wait3A_1431 : memref<1000000xf32, #tpu.memory_space<vmem_shared>>) dst(%dma_wait3A_1428 : memref<128xf32, #tpu.memory_space<vmem>>)
      %dma_wait3A_1432 = arith.constant 3072 : i32
      %dma_wait3A_1433 = tpu.memref_slice %arg8[%dma_wait3A_1432] : memref<12800xf32, #tpu.memory_space<vmem>> -> memref<128xf32, #tpu.memory_space<vmem>>
      %dma_wait3A_1434 = tpu.memref_slice %arg7[%mul3A_481] : memref<25600xi32, #tpu.memory_space<vmem>> -> memref<128xi32, #tpu.memory_space<vmem>>
      %dma_wait3A_1435 = arith.constant 0 : i32
      %dma_wait3A_1436 = tpu.memref_slice %arg10[%dma_wait3A_1435] : memref<1000000xf32, #tpu.memory_space<vmem_shared>> -> memref<1000000xf32, #tpu.memory_space<vmem_shared>>
      tpu.wait_indirect_dma semaphore(%arg12 : memref<!tpu.dma_semaphore, #tpu.memory_space<semaphore_mem>>) src(%dma_wait3A_1436 : memref<1000000xf32, #tpu.memory_space<vmem_shared>>) dst(%dma_wait3A_1433 : memref<128xf32, #tpu.memory_space<vmem>>)
      %dma_wait3A_1437 = arith.constant 3200 : i32
      %dma_wait3A_1438 = tpu.memref_slice %arg8[%dma_wait3A_1437] : memref<12800xf32, #tpu.memory_space<vmem>> -> memref<128xf32, #tpu.memory_space<vmem>>
      %dma_wait3A_1439 = tpu.memref_slice %arg7[%mul3A_492] : memref<25600xi32, #tpu.memory_space<vmem>> -> memref<128xi32, #tpu.memory_space<vmem>>
      %dma_wait3A_1440 = arith.constant 0 : i32
      %dma_wait3A_1441 = tpu.memref_slice %arg10[%dma_wait3A_1440] : memref<1000000xf32, #tpu.memory_space<vmem_shared>> -> memref<1000000xf32, #tpu.memory_space<vmem_shared>>
      tpu.wait_indirect_dma semaphore(%arg12 : memref<!tpu.dma_semaphore, #tpu.memory_space<semaphore_mem>>) src(%dma_wait3A_1441 : memref<1000000xf32, #tpu.memory_space<vmem_shared>>) dst(%dma_wait3A_1438 : memref<128xf32, #tpu.memory_space<vmem>>)
      %dma_wait3A_1442 = arith.constant 3328 : i32
      %dma_wait3A_1443 = tpu.memref_slice %arg8[%dma_wait3A_1442] : memref<12800xf32, #tpu.memory_space<vmem>> -> memref<128xf32, #tpu.memory_space<vmem>>
      %dma_wait3A_1444 = tpu.memref_slice %arg7[%mul3A_503] : memref<25600xi32, #tpu.memory_space<vmem>> -> memref<128xi32, #tpu.memory_space<vmem>>
      %dma_wait3A_1445 = arith.constant 0 : i32
      %dma_wait3A_1446 = tpu.memref_slice %arg10[%dma_wait3A_1445] : memref<1000000xf32, #tpu.memory_space<vmem_shared>> -> memref<1000000xf32, #tpu.memory_space<vmem_shared>>
      tpu.wait_indirect_dma semaphore(%arg12 : memref<!tpu.dma_semaphore, #tpu.memory_space<semaphore_mem>>) src(%dma_wait3A_1446 : memref<1000000xf32, #tpu.memory_space<vmem_shared>>) dst(%dma_wait3A_1443 : memref<128xf32, #tpu.memory_space<vmem>>)
      %dma_wait3A_1447 = arith.constant 3456 : i32
      %dma_wait3A_1448 = tpu.memref_slice %arg8[%dma_wait3A_1447] : memref<12800xf32, #tpu.memory_space<vmem>> -> memref<128xf32, #tpu.memory_space<vmem>>
      %dma_wait3A_1449 = tpu.memref_slice %arg7[%mul3A_514] : memref<25600xi32, #tpu.memory_space<vmem>> -> memref<128xi32, #tpu.memory_space<vmem>>
      %dma_wait3A_1450 = arith.constant 0 : i32
      %dma_wait3A_1451 = tpu.memref_slice %arg10[%dma_wait3A_1450] : memref<1000000xf32, #tpu.memory_space<vmem_shared>> -> memref<1000000xf32, #tpu.memory_space<vmem_shared>>
      tpu.wait_indirect_dma semaphore(%arg12 : memref<!tpu.dma_semaphore, #tpu.memory_space<semaphore_mem>>) src(%dma_wait3A_1451 : memref<1000000xf32, #tpu.memory_space<vmem_shared>>) dst(%dma_wait3A_1448 : memref<128xf32, #tpu.memory_space<vmem>>)
      %dma_wait3A_1452 = arith.constant 3584 : i32
      %dma_wait3A_1453 = tpu.memref_slice %arg8[%dma_wait3A_1452] : memref<12800xf32, #tpu.memory_space<vmem>> -> memref<128xf32, #tpu.memory_space<vmem>>
      %dma_wait3A_1454 = tpu.memref_slice %arg7[%mul3A_525] : memref<25600xi32, #tpu.memory_space<vmem>> -> memref<128xi32, #tpu.memory_space<vmem>>
      %dma_wait3A_1455 = arith.constant 0 : i32
      %dma_wait3A_1456 = tpu.memref_slice %arg10[%dma_wait3A_1455] : memref<1000000xf32, #tpu.memory_space<vmem_shared>> -> memref<1000000xf32, #tpu.memory_space<vmem_shared>>
      tpu.wait_indirect_dma semaphore(%arg12 : memref<!tpu.dma_semaphore, #tpu.memory_space<semaphore_mem>>) src(%dma_wait3A_1456 : memref<1000000xf32, #tpu.memory_space<vmem_shared>>) dst(%dma_wait3A_1453 : memref<128xf32, #tpu.memory_space<vmem>>)
      %dma_wait3A_1457 = arith.constant 3712 : i32
      %dma_wait3A_1458 = tpu.memref_slice %arg8[%dma_wait3A_1457] : memref<12800xf32, #tpu.memory_space<vmem>> -> memref<128xf32, #tpu.memory_space<vmem>>
      %dma_wait3A_1459 = tpu.memref_slice %arg7[%mul3A_536] : memref<25600xi32, #tpu.memory_space<vmem>> -> memref<128xi32, #tpu.memory_space<vmem>>
      %dma_wait3A_1460 = arith.constant 0 : i32
      %dma_wait3A_1461 = tpu.memref_slice %arg10[%dma_wait3A_1460] : memref<1000000xf32, #tpu.memory_space<vmem_shared>> -> memref<1000000xf32, #tpu.memory_space<vmem_shared>>
      tpu.wait_indirect_dma semaphore(%arg12 : memref<!tpu.dma_semaphore, #tpu.memory_space<semaphore_mem>>) src(%dma_wait3A_1461 : memref<1000000xf32, #tpu.memory_space<vmem_shared>>) dst(%dma_wait3A_1458 : memref<128xf32, #tpu.memory_space<vmem>>)
      %dma_wait3A_1462 = arith.constant 3840 : i32
      %dma_wait3A_1463 = tpu.memref_slice %arg8[%dma_wait3A_1462] : memref<12800xf32, #tpu.memory_space<vmem>> -> memref<128xf32, #tpu.memory_space<vmem>>
      %dma_wait3A_1464 = tpu.memref_slice %arg7[%mul3A_547] : memref<25600xi32, #tpu.memory_space<vmem>> -> memref<128xi32, #tpu.memory_space<vmem>>
      %dma_wait3A_1465 = arith.constant 0 : i32
      %dma_wait3A_1466 = tpu.memref_slice %arg10[%dma_wait3A_1465] : memref<1000000xf32, #tpu.memory_space<vmem_shared>> -> memref<1000000xf32, #tpu.memory_space<vmem_shared>>
      tpu.wait_indirect_dma semaphore(%arg12 : memref<!tpu.dma_semaphore, #tpu.memory_space<semaphore_mem>>) src(%dma_wait3A_1466 : memref<1000000xf32, #tpu.memory_space<vmem_shared>>) dst(%dma_wait3A_1463 : memref<128xf32, #tpu.memory_space<vmem>>)
      %dma_wait3A_1467 = arith.constant 3968 : i32
      %dma_wait3A_1468 = tpu.memref_slice %arg8[%dma_wait3A_1467] : memref<12800xf32, #tpu.memory_space<vmem>> -> memref<128xf32, #tpu.memory_space<vmem>>
      %dma_wait3A_1469 = tpu.memref_slice %arg7[%mul3A_558] : memref<25600xi32, #tpu.memory_space<vmem>> -> memref<128xi32, #tpu.memory_space<vmem>>
      %dma_wait3A_1470 = arith.constant 0 : i32
      %dma_wait3A_1471 = tpu.memref_slice %arg10[%dma_wait3A_1470] : memref<1000000xf32, #tpu.memory_space<vmem_shared>> -> memref<1000000xf32, #tpu.memory_space<vmem_shared>>
      tpu.wait_indirect_dma semaphore(%arg12 : memref<!tpu.dma_semaphore, #tpu.memory_space<semaphore_mem>>) src(%dma_wait3A_1471 : memref<1000000xf32, #tpu.memory_space<vmem_shared>>) dst(%dma_wait3A_1468 : memref<128xf32, #tpu.memory_space<vmem>>)
      %dma_wait3A_1472 = arith.constant 4096 : i32
      %dma_wait3A_1473 = tpu.memref_slice %arg8[%dma_wait3A_1472] : memref<12800xf32, #tpu.memory_space<vmem>> -> memref<128xf32, #tpu.memory_space<vmem>>
      %dma_wait3A_1474 = tpu.memref_slice %arg7[%mul3A_569] : memref<25600xi32, #tpu.memory_space<vmem>> -> memref<128xi32, #tpu.memory_space<vmem>>
      %dma_wait3A_1475 = arith.constant 0 : i32
      %dma_wait3A_1476 = tpu.memref_slice %arg10[%dma_wait3A_1475] : memref<1000000xf32, #tpu.memory_space<vmem_shared>> -> memref<1000000xf32, #tpu.memory_space<vmem_shared>>
      tpu.wait_indirect_dma semaphore(%arg12 : memref<!tpu.dma_semaphore, #tpu.memory_space<semaphore_mem>>) src(%dma_wait3A_1476 : memref<1000000xf32, #tpu.memory_space<vmem_shared>>) dst(%dma_wait3A_1473 : memref<128xf32, #tpu.memory_space<vmem>>)
      %dma_wait3A_1477 = arith.constant 4224 : i32
      %dma_wait3A_1478 = tpu.memref_slice %arg8[%dma_wait3A_1477] : memref<12800xf32, #tpu.memory_space<vmem>> -> memref<128xf32, #tpu.memory_space<vmem>>
      %dma_wait3A_1479 = tpu.memref_slice %arg7[%mul3A_580] : memref<25600xi32, #tpu.memory_space<vmem>> -> memref<128xi32, #tpu.memory_space<vmem>>
      %dma_wait3A_1480 = arith.constant 0 : i32
      %dma_wait3A_1481 = tpu.memref_slice %arg10[%dma_wait3A_1480] : memref<1000000xf32, #tpu.memory_space<vmem_shared>> -> memref<1000000xf32, #tpu.memory_space<vmem_shared>>
      tpu.wait_indirect_dma semaphore(%arg12 : memref<!tpu.dma_semaphore, #tpu.memory_space<semaphore_mem>>) src(%dma_wait3A_1481 : memref<1000000xf32, #tpu.memory_space<vmem_shared>>) dst(%dma_wait3A_1478 : memref<128xf32, #tpu.memory_space<vmem>>)
      %dma_wait3A_1482 = arith.constant 4352 : i32
      %dma_wait3A_1483 = tpu.memref_slice %arg8[%dma_wait3A_1482] : memref<12800xf32, #tpu.memory_space<vmem>> -> memref<128xf32, #tpu.memory_space<vmem>>
      %dma_wait3A_1484 = tpu.memref_slice %arg7[%mul3A_591] : memref<25600xi32, #tpu.memory_space<vmem>> -> memref<128xi32, #tpu.memory_space<vmem>>
      %dma_wait3A_1485 = arith.constant 0 : i32
      %dma_wait3A_1486 = tpu.memref_slice %arg10[%dma_wait3A_1485] : memref<1000000xf32, #tpu.memory_space<vmem_shared>> -> memref<1000000xf32, #tpu.memory_space<vmem_shared>>
      tpu.wait_indirect_dma semaphore(%arg12 : memref<!tpu.dma_semaphore, #tpu.memory_space<semaphore_mem>>) src(%dma_wait3A_1486 : memref<1000000xf32, #tpu.memory_space<vmem_shared>>) dst(%dma_wait3A_1483 : memref<128xf32, #tpu.memory_space<vmem>>)
      %dma_wait3A_1487 = arith.constant 4480 : i32
      %dma_wait3A_1488 = tpu.memref_slice %arg8[%dma_wait3A_1487] : memref<12800xf32, #tpu.memory_space<vmem>> -> memref<128xf32, #tpu.memory_space<vmem>>
      %dma_wait3A_1489 = tpu.memref_slice %arg7[%mul3A_602] : memref<25600xi32, #tpu.memory_space<vmem>> -> memref<128xi32, #tpu.memory_space<vmem>>
      %dma_wait3A_1490 = arith.constant 0 : i32
      %dma_wait3A_1491 = tpu.memref_slice %arg10[%dma_wait3A_1490] : memref<1000000xf32, #tpu.memory_space<vmem_shared>> -> memref<1000000xf32, #tpu.memory_space<vmem_shared>>
      tpu.wait_indirect_dma semaphore(%arg12 : memref<!tpu.dma_semaphore, #tpu.memory_space<semaphore_mem>>) src(%dma_wait3A_1491 : memref<1000000xf32, #tpu.memory_space<vmem_shared>>) dst(%dma_wait3A_1488 : memref<128xf32, #tpu.memory_space<vmem>>)
      %dma_wait3A_1492 = arith.constant 4608 : i32
      %dma_wait3A_1493 = tpu.memref_slice %arg8[%dma_wait3A_1492] : memref<12800xf32, #tpu.memory_space<vmem>> -> memref<128xf32, #tpu.memory_space<vmem>>
      %dma_wait3A_1494 = tpu.memref_slice %arg7[%mul3A_613] : memref<25600xi32, #tpu.memory_space<vmem>> -> memref<128xi32, #tpu.memory_space<vmem>>
      %dma_wait3A_1495 = arith.constant 0 : i32
      %dma_wait3A_1496 = tpu.memref_slice %arg10[%dma_wait3A_1495] : memref<1000000xf32, #tpu.memory_space<vmem_shared>> -> memref<1000000xf32, #tpu.memory_space<vmem_shared>>
      tpu.wait_indirect_dma semaphore(%arg12 : memref<!tpu.dma_semaphore, #tpu.memory_space<semaphore_mem>>) src(%dma_wait3A_1496 : memref<1000000xf32, #tpu.memory_space<vmem_shared>>) dst(%dma_wait3A_1493 : memref<128xf32, #tpu.memory_space<vmem>>)
      %dma_wait3A_1497 = arith.constant 4736 : i32
      %dma_wait3A_1498 = tpu.memref_slice %arg8[%dma_wait3A_1497] : memref<12800xf32, #tpu.memory_space<vmem>> -> memref<128xf32, #tpu.memory_space<vmem>>
      %dma_wait3A_1499 = tpu.memref_slice %arg7[%mul3A_624] : memref<25600xi32, #tpu.memory_space<vmem>> -> memref<128xi32, #tpu.memory_space<vmem>>
      %dma_wait3A_1500 = arith.constant 0 : i32
      %dma_wait3A_1501 = tpu.memref_slice %arg10[%dma_wait3A_1500] : memref<1000000xf32, #tpu.memory_space<vmem_shared>> -> memref<1000000xf32, #tpu.memory_space<vmem_shared>>
      tpu.wait_indirect_dma semaphore(%arg12 : memref<!tpu.dma_semaphore, #tpu.memory_space<semaphore_mem>>) src(%dma_wait3A_1501 : memref<1000000xf32, #tpu.memory_space<vmem_shared>>) dst(%dma_wait3A_1498 : memref<128xf32, #tpu.memory_space<vmem>>)
      %dma_wait3A_1502 = arith.constant 4864 : i32
      %dma_wait3A_1503 = tpu.memref_slice %arg8[%dma_wait3A_1502] : memref<12800xf32, #tpu.memory_space<vmem>> -> memref<128xf32, #tpu.memory_space<vmem>>
      %dma_wait3A_1504 = tpu.memref_slice %arg7[%mul3A_635] : memref<25600xi32, #tpu.memory_space<vmem>> -> memref<128xi32, #tpu.memory_space<vmem>>
      %dma_wait3A_1505 = arith.constant 0 : i32
      %dma_wait3A_1506 = tpu.memref_slice %arg10[%dma_wait3A_1505] : memref<1000000xf32, #tpu.memory_space<vmem_shared>> -> memref<1000000xf32, #tpu.memory_space<vmem_shared>>
      tpu.wait_indirect_dma semaphore(%arg12 : memref<!tpu.dma_semaphore, #tpu.memory_space<semaphore_mem>>) src(%dma_wait3A_1506 : memref<1000000xf32, #tpu.memory_space<vmem_shared>>) dst(%dma_wait3A_1503 : memref<128xf32, #tpu.memory_space<vmem>>)
      %dma_wait3A_1507 = arith.constant 4992 : i32
      %dma_wait3A_1508 = tpu.memref_slice %arg8[%dma_wait3A_1507] : memref<12800xf32, #tpu.memory_space<vmem>> -> memref<128xf32, #tpu.memory_space<vmem>>
      %dma_wait3A_1509 = tpu.memref_slice %arg7[%mul3A_646] : memref<25600xi32, #tpu.memory_space<vmem>> -> memref<128xi32, #tpu.memory_space<vmem>>
      %dma_wait3A_1510 = arith.constant 0 : i32
      %dma_wait3A_1511 = tpu.memref_slice %arg10[%dma_wait3A_1510] : memref<1000000xf32, #tpu.memory_space<vmem_shared>> -> memref<1000000xf32, #tpu.memory_space<vmem_shared>>
      tpu.wait_indirect_dma semaphore(%arg12 : memref<!tpu.dma_semaphore, #tpu.memory_space<semaphore_mem>>) src(%dma_wait3A_1511 : memref<1000000xf32, #tpu.memory_space<vmem_shared>>) dst(%dma_wait3A_1508 : memref<128xf32, #tpu.memory_space<vmem>>)
      %dma_wait3A_1512 = arith.constant 5120 : i32
      %dma_wait3A_1513 = tpu.memref_slice %arg8[%dma_wait3A_1512] : memref<12800xf32, #tpu.memory_space<vmem>> -> memref<128xf32, #tpu.memory_space<vmem>>
      %dma_wait3A_1514 = tpu.memref_slice %arg7[%mul3A_657] : memref<25600xi32, #tpu.memory_space<vmem>> -> memref<128xi32, #tpu.memory_space<vmem>>
      %dma_wait3A_1515 = arith.constant 0 : i32
      %dma_wait3A_1516 = tpu.memref_slice %arg10[%dma_wait3A_1515] : memref<1000000xf32, #tpu.memory_space<vmem_shared>> -> memref<1000000xf32, #tpu.memory_space<vmem_shared>>
      tpu.wait_indirect_dma semaphore(%arg12 : memref<!tpu.dma_semaphore, #tpu.memory_space<semaphore_mem>>) src(%dma_wait3A_1516 : memref<1000000xf32, #tpu.memory_space<vmem_shared>>) dst(%dma_wait3A_1513 : memref<128xf32, #tpu.memory_space<vmem>>)
      %dma_wait3A_1517 = arith.constant 5248 : i32
      %dma_wait3A_1518 = tpu.memref_slice %arg8[%dma_wait3A_1517] : memref<12800xf32, #tpu.memory_space<vmem>> -> memref<128xf32, #tpu.memory_space<vmem>>
      %dma_wait3A_1519 = tpu.memref_slice %arg7[%mul3A_668] : memref<25600xi32, #tpu.memory_space<vmem>> -> memref<128xi32, #tpu.memory_space<vmem>>
      %dma_wait3A_1520 = arith.constant 0 : i32
      %dma_wait3A_1521 = tpu.memref_slice %arg10[%dma_wait3A_1520] : memref<1000000xf32, #tpu.memory_space<vmem_shared>> -> memref<1000000xf32, #tpu.memory_space<vmem_shared>>
      tpu.wait_indirect_dma semaphore(%arg12 : memref<!tpu.dma_semaphore, #tpu.memory_space<semaphore_mem>>) src(%dma_wait3A_1521 : memref<1000000xf32, #tpu.memory_space<vmem_shared>>) dst(%dma_wait3A_1518 : memref<128xf32, #tpu.memory_space<vmem>>)
      %dma_wait3A_1522 = arith.constant 5376 : i32
      %dma_wait3A_1523 = tpu.memref_slice %arg8[%dma_wait3A_1522] : memref<12800xf32, #tpu.memory_space<vmem>> -> memref<128xf32, #tpu.memory_space<vmem>>
      %dma_wait3A_1524 = tpu.memref_slice %arg7[%mul3A_679] : memref<25600xi32, #tpu.memory_space<vmem>> -> memref<128xi32, #tpu.memory_space<vmem>>
      %dma_wait3A_1525 = arith.constant 0 : i32
      %dma_wait3A_1526 = tpu.memref_slice %arg10[%dma_wait3A_1525] : memref<1000000xf32, #tpu.memory_space<vmem_shared>> -> memref<1000000xf32, #tpu.memory_space<vmem_shared>>
      tpu.wait_indirect_dma semaphore(%arg12 : memref<!tpu.dma_semaphore, #tpu.memory_space<semaphore_mem>>) src(%dma_wait3A_1526 : memref<1000000xf32, #tpu.memory_space<vmem_shared>>) dst(%dma_wait3A_1523 : memref<128xf32, #tpu.memory_space<vmem>>)
      %dma_wait3A_1527 = arith.constant 5504 : i32
      %dma_wait3A_1528 = tpu.memref_slice %arg8[%dma_wait3A_1527] : memref<12800xf32, #tpu.memory_space<vmem>> -> memref<128xf32, #tpu.memory_space<vmem>>
      %dma_wait3A_1529 = tpu.memref_slice %arg7[%mul3A_690] : memref<25600xi32, #tpu.memory_space<vmem>> -> memref<128xi32, #tpu.memory_space<vmem>>
      %dma_wait3A_1530 = arith.constant 0 : i32
      %dma_wait3A_1531 = tpu.memref_slice %arg10[%dma_wait3A_1530] : memref<1000000xf32, #tpu.memory_space<vmem_shared>> -> memref<1000000xf32, #tpu.memory_space<vmem_shared>>
      tpu.wait_indirect_dma semaphore(%arg12 : memref<!tpu.dma_semaphore, #tpu.memory_space<semaphore_mem>>) src(%dma_wait3A_1531 : memref<1000000xf32, #tpu.memory_space<vmem_shared>>) dst(%dma_wait3A_1528 : memref<128xf32, #tpu.memory_space<vmem>>)
      %dma_wait3A_1532 = arith.constant 5632 : i32
      %dma_wait3A_1533 = tpu.memref_slice %arg8[%dma_wait3A_1532] : memref<12800xf32, #tpu.memory_space<vmem>> -> memref<128xf32, #tpu.memory_space<vmem>>
      %dma_wait3A_1534 = tpu.memref_slice %arg7[%mul3A_701] : memref<25600xi32, #tpu.memory_space<vmem>> -> memref<128xi32, #tpu.memory_space<vmem>>
      %dma_wait3A_1535 = arith.constant 0 : i32
      %dma_wait3A_1536 = tpu.memref_slice %arg10[%dma_wait3A_1535] : memref<1000000xf32, #tpu.memory_space<vmem_shared>> -> memref<1000000xf32, #tpu.memory_space<vmem_shared>>
      tpu.wait_indirect_dma semaphore(%arg12 : memref<!tpu.dma_semaphore, #tpu.memory_space<semaphore_mem>>) src(%dma_wait3A_1536 : memref<1000000xf32, #tpu.memory_space<vmem_shared>>) dst(%dma_wait3A_1533 : memref<128xf32, #tpu.memory_space<vmem>>)
      %dma_wait3A_1537 = arith.constant 5760 : i32
      %dma_wait3A_1538 = tpu.memref_slice %arg8[%dma_wait3A_1537] : memref<12800xf32, #tpu.memory_space<vmem>> -> memref<128xf32, #tpu.memory_space<vmem>>
      %dma_wait3A_1539 = tpu.memref_slice %arg7[%mul3A_712] : memref<25600xi32, #tpu.memory_space<vmem>> -> memref<128xi32, #tpu.memory_space<vmem>>
      %dma_wait3A_1540 = arith.constant 0 : i32
      %dma_wait3A_1541 = tpu.memref_slice %arg10[%dma_wait3A_1540] : memref<1000000xf32, #tpu.memory_space<vmem_shared>> -> memref<1000000xf32, #tpu.memory_space<vmem_shared>>
      tpu.wait_indirect_dma semaphore(%arg12 : memref<!tpu.dma_semaphore, #tpu.memory_space<semaphore_mem>>) src(%dma_wait3A_1541 : memref<1000000xf32, #tpu.memory_space<vmem_shared>>) dst(%dma_wait3A_1538 : memref<128xf32, #tpu.memory_space<vmem>>)
      %dma_wait3A_1542 = arith.constant 5888 : i32
      %dma_wait3A_1543 = tpu.memref_slice %arg8[%dma_wait3A_1542] : memref<12800xf32, #tpu.memory_space<vmem>> -> memref<128xf32, #tpu.memory_space<vmem>>
      %dma_wait3A_1544 = tpu.memref_slice %arg7[%mul3A_723] : memref<25600xi32, #tpu.memory_space<vmem>> -> memref<128xi32, #tpu.memory_space<vmem>>
      %dma_wait3A_1545 = arith.constant 0 : i32
      %dma_wait3A_1546 = tpu.memref_slice %arg10[%dma_wait3A_1545] : memref<1000000xf32, #tpu.memory_space<vmem_shared>> -> memref<1000000xf32, #tpu.memory_space<vmem_shared>>
      tpu.wait_indirect_dma semaphore(%arg12 : memref<!tpu.dma_semaphore, #tpu.memory_space<semaphore_mem>>) src(%dma_wait3A_1546 : memref<1000000xf32, #tpu.memory_space<vmem_shared>>) dst(%dma_wait3A_1543 : memref<128xf32, #tpu.memory_space<vmem>>)
      %dma_wait3A_1547 = arith.constant 6016 : i32
      %dma_wait3A_1548 = tpu.memref_slice %arg8[%dma_wait3A_1547] : memref<12800xf32, #tpu.memory_space<vmem>> -> memref<128xf32, #tpu.memory_space<vmem>>
      %dma_wait3A_1549 = tpu.memref_slice %arg7[%mul3A_734] : memref<25600xi32, #tpu.memory_space<vmem>> -> memref<128xi32, #tpu.memory_space<vmem>>
      %dma_wait3A_1550 = arith.constant 0 : i32
      %dma_wait3A_1551 = tpu.memref_slice %arg10[%dma_wait3A_1550] : memref<1000000xf32, #tpu.memory_space<vmem_shared>> -> memref<1000000xf32, #tpu.memory_space<vmem_shared>>
      tpu.wait_indirect_dma semaphore(%arg12 : memref<!tpu.dma_semaphore, #tpu.memory_space<semaphore_mem>>) src(%dma_wait3A_1551 : memref<1000000xf32, #tpu.memory_space<vmem_shared>>) dst(%dma_wait3A_1548 : memref<128xf32, #tpu.memory_space<vmem>>)
      %dma_wait3A_1552 = arith.constant 6144 : i32
      %dma_wait3A_1553 = tpu.memref_slice %arg8[%dma_wait3A_1552] : memref<12800xf32, #tpu.memory_space<vmem>> -> memref<128xf32, #tpu.memory_space<vmem>>
      %dma_wait3A_1554 = tpu.memref_slice %arg7[%mul3A_745] : memref<25600xi32, #tpu.memory_space<vmem>> -> memref<128xi32, #tpu.memory_space<vmem>>
      %dma_wait3A_1555 = arith.constant 0 : i32
      %dma_wait3A_1556 = tpu.memref_slice %arg10[%dma_wait3A_1555] : memref<1000000xf32, #tpu.memory_space<vmem_shared>> -> memref<1000000xf32, #tpu.memory_space<vmem_shared>>
      tpu.wait_indirect_dma semaphore(%arg12 : memref<!tpu.dma_semaphore, #tpu.memory_space<semaphore_mem>>) src(%dma_wait3A_1556 : memref<1000000xf32, #tpu.memory_space<vmem_shared>>) dst(%dma_wait3A_1553 : memref<128xf32, #tpu.memory_space<vmem>>)
      %dma_wait3A_1557 = arith.constant 6272 : i32
      %dma_wait3A_1558 = tpu.memref_slice %arg8[%dma_wait3A_1557] : memref<12800xf32, #tpu.memory_space<vmem>> -> memref<128xf32, #tpu.memory_space<vmem>>
      %dma_wait3A_1559 = tpu.memref_slice %arg7[%mul3A_756] : memref<25600xi32, #tpu.memory_space<vmem>> -> memref<128xi32, #tpu.memory_space<vmem>>
      %dma_wait3A_1560 = arith.constant 0 : i32
      %dma_wait3A_1561 = tpu.memref_slice %arg10[%dma_wait3A_1560] : memref<1000000xf32, #tpu.memory_space<vmem_shared>> -> memref<1000000xf32, #tpu.memory_space<vmem_shared>>
      tpu.wait_indirect_dma semaphore(%arg12 : memref<!tpu.dma_semaphore, #tpu.memory_space<semaphore_mem>>) src(%dma_wait3A_1561 : memref<1000000xf32, #tpu.memory_space<vmem_shared>>) dst(%dma_wait3A_1558 : memref<128xf32, #tpu.memory_space<vmem>>)
      %dma_wait3A_1562 = arith.constant 6400 : i32
      %dma_wait3A_1563 = tpu.memref_slice %arg8[%dma_wait3A_1562] : memref<12800xf32, #tpu.memory_space<vmem>> -> memref<128xf32, #tpu.memory_space<vmem>>
      %dma_wait3A_1564 = tpu.memref_slice %arg7[%mul3A_767] : memref<25600xi32, #tpu.memory_space<vmem>> -> memref<128xi32, #tpu.memory_space<vmem>>
      %dma_wait3A_1565 = arith.constant 0 : i32
      %dma_wait3A_1566 = tpu.memref_slice %arg10[%dma_wait3A_1565] : memref<1000000xf32, #tpu.memory_space<vmem_shared>> -> memref<1000000xf32, #tpu.memory_space<vmem_shared>>
      tpu.wait_indirect_dma semaphore(%arg12 : memref<!tpu.dma_semaphore, #tpu.memory_space<semaphore_mem>>) src(%dma_wait3A_1566 : memref<1000000xf32, #tpu.memory_space<vmem_shared>>) dst(%dma_wait3A_1563 : memref<128xf32, #tpu.memory_space<vmem>>)
      %dma_wait3A_1567 = arith.constant 6528 : i32
      %dma_wait3A_1568 = tpu.memref_slice %arg8[%dma_wait3A_1567] : memref<12800xf32, #tpu.memory_space<vmem>> -> memref<128xf32, #tpu.memory_space<vmem>>
      %dma_wait3A_1569 = tpu.memref_slice %arg7[%mul3A_778] : memref<25600xi32, #tpu.memory_space<vmem>> -> memref<128xi32, #tpu.memory_space<vmem>>
      %dma_wait3A_1570 = arith.constant 0 : i32
      %dma_wait3A_1571 = tpu.memref_slice %arg10[%dma_wait3A_1570] : memref<1000000xf32, #tpu.memory_space<vmem_shared>> -> memref<1000000xf32, #tpu.memory_space<vmem_shared>>
      tpu.wait_indirect_dma semaphore(%arg12 : memref<!tpu.dma_semaphore, #tpu.memory_space<semaphore_mem>>) src(%dma_wait3A_1571 : memref<1000000xf32, #tpu.memory_space<vmem_shared>>) dst(%dma_wait3A_1568 : memref<128xf32, #tpu.memory_space<vmem>>)
      %dma_wait3A_1572 = arith.constant 6656 : i32
      %dma_wait3A_1573 = tpu.memref_slice %arg8[%dma_wait3A_1572] : memref<12800xf32, #tpu.memory_space<vmem>> -> memref<128xf32, #tpu.memory_space<vmem>>
      %dma_wait3A_1574 = tpu.memref_slice %arg7[%mul3A_789] : memref<25600xi32, #tpu.memory_space<vmem>> -> memref<128xi32, #tpu.memory_space<vmem>>
      %dma_wait3A_1575 = arith.constant 0 : i32
      %dma_wait3A_1576 = tpu.memref_slice %arg10[%dma_wait3A_1575] : memref<1000000xf32, #tpu.memory_space<vmem_shared>> -> memref<1000000xf32, #tpu.memory_space<vmem_shared>>
      tpu.wait_indirect_dma semaphore(%arg12 : memref<!tpu.dma_semaphore, #tpu.memory_space<semaphore_mem>>) src(%dma_wait3A_1576 : memref<1000000xf32, #tpu.memory_space<vmem_shared>>) dst(%dma_wait3A_1573 : memref<128xf32, #tpu.memory_space<vmem>>)
      %dma_wait3A_1577 = arith.constant 6784 : i32
      %dma_wait3A_1578 = tpu.memref_slice %arg8[%dma_wait3A_1577] : memref<12800xf32, #tpu.memory_space<vmem>> -> memref<128xf32, #tpu.memory_space<vmem>>
      %dma_wait3A_1579 = tpu.memref_slice %arg7[%mul3A_800] : memref<25600xi32, #tpu.memory_space<vmem>> -> memref<128xi32, #tpu.memory_space<vmem>>
      %dma_wait3A_1580 = arith.constant 0 : i32
      %dma_wait3A_1581 = tpu.memref_slice %arg10[%dma_wait3A_1580] : memref<1000000xf32, #tpu.memory_space<vmem_shared>> -> memref<1000000xf32, #tpu.memory_space<vmem_shared>>
      tpu.wait_indirect_dma semaphore(%arg12 : memref<!tpu.dma_semaphore, #tpu.memory_space<semaphore_mem>>) src(%dma_wait3A_1581 : memref<1000000xf32, #tpu.memory_space<vmem_shared>>) dst(%dma_wait3A_1578 : memref<128xf32, #tpu.memory_space<vmem>>)
      %dma_wait3A_1582 = arith.constant 6912 : i32
      %dma_wait3A_1583 = tpu.memref_slice %arg8[%dma_wait3A_1582] : memref<12800xf32, #tpu.memory_space<vmem>> -> memref<128xf32, #tpu.memory_space<vmem>>
      %dma_wait3A_1584 = tpu.memref_slice %arg7[%mul3A_811] : memref<25600xi32, #tpu.memory_space<vmem>> -> memref<128xi32, #tpu.memory_space<vmem>>
      %dma_wait3A_1585 = arith.constant 0 : i32
      %dma_wait3A_1586 = tpu.memref_slice %arg10[%dma_wait3A_1585] : memref<1000000xf32, #tpu.memory_space<vmem_shared>> -> memref<1000000xf32, #tpu.memory_space<vmem_shared>>
      tpu.wait_indirect_dma semaphore(%arg12 : memref<!tpu.dma_semaphore, #tpu.memory_space<semaphore_mem>>) src(%dma_wait3A_1586 : memref<1000000xf32, #tpu.memory_space<vmem_shared>>) dst(%dma_wait3A_1583 : memref<128xf32, #tpu.memory_space<vmem>>)
      %dma_wait3A_1587 = arith.constant 7040 : i32
      %dma_wait3A_1588 = tpu.memref_slice %arg8[%dma_wait3A_1587] : memref<12800xf32, #tpu.memory_space<vmem>> -> memref<128xf32, #tpu.memory_space<vmem>>
      %dma_wait3A_1589 = tpu.memref_slice %arg7[%mul3A_822] : memref<25600xi32, #tpu.memory_space<vmem>> -> memref<128xi32, #tpu.memory_space<vmem>>
      %dma_wait3A_1590 = arith.constant 0 : i32
      %dma_wait3A_1591 = tpu.memref_slice %arg10[%dma_wait3A_1590] : memref<1000000xf32, #tpu.memory_space<vmem_shared>> -> memref<1000000xf32, #tpu.memory_space<vmem_shared>>
      tpu.wait_indirect_dma semaphore(%arg12 : memref<!tpu.dma_semaphore, #tpu.memory_space<semaphore_mem>>) src(%dma_wait3A_1591 : memref<1000000xf32, #tpu.memory_space<vmem_shared>>) dst(%dma_wait3A_1588 : memref<128xf32, #tpu.memory_space<vmem>>)
      %dma_wait3A_1592 = arith.constant 7168 : i32
      %dma_wait3A_1593 = tpu.memref_slice %arg8[%dma_wait3A_1592] : memref<12800xf32, #tpu.memory_space<vmem>> -> memref<128xf32, #tpu.memory_space<vmem>>
      %dma_wait3A_1594 = tpu.memref_slice %arg7[%mul3A_833] : memref<25600xi32, #tpu.memory_space<vmem>> -> memref<128xi32, #tpu.memory_space<vmem>>
      %dma_wait3A_1595 = arith.constant 0 : i32
      %dma_wait3A_1596 = tpu.memref_slice %arg10[%dma_wait3A_1595] : memref<1000000xf32, #tpu.memory_space<vmem_shared>> -> memref<1000000xf32, #tpu.memory_space<vmem_shared>>
      tpu.wait_indirect_dma semaphore(%arg12 : memref<!tpu.dma_semaphore, #tpu.memory_space<semaphore_mem>>) src(%dma_wait3A_1596 : memref<1000000xf32, #tpu.memory_space<vmem_shared>>) dst(%dma_wait3A_1593 : memref<128xf32, #tpu.memory_space<vmem>>)
      %dma_wait3A_1597 = arith.constant 7296 : i32
      %dma_wait3A_1598 = tpu.memref_slice %arg8[%dma_wait3A_1597] : memref<12800xf32, #tpu.memory_space<vmem>> -> memref<128xf32, #tpu.memory_space<vmem>>
      %dma_wait3A_1599 = tpu.memref_slice %arg7[%mul3A_844] : memref<25600xi32, #tpu.memory_space<vmem>> -> memref<128xi32, #tpu.memory_space<vmem>>
      %dma_wait3A_1600 = arith.constant 0 : i32
      %dma_wait3A_1601 = tpu.memref_slice %arg10[%dma_wait3A_1600] : memref<1000000xf32, #tpu.memory_space<vmem_shared>> -> memref<1000000xf32, #tpu.memory_space<vmem_shared>>
      tpu.wait_indirect_dma semaphore(%arg12 : memref<!tpu.dma_semaphore, #tpu.memory_space<semaphore_mem>>) src(%dma_wait3A_1601 : memref<1000000xf32, #tpu.memory_space<vmem_shared>>) dst(%dma_wait3A_1598 : memref<128xf32, #tpu.memory_space<vmem>>)
      %dma_wait3A_1602 = arith.constant 7424 : i32
      %dma_wait3A_1603 = tpu.memref_slice %arg8[%dma_wait3A_1602] : memref<12800xf32, #tpu.memory_space<vmem>> -> memref<128xf32, #tpu.memory_space<vmem>>
      %dma_wait3A_1604 = tpu.memref_slice %arg7[%mul3A_855] : memref<25600xi32, #tpu.memory_space<vmem>> -> memref<128xi32, #tpu.memory_space<vmem>>
      %dma_wait3A_1605 = arith.constant 0 : i32
      %dma_wait3A_1606 = tpu.memref_slice %arg10[%dma_wait3A_1605] : memref<1000000xf32, #tpu.memory_space<vmem_shared>> -> memref<1000000xf32, #tpu.memory_space<vmem_shared>>
      tpu.wait_indirect_dma semaphore(%arg12 : memref<!tpu.dma_semaphore, #tpu.memory_space<semaphore_mem>>) src(%dma_wait3A_1606 : memref<1000000xf32, #tpu.memory_space<vmem_shared>>) dst(%dma_wait3A_1603 : memref<128xf32, #tpu.memory_space<vmem>>)
      %dma_wait3A_1607 = arith.constant 7552 : i32
      %dma_wait3A_1608 = tpu.memref_slice %arg8[%dma_wait3A_1607] : memref<12800xf32, #tpu.memory_space<vmem>> -> memref<128xf32, #tpu.memory_space<vmem>>
      %dma_wait3A_1609 = tpu.memref_slice %arg7[%mul3A_866] : memref<25600xi32, #tpu.memory_space<vmem>> -> memref<128xi32, #tpu.memory_space<vmem>>
      %dma_wait3A_1610 = arith.constant 0 : i32
      %dma_wait3A_1611 = tpu.memref_slice %arg10[%dma_wait3A_1610] : memref<1000000xf32, #tpu.memory_space<vmem_shared>> -> memref<1000000xf32, #tpu.memory_space<vmem_shared>>
      tpu.wait_indirect_dma semaphore(%arg12 : memref<!tpu.dma_semaphore, #tpu.memory_space<semaphore_mem>>) src(%dma_wait3A_1611 : memref<1000000xf32, #tpu.memory_space<vmem_shared>>) dst(%dma_wait3A_1608 : memref<128xf32, #tpu.memory_space<vmem>>)
      %dma_wait3A_1612 = arith.constant 7680 : i32
      %dma_wait3A_1613 = tpu.memref_slice %arg8[%dma_wait3A_1612] : memref<12800xf32, #tpu.memory_space<vmem>> -> memref<128xf32, #tpu.memory_space<vmem>>
      %dma_wait3A_1614 = tpu.memref_slice %arg7[%mul3A_877] : memref<25600xi32, #tpu.memory_space<vmem>> -> memref<128xi32, #tpu.memory_space<vmem>>
      %dma_wait3A_1615 = arith.constant 0 : i32
      %dma_wait3A_1616 = tpu.memref_slice %arg10[%dma_wait3A_1615] : memref<1000000xf32, #tpu.memory_space<vmem_shared>> -> memref<1000000xf32, #tpu.memory_space<vmem_shared>>
      tpu.wait_indirect_dma semaphore(%arg12 : memref<!tpu.dma_semaphore, #tpu.memory_space<semaphore_mem>>) src(%dma_wait3A_1616 : memref<1000000xf32, #tpu.memory_space<vmem_shared>>) dst(%dma_wait3A_1613 : memref<128xf32, #tpu.memory_space<vmem>>)
      %dma_wait3A_1617 = arith.constant 7808 : i32
      %dma_wait3A_1618 = tpu.memref_slice %arg8[%dma_wait3A_1617] : memref<12800xf32, #tpu.memory_space<vmem>> -> memref<128xf32, #tpu.memory_space<vmem>>
      %dma_wait3A_1619 = tpu.memref_slice %arg7[%mul3A_888] : memref<25600xi32, #tpu.memory_space<vmem>> -> memref<128xi32, #tpu.memory_space<vmem>>
      %dma_wait3A_1620 = arith.constant 0 : i32
      %dma_wait3A_1621 = tpu.memref_slice %arg10[%dma_wait3A_1620] : memref<1000000xf32, #tpu.memory_space<vmem_shared>> -> memref<1000000xf32, #tpu.memory_space<vmem_shared>>
      tpu.wait_indirect_dma semaphore(%arg12 : memref<!tpu.dma_semaphore, #tpu.memory_space<semaphore_mem>>) src(%dma_wait3A_1621 : memref<1000000xf32, #tpu.memory_space<vmem_shared>>) dst(%dma_wait3A_1618 : memref<128xf32, #tpu.memory_space<vmem>>)
      %dma_wait3A_1622 = arith.constant 7936 : i32
      %dma_wait3A_1623 = tpu.memref_slice %arg8[%dma_wait3A_1622] : memref<12800xf32, #tpu.memory_space<vmem>> -> memref<128xf32, #tpu.memory_space<vmem>>
      %dma_wait3A_1624 = tpu.memref_slice %arg7[%mul3A_899] : memref<25600xi32, #tpu.memory_space<vmem>> -> memref<128xi32, #tpu.memory_space<vmem>>
      %dma_wait3A_1625 = arith.constant 0 : i32
      %dma_wait3A_1626 = tpu.memref_slice %arg10[%dma_wait3A_1625] : memref<1000000xf32, #tpu.memory_space<vmem_shared>> -> memref<1000000xf32, #tpu.memory_space<vmem_shared>>
      tpu.wait_indirect_dma semaphore(%arg12 : memref<!tpu.dma_semaphore, #tpu.memory_space<semaphore_mem>>) src(%dma_wait3A_1626 : memref<1000000xf32, #tpu.memory_space<vmem_shared>>) dst(%dma_wait3A_1623 : memref<128xf32, #tpu.memory_space<vmem>>)
      %dma_wait3A_1627 = arith.constant 8064 : i32
      %dma_wait3A_1628 = tpu.memref_slice %arg8[%dma_wait3A_1627] : memref<12800xf32, #tpu.memory_space<vmem>> -> memref<128xf32, #tpu.memory_space<vmem>>
      %dma_wait3A_1629 = tpu.memref_slice %arg7[%mul3A_910] : memref<25600xi32, #tpu.memory_space<vmem>> -> memref<128xi32, #tpu.memory_space<vmem>>
      %dma_wait3A_1630 = arith.constant 0 : i32
      %dma_wait3A_1631 = tpu.memref_slice %arg10[%dma_wait3A_1630] : memref<1000000xf32, #tpu.memory_space<vmem_shared>> -> memref<1000000xf32, #tpu.memory_space<vmem_shared>>
      tpu.wait_indirect_dma semaphore(%arg12 : memref<!tpu.dma_semaphore, #tpu.memory_space<semaphore_mem>>) src(%dma_wait3A_1631 : memref<1000000xf32, #tpu.memory_space<vmem_shared>>) dst(%dma_wait3A_1628 : memref<128xf32, #tpu.memory_space<vmem>>)
      %dma_wait3A_1632 = arith.constant 8192 : i32
      %dma_wait3A_1633 = tpu.memref_slice %arg8[%dma_wait3A_1632] : memref<12800xf32, #tpu.memory_space<vmem>> -> memref<128xf32, #tpu.memory_space<vmem>>
      %dma_wait3A_1634 = tpu.memref_slice %arg7[%mul3A_921] : memref<25600xi32, #tpu.memory_space<vmem>> -> memref<128xi32, #tpu.memory_space<vmem>>
      %dma_wait3A_1635 = arith.constant 0 : i32
      %dma_wait3A_1636 = tpu.memref_slice %arg10[%dma_wait3A_1635] : memref<1000000xf32, #tpu.memory_space<vmem_shared>> -> memref<1000000xf32, #tpu.memory_space<vmem_shared>>
      tpu.wait_indirect_dma semaphore(%arg12 : memref<!tpu.dma_semaphore, #tpu.memory_space<semaphore_mem>>) src(%dma_wait3A_1636 : memref<1000000xf32, #tpu.memory_space<vmem_shared>>) dst(%dma_wait3A_1633 : memref<128xf32, #tpu.memory_space<vmem>>)
      %dma_wait3A_1637 = arith.constant 8320 : i32
      %dma_wait3A_1638 = tpu.memref_slice %arg8[%dma_wait3A_1637] : memref<12800xf32, #tpu.memory_space<vmem>> -> memref<128xf32, #tpu.memory_space<vmem>>
      %dma_wait3A_1639 = tpu.memref_slice %arg7[%mul3A_932] : memref<25600xi32, #tpu.memory_space<vmem>> -> memref<128xi32, #tpu.memory_space<vmem>>
      %dma_wait3A_1640 = arith.constant 0 : i32
      %dma_wait3A_1641 = tpu.memref_slice %arg10[%dma_wait3A_1640] : memref<1000000xf32, #tpu.memory_space<vmem_shared>> -> memref<1000000xf32, #tpu.memory_space<vmem_shared>>
      tpu.wait_indirect_dma semaphore(%arg12 : memref<!tpu.dma_semaphore, #tpu.memory_space<semaphore_mem>>) src(%dma_wait3A_1641 : memref<1000000xf32, #tpu.memory_space<vmem_shared>>) dst(%dma_wait3A_1638 : memref<128xf32, #tpu.memory_space<vmem>>)
      %dma_wait3A_1642 = arith.constant 8448 : i32
      %dma_wait3A_1643 = tpu.memref_slice %arg8[%dma_wait3A_1642] : memref<12800xf32, #tpu.memory_space<vmem>> -> memref<128xf32, #tpu.memory_space<vmem>>
      %dma_wait3A_1644 = tpu.memref_slice %arg7[%mul3A_943] : memref<25600xi32, #tpu.memory_space<vmem>> -> memref<128xi32, #tpu.memory_space<vmem>>
      %dma_wait3A_1645 = arith.constant 0 : i32
      %dma_wait3A_1646 = tpu.memref_slice %arg10[%dma_wait3A_1645] : memref<1000000xf32, #tpu.memory_space<vmem_shared>> -> memref<1000000xf32, #tpu.memory_space<vmem_shared>>
      tpu.wait_indirect_dma semaphore(%arg12 : memref<!tpu.dma_semaphore, #tpu.memory_space<semaphore_mem>>) src(%dma_wait3A_1646 : memref<1000000xf32, #tpu.memory_space<vmem_shared>>) dst(%dma_wait3A_1643 : memref<128xf32, #tpu.memory_space<vmem>>)
      %dma_wait3A_1647 = arith.constant 8576 : i32
      %dma_wait3A_1648 = tpu.memref_slice %arg8[%dma_wait3A_1647] : memref<12800xf32, #tpu.memory_space<vmem>> -> memref<128xf32, #tpu.memory_space<vmem>>
      %dma_wait3A_1649 = tpu.memref_slice %arg7[%mul3A_954] : memref<25600xi32, #tpu.memory_space<vmem>> -> memref<128xi32, #tpu.memory_space<vmem>>
      %dma_wait3A_1650 = arith.constant 0 : i32
      %dma_wait3A_1651 = tpu.memref_slice %arg10[%dma_wait3A_1650] : memref<1000000xf32, #tpu.memory_space<vmem_shared>> -> memref<1000000xf32, #tpu.memory_space<vmem_shared>>
      tpu.wait_indirect_dma semaphore(%arg12 : memref<!tpu.dma_semaphore, #tpu.memory_space<semaphore_mem>>) src(%dma_wait3A_1651 : memref<1000000xf32, #tpu.memory_space<vmem_shared>>) dst(%dma_wait3A_1648 : memref<128xf32, #tpu.memory_space<vmem>>)
      %dma_wait3A_1652 = arith.constant 8704 : i32
      %dma_wait3A_1653 = tpu.memref_slice %arg8[%dma_wait3A_1652] : memref<12800xf32, #tpu.memory_space<vmem>> -> memref<128xf32, #tpu.memory_space<vmem>>
      %dma_wait3A_1654 = tpu.memref_slice %arg7[%mul3A_965] : memref<25600xi32, #tpu.memory_space<vmem>> -> memref<128xi32, #tpu.memory_space<vmem>>
      %dma_wait3A_1655 = arith.constant 0 : i32
      %dma_wait3A_1656 = tpu.memref_slice %arg10[%dma_wait3A_1655] : memref<1000000xf32, #tpu.memory_space<vmem_shared>> -> memref<1000000xf32, #tpu.memory_space<vmem_shared>>
      tpu.wait_indirect_dma semaphore(%arg12 : memref<!tpu.dma_semaphore, #tpu.memory_space<semaphore_mem>>) src(%dma_wait3A_1656 : memref<1000000xf32, #tpu.memory_space<vmem_shared>>) dst(%dma_wait3A_1653 : memref<128xf32, #tpu.memory_space<vmem>>)
      %dma_wait3A_1657 = arith.constant 8832 : i32
      %dma_wait3A_1658 = tpu.memref_slice %arg8[%dma_wait3A_1657] : memref<12800xf32, #tpu.memory_space<vmem>> -> memref<128xf32, #tpu.memory_space<vmem>>
      %dma_wait3A_1659 = tpu.memref_slice %arg7[%mul3A_976] : memref<25600xi32, #tpu.memory_space<vmem>> -> memref<128xi32, #tpu.memory_space<vmem>>
      %dma_wait3A_1660 = arith.constant 0 : i32
      %dma_wait3A_1661 = tpu.memref_slice %arg10[%dma_wait3A_1660] : memref<1000000xf32, #tpu.memory_space<vmem_shared>> -> memref<1000000xf32, #tpu.memory_space<vmem_shared>>
      tpu.wait_indirect_dma semaphore(%arg12 : memref<!tpu.dma_semaphore, #tpu.memory_space<semaphore_mem>>) src(%dma_wait3A_1661 : memref<1000000xf32, #tpu.memory_space<vmem_shared>>) dst(%dma_wait3A_1658 : memref<128xf32, #tpu.memory_space<vmem>>)
      %dma_wait3A_1662 = arith.constant 8960 : i32
      %dma_wait3A_1663 = tpu.memref_slice %arg8[%dma_wait3A_1662] : memref<12800xf32, #tpu.memory_space<vmem>> -> memref<128xf32, #tpu.memory_space<vmem>>
      %dma_wait3A_1664 = tpu.memref_slice %arg7[%mul3A_987] : memref<25600xi32, #tpu.memory_space<vmem>> -> memref<128xi32, #tpu.memory_space<vmem>>
      %dma_wait3A_1665 = arith.constant 0 : i32
      %dma_wait3A_1666 = tpu.memref_slice %arg10[%dma_wait3A_1665] : memref<1000000xf32, #tpu.memory_space<vmem_shared>> -> memref<1000000xf32, #tpu.memory_space<vmem_shared>>
      tpu.wait_indirect_dma semaphore(%arg12 : memref<!tpu.dma_semaphore, #tpu.memory_space<semaphore_mem>>) src(%dma_wait3A_1666 : memref<1000000xf32, #tpu.memory_space<vmem_shared>>) dst(%dma_wait3A_1663 : memref<128xf32, #tpu.memory_space<vmem>>)
      %dma_wait3A_1667 = arith.constant 9088 : i32
      %dma_wait3A_1668 = tpu.memref_slice %arg8[%dma_wait3A_1667] : memref<12800xf32, #tpu.memory_space<vmem>> -> memref<128xf32, #tpu.memory_space<vmem>>
      %dma_wait3A_1669 = tpu.memref_slice %arg7[%mul3A_998] : memref<25600xi32, #tpu.memory_space<vmem>> -> memref<128xi32, #tpu.memory_space<vmem>>
      %dma_wait3A_1670 = arith.constant 0 : i32
      %dma_wait3A_1671 = tpu.memref_slice %arg10[%dma_wait3A_1670] : memref<1000000xf32, #tpu.memory_space<vmem_shared>> -> memref<1000000xf32, #tpu.memory_space<vmem_shared>>
      tpu.wait_indirect_dma semaphore(%arg12 : memref<!tpu.dma_semaphore, #tpu.memory_space<semaphore_mem>>) src(%dma_wait3A_1671 : memref<1000000xf32, #tpu.memory_space<vmem_shared>>) dst(%dma_wait3A_1668 : memref<128xf32, #tpu.memory_space<vmem>>)
      %dma_wait3A_1672 = arith.constant 9216 : i32
      %dma_wait3A_1673 = tpu.memref_slice %arg8[%dma_wait3A_1672] : memref<12800xf32, #tpu.memory_space<vmem>> -> memref<128xf32, #tpu.memory_space<vmem>>
      %dma_wait3A_1674 = tpu.memref_slice %arg7[%mul3A_1009] : memref<25600xi32, #tpu.memory_space<vmem>> -> memref<128xi32, #tpu.memory_space<vmem>>
      %dma_wait3A_1675 = arith.constant 0 : i32
      %dma_wait3A_1676 = tpu.memref_slice %arg10[%dma_wait3A_1675] : memref<1000000xf32, #tpu.memory_space<vmem_shared>> -> memref<1000000xf32, #tpu.memory_space<vmem_shared>>
      tpu.wait_indirect_dma semaphore(%arg12 : memref<!tpu.dma_semaphore, #tpu.memory_space<semaphore_mem>>) src(%dma_wait3A_1676 : memref<1000000xf32, #tpu.memory_space<vmem_shared>>) dst(%dma_wait3A_1673 : memref<128xf32, #tpu.memory_space<vmem>>)
      %dma_wait3A_1677 = arith.constant 9344 : i32
      %dma_wait3A_1678 = tpu.memref_slice %arg8[%dma_wait3A_1677] : memref<12800xf32, #tpu.memory_space<vmem>> -> memref<128xf32, #tpu.memory_space<vmem>>
      %dma_wait3A_1679 = tpu.memref_slice %arg7[%mul3A_1020] : memref<25600xi32, #tpu.memory_space<vmem>> -> memref<128xi32, #tpu.memory_space<vmem>>
      %dma_wait3A_1680 = arith.constant 0 : i32
      %dma_wait3A_1681 = tpu.memref_slice %arg10[%dma_wait3A_1680] : memref<1000000xf32, #tpu.memory_space<vmem_shared>> -> memref<1000000xf32, #tpu.memory_space<vmem_shared>>
      tpu.wait_indirect_dma semaphore(%arg12 : memref<!tpu.dma_semaphore, #tpu.memory_space<semaphore_mem>>) src(%dma_wait3A_1681 : memref<1000000xf32, #tpu.memory_space<vmem_shared>>) dst(%dma_wait3A_1678 : memref<128xf32, #tpu.memory_space<vmem>>)
      %dma_wait3A_1682 = arith.constant 9472 : i32
      %dma_wait3A_1683 = tpu.memref_slice %arg8[%dma_wait3A_1682] : memref<12800xf32, #tpu.memory_space<vmem>> -> memref<128xf32, #tpu.memory_space<vmem>>
      %dma_wait3A_1684 = tpu.memref_slice %arg7[%mul3A_1031] : memref<25600xi32, #tpu.memory_space<vmem>> -> memref<128xi32, #tpu.memory_space<vmem>>
      %dma_wait3A_1685 = arith.constant 0 : i32
      %dma_wait3A_1686 = tpu.memref_slice %arg10[%dma_wait3A_1685] : memref<1000000xf32, #tpu.memory_space<vmem_shared>> -> memref<1000000xf32, #tpu.memory_space<vmem_shared>>
      tpu.wait_indirect_dma semaphore(%arg12 : memref<!tpu.dma_semaphore, #tpu.memory_space<semaphore_mem>>) src(%dma_wait3A_1686 : memref<1000000xf32, #tpu.memory_space<vmem_shared>>) dst(%dma_wait3A_1683 : memref<128xf32, #tpu.memory_space<vmem>>)
      %dma_wait3A_1687 = arith.constant 9600 : i32
      %dma_wait3A_1688 = tpu.memref_slice %arg8[%dma_wait3A_1687] : memref<12800xf32, #tpu.memory_space<vmem>> -> memref<128xf32, #tpu.memory_space<vmem>>
      %dma_wait3A_1689 = tpu.memref_slice %arg7[%mul3A_1042] : memref<25600xi32, #tpu.memory_space<vmem>> -> memref<128xi32, #tpu.memory_space<vmem>>
      %dma_wait3A_1690 = arith.constant 0 : i32
      %dma_wait3A_1691 = tpu.memref_slice %arg10[%dma_wait3A_1690] : memref<1000000xf32, #tpu.memory_space<vmem_shared>> -> memref<1000000xf32, #tpu.memory_space<vmem_shared>>
      tpu.wait_indirect_dma semaphore(%arg12 : memref<!tpu.dma_semaphore, #tpu.memory_space<semaphore_mem>>) src(%dma_wait3A_1691 : memref<1000000xf32, #tpu.memory_space<vmem_shared>>) dst(%dma_wait3A_1688 : memref<128xf32, #tpu.memory_space<vmem>>)
      %dma_wait3A_1692 = arith.constant 9728 : i32
      %dma_wait3A_1693 = tpu.memref_slice %arg8[%dma_wait3A_1692] : memref<12800xf32, #tpu.memory_space<vmem>> -> memref<128xf32, #tpu.memory_space<vmem>>
      %dma_wait3A_1694 = tpu.memref_slice %arg7[%mul3A_1053] : memref<25600xi32, #tpu.memory_space<vmem>> -> memref<128xi32, #tpu.memory_space<vmem>>
      %dma_wait3A_1695 = arith.constant 0 : i32
      %dma_wait3A_1696 = tpu.memref_slice %arg10[%dma_wait3A_1695] : memref<1000000xf32, #tpu.memory_space<vmem_shared>> -> memref<1000000xf32, #tpu.memory_space<vmem_shared>>
      tpu.wait_indirect_dma semaphore(%arg12 : memref<!tpu.dma_semaphore, #tpu.memory_space<semaphore_mem>>) src(%dma_wait3A_1696 : memref<1000000xf32, #tpu.memory_space<vmem_shared>>) dst(%dma_wait3A_1693 : memref<128xf32, #tpu.memory_space<vmem>>)
      %dma_wait3A_1697 = arith.constant 9856 : i32
      %dma_wait3A_1698 = tpu.memref_slice %arg8[%dma_wait3A_1697] : memref<12800xf32, #tpu.memory_space<vmem>> -> memref<128xf32, #tpu.memory_space<vmem>>
      %dma_wait3A_1699 = tpu.memref_slice %arg7[%mul3A_1064] : memref<25600xi32, #tpu.memory_space<vmem>> -> memref<128xi32, #tpu.memory_space<vmem>>
      %dma_wait3A_1700 = arith.constant 0 : i32
      %dma_wait3A_1701 = tpu.memref_slice %arg10[%dma_wait3A_1700] : memref<1000000xf32, #tpu.memory_space<vmem_shared>> -> memref<1000000xf32, #tpu.memory_space<vmem_shared>>
      tpu.wait_indirect_dma semaphore(%arg12 : memref<!tpu.dma_semaphore, #tpu.memory_space<semaphore_mem>>) src(%dma_wait3A_1701 : memref<1000000xf32, #tpu.memory_space<vmem_shared>>) dst(%dma_wait3A_1698 : memref<128xf32, #tpu.memory_space<vmem>>)
      %dma_wait3A_1702 = arith.constant 9984 : i32
      %dma_wait3A_1703 = tpu.memref_slice %arg8[%dma_wait3A_1702] : memref<12800xf32, #tpu.memory_space<vmem>> -> memref<128xf32, #tpu.memory_space<vmem>>
      %dma_wait3A_1704 = tpu.memref_slice %arg7[%mul3A_1075] : memref<25600xi32, #tpu.memory_space<vmem>> -> memref<128xi32, #tpu.memory_space<vmem>>
      %dma_wait3A_1705 = arith.constant 0 : i32
      %dma_wait3A_1706 = tpu.memref_slice %arg10[%dma_wait3A_1705] : memref<1000000xf32, #tpu.memory_space<vmem_shared>> -> memref<1000000xf32, #tpu.memory_space<vmem_shared>>
      tpu.wait_indirect_dma semaphore(%arg12 : memref<!tpu.dma_semaphore, #tpu.memory_space<semaphore_mem>>) src(%dma_wait3A_1706 : memref<1000000xf32, #tpu.memory_space<vmem_shared>>) dst(%dma_wait3A_1703 : memref<128xf32, #tpu.memory_space<vmem>>)
      %dma_wait3A_1707 = arith.constant 10112 : i32
      %dma_wait3A_1708 = tpu.memref_slice %arg8[%dma_wait3A_1707] : memref<12800xf32, #tpu.memory_space<vmem>> -> memref<128xf32, #tpu.memory_space<vmem>>
      %dma_wait3A_1709 = tpu.memref_slice %arg7[%mul3A_1086] : memref<25600xi32, #tpu.memory_space<vmem>> -> memref<128xi32, #tpu.memory_space<vmem>>
      %dma_wait3A_1710 = arith.constant 0 : i32
      %dma_wait3A_1711 = tpu.memref_slice %arg10[%dma_wait3A_1710] : memref<1000000xf32, #tpu.memory_space<vmem_shared>> -> memref<1000000xf32, #tpu.memory_space<vmem_shared>>
      tpu.wait_indirect_dma semaphore(%arg12 : memref<!tpu.dma_semaphore, #tpu.memory_space<semaphore_mem>>) src(%dma_wait3A_1711 : memref<1000000xf32, #tpu.memory_space<vmem_shared>>) dst(%dma_wait3A_1708 : memref<128xf32, #tpu.memory_space<vmem>>)
      %dma_wait3A_1712 = arith.constant 10240 : i32
      %dma_wait3A_1713 = tpu.memref_slice %arg8[%dma_wait3A_1712] : memref<12800xf32, #tpu.memory_space<vmem>> -> memref<128xf32, #tpu.memory_space<vmem>>
      %dma_wait3A_1714 = tpu.memref_slice %arg7[%mul3A_1097] : memref<25600xi32, #tpu.memory_space<vmem>> -> memref<128xi32, #tpu.memory_space<vmem>>
      %dma_wait3A_1715 = arith.constant 0 : i32
      %dma_wait3A_1716 = tpu.memref_slice %arg10[%dma_wait3A_1715] : memref<1000000xf32, #tpu.memory_space<vmem_shared>> -> memref<1000000xf32, #tpu.memory_space<vmem_shared>>
      tpu.wait_indirect_dma semaphore(%arg12 : memref<!tpu.dma_semaphore, #tpu.memory_space<semaphore_mem>>) src(%dma_wait3A_1716 : memref<1000000xf32, #tpu.memory_space<vmem_shared>>) dst(%dma_wait3A_1713 : memref<128xf32, #tpu.memory_space<vmem>>)
      %dma_wait3A_1717 = arith.constant 10368 : i32
      %dma_wait3A_1718 = tpu.memref_slice %arg8[%dma_wait3A_1717] : memref<12800xf32, #tpu.memory_space<vmem>> -> memref<128xf32, #tpu.memory_space<vmem>>
      %dma_wait3A_1719 = tpu.memref_slice %arg7[%mul3A_1108] : memref<25600xi32, #tpu.memory_space<vmem>> -> memref<128xi32, #tpu.memory_space<vmem>>
      %dma_wait3A_1720 = arith.constant 0 : i32
      %dma_wait3A_1721 = tpu.memref_slice %arg10[%dma_wait3A_1720] : memref<1000000xf32, #tpu.memory_space<vmem_shared>> -> memref<1000000xf32, #tpu.memory_space<vmem_shared>>
      tpu.wait_indirect_dma semaphore(%arg12 : memref<!tpu.dma_semaphore, #tpu.memory_space<semaphore_mem>>) src(%dma_wait3A_1721 : memref<1000000xf32, #tpu.memory_space<vmem_shared>>) dst(%dma_wait3A_1718 : memref<128xf32, #tpu.memory_space<vmem>>)
      %dma_wait3A_1722 = arith.constant 10496 : i32
      %dma_wait3A_1723 = tpu.memref_slice %arg8[%dma_wait3A_1722] : memref<12800xf32, #tpu.memory_space<vmem>> -> memref<128xf32, #tpu.memory_space<vmem>>
      %dma_wait3A_1724 = tpu.memref_slice %arg7[%mul3A_1119] : memref<25600xi32, #tpu.memory_space<vmem>> -> memref<128xi32, #tpu.memory_space<vmem>>
      %dma_wait3A_1725 = arith.constant 0 : i32
      %dma_wait3A_1726 = tpu.memref_slice %arg10[%dma_wait3A_1725] : memref<1000000xf32, #tpu.memory_space<vmem_shared>> -> memref<1000000xf32, #tpu.memory_space<vmem_shared>>
      tpu.wait_indirect_dma semaphore(%arg12 : memref<!tpu.dma_semaphore, #tpu.memory_space<semaphore_mem>>) src(%dma_wait3A_1726 : memref<1000000xf32, #tpu.memory_space<vmem_shared>>) dst(%dma_wait3A_1723 : memref<128xf32, #tpu.memory_space<vmem>>)
      %dma_wait3A_1727 = arith.constant 10624 : i32
      %dma_wait3A_1728 = tpu.memref_slice %arg8[%dma_wait3A_1727] : memref<12800xf32, #tpu.memory_space<vmem>> -> memref<128xf32, #tpu.memory_space<vmem>>
      %dma_wait3A_1729 = tpu.memref_slice %arg7[%mul3A_1130] : memref<25600xi32, #tpu.memory_space<vmem>> -> memref<128xi32, #tpu.memory_space<vmem>>
      %dma_wait3A_1730 = arith.constant 0 : i32
      %dma_wait3A_1731 = tpu.memref_slice %arg10[%dma_wait3A_1730] : memref<1000000xf32, #tpu.memory_space<vmem_shared>> -> memref<1000000xf32, #tpu.memory_space<vmem_shared>>
      tpu.wait_indirect_dma semaphore(%arg12 : memref<!tpu.dma_semaphore, #tpu.memory_space<semaphore_mem>>) src(%dma_wait3A_1731 : memref<1000000xf32, #tpu.memory_space<vmem_shared>>) dst(%dma_wait3A_1728 : memref<128xf32, #tpu.memory_space<vmem>>)
      %dma_wait3A_1732 = arith.constant 10752 : i32
      %dma_wait3A_1733 = tpu.memref_slice %arg8[%dma_wait3A_1732] : memref<12800xf32, #tpu.memory_space<vmem>> -> memref<128xf32, #tpu.memory_space<vmem>>
      %dma_wait3A_1734 = tpu.memref_slice %arg7[%mul3A_1141] : memref<25600xi32, #tpu.memory_space<vmem>> -> memref<128xi32, #tpu.memory_space<vmem>>
      %dma_wait3A_1735 = arith.constant 0 : i32
      %dma_wait3A_1736 = tpu.memref_slice %arg10[%dma_wait3A_1735] : memref<1000000xf32, #tpu.memory_space<vmem_shared>> -> memref<1000000xf32, #tpu.memory_space<vmem_shared>>
      tpu.wait_indirect_dma semaphore(%arg12 : memref<!tpu.dma_semaphore, #tpu.memory_space<semaphore_mem>>) src(%dma_wait3A_1736 : memref<1000000xf32, #tpu.memory_space<vmem_shared>>) dst(%dma_wait3A_1733 : memref<128xf32, #tpu.memory_space<vmem>>)
      %dma_wait3A_1737 = arith.constant 10880 : i32
      %dma_wait3A_1738 = tpu.memref_slice %arg8[%dma_wait3A_1737] : memref<12800xf32, #tpu.memory_space<vmem>> -> memref<128xf32, #tpu.memory_space<vmem>>
      %dma_wait3A_1739 = tpu.memref_slice %arg7[%mul3A_1152] : memref<25600xi32, #tpu.memory_space<vmem>> -> memref<128xi32, #tpu.memory_space<vmem>>
      %dma_wait3A_1740 = arith.constant 0 : i32
      %dma_wait3A_1741 = tpu.memref_slice %arg10[%dma_wait3A_1740] : memref<1000000xf32, #tpu.memory_space<vmem_shared>> -> memref<1000000xf32, #tpu.memory_space<vmem_shared>>
      tpu.wait_indirect_dma semaphore(%arg12 : memref<!tpu.dma_semaphore, #tpu.memory_space<semaphore_mem>>) src(%dma_wait3A_1741 : memref<1000000xf32, #tpu.memory_space<vmem_shared>>) dst(%dma_wait3A_1738 : memref<128xf32, #tpu.memory_space<vmem>>)
      %dma_wait3A_1742 = arith.constant 11008 : i32
      %dma_wait3A_1743 = tpu.memref_slice %arg8[%dma_wait3A_1742] : memref<12800xf32, #tpu.memory_space<vmem>> -> memref<128xf32, #tpu.memory_space<vmem>>
      %dma_wait3A_1744 = tpu.memref_slice %arg7[%mul3A_1163] : memref<25600xi32, #tpu.memory_space<vmem>> -> memref<128xi32, #tpu.memory_space<vmem>>
      %dma_wait3A_1745 = arith.constant 0 : i32
      %dma_wait3A_1746 = tpu.memref_slice %arg10[%dma_wait3A_1745] : memref<1000000xf32, #tpu.memory_space<vmem_shared>> -> memref<1000000xf32, #tpu.memory_space<vmem_shared>>
      tpu.wait_indirect_dma semaphore(%arg12 : memref<!tpu.dma_semaphore, #tpu.memory_space<semaphore_mem>>) src(%dma_wait3A_1746 : memref<1000000xf32, #tpu.memory_space<vmem_shared>>) dst(%dma_wait3A_1743 : memref<128xf32, #tpu.memory_space<vmem>>)
      %dma_wait3A_1747 = arith.constant 11136 : i32
      %dma_wait3A_1748 = tpu.memref_slice %arg8[%dma_wait3A_1747] : memref<12800xf32, #tpu.memory_space<vmem>> -> memref<128xf32, #tpu.memory_space<vmem>>
      %dma_wait3A_1749 = tpu.memref_slice %arg7[%mul3A_1174] : memref<25600xi32, #tpu.memory_space<vmem>> -> memref<128xi32, #tpu.memory_space<vmem>>
      %dma_wait3A_1750 = arith.constant 0 : i32
      %dma_wait3A_1751 = tpu.memref_slice %arg10[%dma_wait3A_1750] : memref<1000000xf32, #tpu.memory_space<vmem_shared>> -> memref<1000000xf32, #tpu.memory_space<vmem_shared>>
      tpu.wait_indirect_dma semaphore(%arg12 : memref<!tpu.dma_semaphore, #tpu.memory_space<semaphore_mem>>) src(%dma_wait3A_1751 : memref<1000000xf32, #tpu.memory_space<vmem_shared>>) dst(%dma_wait3A_1748 : memref<128xf32, #tpu.memory_space<vmem>>)
      %dma_wait3A_1752 = arith.constant 11264 : i32
      %dma_wait3A_1753 = tpu.memref_slice %arg8[%dma_wait3A_1752] : memref<12800xf32, #tpu.memory_space<vmem>> -> memref<128xf32, #tpu.memory_space<vmem>>
      %dma_wait3A_1754 = tpu.memref_slice %arg7[%mul3A_1185] : memref<25600xi32, #tpu.memory_space<vmem>> -> memref<128xi32, #tpu.memory_space<vmem>>
      %dma_wait3A_1755 = arith.constant 0 : i32
      %dma_wait3A_1756 = tpu.memref_slice %arg10[%dma_wait3A_1755] : memref<1000000xf32, #tpu.memory_space<vmem_shared>> -> memref<1000000xf32, #tpu.memory_space<vmem_shared>>
      tpu.wait_indirect_dma semaphore(%arg12 : memref<!tpu.dma_semaphore, #tpu.memory_space<semaphore_mem>>) src(%dma_wait3A_1756 : memref<1000000xf32, #tpu.memory_space<vmem_shared>>) dst(%dma_wait3A_1753 : memref<128xf32, #tpu.memory_space<vmem>>)
      %dma_wait3A_1757 = arith.constant 11392 : i32
      %dma_wait3A_1758 = tpu.memref_slice %arg8[%dma_wait3A_1757] : memref<12800xf32, #tpu.memory_space<vmem>> -> memref<128xf32, #tpu.memory_space<vmem>>
      %dma_wait3A_1759 = tpu.memref_slice %arg7[%mul3A_1196] : memref<25600xi32, #tpu.memory_space<vmem>> -> memref<128xi32, #tpu.memory_space<vmem>>
      %dma_wait3A_1760 = arith.constant 0 : i32
      %dma_wait3A_1761 = tpu.memref_slice %arg10[%dma_wait3A_1760] : memref<1000000xf32, #tpu.memory_space<vmem_shared>> -> memref<1000000xf32, #tpu.memory_space<vmem_shared>>
      tpu.wait_indirect_dma semaphore(%arg12 : memref<!tpu.dma_semaphore, #tpu.memory_space<semaphore_mem>>) src(%dma_wait3A_1761 : memref<1000000xf32, #tpu.memory_space<vmem_shared>>) dst(%dma_wait3A_1758 : memref<128xf32, #tpu.memory_space<vmem>>)
      %dma_wait3A_1762 = arith.constant 11520 : i32
      %dma_wait3A_1763 = tpu.memref_slice %arg8[%dma_wait3A_1762] : memref<12800xf32, #tpu.memory_space<vmem>> -> memref<128xf32, #tpu.memory_space<vmem>>
      %dma_wait3A_1764 = tpu.memref_slice %arg7[%mul3A_1207] : memref<25600xi32, #tpu.memory_space<vmem>> -> memref<128xi32, #tpu.memory_space<vmem>>
      %dma_wait3A_1765 = arith.constant 0 : i32
      %dma_wait3A_1766 = tpu.memref_slice %arg10[%dma_wait3A_1765] : memref<1000000xf32, #tpu.memory_space<vmem_shared>> -> memref<1000000xf32, #tpu.memory_space<vmem_shared>>
      tpu.wait_indirect_dma semaphore(%arg12 : memref<!tpu.dma_semaphore, #tpu.memory_space<semaphore_mem>>) src(%dma_wait3A_1766 : memref<1000000xf32, #tpu.memory_space<vmem_shared>>) dst(%dma_wait3A_1763 : memref<128xf32, #tpu.memory_space<vmem>>)
      %dma_wait3A_1767 = arith.constant 11648 : i32
      %dma_wait3A_1768 = tpu.memref_slice %arg8[%dma_wait3A_1767] : memref<12800xf32, #tpu.memory_space<vmem>> -> memref<128xf32, #tpu.memory_space<vmem>>
      %dma_wait3A_1769 = tpu.memref_slice %arg7[%mul3A_1218] : memref<25600xi32, #tpu.memory_space<vmem>> -> memref<128xi32, #tpu.memory_space<vmem>>
      %dma_wait3A_1770 = arith.constant 0 : i32
      %dma_wait3A_1771 = tpu.memref_slice %arg10[%dma_wait3A_1770] : memref<1000000xf32, #tpu.memory_space<vmem_shared>> -> memref<1000000xf32, #tpu.memory_space<vmem_shared>>
      tpu.wait_indirect_dma semaphore(%arg12 : memref<!tpu.dma_semaphore, #tpu.memory_space<semaphore_mem>>) src(%dma_wait3A_1771 : memref<1000000xf32, #tpu.memory_space<vmem_shared>>) dst(%dma_wait3A_1768 : memref<128xf32, #tpu.memory_space<vmem>>)
      %dma_wait3A_1772 = arith.constant 11776 : i32
      %dma_wait3A_1773 = tpu.memref_slice %arg8[%dma_wait3A_1772] : memref<12800xf32, #tpu.memory_space<vmem>> -> memref<128xf32, #tpu.memory_space<vmem>>
      %dma_wait3A_1774 = tpu.memref_slice %arg7[%mul3A_1229] : memref<25600xi32, #tpu.memory_space<vmem>> -> memref<128xi32, #tpu.memory_space<vmem>>
      %dma_wait3A_1775 = arith.constant 0 : i32
      %dma_wait3A_1776 = tpu.memref_slice %arg10[%dma_wait3A_1775] : memref<1000000xf32, #tpu.memory_space<vmem_shared>> -> memref<1000000xf32, #tpu.memory_space<vmem_shared>>
      tpu.wait_indirect_dma semaphore(%arg12 : memref<!tpu.dma_semaphore, #tpu.memory_space<semaphore_mem>>) src(%dma_wait3A_1776 : memref<1000000xf32, #tpu.memory_space<vmem_shared>>) dst(%dma_wait3A_1773 : memref<128xf32, #tpu.memory_space<vmem>>)
      %dma_wait3A_1777 = arith.constant 11904 : i32
      %dma_wait3A_1778 = tpu.memref_slice %arg8[%dma_wait3A_1777] : memref<12800xf32, #tpu.memory_space<vmem>> -> memref<128xf32, #tpu.memory_space<vmem>>
      %dma_wait3A_1779 = tpu.memref_slice %arg7[%mul3A_1240] : memref<25600xi32, #tpu.memory_space<vmem>> -> memref<128xi32, #tpu.memory_space<vmem>>
      %dma_wait3A_1780 = arith.constant 0 : i32
      %dma_wait3A_1781 = tpu.memref_slice %arg10[%dma_wait3A_1780] : memref<1000000xf32, #tpu.memory_space<vmem_shared>> -> memref<1000000xf32, #tpu.memory_space<vmem_shared>>
      tpu.wait_indirect_dma semaphore(%arg12 : memref<!tpu.dma_semaphore, #tpu.memory_space<semaphore_mem>>) src(%dma_wait3A_1781 : memref<1000000xf32, #tpu.memory_space<vmem_shared>>) dst(%dma_wait3A_1778 : memref<128xf32, #tpu.memory_space<vmem>>)
      %dma_wait3A_1782 = arith.constant 12032 : i32
      %dma_wait3A_1783 = tpu.memref_slice %arg8[%dma_wait3A_1782] : memref<12800xf32, #tpu.memory_space<vmem>> -> memref<128xf32, #tpu.memory_space<vmem>>
      %dma_wait3A_1784 = tpu.memref_slice %arg7[%mul3A_1251] : memref<25600xi32, #tpu.memory_space<vmem>> -> memref<128xi32, #tpu.memory_space<vmem>>
      %dma_wait3A_1785 = arith.constant 0 : i32
      %dma_wait3A_1786 = tpu.memref_slice %arg10[%dma_wait3A_1785] : memref<1000000xf32, #tpu.memory_space<vmem_shared>> -> memref<1000000xf32, #tpu.memory_space<vmem_shared>>
      tpu.wait_indirect_dma semaphore(%arg12 : memref<!tpu.dma_semaphore, #tpu.memory_space<semaphore_mem>>) src(%dma_wait3A_1786 : memref<1000000xf32, #tpu.memory_space<vmem_shared>>) dst(%dma_wait3A_1783 : memref<128xf32, #tpu.memory_space<vmem>>)
      %dma_wait3A_1787 = arith.constant 12160 : i32
      %dma_wait3A_1788 = tpu.memref_slice %arg8[%dma_wait3A_1787] : memref<12800xf32, #tpu.memory_space<vmem>> -> memref<128xf32, #tpu.memory_space<vmem>>
      %dma_wait3A_1789 = tpu.memref_slice %arg7[%mul3A_1262] : memref<25600xi32, #tpu.memory_space<vmem>> -> memref<128xi32, #tpu.memory_space<vmem>>
      %dma_wait3A_1790 = arith.constant 0 : i32
      %dma_wait3A_1791 = tpu.memref_slice %arg10[%dma_wait3A_1790] : memref<1000000xf32, #tpu.memory_space<vmem_shared>> -> memref<1000000xf32, #tpu.memory_space<vmem_shared>>
      tpu.wait_indirect_dma semaphore(%arg12 : memref<!tpu.dma_semaphore, #tpu.memory_space<semaphore_mem>>) src(%dma_wait3A_1791 : memref<1000000xf32, #tpu.memory_space<vmem_shared>>) dst(%dma_wait3A_1788 : memref<128xf32, #tpu.memory_space<vmem>>)
      %dma_wait3A_1792 = arith.constant 12288 : i32
      %dma_wait3A_1793 = tpu.memref_slice %arg8[%dma_wait3A_1792] : memref<12800xf32, #tpu.memory_space<vmem>> -> memref<128xf32, #tpu.memory_space<vmem>>
      %dma_wait3A_1794 = tpu.memref_slice %arg7[%mul3A_1273] : memref<25600xi32, #tpu.memory_space<vmem>> -> memref<128xi32, #tpu.memory_space<vmem>>
      %dma_wait3A_1795 = arith.constant 0 : i32
      %dma_wait3A_1796 = tpu.memref_slice %arg10[%dma_wait3A_1795] : memref<1000000xf32, #tpu.memory_space<vmem_shared>> -> memref<1000000xf32, #tpu.memory_space<vmem_shared>>
      tpu.wait_indirect_dma semaphore(%arg12 : memref<!tpu.dma_semaphore, #tpu.memory_space<semaphore_mem>>) src(%dma_wait3A_1796 : memref<1000000xf32, #tpu.memory_space<vmem_shared>>) dst(%dma_wait3A_1793 : memref<128xf32, #tpu.memory_space<vmem>>)
      %dma_wait3A_1797 = arith.constant 12416 : i32
      %dma_wait3A_1798 = tpu.memref_slice %arg8[%dma_wait3A_1797] : memref<12800xf32, #tpu.memory_space<vmem>> -> memref<128xf32, #tpu.memory_space<vmem>>
      %dma_wait3A_1799 = tpu.memref_slice %arg7[%mul3A_1284] : memref<25600xi32, #tpu.memory_space<vmem>> -> memref<128xi32, #tpu.memory_space<vmem>>
      %dma_wait3A_1800 = arith.constant 0 : i32
      %dma_wait3A_1801 = tpu.memref_slice %arg10[%dma_wait3A_1800] : memref<1000000xf32, #tpu.memory_space<vmem_shared>> -> memref<1000000xf32, #tpu.memory_space<vmem_shared>>
      tpu.wait_indirect_dma semaphore(%arg12 : memref<!tpu.dma_semaphore, #tpu.memory_space<semaphore_mem>>) src(%dma_wait3A_1801 : memref<1000000xf32, #tpu.memory_space<vmem_shared>>) dst(%dma_wait3A_1798 : memref<128xf32, #tpu.memory_space<vmem>>)
      %dma_wait3A_1802 = arith.constant 12544 : i32
      %dma_wait3A_1803 = tpu.memref_slice %arg8[%dma_wait3A_1802] : memref<12800xf32, #tpu.memory_space<vmem>> -> memref<128xf32, #tpu.memory_space<vmem>>
      %dma_wait3A_1804 = tpu.memref_slice %arg7[%mul3A_1295] : memref<25600xi32, #tpu.memory_space<vmem>> -> memref<128xi32, #tpu.memory_space<vmem>>
      %dma_wait3A_1805 = arith.constant 0 : i32
      %dma_wait3A_1806 = tpu.memref_slice %arg10[%dma_wait3A_1805] : memref<1000000xf32, #tpu.memory_space<vmem_shared>> -> memref<1000000xf32, #tpu.memory_space<vmem_shared>>
      tpu.wait_indirect_dma semaphore(%arg12 : memref<!tpu.dma_semaphore, #tpu.memory_space<semaphore_mem>>) src(%dma_wait3A_1806 : memref<1000000xf32, #tpu.memory_space<vmem_shared>>) dst(%dma_wait3A_1803 : memref<128xf32, #tpu.memory_space<vmem>>)
      %dma_wait3A_1807 = arith.constant 12672 : i32
      %dma_wait3A_1808 = tpu.memref_slice %arg8[%dma_wait3A_1807] : memref<12800xf32, #tpu.memory_space<vmem>> -> memref<128xf32, #tpu.memory_space<vmem>>
      %dma_wait3A_1809 = tpu.memref_slice %arg7[%mul3A_1306] : memref<25600xi32, #tpu.memory_space<vmem>> -> memref<128xi32, #tpu.memory_space<vmem>>
      %dma_wait3A_1810 = arith.constant 0 : i32
      %dma_wait3A_1811 = tpu.memref_slice %arg10[%dma_wait3A_1810] : memref<1000000xf32, #tpu.memory_space<vmem_shared>> -> memref<1000000xf32, #tpu.memory_space<vmem_shared>>
      tpu.wait_indirect_dma semaphore(%arg12 : memref<!tpu.dma_semaphore, #tpu.memory_space<semaphore_mem>>) src(%dma_wait3A_1811 : memref<1000000xf32, #tpu.memory_space<vmem_shared>>) dst(%dma_wait3A_1808 : memref<128xf32, #tpu.memory_space<vmem>>)
      %barrier3A_1812 = arith.constant 0 : index
      tpu.barrier barrier_id(%barrier3A_1812)
      %eq3A_1813 = arith.constant 0 : i32
      %eq3A_1814 = arith.cmpi eq, %arg1, %eq3A_1813 : i32
      %add3A_1815 = arith.constant 1 : i32
      %add3A_1816 = arith.addi %scan3A_179, %add3A_1815 : i32
      %lt3A = arith.constant 32 : i32
      %lt3A_1817 = arith.cmpi slt, %add3A_1816, %lt3A : i32
      %and3A_1818 = arith.andi %eq3A_1814, %lt3A_1817 : i1
      %convert_element_type3A_1819 = arith.extui %and3A_1818 : i1 to i32
      %cond3A_1820 = arith.constant 0 : i32
      %cond3A_1821 = arith.cmpi ne, %convert_element_type3A_1819, %cond3A_1820 : i32
      scf.if %cond3A_1821 {
        %add3A_1877 = arith.constant 1 : i32
        %add3A_1878 = arith.addi %scan3A_179, %add3A_1877 : i32
        %mul3A_1879 = arith.constant 2 : i32
        %mul3A_1880 = arith.muli %mul3A_1879, %arg0 : i32
        %jit3A_1881 = arith.constant 16 : i32
        %div3A_1882 = arith.divsi %add3A_1878, %jit3A_1881 : i32
        %sign3A_1883 = arith.constant 0 : i32
        %sign3A_1884 = arith.cmpi sgt, %add3A_1878, %sign3A_1883 : i32
        %sign3A_1885 = arith.extui %sign3A_1884 : i1 to i32
        %sign3A_1886 = arith.constant 0 : i32
        %sign3A_1887 = arith.cmpi slt, %add3A_1878, %sign3A_1886 : i32
        %sign3A_1888 = arith.extui %sign3A_1887 : i1 to i32
        %sign3A_1889 = arith.subi %sign3A_1885, %sign3A_1888 : i32
        %sign3A_1890 = arith.constant 0 : i32
        %sign3A_1891 = arith.cmpi sgt, %jit3A_1881, %sign3A_1890 : i32
        %sign3A_1892 = arith.extui %sign3A_1891 : i1 to i32
        %sign3A_1893 = arith.constant 0 : i32
        %sign3A_1894 = arith.cmpi slt, %jit3A_1881, %sign3A_1893 : i32
        %sign3A_1895 = arith.extui %sign3A_1894 : i1 to i32
        %sign3A_1896 = arith.subi %sign3A_1892, %sign3A_1895 : i32
        %ne3A_1897 = arith.cmpi ne, %sign3A_1889, %sign3A_1896 : i32
        %rem3A_1898 = arith.remsi %add3A_1878, %jit3A_1881 : i32
        %ne3A_1899 = arith.constant 0 : i32
        %ne3A_1900 = arith.cmpi ne, %rem3A_1898, %ne3A_1899 : i32
        %and3A_1901 = arith.andi %ne3A_1897, %ne3A_1900 : i1
        %sub3A_1902 = arith.constant 1 : i32
        %sub3A_1903 = arith.subi %div3A_1882, %sub3A_1902 : i32
        %select_n3A_1904 = arith.select %and3A_1901, %sub3A_1903, %div3A_1882 : i32
        %add3A_1905 = arith.addi %mul3A_1880, %select_n3A_1904 : i32
        %rem3A_1906 = arith.constant 16 : i32
        %rem3A_1907 = arith.remsi %add3A_1878, %rem3A_1906 : i32
        %dma_start3A_1908 = arith.constant 0 : i32
        %dma_start3A_1909 = tpu.memref_slice %arg3[%add3A_1905, %rem3A_1907, %dma_start3A_1908] : memref<4x16x1000000xf32, #tpu.memory_space<hbm>> -> memref<1x1x1000000xf32, #tpu.memory_space<hbm>>
        %dma_start3A_1910 = tpu.memref_squeeze %dma_start3A_1909 : memref<1x1x1000000xf32, #tpu.memory_space<hbm>> -> memref<1000000xf32, #tpu.memory_space<hbm>>
        tpu.enqueue_dma source(%dma_start3A_1910 : memref<1000000xf32, #tpu.memory_space<hbm>>) target(%arg10 : memref<1000000xf32, #tpu.memory_space<vmem_shared>>) target_semaphore(%arg11 : memref<!tpu.dma_semaphore, #tpu.memory_space<semaphore_mem>>)
      } else {
      }
      %broadcast_in_dim3A = vector.broadcast %add3A_203 : i32 to vector<16xi32>
      %broadcast_in_dim3A_1822 = vector.broadcast %rem3A_200 : i32 to vector<16xi32>
      %gather3A = tpu.vector_load_idx %arg9[%broadcast_in_dim3A, %broadcast_in_dim3A_1822] : memref<4x16xf32, #tpu.memory_space<vmem>>[vector<16xi32>, vector<16xi32>], vector<16xf32>,
      %scan3A_1823 = arith.constant 0 : i32
      %scan3A_1824 = arith.constant 0 : i32
      %scan3A_1825 = arith.constant 100 : i32
      %scan3A_1826 = arith.addi %scan3A_1824, %scan3A_1825 : i32
      %scan3A_1827 = arith.constant 1 : i32
      scf.for %scan3A_1877 = %scan3A_1824 to %scan3A_1826 step %scan3A_1827  : i32 {
        %mul3A_1878 = arith.constant 128 : i32
        %mul3A_1879 = arith.muli %scan3A_1877, %mul3A_1878 : i32
        %add3A_1880 = arith.constant 0 : i32
        %add3A_1881 = arith.addi %mul3A_1879, %add3A_1880 : i32
        %get3A_1882 = arith.index_cast %add3A_1881 : i32 to index
        %get3A_1883 = tpu.vector_load %arg8[%get3A_1882] {strides = array<i32>} : memref<12800xf32, #tpu.memory_space<vmem>>, vector<16xf32>,
        %mul3A_1884 = arith.mulf %get3A_1883, %gather3A : vector<16xf32>
        %swap3A_1885 = arith.index_cast %add3A_1881 : i32 to index
        %swap3A_1886 = tpu.vector_load %arg8[%swap3A_1885] {strides = array<i32>} : memref<12800xf32, #tpu.memory_space<vmem>>, vector<16xf32>,
        tpu.vector_store %arg8[%swap3A_1885], %mul3A_1884 {strides = array<i32>} : memref<12800xf32, #tpu.memory_space<vmem>>, vector<16xf32>,
        %mul3A_1887 = arith.constant 128 : i32
        %mul3A_1888 = arith.muli %scan3A_1877, %mul3A_1887 : i32
        %add3A_1889 = arith.constant 16 : i32
        %add3A_1890 = arith.addi %mul3A_1888, %add3A_1889 : i32
        %get3A_1891 = arith.index_cast %add3A_1890 : i32 to index
        %get3A_1892 = tpu.vector_load %arg8[%get3A_1891] {strides = array<i32>} : memref<12800xf32, #tpu.memory_space<vmem>>, vector<16xf32>,
        %mul3A_1893 = arith.mulf %get3A_1892, %gather3A : vector<16xf32>
        %swap3A_1894 = arith.index_cast %add3A_1890 : i32 to index
        %swap3A_1895 = tpu.vector_load %arg8[%swap3A_1894] {strides = array<i32>} : memref<12800xf32, #tpu.memory_space<vmem>>, vector<16xf32>,
        tpu.vector_store %arg8[%swap3A_1894], %mul3A_1893 {strides = array<i32>} : memref<12800xf32, #tpu.memory_space<vmem>>, vector<16xf32>,
        %mul3A_1896 = arith.constant 128 : i32
        %mul3A_1897 = arith.muli %scan3A_1877, %mul3A_1896 : i32
        %add3A_1898 = arith.constant 32 : i32
        %add3A_1899 = arith.addi %mul3A_1897, %add3A_1898 : i32
        %get3A_1900 = arith.index_cast %add3A_1899 : i32 to index
        %get3A_1901 = tpu.vector_load %arg8[%get3A_1900] {strides = array<i32>} : memref<12800xf32, #tpu.memory_space<vmem>>, vector<16xf32>,
        %mul3A_1902 = arith.mulf %get3A_1901, %gather3A : vector<16xf32>
        %swap3A_1903 = arith.index_cast %add3A_1899 : i32 to index
        %swap3A_1904 = tpu.vector_load %arg8[%swap3A_1903] {strides = array<i32>} : memref<12800xf32, #tpu.memory_space<vmem>>, vector<16xf32>,
        tpu.vector_store %arg8[%swap3A_1903], %mul3A_1902 {strides = array<i32>} : memref<12800xf32, #tpu.memory_space<vmem>>, vector<16xf32>,
        %mul3A_1905 = arith.constant 128 : i32
        %mul3A_1906 = arith.muli %scan3A_1877, %mul3A_1905 : i32
        %add3A_1907 = arith.constant 48 : i32
        %add3A_1908 = arith.addi %mul3A_1906, %add3A_1907 : i32
        %get3A_1909 = arith.index_cast %add3A_1908 : i32 to index
        %get3A_1910 = tpu.vector_load %arg8[%get3A_1909] {strides = array<i32>} : memref<12800xf32, #tpu.memory_space<vmem>>, vector<16xf32>,
        %mul3A_1911 = arith.mulf %get3A_1910, %gather3A : vector<16xf32>
        %swap3A_1912 = arith.index_cast %add3A_1908 : i32 to index
        %swap3A_1913 = tpu.vector_load %arg8[%swap3A_1912] {strides = array<i32>} : memref<12800xf32, #tpu.memory_space<vmem>>, vector<16xf32>,
        tpu.vector_store %arg8[%swap3A_1912], %mul3A_1911 {strides = array<i32>} : memref<12800xf32, #tpu.memory_space<vmem>>, vector<16xf32>,
        %mul3A_1914 = arith.constant 128 : i32
        %mul3A_1915 = arith.muli %scan3A_1877, %mul3A_1914 : i32
        %add3A_1916 = arith.constant 64 : i32
        %add3A_1917 = arith.addi %mul3A_1915, %add3A_1916 : i32
        %get3A_1918 = arith.index_cast %add3A_1917 : i32 to index
        %get3A_1919 = tpu.vector_load %arg8[%get3A_1918] {strides = array<i32>} : memref<12800xf32, #tpu.memory_space<vmem>>, vector<16xf32>,
        %mul3A_1920 = arith.mulf %get3A_1919, %gather3A : vector<16xf32>
        %swap3A_1921 = arith.index_cast %add3A_1917 : i32 to index
        %swap3A_1922 = tpu.vector_load %arg8[%swap3A_1921] {strides = array<i32>} : memref<12800xf32, #tpu.memory_space<vmem>>, vector<16xf32>,
        tpu.vector_store %arg8[%swap3A_1921], %mul3A_1920 {strides = array<i32>} : memref<12800xf32, #tpu.memory_space<vmem>>, vector<16xf32>,
        %mul3A_1923 = arith.constant 128 : i32
        %mul3A_1924 = arith.muli %scan3A_1877, %mul3A_1923 : i32
        %add3A_1925 = arith.constant 80 : i32
        %add3A_1926 = arith.addi %mul3A_1924, %add3A_1925 : i32
        %get3A_1927 = arith.index_cast %add3A_1926 : i32 to index
        %get3A_1928 = tpu.vector_load %arg8[%get3A_1927] {strides = array<i32>} : memref<12800xf32, #tpu.memory_space<vmem>>, vector<16xf32>,
        %mul3A_1929 = arith.mulf %get3A_1928, %gather3A : vector<16xf32>
        %swap3A_1930 = arith.index_cast %add3A_1926 : i32 to index
        %swap3A_1931 = tpu.vector_load %arg8[%swap3A_1930] {strides = array<i32>} : memref<12800xf32, #tpu.memory_space<vmem>>, vector<16xf32>,
        tpu.vector_store %arg8[%swap3A_1930], %mul3A_1929 {strides = array<i32>} : memref<12800xf32, #tpu.memory_space<vmem>>, vector<16xf32>,
        %mul3A_1932 = arith.constant 128 : i32
        %mul3A_1933 = arith.muli %scan3A_1877, %mul3A_1932 : i32
        %add3A_1934 = arith.constant 96 : i32
        %add3A_1935 = arith.addi %mul3A_1933, %add3A_1934 : i32
        %get3A_1936 = arith.index_cast %add3A_1935 : i32 to index
        %get3A_1937 = tpu.vector_load %arg8[%get3A_1936] {strides = array<i32>} : memref<12800xf32, #tpu.memory_space<vmem>>, vector<16xf32>,
        %mul3A_1938 = arith.mulf %get3A_1937, %gather3A : vector<16xf32>
        %swap3A_1939 = arith.index_cast %add3A_1935 : i32 to index
        %swap3A_1940 = tpu.vector_load %arg8[%swap3A_1939] {strides = array<i32>} : memref<12800xf32, #tpu.memory_space<vmem>>, vector<16xf32>,
        tpu.vector_store %arg8[%swap3A_1939], %mul3A_1938 {strides = array<i32>} : memref<12800xf32, #tpu.memory_space<vmem>>, vector<16xf32>,
        %mul3A_1941 = arith.constant 128 : i32
        %mul3A_1942 = arith.muli %scan3A_1877, %mul3A_1941 : i32
        %add3A_1943 = arith.constant 112 : i32
        %add3A_1944 = arith.addi %mul3A_1942, %add3A_1943 : i32
        %get3A_1945 = arith.index_cast %add3A_1944 : i32 to index
        %get3A_1946 = tpu.vector_load %arg8[%get3A_1945] {strides = array<i32>} : memref<12800xf32, #tpu.memory_space<vmem>>, vector<16xf32>,
        %mul3A_1947 = arith.mulf %get3A_1946, %gather3A : vector<16xf32>
        %swap3A_1948 = arith.index_cast %add3A_1944 : i32 to index
        %swap3A_1949 = tpu.vector_load %arg8[%swap3A_1948] {strides = array<i32>} : memref<12800xf32, #tpu.memory_space<vmem>>, vector<16xf32>,
        tpu.vector_store %arg8[%swap3A_1948], %mul3A_1947 {strides = array<i32>} : memref<12800xf32, #tpu.memory_space<vmem>>, vector<16xf32>,
      }
      %scan3A_1828 = arith.constant 100 : i32
      %mul3A_1829 = arith.constant 12800 : i32
      %mul3A_1830 = arith.muli %arg1, %mul3A_1829 : i32
      %add3A_1831 = arith.constant 0 : i32
      %add3A_1832 = arith.addi %mul3A_1830, %add3A_1831 : i32
      %dma_start3A_1833 = arith.constant 0 : i32
      %dma_start3A_1834 = tpu.memref_slice %arg8[%dma_start3A_1833] : memref<12800xf32, #tpu.memory_space<vmem>> -> memref<3200xf32, #tpu.memory_space<vmem>>
      %dma_start3A_1835 = tpu.memref_slice %arg5[%add3A_203, %rem3A_200, %add3A_1832] : memref<4x16x204800xf32, #tpu.memory_space<hbm>> -> memref<1x1x3200xf32, #tpu.memory_space<hbm>>
      %dma_start3A_1836 = tpu.memref_squeeze %dma_start3A_1835 : memref<1x1x3200xf32, #tpu.memory_space<hbm>> -> memref<3200xf32, #tpu.memory_space<hbm>>
      %dma_start3A_1837 = tpu.memref_slice %arg5[%add3A_203, %rem3A_200, %add3A_1832] : memref<4x16x204800xf32, #tpu.memory_space<hbm>> -> memref<1x1x3200xf32, #tpu.memory_space<hbm>>
      %dma_start3A_1838 = tpu.memref_squeeze %dma_start3A_1837 : memref<1x1x3200xf32, #tpu.memory_space<hbm>> -> memref<3200xf32, #tpu.memory_space<hbm>>
      %dma_start3A_1839 = arith.constant 0 : i32
      %dma_start3A_1840 = tpu.memref_slice %arg8[%dma_start3A_1839] : memref<12800xf32, #tpu.memory_space<vmem>> -> memref<3200xf32, #tpu.memory_space<vmem>>
      tpu.enqueue_dma source(%dma_start3A_1840 : memref<3200xf32, #tpu.memory_space<vmem>>) target(%dma_start3A_1838 : memref<3200xf32, #tpu.memory_space<hbm>>) target_semaphore(%arg13 : memref<!tpu.dma_semaphore, #tpu.memory_space<semaphore_mem>>)
      %mul3A_1841 = arith.constant 12800 : i32
      %mul3A_1842 = arith.muli %arg1, %mul3A_1841 : i32
      %add3A_1843 = arith.constant 3200 : i32
      %add3A_1844 = arith.addi %mul3A_1842, %add3A_1843 : i32
      %dma_start3A_1845 = arith.constant 3200 : i32
      %dma_start3A_1846 = tpu.memref_slice %arg8[%dma_start3A_1845] : memref<12800xf32, #tpu.memory_space<vmem>> -> memref<3200xf32, #tpu.memory_space<vmem>>
      %dma_start3A_1847 = tpu.memref_slice %arg5[%add3A_203, %rem3A_200, %add3A_1844] : memref<4x16x204800xf32, #tpu.memory_space<hbm>> -> memref<1x1x3200xf32, #tpu.memory_space<hbm>>
      %dma_start3A_1848 = tpu.memref_squeeze %dma_start3A_1847 : memref<1x1x3200xf32, #tpu.memory_space<hbm>> -> memref<3200xf32, #tpu.memory_space<hbm>>
      %dma_start3A_1849 = tpu.memref_slice %arg5[%add3A_203, %rem3A_200, %add3A_1844] : memref<4x16x204800xf32, #tpu.memory_space<hbm>> -> memref<1x1x3200xf32, #tpu.memory_space<hbm>>
      %dma_start3A_1850 = tpu.memref_squeeze %dma_start3A_1849 : memref<1x1x3200xf32, #tpu.memory_space<hbm>> -> memref<3200xf32, #tpu.memory_space<hbm>>
      %dma_start3A_1851 = arith.constant 3200 : i32
      %dma_start3A_1852 = tpu.memref_slice %arg8[%dma_start3A_1851] : memref<12800xf32, #tpu.memory_space<vmem>> -> memref<3200xf32, #tpu.memory_space<vmem>>
      tpu.enqueue_dma source(%dma_start3A_1852 : memref<3200xf32, #tpu.memory_space<vmem>>) target(%dma_start3A_1850 : memref<3200xf32, #tpu.memory_space<hbm>>) target_semaphore(%arg13 : memref<!tpu.dma_semaphore, #tpu.memory_space<semaphore_mem>>)
      %mul3A_1853 = arith.constant 12800 : i32
      %mul3A_1854 = arith.muli %arg1, %mul3A_1853 : i32
      %add3A_1855 = arith.constant 6400 : i32
      %add3A_1856 = arith.addi %mul3A_1854, %add3A_1855 : i32
      %dma_start3A_1857 = arith.constant 6400 : i32
      %dma_start3A_1858 = tpu.memref_slice %arg8[%dma_start3A_1857] : memref<12800xf32, #tpu.memory_space<vmem>> -> memref<3200xf32, #tpu.memory_space<vmem>>
      %dma_start3A_1859 = tpu.memref_slice %arg5[%add3A_203, %rem3A_200, %add3A_1856] : memref<4x16x204800xf32, #tpu.memory_space<hbm>> -> memref<1x1x3200xf32, #tpu.memory_space<hbm>>
      %dma_start3A_1860 = tpu.memref_squeeze %dma_start3A_1859 : memref<1x1x3200xf32, #tpu.memory_space<hbm>> -> memref<3200xf32, #tpu.memory_space<hbm>>
      %dma_start3A_1861 = tpu.memref_slice %arg5[%add3A_203, %rem3A_200, %add3A_1856] : memref<4x16x204800xf32, #tpu.memory_space<hbm>> -> memref<1x1x3200xf32, #tpu.memory_space<hbm>>
      %dma_start3A_1862 = tpu.memref_squeeze %dma_start3A_1861 : memref<1x1x3200xf32, #tpu.memory_space<hbm>> -> memref<3200xf32, #tpu.memory_space<hbm>>
      %dma_start3A_1863 = arith.constant 6400 : i32
      %dma_start3A_1864 = tpu.memref_slice %arg8[%dma_start3A_1863] : memref<12800xf32, #tpu.memory_space<vmem>> -> memref<3200xf32, #tpu.memory_space<vmem>>
      tpu.enqueue_dma source(%dma_start3A_1864 : memref<3200xf32, #tpu.memory_space<vmem>>) target(%dma_start3A_1862 : memref<3200xf32, #tpu.memory_space<hbm>>) target_semaphore(%arg13 : memref<!tpu.dma_semaphore, #tpu.memory_space<semaphore_mem>>)
      %mul3A_1865 = arith.constant 12800 : i32
      %mul3A_1866 = arith.muli %arg1, %mul3A_1865 : i32
      %add3A_1867 = arith.constant 9600 : i32
      %add3A_1868 = arith.addi %mul3A_1866, %add3A_1867 : i32
      %dma_start3A_1869 = arith.constant 9600 : i32
      %dma_start3A_1870 = tpu.memref_slice %arg8[%dma_start3A_1869] : memref<12800xf32, #tpu.memory_space<vmem>> -> memref<3200xf32, #tpu.memory_space<vmem>>
      %dma_start3A_1871 = tpu.memref_slice %arg5[%add3A_203, %rem3A_200, %add3A_1868] : memref<4x16x204800xf32, #tpu.memory_space<hbm>> -> memref<1x1x3200xf32, #tpu.memory_space<hbm>>
      %dma_start3A_1872 = tpu.memref_squeeze %dma_start3A_1871 : memref<1x1x3200xf32, #tpu.memory_space<hbm>> -> memref<3200xf32, #tpu.memory_space<hbm>>
      %dma_start3A_1873 = tpu.memref_slice %arg5[%add3A_203, %rem3A_200, %add3A_1868] : memref<4x16x204800xf32, #tpu.memory_space<hbm>> -> memref<1x1x3200xf32, #tpu.memory_space<hbm>>
      %dma_start3A_1874 = tpu.memref_squeeze %dma_start3A_1873 : memref<1x1x3200xf32, #tpu.memory_space<hbm>> -> memref<3200xf32, #tpu.memory_space<hbm>>
      %dma_start3A_1875 = arith.constant 9600 : i32
      %dma_start3A_1876 = tpu.memref_slice %arg8[%dma_start3A_1875] : memref<12800xf32, #tpu.memory_space<vmem>> -> memref<3200xf32, #tpu.memory_space<vmem>>
      tpu.enqueue_dma source(%dma_start3A_1876 : memref<3200xf32, #tpu.memory_space<vmem>>) target(%dma_start3A_1874 : memref<3200xf32, #tpu.memory_space<hbm>>) target_semaphore(%arg13 : memref<!tpu.dma_semaphore, #tpu.memory_space<semaphore_mem>>)
    }
    %scan3A_123 = arith.constant 32 : i32
    %mul3A_124 = arith.constant 12800 : i32
    %mul3A_125 = arith.muli %arg1, %mul3A_124 : i32
    %add3A_126 = arith.constant 0 : i32
    %add3A_127 = arith.addi %mul3A_125, %add3A_126 : i32
    %dma_wait3A = arith.constant 0 : i32
    %dma_wait3A_128 = arith.constant 0 : i32
    %dma_wait3A_129 = arith.constant 0 : i32
    %dma_wait3A_130 = tpu.memref_slice %arg8[%dma_wait3A_129] : memref<12800xf32, #tpu.memory_space<vmem>> -> memref<3200xf32, #tpu.memory_space<vmem>>
    %dma_wait3A_131 = tpu.memref_slice %arg5[%dma_wait3A, %dma_wait3A_128, %add3A_127] : memref<4x16x204800xf32, #tpu.memory_space<hbm>> -> memref<1x1x3200xf32, #tpu.memory_space<hbm>>
    %dma_wait3A_132 = tpu.memref_squeeze %dma_wait3A_131 : memref<1x1x3200xf32, #tpu.memory_space<hbm>> -> memref<3200xf32, #tpu.memory_space<hbm>>
    %dma_wait3A_133 = tpu.memref_slice %arg5[%dma_wait3A, %dma_wait3A_128, %add3A_127] : memref<4x16x204800xf32, #tpu.memory_space<hbm>> -> memref<1x1x3200xf32, #tpu.memory_space<hbm>>
    %dma_wait3A_134 = tpu.memref_squeeze %dma_wait3A_133 : memref<1x1x3200xf32, #tpu.memory_space<hbm>> -> memref<3200xf32, #tpu.memory_space<hbm>>
    %dma_wait3A_135 = arith.constant 0 : i32
    %dma_wait3A_136 = tpu.memref_slice %arg8[%dma_wait3A_135] : memref<12800xf32, #tpu.memory_space<vmem>> -> memref<3200xf32, #tpu.memory_space<vmem>>
    tpu.wait_dma2 semaphore(%arg13 : memref<!tpu.dma_semaphore, #tpu.memory_space<semaphore_mem>>) src(%dma_wait3A_136 : memref<3200xf32, #tpu.memory_space<vmem>>) dst(%dma_wait3A_134 : memref<3200xf32, #tpu.memory_space<hbm>>)
    %mul3A_137 = arith.constant 12800 : i32
    %mul3A_138 = arith.muli %arg1, %mul3A_137 : i32
    %add3A_139 = arith.constant 3200 : i32
    %add3A_140 = arith.addi %mul3A_138, %add3A_139 : i32
    %dma_wait3A_141 = arith.constant 0 : i32
    %dma_wait3A_142 = arith.constant 0 : i32
    %dma_wait3A_143 = arith.constant 3200 : i32
    %dma_wait3A_144 = tpu.memref_slice %arg8[%dma_wait3A_143] : memref<12800xf32, #tpu.memory_space<vmem>> -> memref<3200xf32, #tpu.memory_space<vmem>>
    %dma_wait3A_145 = tpu.memref_slice %arg5[%dma_wait3A_141, %dma_wait3A_142, %add3A_140] : memref<4x16x204800xf32, #tpu.memory_space<hbm>> -> memref<1x1x3200xf32, #tpu.memory_space<hbm>>
    %dma_wait3A_146 = tpu.memref_squeeze %dma_wait3A_145 : memref<1x1x3200xf32, #tpu.memory_space<hbm>> -> memref<3200xf32, #tpu.memory_space<hbm>>
    %dma_wait3A_147 = tpu.memref_slice %arg5[%dma_wait3A_141, %dma_wait3A_142, %add3A_140] : memref<4x16x204800xf32, #tpu.memory_space<hbm>> -> memref<1x1x3200xf32, #tpu.memory_space<hbm>>
    %dma_wait3A_148 = tpu.memref_squeeze %dma_wait3A_147 : memref<1x1x3200xf32, #tpu.memory_space<hbm>> -> memref<3200xf32, #tpu.memory_space<hbm>>
    %dma_wait3A_149 = arith.constant 3200 : i32
    %dma_wait3A_150 = tpu.memref_slice %arg8[%dma_wait3A_149] : memref<12800xf32, #tpu.memory_space<vmem>> -> memref<3200xf32, #tpu.memory_space<vmem>>
    tpu.wait_dma2 semaphore(%arg13 : memref<!tpu.dma_semaphore, #tpu.memory_space<semaphore_mem>>) src(%dma_wait3A_150 : memref<3200xf32, #tpu.memory_space<vmem>>) dst(%dma_wait3A_148 : memref<3200xf32, #tpu.memory_space<hbm>>)
    %mul3A_151 = arith.constant 12800 : i32
    %mul3A_152 = arith.muli %arg1, %mul3A_151 : i32
    %add3A_153 = arith.constant 6400 : i32
    %add3A_154 = arith.addi %mul3A_152, %add3A_153 : i32
    %dma_wait3A_155 = arith.constant 0 : i32
    %dma_wait3A_156 = arith.constant 0 : i32
    %dma_wait3A_157 = arith.constant 6400 : i32
    %dma_wait3A_158 = tpu.memref_slice %arg8[%dma_wait3A_157] : memref<12800xf32, #tpu.memory_space<vmem>> -> memref<3200xf32, #tpu.memory_space<vmem>>
    %dma_wait3A_159 = tpu.memref_slice %arg5[%dma_wait3A_155, %dma_wait3A_156, %add3A_154] : memref<4x16x204800xf32, #tpu.memory_space<hbm>> -> memref<1x1x3200xf32, #tpu.memory_space<hbm>>
    %dma_wait3A_160 = tpu.memref_squeeze %dma_wait3A_159 : memref<1x1x3200xf32, #tpu.memory_space<hbm>> -> memref<3200xf32, #tpu.memory_space<hbm>>
    %dma_wait3A_161 = tpu.memref_slice %arg5[%dma_wait3A_155, %dma_wait3A_156, %add3A_154] : memref<4x16x204800xf32, #tpu.memory_space<hbm>> -> memref<1x1x3200xf32, #tpu.memory_space<hbm>>
    %dma_wait3A_162 = tpu.memref_squeeze %dma_wait3A_161 : memref<1x1x3200xf32, #tpu.memory_space<hbm>> -> memref<3200xf32, #tpu.memory_space<hbm>>
    %dma_wait3A_163 = arith.constant 6400 : i32
    %dma_wait3A_164 = tpu.memref_slice %arg8[%dma_wait3A_163] : memref<12800xf32, #tpu.memory_space<vmem>> -> memref<3200xf32, #tpu.memory_space<vmem>>
    tpu.wait_dma2 semaphore(%arg13 : memref<!tpu.dma_semaphore, #tpu.memory_space<semaphore_mem>>) src(%dma_wait3A_164 : memref<3200xf32, #tpu.memory_space<vmem>>) dst(%dma_wait3A_162 : memref<3200xf32, #tpu.memory_space<hbm>>)
    %mul3A_165 = arith.constant 12800 : i32
    %mul3A_166 = arith.muli %arg1, %mul3A_165 : i32
    %add3A_167 = arith.constant 9600 : i32
    %add3A_168 = arith.addi %mul3A_166, %add3A_167 : i32
    %dma_wait3A_169 = arith.constant 0 : i32
    %dma_wait3A_170 = arith.constant 0 : i32
    %dma_wait3A_171 = arith.constant 9600 : i32
    %dma_wait3A_172 = tpu.memref_slice %arg8[%dma_wait3A_171] : memref<12800xf32, #tpu.memory_space<vmem>> -> memref<3200xf32, #tpu.memory_space<vmem>>
    %dma_wait3A_173 = tpu.memref_slice %arg5[%dma_wait3A_169, %dma_wait3A_170, %add3A_168] : memref<4x16x204800xf32, #tpu.memory_space<hbm>> -> memref<1x1x3200xf32, #tpu.memory_space<hbm>>
    %dma_wait3A_174 = tpu.memref_squeeze %dma_wait3A_173 : memref<1x1x3200xf32, #tpu.memory_space<hbm>> -> memref<3200xf32, #tpu.memory_space<hbm>>
    %dma_wait3A_175 = tpu.memref_slice %arg5[%dma_wait3A_169, %dma_wait3A_170, %add3A_168] : memref<4x16x204800xf32, #tpu.memory_space<hbm>> -> memref<1x1x3200xf32, #tpu.memory_space<hbm>>
    %dma_wait3A_176 = tpu.memref_squeeze %dma_wait3A_175 : memref<1x1x3200xf32, #tpu.memory_space<hbm>> -> memref<3200xf32, #tpu.memory_space<hbm>>
    %dma_wait3A_177 = arith.constant 9600 : i32
    %dma_wait3A_178 = tpu.memref_slice %arg8[%dma_wait3A_177] : memref<12800xf32, #tpu.memory_space<vmem>> -> memref<3200xf32, #tpu.memory_space<vmem>>
    tpu.wait_dma2 semaphore(%arg13 : memref<!tpu.dma_semaphore, #tpu.memory_space<semaphore_mem>>) src(%dma_wait3A_178 : memref<3200xf32, #tpu.memory_space<vmem>>) dst(%dma_wait3A_176 : memref<3200xf32, #tpu.memory_space<hbm>>)
    return
  }
}

</mosaic_0001>

<sc_bundles>
// kernel: kernel.3.cloned.1.call-start
scs
__scs_entry_jumppad:
0x0: {  	(pc) =	sbr.rel $0x88, $3  }
0x1: {  	(tag) =	ssettag $0x0;
	lr =	simm.s32 $0x1  }
0x2: {  	[smem:$0x3F9D] =	sst lr;
	_ =	strace $0xD0000000  }
0x3: {  	_ = 	snop  }
0x4: {  	_ = 	snop  }
0x5: {  	_ = 	snop  }
0x6: {  	_ = 	snop  }
0x7: {  	_ = 	snop  }
__scs_overlays_trampoline_lowered:
0x8: {  	[smem:$0x3FAC] =	sst s0  }
0x9: {  	[smem:$0x3FAD] =	sst s1  }
0xa: {  	[smem:$0x3FAE] =	sst s2  }
0xb: {  	[smem:$0x3FAF] =	sst s3  }
0xc: {  	[smem:$0x3FB0] =	sst s4  }
0xd: {  	[smem:$0x3FB1] =	sst s5  }
0xe: {  	[smem:$0x3FB2] =	sst s6  }
0xf: {  	[smem:$0x3FB3] =	sst s7  }
0x10: {  	[smem:$0x3FB4] =	sst s8  }
0x11: {  	[smem:$0x3FB5] =	sst s9;
	s0 =	simm.s32 @!p0 $0x0  }
0x12: {  	s1 =	sld [smem:$0x3F9B];
	s0 =	simm.s32 @p0 $0x1  }
0x13: {  	[smem:$0x3FB6] =	sst s0;
	s0 =	simm.s32 @!p1 $0x0  }
0x14: {  	s2 =	sld [smem:$0x3F9A];
	s0 =	simm.s32 @p1 $0x1  }
0x15: {  	[smem:$0x3FB7] =	sst s0;
	s0 =	simm.s32 @!p2 $0x0  }
0x16: {  	s3 =	sld [smem:$0x3FDB];
	s0 =	simm.s32 @p2 $0x1  }
0x17: {  	s4 =	simm.s32 $0x1BF5;
	[smem:$0x3FB9] =	sst s0  }
0x18: {  	s0 =	sld [smem:$0x3F9C];
	_ =	swait.ge [sflag:s4], $0x0  }
0x19: {  	s7 =	sld [smem:$0x3F9D]  }
0x1a: {  	s8 =	sadd.s32 $0xFFFFE003, lr  }
0x1b: {  	s9 =	sadd.s32 $0xFFFFFEF7, lr;
	s5 =	simm.s32 $0xFFFFFFFF;
	p2 =	slt.u32 s8, $0xFFFFF086  }
0x1c: {  	p1 =	slt.u32 s9, $0xF7A;
	s5 =	simm.s32 @!p2 $0x0  }
0x1d: {  	s5 =	simm.s32 @p1 $0x1;
	p0 =	seq.s32 s7, s2  }
0x1e: {  	s7 =	smul.u32 @!p0 $0xF7A, s2;
	p2 =	seq.s32 @!p0 s5, $0x0  }
0x1f: {  	s9 =	smul.u32 $0xF7A, s1;
	s8 =	simm.s32 @!p0 $0x1BF5;
	p2 =	por !p2, p0  }
0x20: {  	[sflag:s8] =	ssyncset.s32 @!p0 $0xFFFFF086;
	s6 =	sadd.s32 @!p0 s3, s7;
	s7 =	simm.s32 @!p0 $0x108  }
0x21: {  	s3 =	sadd.s32 s3, s9;
	s6 =	sadd.s32 @!p0 $0x88, s6;
	s7 =	simm.s32 @p2 $0x1082  }
0x22: {  	[simem:s7], [sflag:s8] =	dma.local @!p0 [hbm:s6], $0xF7A  }
0x23: {  	s9 =	sor.u32 $0xD0000000, s2;
	s6 =	simm.s32 $0x108;
	_ =	swait.ge @!p0 [sflag:s8], $0x0  }
0x24: {  	s3 =	sadd.s32 $0x88, s3;
	s6 =	simm.s32 @!p1 $0x1082;
	[sflag:s4] =	ssyncset.s32 $0xFFFFF086  }
0x25: {  	[simem:s6], [sflag:s4] =	dma.local [hbm:s3], $0xF7A  }
0x26: {  	[smem:$0x3F9D] =	sst s1;
	(tag) =	ssettag s2;
	_ =	strace s9  }
0x27: {  	s1 =	sld [smem:$0x3FAD]  }
0x28: {  	s2 =	sld [smem:$0x3FAE]  }
0x29: {  	s4 =	sld [smem:$0x3FB0]  }
0x2a: {  	p0 =	seq.s32 s5, $0x0;
	s5 =	sld [smem:$0x3FB1]  }
0x2b: {  	s6 =	sld [smem:$0x3FB2]  }
0x2c: {  	s7 =	sld [smem:$0x3FB3]  }
0x2d: {  	s3 =	simm.s32 $0x108;
	s8 =	sld [smem:$0x3FB4]  }
0x2e: {  	s3 =	simm.s32 @!p0 $0x1082;
	s9 =	sld [smem:$0x3FB5]  }
0x2f: {  	lr =	sadd.s32 s0, s3;
	s0 =	sld [smem:$0x3FAC]  }
0x30: {  	s3 =	sld [smem:$0x3FAF]  }
0x31: {  	[smem:$0x3FB8] =	sst s10  }
0x32: {  	s10 =	sld [smem:$0x3FB6];
	_ =	sdelay $0x3  }
0x33: {  	p0 =	seq.s32 s10, $0x1;
	s10 =	sld [smem:$0x3FB8];
	_ =	sdelay $0x3  }
0x34: {  	[smem:$0x3FB8] =	sst s10  }
0x35: {  	s10 =	sld [smem:$0x3FB7];
	_ =	sdelay $0x3  }
0x36: {  	p1 =	seq.s32 s10, $0x1;
	s10 =	sld [smem:$0x3FB8];
	_ =	sdelay $0x3  }
0x37: {  	[smem:$0x3FB8] =	sst s10  }
0x38: {  	s10 =	sld [smem:$0x3FB9]  }
0x39: {  	_ = 	snop;
	(pc) =	sbr.ind lr, $3  }
0x3a: {  	_ = 	snop  }
0x3b: {  	_ = 	snop  }
0x3c: {  	p2 =	seq.s32 s10, $0x1;
	s10 =	sld [smem:$0x3FB8]  }
0x3d: {  	_ =	shalt  }
0x3e: {  	_ =	shalt  }
0x3f: {  	_ =	shalt  }
0x40: {  	_ =	shalt  }
0x41: {  	_ =	shalt  }
0x42: {  	_ =	shalt  }
0x43: {  	_ =	shalt  }
0x44: {  	_ =	shalt  }
0x45: {  	_ =	shalt  }
0x46: {  	_ =	shalt  }
0x47: {  	_ =	shalt  }
0x48: {  	_ =	shalt  }
0x49: {  	_ =	shalt  }
0x4a: {  	_ =	shalt  }
0x4b: {  	_ =	shalt  }
0x4c: {  	_ =	shalt  }
0x4d: {  	_ =	shalt  }
0x4e: {  	_ =	shalt  }
0x4f: {  	_ =	shalt  }
0x50: {  	_ =	shalt  }
0x51: {  	_ =	shalt  }
0x52: {  	_ =	shalt  }
0x53: {  	_ =	shalt  }
0x54: {  	_ =	shalt  }
0x55: {  	_ =	shalt  }
0x56: {  	_ =	shalt  }
0x57: {  	_ =	shalt  }
0x58: {  	_ =	shalt  }
0x59: {  	_ =	shalt  }
0x5a: {  	_ =	shalt  }
0x5b: {  	_ =	shalt  }
0x5c: {  	_ =	shalt  }
0x5d: {  	_ =	shalt  }
0x5e: {  	_ =	shalt  }
0x5f: {  	_ =	shalt  }
0x60: {  	_ =	shalt  }
0x61: {  	_ =	shalt  }
0x62: {  	_ =	shalt  }
0x63: {  	_ =	shalt  }
0x64: {  	_ =	shalt  }
0x65: {  	_ =	shalt  }
0x66: {  	_ =	shalt  }
0x67: {  	_ =	shalt  }
0x68: {  	_ =	shalt  }
0x69: {  	_ =	shalt  }
0x6a: {  	_ =	shalt  }
0x6b: {  	_ =	shalt  }
0x6c: {  	_ =	shalt  }
0x6d: {  	_ =	shalt  }
0x6e: {  	_ =	shalt  }
0x6f: {  	_ =	shalt  }
0x70: {  	_ =	shalt  }
0x71: {  	_ =	shalt  }
0x72: {  	_ =	shalt  }
0x73: {  	_ =	shalt  }
0x74: {  	_ =	shalt  }
0x75: {  	_ =	shalt  }
0x76: {  	_ =	shalt  }
0x77: {  	_ =	shalt  }
0x78: {  	_ =	shalt  }
0x79: {  	_ =	shalt  }
0x7a: {  	_ =	shalt  }
0x7b: {  	_ =	shalt  }
0x7c: {  	_ =	shalt  }
0x7d: {  	_ =	shalt  }
0x7e: {  	_ =	shalt  }
0x7f: {  	_ =	shalt  }
0x80: {  	_ =	shalt  }
0x81: {  	_ =	shalt  }
0x82: {  	_ =	shalt  }
0x83: {  	_ =	shalt  }
0x84: {  	_ =	shalt  }
0x85: {  	_ =	shalt  }
0x86: {  	_ =	shalt  }
0x87: {  	_ =	shalt  }
.Lfunc_end0:
.L_simem_size_0:
called_computation.1_lowered:
.L_overlay_start_0:
0x88: {  	s2 =	sld [smem:$0x3FD9]  }
0x89: {  	s3 =	sld [smem:$0x3FFE];
	_ =	sdelay $0x1  }
0x8a: {  	s1 =	srdreg.scid  }
0x8b: {  	s0 =	sand.u32 $0x1, s1  }
0x8c: {  	s17 =	sshll.u32 s0, $0xA;
	s2 =	sadd.s32 s3, s2  }
0x8d: {  	s2 =	sadd.s32 s2, s17  }
0x8e: {  	[smem:$0x3FC4] =	sst s2  }
0x8f: {  	_ = 	snop  }
0x90: {  	s2 =	sld [smem:$0x3FC7]  }
0x91: {  	s18 =	sld [smem:$0x3FC6]  }
0x92: {  	s4 =	sld [smem:$0x3FD0];
	(tm) =	ssettm $0x1  }
0x93: {  	s5 =	sld [smem:$0x3FFB];
	_ =	sdelay $0x3  }
0x94: {  	_ =	strace s5  }
0x95: {  	s5 =	sld [smem:$0x3FFC];
	_ =	sdelay $0x3  }
0x96: {  	_ =	strace s5  }
0x97: {  	s5 =	sld [smem:$0x3FFD];
	_ =	sdelay $0x3  }
0x98: {  	_ =	strace s5  }
0x99: {  	_ =	strace $0x8FFFFFFF  }
0x9a: {  	s19 =	sld [smem:$0x3FDB];
	_ =	sdelay $0x1  }
0x9b: {  	s6 =	simm.s32 $_scs_section_size  }
0x9c: {  	s7 =	simm.s32 $_size__tile_overlayer_lowered;
	s8 =	simm.s32 $_tile_overlayer_lowered  }
0x9d: {  	s22 =	simm.s32 $0x1BFF;
	s21 =	sshll.u32 s8, $0x1;
	s5 =	sadd.s32 s6, s19  }
0x9e: {  	s9 =	simm.s32 $0x0;
	s20 =	sshll.u32 s7, $0x1;
	s7 =	sadd.s32 s21, s5  }
0x9f: {  	[timem:s9], [sflag:s22] =	dma.local [hbm:s7], s20  }
0xa0: {  	_ =	swait.ge [sflag:s22], s20  }
0xa1: {  	s6 =	ssub.s32 $0x0, s20;
	[sflag:s22] =	ssyncset.done $0x0  }
0xa2: {  	[sflag:s22] =	ssyncadd.s32 s6;
	_ =	sdelay $0x1  }
0xa3: {  	s23 =	simm.s32 $0x1B8B  }
0xa4: {  	_ =	swait.ge [sflag:s23], $0x1  }
0xa5: {  	[sflag:s23] =	ssyncset.done $0x0  }
0xa6: {  	s25 =	simm.s32 $0x1B8E;
	s24 =	sld [smem:$0x3FFE];
	[sflag:s23] =	ssyncadd.s32 $0xFFFFFFFF  }
0xa7: {  	s26 =	simm.s32 $execute0_lowered;
	[smem:$0x3FD2] =	sst s25  }
0xa8: {  	s7 =	sshll.u32 s26, $0x1;
	_ =	strace $0x80000046;
	[dreg:$0x1] =	wrdreg $0xFFFFFFFF  }
0xa9: {  	s28 =	simm.s32 $_size_execute0_lowered;
	s5 =	sadd.s32 s5, s7;
	[dreg:$0x0] =	wrdreg $0x0  }
0xaa: {  	s7 =	sshll.u32 s28, $0x1;
	[dreg:$0x2] =	wrdreg s5  }
0xab: {  	[dreg:$0x3] =	wrdreg s7  }
0xac: {  	[dreg:$0x4] =	wrdreg $0xC0  }
0xad: {  	_ =	task [dreg:s9], $0x5FFFF  }
0xae: {  	[dreg:$0x1] =	wrdreg $0xFFFFFFFF  }
0xaf: {  	[dreg:$0x0] =	wrdreg $0x60  }
0xb0: {  	[dreg:$0x2] =	wrdreg s24  }
0xb1: {  	[dreg:$0x3] =	wrdreg s2  }
0xb2: {  	[dreg:$0x4] =	wrdreg s18  }
0xb3: {  	[dreg:$0x5] =	wrdreg s4  }
0xb4: {  	[dreg:$0x6] =	wrdreg $0xCC000  }
0xb5: {  	[dreg:$0x7] =	wrdreg $0x9  }
0xb6: {  	_ =	task.clear_ibuf [dreg:s9], $0x8FFFF;
	_ =	strace $0x90000046  }
0xb7: {  	s29 =	simm.s32 $0x9;
	_ =	strace $0x80000048  }
0xb8: {  	_ =	swait.ge [sflag:s29], $0x1  }
0xb9: {  	[sflag:s29] =	ssyncadd.s32 $0xFFFFFFFF  }
0xba: {  	_ =	strace $0x90000048  }
0xbb: {  	_ =	sfence  }
0xbc: {  	s30 =	sld [smem:$0x0];
	_ =	sdelay $0x2  }
0xbd: {  	s31 =	sshll.u32 s1, $0xD;
	s1 =	sshrl.u32 s1, $0x2  }
0xbe: {  	s3 =	sand.u32 $0x4000, s31;
	s1 =	sadd.s32 s1, s30  }
0xbf: {  	s0 =	sor.u32 s3, s0;
	s1 =	sshll.u32 s1, $0x11  }
0xc0: {  	s0 =	sor.u32 s1, s0  }
0xc1: {  	s0 =	sadd.s32 $0x8F2B, s0  }
0xc2: {  	[sflag:s0] =	ssyncadd.remote.s32 $0x1  }
0xc3: {  	_ =	sfence.sel $0xFFFF  }
0xc4: {  	[dreg:$0x0] =	wrdreg $0xFFFFFFFF;
	(pc) =	sbr.abs _section_cstart, $3  }
0xc5: {  	[dreg:$0x1] =	wrdreg $0xFFFFFFFF  }
0xc6: {  	_ =	task.clear_ibuf [dreg:s9], $0x2FFFF;
	_ =	strace $0x9FFFFFFF  }
0xc7: {  	(tm) =	ssettm $0x7FFFFFFF  }
tec
execute0_lowered:
.L_overlay_start_1:
0x0: {  	(tag) =	ssettag $0x1  }
0x1: {  	s0 =	rddreg [dreg:$0x0]  }
0x2: {  	s10 =	rddreg [dreg:$0x1]  }
0x3: {  	s3 =	rddreg [dreg:$0x3]  }
0x4: {  	s4 =	rddreg [dreg:$0x4]  }
0x5: {  	s2 =	stileid.u32;
	s1 =	srdreg.scid;
	s7 =	simm.s32 $0x0  }
0x6: {  	s14 =	simm.s32 $0xFDE;
	s21 =	simm.s32 $0x474;
	s24 =	simm.s32 $0x10B794  }
0x7: {  	s23 =	simm.s32 $0x8A0D;
	s25 =	simm.s32 $0x2063AED;
	s28 =	simm.s32 $0xA480  }
0x8: {  	s13 =	simm.s32 $0xBD80;
	s11 =	simm.s32 $0xC680;
	s12 =	simm.s32 $0xC700  }
0x9: {  	s15 =	simm.s32 $0xC800;
	s5 =	smul.u32 $0x680, s2;
	s6 =	sand.u32 $0x1, s1  }
0xa: {  	[smem:$0x7FF] =	sst s7;
	s1 =	ssub.s32 $0x2, s6;
	s16 =	smul.u32 $0x3D0A00, s6  }
0xb: {  	_ =	strace $0x80000047;
	p0 =	seq.s32 s6, $0x0;
	s7 =	sshll.u32 s6, $0x1  }
0xc: {  	s6 =	simm.s32 $0xB100;
	s0 =	sadd.s32 s5, s0;
	s5 =	simm.s32 $0x83  }
0xd: {  	s14 =	simm.s32 @!p0 $0x1043C;
	s21 =	simm.s32 @!p0 $0xC56;
	s23 =	simm.s32 @!p0 $0x17E6B  }
0xe: {  	s8 =	sshrl.u32 s1, $0x1;
	s24 =	simm.s32 @!p0 $0x2E4EF6;
	s25 =	simm.s32 @!p0 $0x59B8FCB  }
0xf: {  	s9 =	ssub.s32 s1, s8;
	s17 =	sadd.s32 s10, s16;
	s5 =	simm.s32 @!p0 $0x865  }
0x10: {  	s1 =	simm.s32 $0x1EBE3;
	s19 =	sadd.s32 $0x800, s0;
	[dreg:$0x6] =	wrdreg s17  }
0x11: {  	s8 =	smul.u32 $0x19000, s2;
	s20 =	sadd.s32 $0x8D0, s0;
	[dreg:$0x8] =	wrdreg s19  }
0x12: {  	s22 =	sadd.s32 $0x9A0, s0;
	s26 =	sadd.s32 $0xA70, s0;
	[dreg:$0x9] =	wrdreg s20  }
0x13: {  	s29 =	sadd.s32 $0xB40, s0;
	s30 =	sadd.s32 $0xC10, s0;
	[dreg:$0xa] =	wrdreg s22  }
0x14: {  	s31 =	sadd.s32 $0xCE0, s0;
	s0 =	sadd.s32 $0xDB0, s0;
	[dreg:$0xb] =	wrdreg s26  }
0x15: {  	v1 =	vmov s14;
	s14 =	simm.s32 $0xC780;
	s16 =	simm.s32 $0xC880;
	[dreg:$0xc] =	wrdreg s29  }
0x16: {  	v4 =	vmov s21;
	s21 =	simm.s32 $0xC980;
	v5 =	vmov s23;
	s23 =	simm.s32 $0x400;
	[dreg:$0xd] =	wrdreg s30  }
0x17: {  	s10 =	simm.s32 $0x0;
	s1 =	simm.s32 @!p0 $0x1F8345;
	[dreg:$0xe] =	wrdreg s31  }
0x18: {  	s17 =	simm.s32 $0x3B907E;
	s18 =	smax.u32 s9, $0x1;
	[dreg:$0xf] =	wrdreg s0  }
0x19: {  	v0 =	vmov s5;
	s5 =	simm.s32 $0x2;
	s17 =	simm.s32 @!p0 $0x3D0E55C;
	[dreg:$0x7] =	wrdreg s18  }
0x1a: {  	p0 =	sne.s32 s2, $0x0;
	s18 =	sadd.s32 $0x6400, s8;
	s19 =	sadd.s32 $0xC800, s8  }
0x1b: {  	v6 =	vmov s24;
	s20 =	sadd.s32 $0x12C00, s8;
	s2 =	simm.s32 $0x9800;
	s0 =	sshrl.u32 @!p0 s4, $0x3  }
0x1c: {  	v7 =	vmov s25;
	v2 =	vmov s1;
	v3 =	vmov s17;
	s17 =	simm.s32 $0xC900;
	[dreg:$0x10] =	wrdreg s0;
	s0 =	simm.s32 $0x80  }
.LBB2_1:
0x1d: {  	[dreg:$0x11] =	wrdreg s10  }
0x1e: {  	s1 =	simm.s32 @!p0 $0x1;
	s24 =	simm.s32 @!p0 $0x10;
	s9 =	rddreg [dreg:$0x6]  }
0x1f: {  	s25 =	simm.s32 @!p0 $0x80;
	s26 =	simm.s32 @!p0 $0x1C01;
	s10 =	rddreg [dreg:$0x10]  }
0x20: {  	[spmem:s10@s24], [sflag:s26] =	dma.strided @!p0 [hbm:s9@s25], $0x1E850, s1, $0x10   }
0x21: {  	s9 =	simm.s32 $0x0  }
0x22: {  	s26 =	simm.s32 $0xCA00;
	s10 =	simm.s32 $0x4;
	s1 =	rddreg [dreg:$0x2]  }
0x23: {  	[tilespmem:s26], [sflag:$0x4] =	stream.linear.gather [hbm4b:s1+s9], $0x200, $0x38;
	[tilespmem:$0x1C028] =	vst v63  }
0x24: {  	_ =	swait.ge [sflag:s10], $0x200  }
0x25: {  	[sflag:s10] =	ssyncset.done $0x0  }
0x26: {  	[sflag:s10] =	ssyncadd.s32 $0xFFFFFE00  }
0x27: {  	v8 =	vld [tilespmem:$0xCA00];
	_ =	sdelay $0x4  }
0x28: {  	v8 =	vsub.f32 $0.0e+00, v8;
	_ =	sdelay $0x1  }
0x29: {  	v8 =	vmul.f32 $1.442695020e+00, v8;
	_ =	sdelay $0x1  }
0x2a: {  	(erf) = vpow2.f32 v8;
	_ =	sdelay $0x3  }
0x2b: {  	v8 =	vld [tilespmem:$0xCA80];
	_ =	sdelay $0x4  }
0x2c: {  	v8 =	vsub.f32 $0.0e+00, v8;
	v9 =	vpop (erf)  }
0x2d: {  	v9 =	vadd.f32 $1.000000000e+00, v9  }
0x2e: {  	v8 =	vmul.f32 $1.442695020e+00, v8  }
0x2f: {  	(erf) = vrcp.f32 v9  }
0x30: {  	(erf) = vpow2.f32 v8;
	_ =	sdelay $0x3  }
0x31: {  	v8 =	vld [tilespmem:$0xCB00];
	_ =	sdelay $0x3  }
0x32: {  	v9 =	vpop (erf)  }
0x33: {  	v8 =	vsub.f32 $0.0e+00, v8;
	v10 =	vpop (erf)  }
0x34: {  	v10 =	vadd.f32 $1.000000000e+00, v10  }
0x35: {  	v8 =	vmul.f32 $1.442695020e+00, v8  }
0x36: {  	(erf) = vrcp.f32 v10  }
0x37: {  	(erf) = vpow2.f32 v8;
	_ =	sdelay $0x3  }
0x38: {  	v8 =	vld [tilespmem:$0xCB80];
	_ =	sdelay $0x3  }
0x39: {  	v10 =	vpop (erf)  }
0x3a: {  	v8 =	vsub.f32 $0.0e+00, v8;
	v11 =	vpop (erf)  }
0x3b: {  	v11 =	vadd.f32 $1.000000000e+00, v11  }
0x3c: {  	v8 =	vmul.f32 $1.442695020e+00, v8  }
0x3d: {  	(erf) = vrcp.f32 v11  }
0x3e: {  	(erf) = vpow2.f32 v8;
	_ =	sdelay $0x7  }
0x3f: {  	v8 =	vpop (erf)  }
0x40: {  	v63 =	vpop (erf)  }
0x41: {  	v11 =	vadd.f32 $1.000000000e+00, v63;
	_ =	sdelay $0x1  }
0x42: {  	(erf) = vrcp.f32 v11;
	_ =	sdelay $0x6  }
0x43: {  	[tilespmem:$0xCA00] =	vst v9  }
0x44: {  	[tilespmem:$0xCA80] =	vst v10  }
0x45: {  	[tilespmem:$0xCB00] =	vst v8;
	v8 =	vpop (erf)  }
0x46: {  	s30 =	rddreg [dreg:$0x8];
	[tilespmem:$0xCB80] =	vst v8  }
0x47: {  	[tilespmem:s9], [sflag:$0x4] =	stream.linear.gather [hbm4b:s30+s9], $0x680, $0x38;
	[tilespmem:$0x1C028] =	vst v63  }
0x48: {  	_ =	swait.ge [sflag:s10], $0x680  }
0x49: {  	[sflag:s10] =	ssyncset.done $0x0  }
0x4a: {  	s22 =	simm.s32 $0x680;
	s31 =	rddreg [dreg:$0x9];
	[sflag:s10] =	ssyncadd.s32 $0xFFFFF980  }
0x4b: {  	[tilespmem:s22], [sflag:$0x4] =	stream.linear.gather [hbm4b:s31+s9], $0x680, $0x38;
	[tilespmem:$0x1C028] =	vst v63  }
0x4c: {  	_ =	swait.ge [sflag:s10], $0x680  }
0x4d: {  	[sflag:s10] =	ssyncset.done $0x0  }
0x4e: {  	s24 =	simm.s32 $0xD00;
	s22 =	rddreg [dreg:$0xa];
	[sflag:s10] =	ssyncadd.s32 $0xFFFFF980  }
0x4f: {  	[tilespmem:s24], [sflag:$0x4] =	stream.linear.gather [hbm4b:s22+s9], $0x680, $0x38;
	[tilespmem:$0x1C028] =	vst v63  }
0x50: {  	_ =	swait.ge [sflag:s10], $0x680  }
0x51: {  	[sflag:s10] =	ssyncset.done $0x0  }
0x52: {  	s26 =	simm.s32 $0x1380;
	s25 =	rddreg [dreg:$0xb];
	[sflag:s10] =	ssyncadd.s32 $0xFFFFF980  }
0x53: {  	[tilespmem:s26], [sflag:$0x4] =	stream.linear.gather [hbm4b:s25+s9], $0x680, $0x38;
	[tilespmem:$0x1C028] =	vst v63  }
0x54: {  	_ =	swait.ge [sflag:s10], $0x680  }
0x55: {  	[sflag:s10] =	ssyncset.done $0x0  }
0x56: {  	s31 =	simm.s32 $0x1A00;
	s30 =	rddreg [dreg:$0xc];
	[sflag:s10] =	ssyncadd.s32 $0xFFFFF980  }
0x57: {  	[tilespmem:s31], [sflag:$0x4] =	stream.linear.gather [hbm4b:s30+s9], $0x680, $0x38;
	[tilespmem:$0x1C028] =	vst v63  }
0x58: {  	_ =	swait.ge [sflag:s10], $0x680  }
0x59: {  	[sflag:s10] =	ssyncset.done $0x0  }
0x5a: {  	s24 =	simm.s32 $0x2080;
	s22 =	rddreg [dreg:$0xd];
	[sflag:s10] =	ssyncadd.s32 $0xFFFFF980  }
0x5b: {  	[tilespmem:s24], [sflag:$0x4] =	stream.linear.gather [hbm4b:s22+s9], $0x680, $0x38;
	[tilespmem:$0x1C028] =	vst v63  }
0x5c: {  	_ =	swait.ge [sflag:s10], $0x680  }
0x5d: {  	[sflag:s10] =	ssyncset.done $0x0  }
0x5e: {  	s26 =	simm.s32 $0x2700;
	s25 =	rddreg [dreg:$0xe];
	[sflag:s10] =	ssyncadd.s32 $0xFFFFF980  }
0x5f: {  	[tilespmem:s26], [sflag:$0x4] =	stream.linear.gather [hbm4b:s25+s9], $0x680, $0x38;
	[tilespmem:$0x1C028] =	vst v63  }
0x60: {  	_ =	swait.ge [sflag:s10], $0x680  }
0x61: {  	[sflag:s10] =	ssyncset.done $0x0  }
0x62: {  	s31 =	simm.s32 $0x2D80;
	s30 =	rddreg [dreg:$0xf];
	[sflag:s10] =	ssyncadd.s32 $0xFFFFF980  }
0x63: {  	[tilespmem:s31], [sflag:$0x4] =	stream.linear.gather [hbm4b:s30+s9], $0x680, $0x38;
	[tilespmem:$0x1C028] =	vst v63  }
0x64: {  	_ =	swait.ge [sflag:s10], $0x680  }
0x65: {  	s29 =	simm.s32 $0x0;
	s24 =	simm.s32 $0x60;
	[sflag:s10] =	ssyncset.done $0x0  }
0x66: {  	s25 =	simm.s32 $0x3400;
	s26 =	simm.s32 $0x0;
	[sflag:s10] =	ssyncadd.s32 $0xFFFFF980  }
.LBB2_2:
0x67: {  	v8 =	vld [tilespmem:s24+$0xFFFFFFA3]  }
0x68: {  	v9 =	vld [tilespmem:s24+$0xFFFFFFA2]  }
0x69: {  	v10 =	vld [tilespmem:s24+$0xFFFFFFA1]  }
0x6a: {  	v11 =	vld [tilespmem:s24+$0xFFFFFFA0];
	_ =	sdelay $0x2  }
0x6b: {  	v12 =	vmul.u32 v0, v8;
	v13 =	vmul.u32 v1, v9  }
0x6c: {  	v14 =	vmul.u32 v2, v10;
	v8 =	vmul.u32 v4, v8;
	v9 =	vmul.u32 v5, v9  }
0x6d: {  	v48 =	vmul.u32 v3, v11;
	v10 =	vmul.u32 v6, v10;
	v12 =	vadd.s32 v12, v13  }
0x6e: {  	v49 =	vmul.u32 v7, v11;
	v8 =	vadd.s32 v8, v9;
	v12 =	vadd.s32 v14, v12  }
0x6f: {  	v8 =	vadd.s32 v10, v8;
	v50 =	vadd.s32 v48, v12  }
0x70: {  	v8 =	vadd.s32 v49, v8;
	v51 =	vmulhi.u32 $0x431BDE83, v50  }
0x71: {  	v9 =	vmulhi.u32 $0x431BDE83, v8  }
0x72: {  	v10 =	vshrl.u32 v51, $0x12  }
0x73: {  	v9 =	vshrl.u32 v9, $0x12;
	v10 =	vmul.u32 $0xF4240, v10  }
0x74: {  	v9 =	vmul.u32 $0xF4240, v9  }
0x75: {  	v10 =	vsub.s32 v50, v10  }
0x76: {  	s1 =	sand.u32 $0x3FF8, s26;
	v8 =	vsub.s32 v8, v9;
	[tilespmem:s25+$0x0] =	vst v10  }
0x77: {  	[tilespmem:s1+$0x6600] =	vst v8  }
0x78: {  	v8 =	vld [tilespmem:s24+$0xFFFFFFB3]  }
0x79: {  	v52 =	vld [tilespmem:s24+$0xFFFFFFB2]  }
0x7a: {  	v10 =	vld [tilespmem:s24+$0xFFFFFFB1]  }
0x7b: {  	v53 =	vld [tilespmem:s24+$0xFFFFFFB0];
	_ =	sdelay $0x2  }
0x7c: {  	v54 =	vmul.u32 v0, v8;
	v55 =	vmul.u32 v1, v52  }
0x7d: {  	v56 =	vmul.u32 v2, v10;
	v8 =	vmul.u32 v4, v8;
	v9 =	vmul.u32 v5, v52  }
0x7e: {  	v57 =	vmul.u32 v3, v53;
	v10 =	vmul.u32 v6, v10;
	v12 =	vadd.s32 v54, v55  }
0x7f: {  	v58 =	vmul.u32 v7, v53;
	v8 =	vadd.s32 v8, v9;
	v12 =	vadd.s32 v56, v12  }
0x80: {  	v8 =	vadd.s32 v10, v8;
	v59 =	vadd.s32 v57, v12  }
0x81: {  	v8 =	vadd.s32 v58, v8;
	v60 =	vmulhi.u32 $0x431BDE83, v59  }
0x82: {  	v9 =	vmulhi.u32 $0x431BDE83, v8  }
0x83: {  	v10 =	vshrl.u32 v60, $0x12  }
0x84: {  	v9 =	vshrl.u32 v9, $0x12;
	v10 =	vmul.u32 $0xF4240, v10  }
0x85: {  	v9 =	vmul.u32 $0xF4240, v9  }
0x86: {  	v10 =	vsub.s32 v59, v10  }
0x87: {  	v8 =	vsub.s32 v8, v9;
	[tilespmem:s25+$0x10] =	vst v10  }
0x88: {  	[tilespmem:s25+$0x3210] =	vst v8  }
0x89: {  	v8 =	vld [tilespmem:s24+$0xFFFFFFC3]  }
0x8a: {  	v61 =	vld [tilespmem:s24+$0xFFFFFFC2]  }
0x8b: {  	v10 =	vld [tilespmem:s24+$0xFFFFFFC1]  }
0x8c: {  	v62 =	vld [tilespmem:s24+$0xFFFFFFC0];
	_ =	sdelay $0x2  }
0x8d: {  	v63 =	vmul.u32 v0, v8;
	v16 =	vmul.u32 v1, v61  }
0x8e: {  	v17 =	vmul.u32 v2, v10;
	v8 =	vmul.u32 v4, v8;
	v9 =	vmul.u32 v5, v61  }
0x8f: {  	v18 =	vmul.u32 v3, v62;
	v10 =	vmul.u32 v6, v10;
	v12 =	vadd.s32 v63, v16  }
0x90: {  	v19 =	vmul.u32 v7, v62;
	v8 =	vadd.s32 v8, v9;
	v12 =	vadd.s32 v17, v12  }
0x91: {  	v8 =	vadd.s32 v10, v8;
	v20 =	vadd.s32 v18, v12  }
0x92: {  	v8 =	vadd.s32 v19, v8;
	v21 =	vmulhi.u32 $0x431BDE83, v20  }
0x93: {  	v9 =	vmulhi.u32 $0x431BDE83, v8  }
0x94: {  	v10 =	vshrl.u32 v21, $0x12  }
0x95: {  	v9 =	vshrl.u32 v9, $0x12;
	v10 =	vmul.u32 $0xF4240, v10  }
0x96: {  	v9 =	vmul.u32 $0xF4240, v9  }
0x97: {  	v10 =	vsub.s32 v20, v10  }
0x98: {  	v8 =	vsub.s32 v8, v9;
	[tilespmem:s25+$0x20] =	vst v10  }
0x99: {  	[tilespmem:s25+$0x3220] =	vst v8  }
0x9a: {  	v8 =	vld [tilespmem:s24+$0xFFFFFFD3]  }
0x9b: {  	v22 =	vld [tilespmem:s24+$0xFFFFFFD2]  }
0x9c: {  	v10 =	vld [tilespmem:s24+$0xFFFFFFD1]  }
0x9d: {  	v23 =	vld [tilespmem:s24+$0xFFFFFFD0];
	_ =	sdelay $0x2  }
0x9e: {  	v24 =	vmul.u32 v0, v8;
	v25 =	vmul.u32 v1, v22  }
0x9f: {  	v26 =	vmul.u32 v2, v10;
	v8 =	vmul.u32 v4, v8;
	v9 =	vmul.u32 v5, v22  }
0xa0: {  	v27 =	vmul.u32 v3, v23;
	v10 =	vmul.u32 v6, v10;
	v12 =	vadd.s32 v24, v25  }
0xa1: {  	v28 =	vmul.u32 v7, v23;
	v8 =	vadd.s32 v8, v9;
	v12 =	vadd.s32 v26, v12  }
0xa2: {  	v8 =	vadd.s32 v10, v8;
	v29 =	vadd.s32 v27, v12  }
0xa3: {  	v8 =	vadd.s32 v28, v8;
	v30 =	vmulhi.u32 $0x431BDE83, v29  }
0xa4: {  	v9 =	vmulhi.u32 $0x431BDE83, v8  }
0xa5: {  	v10 =	vshrl.u32 v30, $0x12  }
0xa6: {  	v9 =	vshrl.u32 v9, $0x12;
	v10 =	vmul.u32 $0xF4240, v10  }
0xa7: {  	v9 =	vmul.u32 $0xF4240, v9  }
0xa8: {  	v10 =	vsub.s32 v29, v10  }
0xa9: {  	v8 =	vsub.s32 v8, v9;
	[tilespmem:s25+$0x30] =	vst v10  }
0xaa: {  	[tilespmem:s25+$0x3230] =	vst v8  }
0xab: {  	v8 =	vld [tilespmem:s24+$0xFFFFFFE3]  }
0xac: {  	v31 =	vld [tilespmem:s24+$0xFFFFFFE2]  }
0xad: {  	v10 =	vld [tilespmem:s24+$0xFFFFFFE1]  }
0xae: {  	v32 =	vld [tilespmem:s24+$0xFFFFFFE0];
	_ =	sdelay $0x2  }
0xaf: {  	v33 =	vmul.u32 v0, v8;
	v34 =	vmul.u32 v1, v31  }
0xb0: {  	v35 =	vmul.u32 v2, v10;
	v8 =	vmul.u32 v4, v8;
	v9 =	vmul.u32 v5, v31  }
0xb1: {  	v36 =	vmul.u32 v3, v32;
	v10 =	vmul.u32 v6, v10;
	v12 =	vadd.s32 v33, v34  }
0xb2: {  	v37 =	vmul.u32 v7, v32;
	v8 =	vadd.s32 v8, v9;
	v12 =	vadd.s32 v35, v12  }
0xb3: {  	v8 =	vadd.s32 v10, v8;
	v38 =	vadd.s32 v36, v12  }
0xb4: {  	v8 =	vadd.s32 v37, v8;
	v39 =	vmulhi.u32 $0x431BDE83, v38  }
0xb5: {  	v9 =	vmulhi.u32 $0x431BDE83, v8  }
0xb6: {  	v10 =	vshrl.u32 v39, $0x12  }
0xb7: {  	v9 =	vshrl.u32 v9, $0x12;
	v10 =	vmul.u32 $0xF4240, v10  }
0xb8: {  	v9 =	vmul.u32 $0xF4240, v9  }
0xb9: {  	v10 =	vsub.s32 v38, v10  }
0xba: {  	v8 =	vsub.s32 v8, v9;
	[tilespmem:s25+$0x40] =	vst v10  }
0xbb: {  	[tilespmem:s25+$0x3240] =	vst v8  }
0xbc: {  	v8 =	vld [tilespmem:s24+$0xFFFFFFF3]  }
0xbd: {  	v40 =	vld [tilespmem:s24+$0xFFFFFFF2]  }
0xbe: {  	v10 =	vld [tilespmem:s24+$0xFFFFFFF1]  }
0xbf: {  	v41 =	vld [tilespmem:s24+$0xFFFFFFF0];
	_ =	sdelay $0x2  }
0xc0: {  	v42 =	vmul.u32 v0, v8;
	v43 =	vmul.u32 v1, v40  }
0xc1: {  	v44 =	vmul.u32 v2, v10;
	v8 =	vmul.u32 v4, v8;
	v9 =	vmul.u32 v5, v40  }
0xc2: {  	v45 =	vmul.u32 v3, v41;
	v10 =	vmul.u32 v6, v10;
	v12 =	vadd.s32 v42, v43  }
0xc3: {  	v46 =	vmul.u32 v7, v41;
	v8 =	vadd.s32 v8, v9;
	v12 =	vadd.s32 v44, v12  }
0xc4: {  	v8 =	vadd.s32 v10, v8;
	v47 =	vadd.s32 v45, v12  }
0xc5: {  	v8 =	vadd.s32 v46, v8;
	v48 =	vmulhi.u32 $0x431BDE83, v47  }
0xc6: {  	v9 =	vmulhi.u32 $0x431BDE83, v8  }
0xc7: {  	v10 =	vshrl.u32 v48, $0x12  }
0xc8: {  	v9 =	vshrl.u32 v9, $0x12;
	v10 =	vmul.u32 $0xF4240, v10  }
0xc9: {  	v9 =	vmul.u32 $0xF4240, v9  }
0xca: {  	v10 =	vsub.s32 v47, v10  }
0xcb: {  	v8 =	vsub.s32 v8, v9;
	[tilespmem:s25+$0x50] =	vst v10  }
0xcc: {  	[tilespmem:s25+$0x3250] =	vst v8  }
0xcd: {  	v8 =	vld [tilespmem:s24+$0x3]  }
0xce: {  	v49 =	vld [tilespmem:s24+$0x2]  }
0xcf: {  	v10 =	vld [tilespmem:s24+$0x1]  }
0xd0: {  	v50 =	vld [tilespmem:s24+$0x0];
	_ =	sdelay $0x2  }
0xd1: {  	v51 =	vmul.u32 v0, v8;
	v52 =	vmul.u32 v1, v49  }
0xd2: {  	v53 =	vmul.u32 v2, v10;
	v8 =	vmul.u32 v4, v8;
	v9 =	vmul.u32 v5, v49  }
0xd3: {  	v54 =	vmul.u32 v3, v50;
	v10 =	vmul.u32 v6, v10;
	v12 =	vadd.s32 v51, v52  }
0xd4: {  	v55 =	vmul.u32 v7, v50;
	v8 =	vadd.s32 v8, v9;
	v12 =	vadd.s32 v53, v12  }
0xd5: {  	v8 =	vadd.s32 v10, v8;
	v56 =	vadd.s32 v54, v12  }
0xd6: {  	v8 =	vadd.s32 v55, v8;
	v57 =	vmulhi.u32 $0x431BDE83, v56  }
0xd7: {  	v9 =	vmulhi.u32 $0x431BDE83, v8  }
0xd8: {  	v10 =	vshrl.u32 v57, $0x12  }
0xd9: {  	v9 =	vshrl.u32 v9, $0x12;
	v10 =	vmul.u32 $0xF4240, v10  }
0xda: {  	v9 =	vmul.u32 $0xF4240, v9  }
0xdb: {  	v10 =	vsub.s32 v56, v10  }
0xdc: {  	v8 =	vsub.s32 v8, v9;
	[tilespmem:s25+$0x60] =	vst v10  }
0xdd: {  	[tilespmem:s25+$0x3260] =	vst v8  }
0xde: {  	v8 =	vld [tilespmem:s24+$0x13]  }
0xdf: {  	v58 =	vld [tilespmem:s24+$0x12]  }
0xe0: {  	v10 =	vld [tilespmem:s24+$0x11]  }
0xe1: {  	v59 =	vld [tilespmem:s24+$0x10];
	_ =	sdelay $0x2  }
0xe2: {  	v60 =	vmul.u32 v0, v8;
	v61 =	vmul.u32 v1, v58  }
0xe3: {  	v62 =	vmul.u32 v2, v10;
	v8 =	vmul.u32 v4, v8;
	v9 =	vmul.u32 v5, v58  }
0xe4: {  	v63 =	vmul.u32 v3, v59;
	v10 =	vmul.u32 v6, v10;
	v12 =	vadd.s32 v60, v61  }
0xe5: {  	v16 =	vmul.u32 v7, v59;
	v8 =	vadd.s32 v8, v9;
	v12 =	vadd.s32 v62, v12  }
0xe6: {  	v8 =	vadd.s32 v10, v8;
	v17 =	vadd.s32 v63, v12  }
0xe7: {  	v8 =	vadd.s32 v16, v8;
	v18 =	vmulhi.u32 $0x431BDE83, v17  }
0xe8: {  	v9 =	vmulhi.u32 $0x431BDE83, v8  }
0xe9: {  	v10 =	vshrl.u32 v18, $0x12  }
0xea: {  	v9 =	vshrl.u32 v9, $0x12;
	v10 =	vmul.u32 $0xF4240, v10  }
0xeb: {  	v9 =	vmul.u32 $0xF4240, v9  }
0xec: {  	v10 =	vsub.s32 v17, v10  }
0xed: {  	v8 =	vsub.s32 v8, v9;
	[tilespmem:s25+$0x70] =	vst v10  }
0xee: {  	[tilespmem:s25+$0x3270] =	vst v8  }
0xef: {  	v8 =	vld [tilespmem:s24+$0x23]  }
0xf0: {  	v19 =	vld [tilespmem:s24+$0x22]  }
0xf1: {  	s30 =	sand.u32 $0x3FF0, s29;
	v10 =	vld [tilespmem:s24+$0x21]  }
0xf2: {  	v20 =	vld [tilespmem:s30+$0x80];
	_ =	sdelay $0x2  }
0xf3: {  	v21 =	vmul.u32 v0, v8;
	v22 =	vmul.u32 v1, v19  }
0xf4: {  	v23 =	vmul.u32 v2, v10;
	v8 =	vmul.u32 v4, v8;
	v9 =	vmul.u32 v5, v19  }
0xf5: {  	v24 =	vmul.u32 v3, v20;
	v10 =	vmul.u32 v6, v10;
	v12 =	vadd.s32 v21, v22  }
0xf6: {  	v25 =	vmul.u32 v7, v20;
	v8 =	vadd.s32 v8, v9;
	v12 =	vadd.s32 v23, v12  }
0xf7: {  	v8 =	vadd.s32 v10, v8;
	v26 =	vadd.s32 v24, v12  }
0xf8: {  	v8 =	vadd.s32 v25, v8;
	v27 =	vmulhi.u32 $0x431BDE83, v26  }
0xf9: {  	v9 =	vmulhi.u32 $0x431BDE83, v8  }
0xfa: {  	v10 =	vshrl.u32 v27, $0x12  }
0xfb: {  	v9 =	vshrl.u32 v9, $0x12;
	v10 =	vmul.u32 $0xF4240, v10  }
0xfc: {  	v9 =	vmul.u32 $0xF4240, v9  }
0xfd: {  	v10 =	vsub.s32 v26, v10  }
0xfe: {  	v8 =	vsub.s32 v8, v9;
	[tilespmem:s1+$0x3480] =	vst v10  }
0xff: {  	[tilespmem:s1+$0x6680] =	vst v8  }
0x100: {  	v8 =	vld [tilespmem:s24+$0x33]  }
0x101: {  	v28 =	vld [tilespmem:s24+$0x32]  }
0x102: {  	v10 =	vld [tilespmem:s24+$0x31]  }
0x103: {  	v29 =	vld [tilespmem:s24+$0x30];
	_ =	sdelay $0x2  }
0x104: {  	v30 =	vmul.u32 v0, v8;
	v31 =	vmul.u32 v1, v28  }
0x105: {  	v32 =	vmul.u32 v2, v10;
	v8 =	vmul.u32 v4, v8;
	v9 =	vmul.u32 v5, v28  }
0x106: {  	v33 =	vmul.u32 v3, v29;
	v10 =	vmul.u32 v6, v10;
	v12 =	vadd.s32 v30, v31  }
0x107: {  	v34 =	vmul.u32 v7, v29;
	v8 =	vadd.s32 v8, v9;
	v12 =	vadd.s32 v32, v12  }
0x108: {  	v8 =	vadd.s32 v10, v8;
	v35 =	vadd.s32 v33, v12  }
0x109: {  	v8 =	vadd.s32 v34, v8;
	v36 =	vmulhi.u32 $0x431BDE83, v35  }
0x10a: {  	v9 =	vmulhi.u32 $0x431BDE83, v8  }
0x10b: {  	v10 =	vshrl.u32 v36, $0x12  }
0x10c: {  	v9 =	vshrl.u32 v9, $0x12;
	v10 =	vmul.u32 $0xF4240, v10  }
0x10d: {  	v9 =	vmul.u32 $0xF4240, v9  }
0x10e: {  	v10 =	vsub.s32 v35, v10  }
0x10f: {  	v8 =	vsub.s32 v8, v9;
	[tilespmem:s25+$0x90] =	vst v10  }
0x110: {  	[tilespmem:s25+$0x3290] =	vst v8  }
0x111: {  	v8 =	vld [tilespmem:s24+$0x43]  }
0x112: {  	v37 =	vld [tilespmem:s24+$0x42]  }
0x113: {  	v10 =	vld [tilespmem:s24+$0x41]  }
0x114: {  	v38 =	vld [tilespmem:s24+$0x40];
	_ =	sdelay $0x2  }
0x115: {  	v39 =	vmul.u32 v0, v8;
	v40 =	vmul.u32 v1, v37  }
0x116: {  	v41 =	vmul.u32 v2, v10;
	v8 =	vmul.u32 v4, v8;
	v9 =	vmul.u32 v5, v37  }
0x117: {  	v42 =	vmul.u32 v3, v38;
	v10 =	vmul.u32 v6, v10;
	v12 =	vadd.s32 v39, v40  }
0x118: {  	v43 =	vmul.u32 v7, v38;
	v8 =	vadd.s32 v8, v9;
	v12 =	vadd.s32 v41, v12  }
0x119: {  	v8 =	vadd.s32 v10, v8;
	v44 =	vadd.s32 v42, v12  }
0x11a: {  	v8 =	vadd.s32 v43, v8;
	v45 =	vmulhi.u32 $0x431BDE83, v44  }
0x11b: {  	v9 =	vmulhi.u32 $0x431BDE83, v8  }
0x11c: {  	v10 =	vshrl.u32 v45, $0x12  }
0x11d: {  	v9 =	vshrl.u32 v9, $0x12;
	v10 =	vmul.u32 $0xF4240, v10  }
0x11e: {  	v9 =	vmul.u32 $0xF4240, v9  }
0x11f: {  	v10 =	vsub.s32 v44, v10  }
0x120: {  	v8 =	vsub.s32 v8, v9;
	[tilespmem:s25+$0xA0] =	vst v10  }
0x121: {  	[tilespmem:s25+$0x32A0] =	vst v8  }
0x122: {  	v8 =	vld [tilespmem:s24+$0x53]  }
0x123: {  	v46 =	vld [tilespmem:s24+$0x52]  }
0x124: {  	v10 =	vld [tilespmem:s24+$0x51]  }
0x125: {  	v47 =	vld [tilespmem:s24+$0x50];
	_ =	sdelay $0x2  }
0x126: {  	v48 =	vmul.u32 v0, v8;
	v49 =	vmul.u32 v1, v46  }
0x127: {  	v50 =	vmul.u32 v2, v10;
	v8 =	vmul.u32 v4, v8;
	v9 =	vmul.u32 v5, v46  }
0x128: {  	v51 =	vmul.u32 v3, v47;
	v10 =	vmul.u32 v6, v10;
	v12 =	vadd.s32 v48, v49  }
0x129: {  	v52 =	vmul.u32 v7, v47;
	v8 =	vadd.s32 v8, v9;
	v12 =	vadd.s32 v50, v12  }
0x12a: {  	v8 =	vadd.s32 v10, v8;
	v53 =	vadd.s32 v51, v12  }
0x12b: {  	v8 =	vadd.s32 v52, v8;
	v54 =	vmulhi.u32 $0x431BDE83, v53  }
0x12c: {  	v9 =	vmulhi.u32 $0x431BDE83, v8  }
0x12d: {  	v10 =	vshrl.u32 v54, $0x12  }
0x12e: {  	v9 =	vshrl.u32 v9, $0x12;
	v10 =	vmul.u32 $0xF4240, v10  }
0x12f: {  	v9 =	vmul.u32 $0xF4240, v9  }
0x130: {  	v10 =	vsub.s32 v53, v10  }
0x131: {  	v8 =	vsub.s32 v8, v9;
	[tilespmem:s25+$0xB0] =	vst v10  }
0x132: {  	[tilespmem:s25+$0x32B0] =	vst v8  }
0x133: {  	v8 =	vld [tilespmem:s24+$0x5B]  }
0x134: {  	v55 =	vld [tilespmem:s24+$0x5A]  }
0x135: {  	v10 =	vld [tilespmem:s24+$0x59]  }
0x136: {  	v56 =	vld [tilespmem:s24+$0x58];
	_ =	sdelay $0x2  }
0x137: {  	v57 =	vmul.u32 v0, v8;
	v58 =	vmul.u32 v1, v55  }
0x138: {  	v59 =	vmul.u32 v2, v10;
	v8 =	vmul.u32 v4, v8;
	v9 =	vmul.u32 v5, v55  }
0x139: {  	v60 =	vmul.u32 v3, v56;
	v10 =	vmul.u32 v6, v10;
	v12 =	vadd.s32 v57, v58  }
0x13a: {  	v61 =	vmul.u32 v7, v56;
	v8 =	vadd.s32 v8, v9;
	v12 =	vadd.s32 v59, v12  }
0x13b: {  	v8 =	vadd.s32 v10, v8;
	v62 =	vadd.s32 v60, v12  }
0x13c: {  	v8 =	vadd.s32 v61, v8;
	v63 =	vmulhi.u32 $0x431BDE83, v62  }
0x13d: {  	v9 =	vmulhi.u32 $0x431BDE83, v8  }
0x13e: {  	p1 =	sne.s32 s29, $0x3330;
	v10 =	vshrl.u32 v63, $0x12  }
.Ltmp0:
0x13f: {  	v9 =	vshrl.u32 v9, $0x12;
	v10 =	vmul.u32 $0xF4240, v10;
	(pc) =	sbr.rel @p1 .LBB2_2-.Ltmp0, $4  }
0x140: {  	v9 =	vmul.u32 $0xF4240, v9  }
0x141: {  	v10 =	vsub.s32 v62, v10  }
0x142: {  	s26 =	sadd.s32 $0xC8, s26;
	s29 =	sadd.s32 $0xD0, s29;
	v8 =	vsub.s32 v8, v9;
	[tilespmem:s25+$0xB8] =	vst v10  }
0x143: {  	s1 =	simm.s32 $0x0;
	s24 =	sadd.s32 $0xD0, s24;
	[tilespmem:s25+$0x32B8] =	vst v8;
	s25 =	sadd.s32 $0xC8, s25  }
.LBB2_3:
0x144: {  	s24 =	simm.s32 @!p0 $0x1  }
0x145: {  	_ =	swait.ge @!p0 [sflag:s24], $0x1E850  }
0x146: {  	p1 =	seq.s32 s1, $0x0;
	[sflag:s24] =	ssyncset.done @!p0 $0x0  }
0x147: {  	s25 =	simm.s32 @!p1 $0x3;
	[sflag:s24] =	ssyncadd.s32 @!p0 $0xFFFE17B0  }
0x148: {  	_ =	swait.ge @!p1 [sflag:s25], $0xC80  }
0x149: {  	[sflag:s25] =	ssyncset.done @!p1 $0x0  }
0x14a: {  	[sflag:s25] =	ssyncadd.s32 @!p1 $0xFFFFF380  }
0x14b: {  	_ =	swait.ge @!p1 [sflag:s25], $0xC80  }
0x14c: {  	[sflag:s25] =	ssyncset.done @!p1 $0x0  }
0x14d: {  	[sflag:s25] =	ssyncadd.s32 @!p1 $0xFFFFF380  }
0x14e: {  	_ =	swait.ge @!p1 [sflag:s25], $0xC80  }
0x14f: {  	[sflag:s25] =	ssyncset.done @!p1 $0x0  }
0x150: {  	s24 =	sshrl.u32 s1, $0x4;
	[sflag:s25] =	ssyncadd.s32 @!p1 $0xFFFFF380  }
0x151: {  	s26 =	smul.u32 $0xC800, s24;
	_ =	swait.ge @!p1 [sflag:s25], $0xC80  }
0x152: {  	[sflag:s25] =	ssyncset.done @!p1 $0x0  }
0x153: {  	[sflag:s25] =	ssyncadd.s32 @!p1 $0xFFFFF380;
	s25 =	sshra.s32 s26, $0x2  }
0x154: {  	[bflag:$0x0] =	sbarrier.arrive $0xFFFF;
	s26 =	sadd.s32 $0x3400, s25  }
0x155: {  	[tilespmem:s2], [sflag:$0x2] =	stream.indirect.gather [spmem:s4], $0x1, s26, s0, $0xb8;
	[tilespmem:$0x1C028] =	vst v63  }
0x156: {  	s9 =	simm.s32 $0x9880;
	s10 =	sadd.s32 $0x3480, s25  }
0x157: {  	[tilespmem:s9], [sflag:$0x2] =	stream.indirect.gather [spmem:s4], $0x1, s10, s0, $0xb8;
	[tilespmem:$0x1C028] =	vst v63  }
0x158: {  	s31 =	simm.s32 $0x9900;
	s22 =	sadd.s32 $0x3500, s25  }
0x159: {  	[tilespmem:s31], [sflag:$0x2] =	stream.indirect.gather [spmem:s4], $0x1, s22, s0, $0xb8;
	[tilespmem:$0x1C028] =	vst v63  }
0x15a: {  	s9 =	sadd.s32 $0x3580, s25;
	s10 =	simm.s32 $0x9980  }
0x15b: {  	[tilespmem:s10], [sflag:$0x2] =	stream.indirect.gather [spmem:s4], $0x1, s9, s0, $0xb8;
	[tilespmem:$0x1C028] =	vst v63  }
0x15c: {  	s22 =	sadd.s32 $0x3600, s25;
	s31 =	simm.s32 $0x9A00  }
0x15d: {  	[tilespmem:s31], [sflag:$0x2] =	stream.indirect.gather [spmem:s4], $0x1, s22, s0, $0xb8;
	[tilespmem:$0x1C028] =	vst v63  }
0x15e: {  	s9 =	sadd.s32 $0x3680, s25;
	s10 =	simm.s32 $0x9A80  }
0x15f: {  	[tilespmem:s10], [sflag:$0x2] =	stream.indirect.gather [spmem:s4], $0x1, s9, s0, $0xb8;
	[tilespmem:$0x1C028] =	vst v63  }
0x160: {  	s22 =	sadd.s32 $0x3700, s25;
	s31 =	simm.s32 $0x9B00  }
0x161: {  	[tilespmem:s31], [sflag:$0x2] =	stream.indirect.gather [spmem:s4], $0x1, s22, s0, $0xb8;
	[tilespmem:$0x1C028] =	vst v63  }
0x162: {  	s9 =	sadd.s32 $0x3780, s25;
	s10 =	simm.s32 $0x9B80  }
0x163: {  	[tilespmem:s10], [sflag:$0x2] =	stream.indirect.gather [spmem:s4], $0x1, s9, s0, $0xb8;
	[tilespmem:$0x1C028] =	vst v63  }
0x164: {  	s22 =	sadd.s32 $0x3800, s25;
	s31 =	simm.s32 $0x9C00  }
0x165: {  	[tilespmem:s31], [sflag:$0x2] =	stream.indirect.gather [spmem:s4], $0x1, s22, s0, $0xb8;
	[tilespmem:$0x1C028] =	vst v63  }
0x166: {  	s9 =	sadd.s32 $0x3880, s25;
	s10 =	simm.s32 $0x9C80  }
0x167: {  	[tilespmem:s10], [sflag:$0x2] =	stream.indirect.gather [spmem:s4], $0x1, s9, s0, $0xb8;
	[tilespmem:$0x1C028] =	vst v63  }
0x168: {  	s22 =	sadd.s32 $0x3900, s25;
	s31 =	simm.s32 $0x9D00  }
0x169: {  	[tilespmem:s31], [sflag:$0x2] =	stream.indirect.gather [spmem:s4], $0x1, s22, s0, $0xb8;
	[tilespmem:$0x1C028] =	vst v63  }
0x16a: {  	s9 =	sadd.s32 $0x3980, s25;
	s10 =	simm.s32 $0x9D80  }
0x16b: {  	[tilespmem:s10], [sflag:$0x2] =	stream.indirect.gather [spmem:s4], $0x1, s9, s0, $0xb8;
	[tilespmem:$0x1C028] =	vst v63  }
0x16c: {  	s22 =	sadd.s32 $0x3A00, s25;
	s31 =	simm.s32 $0x9E00  }
0x16d: {  	[tilespmem:s31], [sflag:$0x2] =	stream.indirect.gather [spmem:s4], $0x1, s22, s0, $0xb8;
	[tilespmem:$0x1C028] =	vst v63  }
0x16e: {  	s9 =	sadd.s32 $0x3A80, s25;
	s10 =	simm.s32 $0x9E80  }
0x16f: {  	[tilespmem:s10], [sflag:$0x2] =	stream.indirect.gather [spmem:s4], $0x1, s9, s0, $0xb8;
	[tilespmem:$0x1C028] =	vst v63  }
0x170: {  	s22 =	sadd.s32 $0x3B00, s25;
	s31 =	simm.s32 $0x9F00  }
0x171: {  	[tilespmem:s31], [sflag:$0x2] =	stream.indirect.gather [spmem:s4], $0x1, s22, s0, $0xb8;
	[tilespmem:$0x1C028] =	vst v63  }
0x172: {  	s9 =	sadd.s32 $0x3B80, s25;
	s10 =	simm.s32 $0x9F80  }
0x173: {  	[tilespmem:s10], [sflag:$0x2] =	stream.indirect.gather [spmem:s4], $0x1, s9, s0, $0xb8;
	[tilespmem:$0x1C028] =	vst v63  }
0x174: {  	s22 =	sadd.s32 $0x3C00, s25;
	s31 =	simm.s32 $0xA000  }
0x175: {  	[tilespmem:s31], [sflag:$0x2] =	stream.indirect.gather [spmem:s4], $0x1, s22, s0, $0xb8;
	[tilespmem:$0x1C028] =	vst v63  }
0x176: {  	s9 =	sadd.s32 $0x3C80, s25;
	s10 =	simm.s32 $0xA080  }
0x177: {  	[tilespmem:s10], [sflag:$0x2] =	stream.indirect.gather [spmem:s4], $0x1, s9, s0, $0xb8;
	[tilespmem:$0x1C028] =	vst v63  }
0x178: {  	s22 =	sadd.s32 $0x3D00, s25;
	s31 =	simm.s32 $0xA100  }
0x179: {  	[tilespmem:s31], [sflag:$0x2] =	stream.indirect.gather [spmem:s4], $0x1, s22, s0, $0xb8;
	[tilespmem:$0x1C028] =	vst v63  }
0x17a: {  	s9 =	sadd.s32 $0x3D80, s25;
	s10 =	simm.s32 $0xA180  }
0x17b: {  	[tilespmem:s10], [sflag:$0x2] =	stream.indirect.gather [spmem:s4], $0x1, s9, s0, $0xb8;
	[tilespmem:$0x1C028] =	vst v63  }
0x17c: {  	s22 =	sadd.s32 $0x3E00, s25;
	s31 =	simm.s32 $0xA200  }
0x17d: {  	[tilespmem:s31], [sflag:$0x2] =	stream.indirect.gather [spmem:s4], $0x1, s22, s0, $0xb8;
	[tilespmem:$0x1C028] =	vst v63  }
0x17e: {  	s9 =	sadd.s32 $0x3E80, s25;
	s10 =	simm.s32 $0xA280  }
0x17f: {  	[tilespmem:s10], [sflag:$0x2] =	stream.indirect.gather [spmem:s4], $0x1, s9, s0, $0xb8;
	[tilespmem:$0x1C028] =	vst v63  }
0x180: {  	s22 =	sadd.s32 $0x3F00, s25;
	s31 =	simm.s32 $0xA300  }
0x181: {  	[tilespmem:s31], [sflag:$0x2] =	stream.indirect.gather [spmem:s4], $0x1, s22, s0, $0xb8;
	[tilespmem:$0x1C028] =	vst v63  }
0x182: {  	s9 =	sadd.s32 $0x3F80, s25;
	s10 =	simm.s32 $0xA380  }
0x183: {  	[tilespmem:s10], [sflag:$0x2] =	stream.indirect.gather [spmem:s4], $0x1, s9, s0, $0xb8;
	[tilespmem:$0x1C028] =	vst v63  }
0x184: {  	s22 =	sadd.s32 $0x4000, s25;
	s31 =	simm.s32 $0xA400  }
0x185: {  	[tilespmem:s31], [sflag:$0x2] =	stream.indirect.gather [spmem:s4], $0x1, s22, s0, $0xb8;
	[tilespmem:$0x1C028] =	vst v63  }
0x186: {  	s10 =	sadd.s32 $0x4080, s25  }
0x187: {  	[tilespmem:s28], [sflag:$0x2] =	stream.indirect.gather [spmem:s4], $0x1, s10, s0, $0xb8;
	[tilespmem:$0x1C028] =	vst v63  }
0x188: {  	s22 =	sadd.s32 $0x4100, s25;
	s31 =	simm.s32 $0xA500  }
0x189: {  	[tilespmem:s31], [sflag:$0x2] =	stream.indirect.gather [spmem:s4], $0x1, s22, s0, $0xb8;
	[tilespmem:$0x1C028] =	vst v63  }
0x18a: {  	s9 =	sadd.s32 $0x4180, s25;
	s10 =	simm.s32 $0xA580  }
0x18b: {  	[tilespmem:s10], [sflag:$0x2] =	stream.indirect.gather [spmem:s4], $0x1, s9, s0, $0xb8;
	[tilespmem:$0x1C028] =	vst v63  }
0x18c: {  	s22 =	sadd.s32 $0x4200, s25;
	s31 =	simm.s32 $0xA600  }
0x18d: {  	[tilespmem:s31], [sflag:$0x2] =	stream.indirect.gather [spmem:s4], $0x1, s22, s0, $0xb8;
	[tilespmem:$0x1C028] =	vst v63  }
0x18e: {  	s9 =	sadd.s32 $0x4280, s25;
	s10 =	simm.s32 $0xA680  }
0x18f: {  	[tilespmem:s10], [sflag:$0x2] =	stream.indirect.gather [spmem:s4], $0x1, s9, s0, $0xb8;
	[tilespmem:$0x1C028] =	vst v63  }
0x190: {  	s22 =	sadd.s32 $0x4300, s25;
	s31 =	simm.s32 $0xA700  }
0x191: {  	[tilespmem:s31], [sflag:$0x2] =	stream.indirect.gather [spmem:s4], $0x1, s22, s0, $0xb8;
	[tilespmem:$0x1C028] =	vst v63  }
0x192: {  	s9 =	sadd.s32 $0x4380, s25;
	s10 =	simm.s32 $0xA780  }
0x193: {  	[tilespmem:s10], [sflag:$0x2] =	stream.indirect.gather [spmem:s4], $0x1, s9, s0, $0xb8;
	[tilespmem:$0x1C028] =	vst v63  }
0x194: {  	s22 =	sadd.s32 $0x4400, s25;
	s31 =	simm.s32 $0xA800  }
0x195: {  	[tilespmem:s31], [sflag:$0x2] =	stream.indirect.gather [spmem:s4], $0x1, s22, s0, $0xb8;
	[tilespmem:$0x1C028] =	vst v63  }
0x196: {  	s9 =	sadd.s32 $0x4480, s25;
	s10 =	simm.s32 $0xA880  }
0x197: {  	[tilespmem:s10], [sflag:$0x2] =	stream.indirect.gather [spmem:s4], $0x1, s9, s0, $0xb8;
	[tilespmem:$0x1C028] =	vst v63  }
0x198: {  	s22 =	sadd.s32 $0x4500, s25;
	s31 =	simm.s32 $0xA900  }
0x199: {  	[tilespmem:s31], [sflag:$0x2] =	stream.indirect.gather [spmem:s4], $0x1, s22, s0, $0xb8;
	[tilespmem:$0x1C028] =	vst v63  }
0x19a: {  	s9 =	sadd.s32 $0x4580, s25;
	s10 =	simm.s32 $0xA980  }
0x19b: {  	[tilespmem:s10], [sflag:$0x2] =	stream.indirect.gather [spmem:s4], $0x1, s9, s0, $0xb8;
	[tilespmem:$0x1C028] =	vst v63  }
0x19c: {  	s22 =	sadd.s32 $0x4600, s25;
	s31 =	simm.s32 $0xAA00  }
0x19d: {  	[tilespmem:s31], [sflag:$0x2] =	stream.indirect.gather [spmem:s4], $0x1, s22, s0, $0xb8;
	[tilespmem:$0x1C028] =	vst v63  }
0x19e: {  	s9 =	sadd.s32 $0x4680, s25;
	s10 =	simm.s32 $0xAA80  }
0x19f: {  	[tilespmem:s10], [sflag:$0x2] =	stream.indirect.gather [spmem:s4], $0x1, s9, s0, $0xb8;
	[tilespmem:$0x1C028] =	vst v63  }
0x1a0: {  	s22 =	sadd.s32 $0x4700, s25;
	s31 =	simm.s32 $0xAB00  }
0x1a1: {  	[tilespmem:s31], [sflag:$0x2] =	stream.indirect.gather [spmem:s4], $0x1, s22, s0, $0xb8;
	[tilespmem:$0x1C028] =	vst v63  }
0x1a2: {  	s9 =	sadd.s32 $0x4780, s25;
	s10 =	simm.s32 $0xAB80  }
0x1a3: {  	[tilespmem:s10], [sflag:$0x2] =	stream.indirect.gather [spmem:s4], $0x1, s9, s0, $0xb8;
	[tilespmem:$0x1C028] =	vst v63  }
0x1a4: {  	s22 =	sadd.s32 $0x4800, s25;
	s31 =	simm.s32 $0xAC00  }
0x1a5: {  	[tilespmem:s31], [sflag:$0x2] =	stream.indirect.gather [spmem:s4], $0x1, s22, s0, $0xb8;
	[tilespmem:$0x1C028] =	vst v63  }
0x1a6: {  	s9 =	sadd.s32 $0x4880, s25;
	s10 =	simm.s32 $0xAC80  }
0x1a7: {  	[tilespmem:s10], [sflag:$0x2] =	stream.indirect.gather [spmem:s4], $0x1, s9, s0, $0xb8;
	[tilespmem:$0x1C028] =	vst v63  }
0x1a8: {  	s22 =	sadd.s32 $0x4900, s25;
	s31 =	simm.s32 $0xAD00  }
0x1a9: {  	[tilespmem:s31], [sflag:$0x2] =	stream.indirect.gather [spmem:s4], $0x1, s22, s0, $0xb8;
	[tilespmem:$0x1C028] =	vst v63  }
0x1aa: {  	s9 =	sadd.s32 $0x4980, s25;
	s10 =	simm.s32 $0xAD80  }
0x1ab: {  	[tilespmem:s10], [sflag:$0x2] =	stream.indirect.gather [spmem:s4], $0x1, s9, s0, $0xb8;
	[tilespmem:$0x1C028] =	vst v63  }
0x1ac: {  	s22 =	sadd.s32 $0x4A00, s25;
	s31 =	simm.s32 $0xAE00  }
0x1ad: {  	[tilespmem:s31], [sflag:$0x2] =	stream.indirect.gather [spmem:s4], $0x1, s22, s0, $0xb8;
	[tilespmem:$0x1C028] =	vst v63  }
0x1ae: {  	s9 =	sadd.s32 $0x4A80, s25;
	s10 =	simm.s32 $0xAE80  }
0x1af: {  	[tilespmem:s10], [sflag:$0x2] =	stream.indirect.gather [spmem:s4], $0x1, s9, s0, $0xb8;
	[tilespmem:$0x1C028] =	vst v63  }
0x1b0: {  	s22 =	sadd.s32 $0x4B00, s25;
	s31 =	simm.s32 $0xAF00  }
0x1b1: {  	[tilespmem:s31], [sflag:$0x2] =	stream.indirect.gather [spmem:s4], $0x1, s22, s0, $0xb8;
	[tilespmem:$0x1C028] =	vst v63  }
0x1b2: {  	s9 =	sadd.s32 $0x4B80, s25;
	s10 =	simm.s32 $0xAF80  }
0x1b3: {  	[tilespmem:s10], [sflag:$0x2] =	stream.indirect.gather [spmem:s4], $0x1, s9, s0, $0xb8;
	[tilespmem:$0x1C028] =	vst v63  }
0x1b4: {  	s22 =	sadd.s32 $0x4C00, s25;
	s31 =	simm.s32 $0xB000  }
0x1b5: {  	[tilespmem:s31], [sflag:$0x2] =	stream.indirect.gather [spmem:s4], $0x1, s22, s0, $0xb8;
	[tilespmem:$0x1C028] =	vst v63  }
0x1b6: {  	s10 =	sadd.s32 $0x4C80, s25;
	s22 =	simm.s32 $0xB080  }
0x1b7: {  	[tilespmem:s22], [sflag:$0x2] =	stream.indirect.gather [spmem:s4], $0x1, s10, s0, $0xb8;
	[tilespmem:$0x1C028] =	vst v63  }
0x1b8: {  	s31 =	sadd.s32 $0x4D00, s25  }
0x1b9: {  	[tilespmem:s6], [sflag:$0x2] =	stream.indirect.gather [spmem:s4], $0x1, s31, s0, $0xb8;
	[tilespmem:$0x1C028] =	vst v63  }
0x1ba: {  	s9 =	sadd.s32 $0x4D80, s25;
	s10 =	simm.s32 $0xB180  }
0x1bb: {  	[tilespmem:s10], [sflag:$0x2] =	stream.indirect.gather [spmem:s4], $0x1, s9, s0, $0xb8;
	[tilespmem:$0x1C028] =	vst v63  }
0x1bc: {  	s22 =	sadd.s32 $0x4E00, s25;
	s31 =	simm.s32 $0xB200  }
0x1bd: {  	[tilespmem:s31], [sflag:$0x2] =	stream.indirect.gather [spmem:s4], $0x1, s22, s0, $0xb8;
	[tilespmem:$0x1C028] =	vst v63  }
0x1be: {  	s9 =	sadd.s32 $0x4E80, s25;
	s10 =	simm.s32 $0xB280  }
0x1bf: {  	[tilespmem:s10], [sflag:$0x2] =	stream.indirect.gather [spmem:s4], $0x1, s9, s0, $0xb8;
	[tilespmem:$0x1C028] =	vst v63  }
0x1c0: {  	s22 =	sadd.s32 $0x4F00, s25;
	s31 =	simm.s32 $0xB300  }
0x1c1: {  	[tilespmem:s31], [sflag:$0x2] =	stream.indirect.gather [spmem:s4], $0x1, s22, s0, $0xb8;
	[tilespmem:$0x1C028] =	vst v63  }
0x1c2: {  	s9 =	sadd.s32 $0x4F80, s25;
	s10 =	simm.s32 $0xB380  }
0x1c3: {  	[tilespmem:s10], [sflag:$0x2] =	stream.indirect.gather [spmem:s4], $0x1, s9, s0, $0xb8;
	[tilespmem:$0x1C028] =	vst v63  }
0x1c4: {  	s22 =	sadd.s32 $0x5000, s25;
	s31 =	simm.s32 $0xB400  }
0x1c5: {  	[tilespmem:s31], [sflag:$0x2] =	stream.indirect.gather [spmem:s4], $0x1, s22, s0, $0xb8;
	[tilespmem:$0x1C028] =	vst v63  }
0x1c6: {  	s9 =	sadd.s32 $0x5080, s25;
	s10 =	simm.s32 $0xB480  }
0x1c7: {  	[tilespmem:s10], [sflag:$0x2] =	stream.indirect.gather [spmem:s4], $0x1, s9, s0, $0xb8;
	[tilespmem:$0x1C028] =	vst v63  }
0x1c8: {  	s22 =	sadd.s32 $0x5100, s25;
	s31 =	simm.s32 $0xB500  }
0x1c9: {  	[tilespmem:s31], [sflag:$0x2] =	stream.indirect.gather [spmem:s4], $0x1, s22, s0, $0xb8;
	[tilespmem:$0x1C028] =	vst v63  }
0x1ca: {  	s9 =	sadd.s32 $0x5180, s25;
	s10 =	simm.s32 $0xB580  }
0x1cb: {  	[tilespmem:s10], [sflag:$0x2] =	stream.indirect.gather [spmem:s4], $0x1, s9, s0, $0xb8;
	[tilespmem:$0x1C028] =	vst v63  }
0x1cc: {  	s22 =	sadd.s32 $0x5200, s25;
	s31 =	simm.s32 $0xB600  }
0x1cd: {  	[tilespmem:s31], [sflag:$0x2] =	stream.indirect.gather [spmem:s4], $0x1, s22, s0, $0xb8;
	[tilespmem:$0x1C028] =	vst v63  }
0x1ce: {  	s9 =	sadd.s32 $0x5280, s25;
	s10 =	simm.s32 $0xB680  }
0x1cf: {  	[tilespmem:s10], [sflag:$0x2] =	stream.indirect.gather [spmem:s4], $0x1, s9, s0, $0xb8;
	[tilespmem:$0x1C028] =	vst v63  }
0x1d0: {  	s22 =	sadd.s32 $0x5300, s25;
	s31 =	simm.s32 $0xB700  }
0x1d1: {  	[tilespmem:s31], [sflag:$0x2] =	stream.indirect.gather [spmem:s4], $0x1, s22, s0, $0xb8;
	[tilespmem:$0x1C028] =	vst v63  }
0x1d2: {  	s9 =	sadd.s32 $0x5380, s25;
	s10 =	simm.s32 $0xB780  }
0x1d3: {  	[tilespmem:s10], [sflag:$0x2] =	stream.indirect.gather [spmem:s4], $0x1, s9, s0, $0xb8;
	[tilespmem:$0x1C028] =	vst v63  }
0x1d4: {  	s22 =	sadd.s32 $0x5400, s25;
	s31 =	simm.s32 $0xB800  }
0x1d5: {  	[tilespmem:s31], [sflag:$0x2] =	stream.indirect.gather [spmem:s4], $0x1, s22, s0, $0xb8;
	[tilespmem:$0x1C028] =	vst v63  }
0x1d6: {  	s9 =	sadd.s32 $0x5480, s25;
	s10 =	simm.s32 $0xB880  }
0x1d7: {  	[tilespmem:s10], [sflag:$0x2] =	stream.indirect.gather [spmem:s4], $0x1, s9, s0, $0xb8;
	[tilespmem:$0x1C028] =	vst v63  }
0x1d8: {  	s22 =	sadd.s32 $0x5500, s25;
	s31 =	simm.s32 $0xB900  }
0x1d9: {  	[tilespmem:s31], [sflag:$0x2] =	stream.indirect.gather [spmem:s4], $0x1, s22, s0, $0xb8;
	[tilespmem:$0x1C028] =	vst v63  }
0x1da: {  	s9 =	sadd.s32 $0x5580, s25;
	s10 =	simm.s32 $0xB980  }
0x1db: {  	[tilespmem:s10], [sflag:$0x2] =	stream.indirect.gather [spmem:s4], $0x1, s9, s0, $0xb8;
	[tilespmem:$0x1C028] =	vst v63  }
0x1dc: {  	s22 =	sadd.s32 $0x5600, s25;
	s31 =	simm.s32 $0xBA00  }
0x1dd: {  	[tilespmem:s31], [sflag:$0x2] =	stream.indirect.gather [spmem:s4], $0x1, s22, s0, $0xb8;
	[tilespmem:$0x1C028] =	vst v63  }
0x1de: {  	s9 =	sadd.s32 $0x5680, s25;
	s10 =	simm.s32 $0xBA80  }
0x1df: {  	[tilespmem:s10], [sflag:$0x2] =	stream.indirect.gather [spmem:s4], $0x1, s9, s0, $0xb8;
	[tilespmem:$0x1C028] =	vst v63  }
0x1e0: {  	s22 =	sadd.s32 $0x5700, s25;
	s31 =	simm.s32 $0xBB00  }
0x1e1: {  	[tilespmem:s31], [sflag:$0x2] =	stream.indirect.gather [spmem:s4], $0x1, s22, s0, $0xb8;
	[tilespmem:$0x1C028] =	vst v63  }
0x1e2: {  	s9 =	sadd.s32 $0x5780, s25;
	s10 =	simm.s32 $0xBB80  }
0x1e3: {  	[tilespmem:s10], [sflag:$0x2] =	stream.indirect.gather [spmem:s4], $0x1, s9, s0, $0xb8;
	[tilespmem:$0x1C028] =	vst v63  }
0x1e4: {  	s22 =	sadd.s32 $0x5800, s25;
	s31 =	simm.s32 $0xBC00  }
0x1e5: {  	[tilespmem:s31], [sflag:$0x2] =	stream.indirect.gather [spmem:s4], $0x1, s22, s0, $0xb8;
	[tilespmem:$0x1C028] =	vst v63  }
0x1e6: {  	s9 =	sadd.s32 $0x5880, s25;
	s10 =	simm.s32 $0xBC80  }
0x1e7: {  	[tilespmem:s10], [sflag:$0x2] =	stream.indirect.gather [spmem:s4], $0x1, s9, s0, $0xb8;
	[tilespmem:$0x1C028] =	vst v63  }
0x1e8: {  	s22 =	sadd.s32 $0x5900, s25;
	s31 =	simm.s32 $0xBD00  }
0x1e9: {  	[tilespmem:s31], [sflag:$0x2] =	stream.indirect.gather [spmem:s4], $0x1, s22, s0, $0xb8;
	[tilespmem:$0x1C028] =	vst v63  }
0x1ea: {  	s10 =	sadd.s32 $0x5980, s25  }
0x1eb: {  	[tilespmem:s13], [sflag:$0x2] =	stream.indirect.gather [spmem:s4], $0x1, s10, s0, $0xb8;
	[tilespmem:$0x1C028] =	vst v63  }
0x1ec: {  	s22 =	sadd.s32 $0x5A00, s25;
	s31 =	simm.s32 $0xBE00  }
0x1ed: {  	[tilespmem:s31], [sflag:$0x2] =	stream.indirect.gather [spmem:s4], $0x1, s22, s0, $0xb8;
	[tilespmem:$0x1C028] =	vst v63  }
0x1ee: {  	s9 =	sadd.s32 $0x5A80, s25;
	s10 =	simm.s32 $0xBE80  }
0x1ef: {  	[tilespmem:s10], [sflag:$0x2] =	stream.indirect.gather [spmem:s4], $0x1, s9, s0, $0xb8;
	[tilespmem:$0x1C028] =	vst v63  }
0x1f0: {  	s22 =	sadd.s32 $0x5B00, s25;
	s31 =	simm.s32 $0xBF00  }
0x1f1: {  	[tilespmem:s31], [sflag:$0x2] =	stream.indirect.gather [spmem:s4], $0x1, s22, s0, $0xb8;
	[tilespmem:$0x1C028] =	vst v63  }
0x1f2: {  	s9 =	sadd.s32 $0x5B80, s25;
	s10 =	simm.s32 $0xBF80  }
0x1f3: {  	[tilespmem:s10], [sflag:$0x2] =	stream.indirect.gather [spmem:s4], $0x1, s9, s0, $0xb8;
	[tilespmem:$0x1C028] =	vst v63  }
0x1f4: {  	s22 =	sadd.s32 $0x5C00, s25;
	s31 =	simm.s32 $0xC000  }
0x1f5: {  	[tilespmem:s31], [sflag:$0x2] =	stream.indirect.gather [spmem:s4], $0x1, s22, s0, $0xb8;
	[tilespmem:$0x1C028] =	vst v63  }
0x1f6: {  	s9 =	sadd.s32 $0x5C80, s25;
	s10 =	simm.s32 $0xC080  }
0x1f7: {  	[tilespmem:s10], [sflag:$0x2] =	stream.indirect.gather [spmem:s4], $0x1, s9, s0, $0xb8;
	[tilespmem:$0x1C028] =	vst v63  }
0x1f8: {  	s22 =	sadd.s32 $0x5D00, s25;
	s31 =	simm.s32 $0xC100  }
0x1f9: {  	[tilespmem:s31], [sflag:$0x2] =	stream.indirect.gather [spmem:s4], $0x1, s22, s0, $0xb8;
	[tilespmem:$0x1C028] =	vst v63  }
0x1fa: {  	s9 =	sadd.s32 $0x5D80, s25;
	s10 =	simm.s32 $0xC180  }
0x1fb: {  	[tilespmem:s10], [sflag:$0x2] =	stream.indirect.gather [spmem:s4], $0x1, s9, s0, $0xb8;
	[tilespmem:$0x1C028] =	vst v63  }
0x1fc: {  	s22 =	sadd.s32 $0x5E00, s25;
	s31 =	simm.s32 $0xC200  }
0x1fd: {  	[tilespmem:s31], [sflag:$0x2] =	stream.indirect.gather [spmem:s4], $0x1, s22, s0, $0xb8;
	[tilespmem:$0x1C028] =	vst v63  }
0x1fe: {  	s9 =	sadd.s32 $0x5E80, s25;
	s10 =	simm.s32 $0xC280  }
0x1ff: {  	[tilespmem:s10], [sflag:$0x2] =	stream.indirect.gather [spmem:s4], $0x1, s9, s0, $0xb8;
	[tilespmem:$0x1C028] =	vst v63  }
0x200: {  	s22 =	sadd.s32 $0x5F00, s25;
	s31 =	simm.s32 $0xC300  }
0x201: {  	[tilespmem:s31], [sflag:$0x2] =	stream.indirect.gather [spmem:s4], $0x1, s22, s0, $0xb8;
	[tilespmem:$0x1C028] =	vst v63  }
0x202: {  	s9 =	sadd.s32 $0x5F80, s25;
	s10 =	simm.s32 $0xC380  }
0x203: {  	[tilespmem:s10], [sflag:$0x2] =	stream.indirect.gather [spmem:s4], $0x1, s9, s0, $0xb8;
	[tilespmem:$0x1C028] =	vst v63  }
0x204: {  	s22 =	sadd.s32 $0x6000, s25;
	s31 =	simm.s32 $0xC400  }
0x205: {  	[tilespmem:s31], [sflag:$0x2] =	stream.indirect.gather [spmem:s4], $0x1, s22, s0, $0xb8;
	[tilespmem:$0x1C028] =	vst v63  }
0x206: {  	s9 =	sadd.s32 $0x6080, s25;
	s10 =	simm.s32 $0xC480  }
0x207: {  	[tilespmem:s10], [sflag:$0x2] =	stream.indirect.gather [spmem:s4], $0x1, s9, s0, $0xb8;
	[tilespmem:$0x1C028] =	vst v63  }
0x208: {  	s22 =	sadd.s32 $0x6100, s25;
	s31 =	simm.s32 $0xC500  }
0x209: {  	[tilespmem:s31], [sflag:$0x2] =	stream.indirect.gather [spmem:s4], $0x1, s22, s0, $0xb8;
	[tilespmem:$0x1C028] =	vst v63  }
0x20a: {  	s9 =	sadd.s32 $0x6180, s25;
	s10 =	simm.s32 $0xC580  }
0x20b: {  	[tilespmem:s10], [sflag:$0x2] =	stream.indirect.gather [spmem:s4], $0x1, s9, s0, $0xb8;
	[tilespmem:$0x1C028] =	vst v63  }
0x20c: {  	s22 =	sadd.s32 $0x6200, s25;
	s31 =	simm.s32 $0xC600  }
0x20d: {  	[tilespmem:s31], [sflag:$0x2] =	stream.indirect.gather [spmem:s4], $0x1, s22, s0, $0xb8;
	[tilespmem:$0x1C028] =	vst v63  }
0x20e: {  	s10 =	sadd.s32 $0x6280, s25  }
0x20f: {  	[tilespmem:s11], [sflag:$0x2] =	stream.indirect.gather [spmem:s4], $0x1, s10, s0, $0xb8;
	[tilespmem:$0x1C028] =	vst v63  }
0x210: {  	s22 =	sadd.s32 $0x6300, s25  }
0x211: {  	[tilespmem:s12], [sflag:$0x2] =	stream.indirect.gather [spmem:s4], $0x1, s22, s0, $0xb8;
	[tilespmem:$0x1C028] =	vst v63  }
0x212: {  	s31 =	sadd.s32 $0x6380, s25  }
0x213: {  	[tilespmem:s14], [sflag:$0x2] =	stream.indirect.gather [spmem:s4], $0x1, s31, s0, $0xb8;
	[tilespmem:$0x1C028] =	vst v63  }
0x214: {  	s9 =	sadd.s32 $0x6400, s25  }
0x215: {  	[tilespmem:s15], [sflag:$0x2] =	stream.indirect.gather [spmem:s4], $0x1, s9, s0, $0xb8;
	[tilespmem:$0x1C028] =	vst v63  }
0x216: {  	s10 =	sadd.s32 $0x6480, s25  }
0x217: {  	[tilespmem:s16], [sflag:$0x2] =	stream.indirect.gather [spmem:s4], $0x1, s10, s0, $0xb8;
	[tilespmem:$0x1C028] =	vst v63  }
0x218: {  	s22 =	sadd.s32 $0x6500, s25  }
0x219: {  	[tilespmem:s17], [sflag:$0x2] =	stream.indirect.gather [spmem:s4], $0x1, s22, s0, $0xb8;
	[tilespmem:$0x1C028] =	vst v63  }
0x21a: {  	s25 =	sadd.s32 $0x6580, s25  }
0x21b: {  	[tilespmem:s21], [sflag:$0x2] =	stream.indirect.gather [spmem:s4], $0x1, s25, s0, $0xb8;
	[tilespmem:$0x1C028] =	vst v63  }
0x21c: {  	_ =	swait.ge [sflag:s5], $0x80  }
0x21d: {  	[sflag:s5] =	ssyncset.done $0x0  }
0x21e: {  	[sflag:s5] =	ssyncadd.s32 $0xFFFFFF80  }
0x21f: {  	_ =	swait.ge [sflag:s5], $0x80  }
0x220: {  	[sflag:s5] =	ssyncset.done $0x0  }
0x221: {  	[sflag:s5] =	ssyncadd.s32 $0xFFFFFF80  }
0x222: {  	_ =	swait.ge [sflag:s5], $0x80  }
0x223: {  	[sflag:s5] =	ssyncset.done $0x0  }
0x224: {  	[sflag:s5] =	ssyncadd.s32 $0xFFFFFF80  }
0x225: {  	_ =	swait.ge [sflag:s5], $0x80  }
0x226: {  	[sflag:s5] =	ssyncset.done $0x0  }
0x227: {  	[sflag:s5] =	ssyncadd.s32 $0xFFFFFF80  }
0x228: {  	_ =	swait.ge [sflag:s5], $0x80  }
0x229: {  	[sflag:s5] =	ssyncset.done $0x0  }
0x22a: {  	[sflag:s5] =	ssyncadd.s32 $0xFFFFFF80  }
0x22b: {  	_ =	swait.ge [sflag:s5], $0x80  }
0x22c: {  	[sflag:s5] =	ssyncset.done $0x0  }
0x22d: {  	[sflag:s5] =	ssyncadd.s32 $0xFFFFFF80  }
0x22e: {  	_ =	swait.ge [sflag:s5], $0x80  }
0x22f: {  	[sflag:s5] =	ssyncset.done $0x0  }
0x230: {  	[sflag:s5] =	ssyncadd.s32 $0xFFFFFF80  }
0x231: {  	_ =	swait.ge [sflag:s5], $0x80  }
0x232: {  	[sflag:s5] =	ssyncset.done $0x0  }
0x233: {  	[sflag:s5] =	ssyncadd.s32 $0xFFFFFF80  }
0x234: {  	_ =	swait.ge [sflag:s5], $0x80  }
0x235: {  	[sflag:s5] =	ssyncset.done $0x0  }
0x236: {  	[sflag:s5] =	ssyncadd.s32 $0xFFFFFF80  }
0x237: {  	_ =	swait.ge [sflag:s5], $0x80  }
0x238: {  	[sflag:s5] =	ssyncset.done $0x0  }
0x239: {  	[sflag:s5] =	ssyncadd.s32 $0xFFFFFF80  }
0x23a: {  	_ =	swait.ge [sflag:s5], $0x80  }
0x23b: {  	[sflag:s5] =	ssyncset.done $0x0  }
0x23c: {  	[sflag:s5] =	ssyncadd.s32 $0xFFFFFF80  }
0x23d: {  	_ =	swait.ge [sflag:s5], $0x80  }
0x23e: {  	[sflag:s5] =	ssyncset.done $0x0  }
0x23f: {  	[sflag:s5] =	ssyncadd.s32 $0xFFFFFF80  }
0x240: {  	_ =	swait.ge [sflag:s5], $0x80  }
0x241: {  	[sflag:s5] =	ssyncset.done $0x0  }
0x242: {  	[sflag:s5] =	ssyncadd.s32 $0xFFFFFF80  }
0x243: {  	_ =	swait.ge [sflag:s5], $0x80  }
0x244: {  	[sflag:s5] =	ssyncset.done $0x0  }
0x245: {  	[sflag:s5] =	ssyncadd.s32 $0xFFFFFF80  }
0x246: {  	_ =	swait.ge [sflag:s5], $0x80  }
0x247: {  	[sflag:s5] =	ssyncset.done $0x0  }
0x248: {  	[sflag:s5] =	ssyncadd.s32 $0xFFFFFF80  }
0x249: {  	_ =	swait.ge [sflag:s5], $0x80  }
0x24a: {  	[sflag:s5] =	ssyncset.done $0x0  }
0x24b: {  	[sflag:s5] =	ssyncadd.s32 $0xFFFFFF80  }
0x24c: {  	_ =	swait.ge [sflag:s5], $0x80  }
0x24d: {  	[sflag:s5] =	ssyncset.done $0x0  }
0x24e: {  	[sflag:s5] =	ssyncadd.s32 $0xFFFFFF80  }
0x24f: {  	_ =	swait.ge [sflag:s5], $0x80  }
0x250: {  	[sflag:s5] =	ssyncset.done $0x0  }
0x251: {  	[sflag:s5] =	ssyncadd.s32 $0xFFFFFF80  }
0x252: {  	_ =	swait.ge [sflag:s5], $0x80  }
0x253: {  	[sflag:s5] =	ssyncset.done $0x0  }
0x254: {  	[sflag:s5] =	ssyncadd.s32 $0xFFFFFF80  }
0x255: {  	_ =	swait.ge [sflag:s5], $0x80  }
0x256: {  	[sflag:s5] =	ssyncset.done $0x0  }
0x257: {  	[sflag:s5] =	ssyncadd.s32 $0xFFFFFF80  }
0x258: {  	_ =	swait.ge [sflag:s5], $0x80  }
0x259: {  	[sflag:s5] =	ssyncset.done $0x0  }
0x25a: {  	[sflag:s5] =	ssyncadd.s32 $0xFFFFFF80  }
0x25b: {  	_ =	swait.ge [sflag:s5], $0x80  }
0x25c: {  	[sflag:s5] =	ssyncset.done $0x0  }
0x25d: {  	[sflag:s5] =	ssyncadd.s32 $0xFFFFFF80  }
0x25e: {  	_ =	swait.ge [sflag:s5], $0x80  }
0x25f: {  	[sflag:s5] =	ssyncset.done $0x0  }
0x260: {  	[sflag:s5] =	ssyncadd.s32 $0xFFFFFF80  }
0x261: {  	_ =	swait.ge [sflag:s5], $0x80  }
0x262: {  	[sflag:s5] =	ssyncset.done $0x0  }
0x263: {  	[sflag:s5] =	ssyncadd.s32 $0xFFFFFF80  }
0x264: {  	_ =	swait.ge [sflag:s5], $0x80  }
0x265: {  	[sflag:s5] =	ssyncset.done $0x0  }
0x266: {  	[sflag:s5] =	ssyncadd.s32 $0xFFFFFF80  }
0x267: {  	_ =	swait.ge [sflag:s5], $0x80  }
0x268: {  	[sflag:s5] =	ssyncset.done $0x0  }
0x269: {  	[sflag:s5] =	ssyncadd.s32 $0xFFFFFF80  }
0x26a: {  	_ =	swait.ge [sflag:s5], $0x80  }
0x26b: {  	[sflag:s5] =	ssyncset.done $0x0  }
0x26c: {  	[sflag:s5] =	ssyncadd.s32 $0xFFFFFF80  }
0x26d: {  	_ =	swait.ge [sflag:s5], $0x80  }
0x26e: {  	[sflag:s5] =	ssyncset.done $0x0  }
0x26f: {  	[sflag:s5] =	ssyncadd.s32 $0xFFFFFF80  }
0x270: {  	_ =	swait.ge [sflag:s5], $0x80  }
0x271: {  	[sflag:s5] =	ssyncset.done $0x0  }
0x272: {  	[sflag:s5] =	ssyncadd.s32 $0xFFFFFF80  }
0x273: {  	_ =	swait.ge [sflag:s5], $0x80  }
0x274: {  	[sflag:s5] =	ssyncset.done $0x0  }
0x275: {  	[sflag:s5] =	ssyncadd.s32 $0xFFFFFF80  }
0x276: {  	_ =	swait.ge [sflag:s5], $0x80  }
0x277: {  	[sflag:s5] =	ssyncset.done $0x0  }
0x278: {  	[sflag:s5] =	ssyncadd.s32 $0xFFFFFF80  }
0x279: {  	_ =	swait.ge [sflag:s5], $0x80  }
0x27a: {  	[sflag:s5] =	ssyncset.done $0x0  }
0x27b: {  	[sflag:s5] =	ssyncadd.s32 $0xFFFFFF80  }
0x27c: {  	_ =	swait.ge [sflag:s5], $0x80  }
0x27d: {  	[sflag:s5] =	ssyncset.done $0x0  }
0x27e: {  	[sflag:s5] =	ssyncadd.s32 $0xFFFFFF80  }
0x27f: {  	_ =	swait.ge [sflag:s5], $0x80  }
0x280: {  	[sflag:s5] =	ssyncset.done $0x0  }
0x281: {  	[sflag:s5] =	ssyncadd.s32 $0xFFFFFF80  }
0x282: {  	_ =	swait.ge [sflag:s5], $0x80  }
0x283: {  	[sflag:s5] =	ssyncset.done $0x0  }
0x284: {  	[sflag:s5] =	ssyncadd.s32 $0xFFFFFF80  }
0x285: {  	_ =	swait.ge [sflag:s5], $0x80  }
0x286: {  	[sflag:s5] =	ssyncset.done $0x0  }
0x287: {  	[sflag:s5] =	ssyncadd.s32 $0xFFFFFF80  }
0x288: {  	_ =	swait.ge [sflag:s5], $0x80  }
0x289: {  	[sflag:s5] =	ssyncset.done $0x0  }
0x28a: {  	[sflag:s5] =	ssyncadd.s32 $0xFFFFFF80  }
0x28b: {  	_ =	swait.ge [sflag:s5], $0x80  }
0x28c: {  	[sflag:s5] =	ssyncset.done $0x0  }
0x28d: {  	[sflag:s5] =	ssyncadd.s32 $0xFFFFFF80  }
0x28e: {  	_ =	swait.ge [sflag:s5], $0x80  }
0x28f: {  	[sflag:s5] =	ssyncset.done $0x0  }
0x290: {  	[sflag:s5] =	ssyncadd.s32 $0xFFFFFF80  }
0x291: {  	_ =	swait.ge [sflag:s5], $0x80  }
0x292: {  	[sflag:s5] =	ssyncset.done $0x0  }
0x293: {  	[sflag:s5] =	ssyncadd.s32 $0xFFFFFF80  }
0x294: {  	_ =	swait.ge [sflag:s5], $0x80  }
0x295: {  	[sflag:s5] =	ssyncset.done $0x0  }
0x296: {  	[sflag:s5] =	ssyncadd.s32 $0xFFFFFF80  }
0x297: {  	_ =	swait.ge [sflag:s5], $0x80  }
0x298: {  	[sflag:s5] =	ssyncset.done $0x0  }
0x299: {  	[sflag:s5] =	ssyncadd.s32 $0xFFFFFF80  }
0x29a: {  	_ =	swait.ge [sflag:s5], $0x80  }
0x29b: {  	[sflag:s5] =	ssyncset.done $0x0  }
0x29c: {  	[sflag:s5] =	ssyncadd.s32 $0xFFFFFF80  }
0x29d: {  	_ =	swait.ge [sflag:s5], $0x80  }
0x29e: {  	[sflag:s5] =	ssyncset.done $0x0  }
0x29f: {  	[sflag:s5] =	ssyncadd.s32 $0xFFFFFF80  }
0x2a0: {  	_ =	swait.ge [sflag:s5], $0x80  }
0x2a1: {  	[sflag:s5] =	ssyncset.done $0x0  }
0x2a2: {  	[sflag:s5] =	ssyncadd.s32 $0xFFFFFF80  }
0x2a3: {  	_ =	swait.ge [sflag:s5], $0x80  }
0x2a4: {  	[sflag:s5] =	ssyncset.done $0x0  }
0x2a5: {  	[sflag:s5] =	ssyncadd.s32 $0xFFFFFF80  }
0x2a6: {  	_ =	swait.ge [sflag:s5], $0x80  }
0x2a7: {  	[sflag:s5] =	ssyncset.done $0x0  }
0x2a8: {  	[sflag:s5] =	ssyncadd.s32 $0xFFFFFF80  }
0x2a9: {  	_ =	swait.ge [sflag:s5], $0x80  }
0x2aa: {  	[sflag:s5] =	ssyncset.done $0x0  }
0x2ab: {  	[sflag:s5] =	ssyncadd.s32 $0xFFFFFF80  }
0x2ac: {  	_ =	swait.ge [sflag:s5], $0x80  }
0x2ad: {  	[sflag:s5] =	ssyncset.done $0x0  }
0x2ae: {  	[sflag:s5] =	ssyncadd.s32 $0xFFFFFF80  }
0x2af: {  	_ =	swait.ge [sflag:s5], $0x80  }
0x2b0: {  	[sflag:s5] =	ssyncset.done $0x0  }
0x2b1: {  	[sflag:s5] =	ssyncadd.s32 $0xFFFFFF80  }
0x2b2: {  	_ =	swait.ge [sflag:s5], $0x80  }
0x2b3: {  	[sflag:s5] =	ssyncset.done $0x0  }
0x2b4: {  	[sflag:s5] =	ssyncadd.s32 $0xFFFFFF80  }
0x2b5: {  	_ =	swait.ge [sflag:s5], $0x80  }
0x2b6: {  	[sflag:s5] =	ssyncset.done $0x0  }
0x2b7: {  	[sflag:s5] =	ssyncadd.s32 $0xFFFFFF80  }
0x2b8: {  	_ =	swait.ge [sflag:s5], $0x80  }
0x2b9: {  	[sflag:s5] =	ssyncset.done $0x0  }
0x2ba: {  	[sflag:s5] =	ssyncadd.s32 $0xFFFFFF80  }
0x2bb: {  	_ =	swait.ge [sflag:s5], $0x80  }
0x2bc: {  	[sflag:s5] =	ssyncset.done $0x0  }
0x2bd: {  	[sflag:s5] =	ssyncadd.s32 $0xFFFFFF80  }
0x2be: {  	_ =	swait.ge [sflag:s5], $0x80  }
0x2bf: {  	[sflag:s5] =	ssyncset.done $0x0  }
0x2c0: {  	[sflag:s5] =	ssyncadd.s32 $0xFFFFFF80  }
0x2c1: {  	_ =	swait.ge [sflag:s5], $0x80  }
0x2c2: {  	[sflag:s5] =	ssyncset.done $0x0  }
0x2c3: {  	[sflag:s5] =	ssyncadd.s32 $0xFFFFFF80  }
0x2c4: {  	_ =	swait.ge [sflag:s5], $0x80  }
0x2c5: {  	[sflag:s5] =	ssyncset.done $0x0  }
0x2c6: {  	[sflag:s5] =	ssyncadd.s32 $0xFFFFFF80  }
0x2c7: {  	_ =	swait.ge [sflag:s5], $0x80  }
0x2c8: {  	[sflag:s5] =	ssyncset.done $0x0  }
0x2c9: {  	[sflag:s5] =	ssyncadd.s32 $0xFFFFFF80  }
0x2ca: {  	_ =	swait.ge [sflag:s5], $0x80  }
0x2cb: {  	[sflag:s5] =	ssyncset.done $0x0  }
0x2cc: {  	[sflag:s5] =	ssyncadd.s32 $0xFFFFFF80  }
0x2cd: {  	_ =	swait.ge [sflag:s5], $0x80  }
0x2ce: {  	[sflag:s5] =	ssyncset.done $0x0  }
0x2cf: {  	[sflag:s5] =	ssyncadd.s32 $0xFFFFFF80  }
0x2d0: {  	_ =	swait.ge [sflag:s5], $0x80  }
0x2d1: {  	[sflag:s5] =	ssyncset.done $0x0  }
0x2d2: {  	[sflag:s5] =	ssyncadd.s32 $0xFFFFFF80  }
0x2d3: {  	_ =	swait.ge [sflag:s5], $0x80  }
0x2d4: {  	[sflag:s5] =	ssyncset.done $0x0  }
0x2d5: {  	[sflag:s5] =	ssyncadd.s32 $0xFFFFFF80  }
0x2d6: {  	_ =	swait.ge [sflag:s5], $0x80  }
0x2d7: {  	[sflag:s5] =	ssyncset.done $0x0  }
0x2d8: {  	[sflag:s5] =	ssyncadd.s32 $0xFFFFFF80  }
0x2d9: {  	_ =	swait.ge [sflag:s5], $0x80  }
0x2da: {  	[sflag:s5] =	ssyncset.done $0x0  }
0x2db: {  	[sflag:s5] =	ssyncadd.s32 $0xFFFFFF80  }
0x2dc: {  	_ =	swait.ge [sflag:s5], $0x80  }
0x2dd: {  	[sflag:s5] =	ssyncset.done $0x0  }
0x2de: {  	[sflag:s5] =	ssyncadd.s32 $0xFFFFFF80  }
0x2df: {  	_ =	swait.ge [sflag:s5], $0x80  }
0x2e0: {  	[sflag:s5] =	ssyncset.done $0x0  }
0x2e1: {  	[sflag:s5] =	ssyncadd.s32 $0xFFFFFF80  }
0x2e2: {  	_ =	swait.ge [sflag:s5], $0x80  }
0x2e3: {  	[sflag:s5] =	ssyncset.done $0x0  }
0x2e4: {  	[sflag:s5] =	ssyncadd.s32 $0xFFFFFF80  }
0x2e5: {  	_ =	swait.ge [sflag:s5], $0x80  }
0x2e6: {  	[sflag:s5] =	ssyncset.done $0x0  }
0x2e7: {  	[sflag:s5] =	ssyncadd.s32 $0xFFFFFF80  }
0x2e8: {  	_ =	swait.ge [sflag:s5], $0x80  }
0x2e9: {  	[sflag:s5] =	ssyncset.done $0x0  }
0x2ea: {  	[sflag:s5] =	ssyncadd.s32 $0xFFFFFF80  }
0x2eb: {  	_ =	swait.ge [sflag:s5], $0x80  }
0x2ec: {  	[sflag:s5] =	ssyncset.done $0x0  }
0x2ed: {  	[sflag:s5] =	ssyncadd.s32 $0xFFFFFF80  }
0x2ee: {  	_ =	swait.ge [sflag:s5], $0x80  }
0x2ef: {  	[sflag:s5] =	ssyncset.done $0x0  }
0x2f0: {  	[sflag:s5] =	ssyncadd.s32 $0xFFFFFF80  }
0x2f1: {  	_ =	swait.ge [sflag:s5], $0x80  }
0x2f2: {  	[sflag:s5] =	ssyncset.done $0x0  }
0x2f3: {  	[sflag:s5] =	ssyncadd.s32 $0xFFFFFF80  }
0x2f4: {  	_ =	swait.ge [sflag:s5], $0x80  }
0x2f5: {  	[sflag:s5] =	ssyncset.done $0x0  }
0x2f6: {  	[sflag:s5] =	ssyncadd.s32 $0xFFFFFF80  }
0x2f7: {  	_ =	swait.ge [sflag:s5], $0x80  }
0x2f8: {  	[sflag:s5] =	ssyncset.done $0x0  }
0x2f9: {  	[sflag:s5] =	ssyncadd.s32 $0xFFFFFF80  }
0x2fa: {  	_ =	swait.ge [sflag:s5], $0x80  }
0x2fb: {  	[sflag:s5] =	ssyncset.done $0x0  }
0x2fc: {  	[sflag:s5] =	ssyncadd.s32 $0xFFFFFF80  }
0x2fd: {  	_ =	swait.ge [sflag:s5], $0x80  }
0x2fe: {  	[sflag:s5] =	ssyncset.done $0x0  }
0x2ff: {  	[sflag:s5] =	ssyncadd.s32 $0xFFFFFF80  }
0x300: {  	_ =	swait.ge [sflag:s5], $0x80  }
0x301: {  	[sflag:s5] =	ssyncset.done $0x0  }
0x302: {  	[sflag:s5] =	ssyncadd.s32 $0xFFFFFF80  }
0x303: {  	_ =	swait.ge [sflag:s5], $0x80  }
0x304: {  	[sflag:s5] =	ssyncset.done $0x0  }
0x305: {  	[sflag:s5] =	ssyncadd.s32 $0xFFFFFF80  }
0x306: {  	_ =	swait.ge [sflag:s5], $0x80  }
0x307: {  	[sflag:s5] =	ssyncset.done $0x0  }
0x308: {  	[sflag:s5] =	ssyncadd.s32 $0xFFFFFF80  }
0x309: {  	_ =	swait.ge [sflag:s5], $0x80  }
0x30a: {  	[sflag:s5] =	ssyncset.done $0x0  }
0x30b: {  	[sflag:s5] =	ssyncadd.s32 $0xFFFFFF80  }
0x30c: {  	_ =	swait.ge [sflag:s5], $0x80  }
0x30d: {  	[sflag:s5] =	ssyncset.done $0x0  }
0x30e: {  	[sflag:s5] =	ssyncadd.s32 $0xFFFFFF80  }
0x30f: {  	_ =	swait.ge [sflag:s5], $0x80  }
0x310: {  	[sflag:s5] =	ssyncset.done $0x0  }
0x311: {  	[sflag:s5] =	ssyncadd.s32 $0xFFFFFF80  }
0x312: {  	_ =	swait.ge [sflag:s5], $0x80  }
0x313: {  	[sflag:s5] =	ssyncset.done $0x0  }
0x314: {  	[sflag:s5] =	ssyncadd.s32 $0xFFFFFF80  }
0x315: {  	_ =	swait.ge [sflag:s5], $0x80  }
0x316: {  	[sflag:s5] =	ssyncset.done $0x0  }
0x317: {  	[sflag:s5] =	ssyncadd.s32 $0xFFFFFF80  }
0x318: {  	_ =	swait.ge [sflag:s5], $0x80  }
0x319: {  	[sflag:s5] =	ssyncset.done $0x0  }
0x31a: {  	[sflag:s5] =	ssyncadd.s32 $0xFFFFFF80  }
0x31b: {  	_ =	swait.ge [sflag:s5], $0x80  }
0x31c: {  	[sflag:s5] =	ssyncset.done $0x0  }
0x31d: {  	[sflag:s5] =	ssyncadd.s32 $0xFFFFFF80  }
0x31e: {  	_ =	swait.ge [sflag:s5], $0x80  }
0x31f: {  	[sflag:s5] =	ssyncset.done $0x0  }
0x320: {  	[sflag:s5] =	ssyncadd.s32 $0xFFFFFF80  }
0x321: {  	_ =	swait.ge [sflag:s5], $0x80  }
0x322: {  	[sflag:s5] =	ssyncset.done $0x0  }
0x323: {  	[sflag:s5] =	ssyncadd.s32 $0xFFFFFF80  }
0x324: {  	_ =	swait.ge [sflag:s5], $0x80  }
0x325: {  	[sflag:s5] =	ssyncset.done $0x0  }
0x326: {  	[sflag:s5] =	ssyncadd.s32 $0xFFFFFF80  }
0x327: {  	_ =	swait.ge [sflag:s5], $0x80  }
0x328: {  	[sflag:s5] =	ssyncset.done $0x0  }
0x329: {  	[sflag:s5] =	ssyncadd.s32 $0xFFFFFF80  }
0x32a: {  	_ =	swait.ge [sflag:s5], $0x80  }
0x32b: {  	[sflag:s5] =	ssyncset.done $0x0  }
0x32c: {  	[sflag:s5] =	ssyncadd.s32 $0xFFFFFF80  }
0x32d: {  	_ =	swait.ge [sflag:s5], $0x80  }
0x32e: {  	[sflag:s5] =	ssyncset.done $0x0  }
0x32f: {  	[sflag:s5] =	ssyncadd.s32 $0xFFFFFF80  }
0x330: {  	_ =	swait.ge [sflag:s5], $0x80  }
0x331: {  	[sflag:s5] =	ssyncset.done $0x0  }
0x332: {  	[sflag:s5] =	ssyncadd.s32 $0xFFFFFF80  }
0x333: {  	_ =	swait.ge [sflag:s5], $0x80  }
0x334: {  	[sflag:s5] =	ssyncset.done $0x0  }
0x335: {  	[sflag:s5] =	ssyncadd.s32 $0xFFFFFF80  }
0x336: {  	_ =	swait.ge [sflag:s5], $0x80  }
0x337: {  	[sflag:s5] =	ssyncset.done $0x0  }
0x338: {  	[sflag:s5] =	ssyncadd.s32 $0xFFFFFF80  }
0x339: {  	_ =	swait.ge [sflag:s5], $0x80  }
0x33a: {  	[sflag:s5] =	ssyncset.done $0x0  }
0x33b: {  	[sflag:s5] =	ssyncadd.s32 $0xFFFFFF80  }
0x33c: {  	_ =	swait.ge [sflag:s5], $0x80  }
0x33d: {  	[sflag:s5] =	ssyncset.done $0x0  }
0x33e: {  	[sflag:s5] =	ssyncadd.s32 $0xFFFFFF80  }
0x33f: {  	_ =	swait.ge [sflag:s5], $0x80  }
0x340: {  	s24 =	sor.u32 s7, s24;
	p1 =	seq.s32 @!p0 s1, $0x1F;
	[sflag:s5] =	ssyncset.done $0x0  }
0x341: {  	p1 =	por p1, p0;
	s26 =	sand.u32 $0xF, s1;
	[sflag:s5] =	ssyncadd.s32 $0xFFFFFF80  }
0x342: {  	s31 =	sshll.u32 s24, $0x7;
	s25 =	sadd.s32 $0x1, s1;
	_ =	swait.ge [sflag:s5], $0x80  }
0x343: {  	s10 =	simm.s32 @!p1 $0x1C01;
	s29 =	sshrl.u32 @!p1 s25, $0x4;
	[sflag:s5] =	ssyncset.done $0x0  }
0x344: {  	s30 =	sshll.u32 @!p1 s25, $0x1C;
	s29 =	sadd.s32 @!p1 s7, s29;
	[sflag:s5] =	ssyncadd.s32 $0xFFFFFF80  }
0x345: {  	v8 =	vmov s31;
	s30 =	sshra.s32 @!p1 s30, $0x1F;
	s29 =	smul.u32 @!p1 $0xF42800, s29;
	_ =	swait.ge [sflag:s5], $0x80  }
0x346: {  	v8 =	vor.u32 s26, v8;
	s31 =	sshll.u32 @!p1 s25, $0x7;
	s30 =	sand.u32 @!p1 $0x7A1400, s30;
	[sflag:s5] =	ssyncset.done $0x0  }
0x347: {  	v8 =	vbroadcast v8, $0x0;
	s29 =	sadd.s32 @!p1 s30, s29;
	s30 =	sand.u32 @!p1 $0x380, s31;
	[sflag:s5] =	ssyncadd.s32 $0xFFFFFF80  }
0x348: {  	s22 =	simm.s32 @!p1 $0x10;
	s29 =	sor.u32 @!p1 s30, s29;
	[bflag:$0x0] =	sbarrier.arrive $0xFFFF  }
0x349: {  	s31 =	simm.s32 @!p1 $0x1;
	s29 =	sshrl.u32 @!p1 s29, $0x3;
	s9 =	rddreg [dreg:$0x1]  }
0x34a: {  	s30 =	sshrl.u32 @!p1 s4, $0x3;
	s29 =	sadd.s32 @!p1 s9, s29;
	s9 =	simm.s32 @!p1 $0x80  }
0x34b: {  	[spmem:s30@s22], [sflag:s10] =	dma.strided @!p1 [hbm:s29@s9], $0x1E850, s31, $0x10   }
0x34c: {  	s31 =	simm.s32 $0xCA00  }
0x34d: {  	s29 =	simm.s32 $0x0;
	v8 =	vld.idx.msk [tilespmem:v8+s31+$0x0], $0xffff  }
0x34e: {  	v9 =	vld [tilespmem:s29+$0x9800]  }
0x34f: {  	v14 =	vld [tilespmem:s29+$0x9810]  }
0x350: {  	v13 =	vld [tilespmem:s29+$0x9820]  }
0x351: {  	v12 =	vld [tilespmem:s29+$0x9830]  }
0x352: {  	v10 =	vld [tilespmem:s29+$0x9840]  }
0x353: {  	v11 =	vld [tilespmem:s29+$0x9850];
	v15 =	vmul.f32 v9, v8  }
0x354: {  	s30 =	simm.s32 $0x200;
	v14 =	vmul.f32 v14, v8;
	v9 =	vld [tilespmem:s29+$0x9860]  }
.LBB2_4:
0x355: {  	s9 =	sshra.s32 s30, $0x2;
	p1 =	sne.s32 s30, $0xC600;
	[tilespmem:s29+$0x9800] =	vst v15;
	v13 =	vmul.f32 v13, v8;
	v15 =	vld [tilespmem:s29+$0x9870]  }
0x356: {  	v16 =	vld [tilespmem:s9+$0x9800];
	[tilespmem:s29+$0x9810] =	vst v14;
	v12 =	vmul.f32 v12, v8  }
0x357: {  	v14 =	vld [tilespmem:s9+$0x9810];
	[tilespmem:s29+$0x9820] =	vst v13;
	v10 =	vmul.f32 v10, v8  }
.Ltmp1:
0x358: {  	v13 =	vld [tilespmem:s9+$0x9820];
	[tilespmem:s29+$0x9830] =	vst v12;
	v11 =	vmul.f32 v11, v8;
	(pc) =	sbr.rel @p1 .LBB2_4-.Ltmp1, $4  }
0x359: {  	v12 =	vld [tilespmem:s9+$0x9830];
	[tilespmem:s29+$0x9840] =	vst v10;
	v9 =	vmul.f32 v9, v8  }
0x35a: {  	v10 =	vld [tilespmem:s9+$0x9840];
	[tilespmem:s29+$0x9850] =	vst v11;
	v17 =	vmul.f32 v15, v8  }
0x35b: {  	v15 =	vmul.f32 v16, v8;
	v11 =	vld [tilespmem:s9+$0x9850];
	[tilespmem:s29+$0x9860] =	vst v9  }
0x35c: {  	s30 =	sadd.s32 $0x200, s30;
	v14 =	vmul.f32 v14, v8;
	v9 =	vld [tilespmem:s9+$0x9860];
	[tilespmem:s29+$0x9870] =	vst v17;
	s29 =	smov.u32 s9  }
0x35d: {  	[tilespmem:s29+$0x9800] =	vst v15;
	v13 =	vmul.f32 v13, v8;
	v63 =	vld [tilespmem:s29+$0x9870];
	s9 =	sshrl.u32 s26, $0x3;
	s10 =	smul.u32 $0x320000, s24  }
0x35e: {  	[tilespmem:s29+$0x9810] =	vst v14;
	v12 =	vmul.f32 v12, v8;
	s9 =	smul.u32 $0x190000, s9  }
0x35f: {  	[tilespmem:s29+$0x9820] =	vst v13;
	v10 =	vmul.f32 v10, v8  }
0x360: {  	s1 =	sshll.u32 s1, $0x7;
	[tilespmem:s29+$0x9830] =	vst v12;
	v11 =	vmul.f32 v11, v8;
	s9 =	sadd.s32 s9, s10  }
0x361: {  	s1 =	sand.u32 $0x380, s1;
	[tilespmem:s29+$0x9840] =	vst v10;
	v9 =	vmul.f32 v9, v8;
	s10 =	sadd.s32 s8, s9  }
0x362: {  	[tilespmem:s29+$0x9850] =	vst v11;
	v8 =	vmul.f32 v63, v8;
	s10 =	sor.u32 s1, s10  }
0x363: {  	[tilespmem:s29+$0x9860] =	vst v9;
	s10 =	sshrl.u32 s10, $0x3  }
0x364: {  	s30 =	sadd.s32 s18, s9;
	[tilespmem:s29+$0x9870] =	vst v8;
	s10 =	sadd.s32 s3, s10  }
0x365: {  	[hbm4b:s10+s0] =	stream.strided.scatter [tilespmem:s2], [sflag:$0x3], $0xC80, s23, s0, $0x38;
	[tilespmem:$0x1C028] =	vst v63  }
0x366: {  	s10 =	sor.u32 s1, s30  }
0x367: {  	s10 =	sshrl.u32 s10, $0x3  }
0x368: {  	s31 =	sadd.s32 s19, s9;
	s10 =	sadd.s32 s3, s10  }
0x369: {  	[hbm4b:s10+s0] =	stream.strided.scatter [tilespmem:s28], [sflag:$0x3], $0xC80, s23, s0, $0x38;
	[tilespmem:$0x1C028] =	vst v63  }
0x36a: {  	s9 =	sadd.s32 s20, s9;
	s10 =	sor.u32 s1, s31  }
0x36b: {  	p1 =	sne.s32 s25, $0x20;
	s1 =	sor.u32 s1, s9;
	s10 =	sshrl.u32 s10, $0x3  }
.Ltmp2:
0x36c: {  	s1 =	sshrl.u32 s1, $0x3;
	s10 =	sadd.s32 s3, s10;
	(pc) =	sbr.rel @p1 .LBB2_3-.Ltmp2, $4  }
0x36d: {  	[hbm4b:s10+s0] =	stream.strided.scatter [tilespmem:s6], [sflag:$0x3], $0xC80, s23, s0, $0x38;
	[tilespmem:$0x1C028] =	vst v63  }
0x36e: {  	s1 =	sadd.s32 s3, s1  }
0x36f: {  	[hbm4b:s1+s0] =	stream.strided.scatter [tilespmem:s13], [sflag:$0x3], $0xC80, s23, s0, $0x38;
	[tilespmem:$0x1C028] =	vst v63  }
0x370: {  	s1 =	smov.u32 s25  }
0x371: {  	s9 =	simm.s32 $0x3  }
0x372: {  	_ =	swait.ge [sflag:s9], $0xC80  }
0x373: {  	[sflag:s9] =	ssyncset.done $0x0  }
0x374: {  	[sflag:s9] =	ssyncadd.s32 $0xFFFFF380  }
0x375: {  	_ =	swait.ge [sflag:s9], $0xC80  }
0x376: {  	[sflag:s9] =	ssyncset.done $0x0  }
0x377: {  	[sflag:s9] =	ssyncadd.s32 $0xFFFFF380  }
0x378: {  	_ =	swait.ge [sflag:s9], $0xC80  }
0x379: {  	[sflag:s9] =	ssyncset.done $0x0  }
0x37a: {  	[sflag:s9] =	ssyncadd.s32 $0xFFFFF380  }
0x37b: {  	_ =	swait.ge [sflag:s9], $0xC80  }
0x37c: {  	s10 =	rddreg [dreg:$0x11]  }
0x37d: {  	s1 =	rddreg [dreg:$0x7];
	s10 =	sadd.s32 $0x1, s10  }
0x37e: {  	p1 =	sne.s32 s10, s1  }
.Ltmp3:
0x37f: {  	_ = 	snop;
	(pc) =	sbr.rel @p1 .LBB2_1-.Ltmp3, $3  }
0x380: {  	_ =	sdelay $0x1  }
0x381: {  	[sflag:s9] =	ssyncset.done $0x0  }
0x382: {  	[sflag:s9] =	ssyncadd.s32 $0xFFFFF380  }
0x383: {  	_ =	sfence.sel $0x180000  }
0x384: {  	[bflag:$0x0] =	sbarrier.arrive $0xFFFF  }
0x385: {  	_ =	strace $0x90000047  }
0x386: {  	[bflag:$0x2] =	sbarrier.arrive $0xFFFF  }
0x387: {  	s0 =	rddreg [dreg:$0x5]  }
0x388: {  	s0 =	sadd.s32 @!p0 $0x100000, s0  }
0x389: {  	[sflag:s0] =	ssyncadd.tile.s32 @!p0 $0x1;
	_ =	shalt  }
.Lfunc_end2:
_tile_overlayer_lowered:
.L_overlay_start_2:
0x38a: {  	(tag) =	ssettag $0x2  }
0x38b: {  	s0 =	rddreg [dreg:$0x0];
	s2 =	stileid.u32  }
0x38c: {  	s1 =	rddreg [dreg:$0x1];
	p0 =	sne.s32 s2, $0x0  }
0x38d: {  	s3 =	rddreg [dreg:$0x2];
	[bflag:$0x3] =	sbarrier.arrive $0xFFFF;
	s2 =	simm.s32 @!p0 $0x1C04  }
0x38e: {  	[timem:s3], [sflag:s2] =	dma.local @!p0 [hbm:s0], s1  }
0x38f: {  	s0 =	simm.s32 @!p0 $0x4  }
0x390: {  	_ =	swait.ge @!p0 [sflag:s0], s1  }
0x391: {  	s1 =	ssub.s32 @!p0 $0x0, s1;
	[sflag:s0] =	ssyncset.done @!p0 $0x0  }
0x392: {  	[sflag:s0] =	ssyncadd.s32 @!p0 s1  }
0x393: {  	[bflag:$0x3] =	sbarrier.arrive $0xFFFF  }
0x394: {  	_ =	shalt  }

// kernel: sparse-core-data-format-call.cloned.1.call-start
scs
called_computation_lowered:
.L_overlay_start_0:
0x0: {  	s2 =	sld [smem:$0x3FD9]  }
0x1: {  	s3 =	sld [smem:$0x3FFE];
	_ =	sdelay $0x1  }
0x2: {  	s1 =	srdreg.scid  }
0x3: {  	s0 =	sand.u32 $0x1, s1  }
0x4: {  	s18 =	sshll.u32 s0, $0xA;
	s2 =	sadd.s32 s3, s2  }
0x5: {  	s2 =	sadd.s32 s2, s18  }
0x6: {  	[smem:$0x3FC4] =	sst s2  }
0x7: {  	_ = 	snop  }
0x8: {  	s2 =	sld [smem:$0x3FD0];
	(tm) =	ssettm $0x1  }
0x9: {  	s19 =	sld [smem:$0x3FFB];
	_ =	sdelay $0x3  }
0xa: {  	_ =	strace s19  }
0xb: {  	s3 =	sld [smem:$0x3FFC];
	_ =	sdelay $0x3  }
0xc: {  	_ =	strace s3  }
0xd: {  	s3 =	sld [smem:$0x3FFD];
	_ =	sdelay $0x3  }
0xe: {  	_ =	strace s3  }
0xf: {  	_ =	strace $0x8FFFFFFF  }
0x10: {  	s20 =	sld [smem:$0x3FDB];
	_ =	sdelay $0x1  }
0x11: {  	s4 =	simm.s32 $_scs_section_size  }
0x12: {  	s5 =	simm.s32 $_size__tile_overlayer_lowered;
	s6 =	simm.s32 $_tile_overlayer_lowered  }
0x13: {  	s23 =	simm.s32 $0x1BFF;
	s22 =	sshll.u32 s6, $0x1;
	s3 =	sadd.s32 s4, s20  }
0x14: {  	s7 =	simm.s32 $0x0;
	s21 =	sshll.u32 s5, $0x1;
	s5 =	sadd.s32 s22, s3  }
0x15: {  	[timem:s7], [sflag:s23] =	dma.local [hbm:s5], s21  }
0x16: {  	_ =	swait.ge [sflag:s23], s21  }
0x17: {  	s4 =	ssub.s32 $0x0, s21;
	[sflag:s23] =	ssyncset.done $0x0  }
0x18: {  	[sflag:s23] =	ssyncadd.s32 s4;
	_ =	sdelay $0x1  }
0x19: {  	s24 =	simm.s32 $0x1B8B  }
0x1a: {  	_ =	swait.ge [sflag:s24], $0x1  }
0x1b: {  	[sflag:s24] =	ssyncset.done $0x0  }
0x1c: {  	s26 =	simm.s32 $0x1B8E;
	s25 =	sld [smem:$0x3FFE];
	[sflag:s24] =	ssyncadd.s32 $0xFFFFFFFF  }
0x1d: {  	s27 =	simm.s32 $execute0_lowered;
	[smem:$0x3FD2] =	sst s26  }
0x1e: {  	s5 =	sshll.u32 s27, $0x1;
	_ =	strace $0x80000049;
	[dreg:$0x1] =	wrdreg $0xFFFFFFFF  }
0x1f: {  	s28 =	simm.s32 $_size_execute0_lowered;
	s3 =	sadd.s32 s3, s5;
	[dreg:$0x0] =	wrdreg $0x0  }
0x20: {  	s5 =	sshll.u32 s28, $0x1;
	[dreg:$0x2] =	wrdreg s3  }
0x21: {  	[dreg:$0x3] =	wrdreg s5  }
0x22: {  	[dreg:$0x4] =	wrdreg $0xC0  }
0x23: {  	_ =	task [dreg:s7], $0x5FFFF  }
0x24: {  	[dreg:$0x1] =	wrdreg $0xFFFFFFFF  }
0x25: {  	[dreg:$0x0] =	wrdreg $0x60  }
0x26: {  	[dreg:$0x2] =	wrdreg s25  }
0x27: {  	[dreg:$0x3] =	wrdreg s2  }
0x28: {  	[dreg:$0x4] =	wrdreg $0x9  }
0x29: {  	_ =	task.clear_ibuf [dreg:s7], $0x5FFFF;
	_ =	strace $0x90000049  }
0x2a: {  	s29 =	simm.s32 $0x9;
	_ =	strace $0x8000004B  }
0x2b: {  	_ =	swait.ge [sflag:s29], $0x1  }
0x2c: {  	[sflag:s29] =	ssyncadd.s32 $0xFFFFFFFF  }
0x2d: {  	_ =	strace $0x9000004B  }
0x2e: {  	_ =	sfence  }
0x2f: {  	s30 =	sld [smem:$0x0];
	_ =	sdelay $0x2  }
0x30: {  	s31 =	sshll.u32 s1, $0xD;
	s1 =	sshrl.u32 s1, $0x2  }
0x31: {  	s3 =	sand.u32 $0x4000, s31;
	s1 =	sadd.s32 s1, s30  }
0x32: {  	s0 =	sor.u32 s3, s0;
	s1 =	sshll.u32 s1, $0x11  }
0x33: {  	s0 =	sor.u32 s1, s0  }
0x34: {  	s0 =	sadd.s32 $0x8F2B, s0  }
0x35: {  	[sflag:s0] =	ssyncadd.remote.s32 $0x1  }
0x36: {  	_ =	sfence.sel $0xFFFF  }
0x37: {  	[dreg:$0x0] =	wrdreg $0xFFFFFFFF;
	(pc) =	sbr.abs _section_cstart, $3  }
0x38: {  	[dreg:$0x1] =	wrdreg $0xFFFFFFFF  }
0x39: {  	_ =	task.clear_ibuf [dreg:s7], $0x2FFFF;
	_ =	strace $0x9FFFFFFF  }
0x3a: {  	(tm) =	ssettm $0x7FFFFFFF  }
0x3b: {  	_ =	shalt  }
tec
execute0_lowered:
.L_overlay_start_1:
0x0: {  	(tag) =	ssettag $0x1  }
0x1: {  	s1 =	rddreg [dreg:$0x0]  }
0x2: {  	s2 =	rddreg [dreg:$0x1]  }
0x3: {  	s0 =	rddreg [dreg:$0x2]  }
0x4: {  	s4 =	srdreg.scid;
	_ =	strace $0x8000004A;
	s6 =	simm.s32 $0x2  }
0x5: {  	s15 =	simm.s32 $0x0;
	p0 =	por $0x0, $0x0;
	s14 =	simm.s32 $0x0  }
0x6: {  	s16 =	simm.s32 $0x0;
	s7 =	simm.s32 $0x0;
	s9 =	simm.s32 $0x0  }
.Ltmp0:
0x7: {  	s10 =	simm.s32 $0x0;
	s11 =	simm.s32 $0x0;
	(pc) =	sbr.rel .LBB1_1-.Ltmp0, $4  }
0x8: {  	s12 =	simm.s32 $0x0;
	s3 =	sadd.s32 $0x800, s1;
	s4 =	sshll.u32 s4, $0x4  }
0x9: {  	s1 =	stileid.u32;
	s5 =	sand.u32 $0x10, s4;
	s4 =	simm.s32 $0x1  }
0xa: {  	s8 =	simm.s32 $0x0;
	s5 =	sor.u32 s1, s5;
	[sflag:s4] =	ssyncpa.u1 $0x0  }
0xb: {  	[sflag:s6] =	ssyncpa.u1 $0x0;
	s6 =	simm.s32 $0x10000;
	s13 =	smov.u32 s5  }
.LBB1_5:
0xc: {  	p1 =	slt.u32 s8, $0x2;
	s18 =	smov.u32 s16  }
0xd: {  	p2 =	sgt.s32 @!p1 s15, $0x48;
	s17 =	sshra.s32 @!p1 s15, $0x1F;
	p3 =	sgt.s32 @!p1 s16, $0x3F  }
0xe: {  	s19 =	sshra.s32 @!p1 s16, $0x1F;
	p2 =	por !p2, p1;
	s17 =	sand.u32 @!p1 s17, s15  }
0xf: {  	p3 =	por !p3, p1;
	s16 =	sand.u32 @!p1 s19, s16;
	s19 =	sshra.s32 @!p1 s14, $0x1F  }
0x10: {  	s18 =	simm.s32 @p3 $0x3F;
	p3 =	sgt.s32 @!p1 s14, $0x380;
	s15 =	simm.s32 @p2 $0x48  }
0x11: {  	s16 =	ssub.s32 @!p1 s18, s16;
	p3 =	por !p3, p1;
	s18 =	smov.u32 s14  }
0x12: {  	s14 =	sand.u32 @!p1 s19, s14;
	s15 =	ssub.s32 @!p1 s15, s17;
	s18 =	simm.s32 @p3 $0x380  }
0x13: {  	s17 =	sadd.s32 @!p1 $0xFFFFFFC1, s16;
	s16 =	ssub.s32 @!p1 $0x40, s16;
	s14 =	ssub.s32 @!p1 s18, s14  }
0x14: {  	s18 =	sadd.s32 @!p1 $0xFFFFFFB8, s15;
	p2 =	sgt.s32 @!p1 s17, $0x0;
	s17 =	sadd.s32 @!p1 $0xFFFFFC80, s14  }
0x15: {  	s15 =	ssub.s32 @!p1 $0xC8, s15;
	p2 =	por !p2, p1;
	p3 =	sgt.s32 @!p1 s17, $0x7F  }
0x16: {  	s14 =	ssub.s32 @!p1 $0x400, s14;
	s16 =	simm.s32 @!p2 $0x0;
	p2 =	por !p3, p1  }
0x17: {  	s17 =	sadd.s32 $0x80, s11;
	p3 =	sgt.s32 @!p1 s18, $0x7F;
	s14 =	simm.s32 @!p2 $0x0  }
0x18: {  	s18 =	smov.u32 s12;
	p2 =	por !p3, p1;
	s14 =	smul.u32 @!p1 s16, s14  }
0x19: {  	s15 =	simm.s32 @!p2 $0x0;
	p2 =	sgt.s32 s17, $0xC7;
	s16 =	sadd.s32 $0x80, s12  }
0x1a: {  	s19 =	smov.u32 s13;
	s18 =	smov.u32 @p2 s16  }
0x1b: {  	s14 =	smul.u32 @!p1 s15, s14;
	p3 =	sgt.s32 s18, $0x3FF;
	s15 =	sadd.s32 $0x20, s13  }
0x1c: {  	s8 =	sadd.s32 $0x1, s8;
	p0 =	por !p0, !p0;
	s19 =	smov.u32 @p3 s15  }
0x1d: {  	s20 =	simm.s32 @!p1 $0x2;
	s17 =	simm.s32 @p2 $0x0;
	p2 =	sgt.s32 s19, $0x3F  }
0x1e: {  	s16 =	smov.u32 s10;
	s19 =	smov.u32 @p2 s5;
	p2 =	sne.s32 s8, $0x22  }
.Ltmp1:
0x1f: {  	s10 =	smov.u32 s13;
	s18 =	simm.s32 @p3 $0x0;
	(pc) =	sbr.rel @!p2 .LBB1_6-.Ltmp1, $4  }
0x20: {  	s15 =	smov.u32 s7;
	s7 =	smov.u32 s11;
	s14 =	sand.u32 @!p1 $0x3FFFFFFF, s14  }
0x21: {  	s11 =	smov.u32 s17;
	_ =	swait.ge @!p1 [sflag:s20], s14;
	s21 =	ssub.s32 @!p1 $0x0, s14  }
0x22: {  	s14 =	smov.u32 s9;
	s9 =	smov.u32 s12;
	[sflag:s20] =	ssyncset.done @!p1 $0x0  }
0x23: {  	s12 =	smov.u32 s18;
	s13 =	smov.u32 s19;
	[sflag:s20] =	ssyncadd.s32 @!p1 s21  }
.LBB1_1:
0x24: {  	p1 =	sgt.u32 s8, $0x1F  }
0x25: {  	s17 =	sxor.u32 @!p1 $0xFFFFFFFF, s8  }
0x26: {  	s18 =	sshll.u32 @!p1 s12, $0x8;
	s19 =	sshll.u32 @!p1 s11, $0x3;
	s20 =	sshll.u32 @!p1 s12, $0x7  }
0x27: {  	s21 =	sand.u32 @!p1 $0x78, s11;
	s18 =	sand.u32 @!p1 $0x3F800, s18;
	s19 =	sand.u32 @!p1 $0x3FC00, s19  }
0x28: {  	s17 =	sshll.u32 @!p1 s17, $0xE;
	s18 =	sadd.s32 @!p1 s18, s19;
	s19 =	sand.u32 @!p1 $0x300, s20  }
0x29: {  	s17 =	sand.u32 @!p1 $0x4000, s17;
	s18 =	sor.u32 @!p1 s19, s18;
	s19 =	sand.u32 @!p1 $0x80, s20  }
0x2a: {  	s20 =	sshll.u32 @!p1 s13, $0xF;
	s19 =	sor.u32 @!p1 s21, s19;
	s18 =	sshrl.u32 @!p1 s18, $0x3  }
0x2b: {  	s20 =	sadd.s32 @!p1 s3, s20;
	s21 =	sand.u32 @!p1 $0x7, s11;
	s19 =	sshrl.u32 @!p1 s19, $0x3  }
0x2c: {  	s18 =	sand.u32 @!p1 $0x7FE0, s18;
	s19 =	sadd.s32 @!p1 s19, s20;
	s20 =	sshll.u32 @!p1 s21, $0x12  }
0x2d: {  	s18 =	sadd.s32 @!p1 s18, s19;
	s19 =	sor.u32 @!p1 $0x400, s20;
	s20 =	simm.s32 @!p1 $0x800  }
0x2e: {  	[tilespmem:s17], [sflag:$0x1] =	stream.strided.gather @!p1 [hbm4b:s18+s19], $0x4000, s20, s19, $0x38;
	[tilespmem:$0x10100] =	vst v63  }
0x2f: {  	p1 =	seq.s32 s8, $0x0  }
0x30: {  	p2 =	seq.s32 @!p1 s8, $0x21  }
0x31: {  	p1 =	por p1, p2  }
.Ltmp2:
0x32: {  	_ = 	snop;
	(pc) =	sbr.rel @p1 .LBB1_5-.Ltmp2, $1  }
0x33: {  	_ =	sdelay $0x3  }
0x34: {  	s17 =	simm.s32 $0x1  }
0x35: {  	_ =	swait.ge [sflag:s4], $0x4000;
	s17 =	simm.s32 @!p0 $0x0  }
0x36: {  	[sflag:s4] =	ssyncset.done $0x0;
	s18 =	sshll.u32 s17, $0xE  }
0x37: {  	[sflag:s4] =	ssyncadd.s32 $0xFFFFC000;
	s18 =	sor.u32 $0x40, s18  }
0x38: {  	s17 =	smul.u32 $0x10200, s17;
	v0 =	vld [tilespmem:s18+$0x30]  }
0x39: {  	v1 =	vld [tilespmem:s18+$0xFFFFFFD0]  }
0x3a: {  	s17 =	sshrl.u32 s17, $0x2;
	v5 =	vld [tilespmem:s18+$0xFFFFFFE0]  }
0x3b: {  	v6 =	vld [tilespmem:s18+$0xFFFFFFF0];
	s20 =	sor.u32 $0x8000, s17  }
0x3c: {  	s31 =	sand.u32 $0x1, s8;
	v4 =	vld [tilespmem:s18+$0x0];
	s19 =	sadd.s32 $0x0, s20  }
0x3d: {  	v3 =	vld [tilespmem:s18+$0x10];
	s17 =	smul.u32 $0x10200, s31;
	[tilespmem:s19+$0x3870 ss:$0x81] =	vst.msk $0xffff, v0  }
0x3e: {  	v2 =	vld [tilespmem:s18+$0x20];
	[tilespmem:s19+$0x810 ss:$0x81] =	vst.msk $0xffff, v1  }
0x3f: {  	s17 =	sshrl.u32 s17, $0x2;
	v1 =	vld [tilespmem:s18+$0xFFFFFFC0];
	[tilespmem:s19+$0x1020 ss:$0x81] =	vst.msk $0xffff, v5;
	s18 =	sadd.s32 $0x80, s18  }
0x40: {  	s21 =	simm.s32 $0x4;
	s22 =	simm.s32 $0x8;
	s17 =	sor.u32 $0x8000, s17;
	[tilespmem:s19+$0x1830 ss:$0x81] =	vst.msk $0xffff, v6;
	v0 =	vld [tilespmem:s18+$0x30]  }
.LBB1_3:
0x41: {  	p1 =	sne.s32 s22, $0x1FC;
	v5 =	vld [tilespmem:s18+$0xFFFFFFD0];
	[tilespmem:s19+$0x2040 ss:$0x81] =	vst.msk $0xffff, v4  }
0x42: {  	v6 =	vld [tilespmem:s18+$0xFFFFFFE0];
	[tilespmem:s19+$0x2850 ss:$0x81] =	vst.msk $0xffff, v3  }
0x43: {  	s23 =	sshra.s32 s21, $0x2;
	s21 =	smov.u32 s22;
	v7 =	vld [tilespmem:s18+$0xFFFFFFF0];
	[tilespmem:s19+$0x3060 ss:$0x81] =	vst.msk $0xffff, v2  }
.Ltmp3:
0x44: {  	v4 =	vld [tilespmem:s18+$0x0];
	[tilespmem:s19+$0x0 ss:$0x81] =	vst.msk $0xffff, v1;
	s19 =	sadd.s32 s23, s20;
	(pc) =	sbr.rel @p1 .LBB1_3-.Ltmp3, $4  }
0x45: {  	v3 =	vld [tilespmem:s18+$0x10];
	[tilespmem:s19+$0x3870 ss:$0x81] =	vst.msk $0xffff, v0  }
0x46: {  	[tilespmem:s19+$0x810 ss:$0x81] =	vst.msk $0xffff, v5;
	v2 =	vld [tilespmem:s18+$0x20]  }
0x47: {  	v1 =	vld [tilespmem:s18+$0xFFFFFFC0];
	[tilespmem:s19+$0x1020 ss:$0x81] =	vst.msk $0xffff, v6;
	s18 =	sadd.s32 $0x80, s18  }
0x48: {  	s22 =	sadd.s32 $0x4, s22;
	v0 =	vld [tilespmem:s18+$0x30];
	[tilespmem:s19+$0x1830 ss:$0x81] =	vst.msk $0xffff, v7  }
0x49: {  	s21 =	sshra.s32 s21, $0x2;
	p1 =	sgt.s32 s7, $0x48;
	s22 =	smov.u32 s7  }
0x4a: {  	s23 =	smov.u32 s10;
	s24 =	sshra.s32 s10, $0x1F;
	s26 =	sshra.s32 s9, $0x1F  }
0x4b: {  	s27 =	sshra.s32 s7, $0x1F;
	s22 =	simm.s32 @!p1 $0x48;
	p1 =	sgt.s32 s10, $0x3F  }
0x4c: {  	s28 =	sand.u32 $0x78, s9;
	s25 =	sand.u32 s24, s10;
	s23 =	simm.s32 @!p1 $0x3F  }
0x4d: {  	s20 =	sadd.s32 s21, s20;
	s24 =	sand.u32 s26, s9;
	s21 =	ssub.s32 s23, s25  }
0x4e: {  	v5 =	vld [tilespmem:s18+$0xFFFFFFD0];
	[tilespmem:s19+$0x2040 ss:$0x81] =	vst.msk $0xffff, v4;
	p1 =	sgt.s32 s9, $0x380;
	s23 =	smov.u32 s9;
	s25 =	sadd.s32 $0xFFFFFFC1, s21  }
0x4f: {  	v58 =	vld [tilespmem:s18+$0xFFFFFFE0];
	[tilespmem:s19+$0x2850 ss:$0x81] =	vst.msk $0xffff, v3;
	s23 =	simm.s32 @!p1 $0x380;
	p1 =	sgt.s32 s25, $0x0;
	s25 =	sand.u32 s27, s7  }
0x50: {  	v59 =	vld [tilespmem:s18+$0xFFFFFFF0];
	[tilespmem:s19+$0x3060 ss:$0x81] =	vst.msk $0xffff, v2;
	s21 =	ssub.s32 $0x40, s21;
	s23 =	ssub.s32 s23, s24;
	s29 =	ssub.s32 s22, s25  }
0x51: {  	v60 =	vld [tilespmem:s18+$0x0];
	[tilespmem:s19+$0x0 ss:$0x81] =	vst.msk $0xffff, v1;
	s21 =	simm.s32 @p1 $0x0;
	s30 =	sadd.s32 $0xFFFFFC80, s23;
	s23 =	ssub.s32 $0x400, s23  }
0x52: {  	v61 =	vld [tilespmem:s18+$0x10];
	[tilespmem:s20+$0x3870 ss:$0x81] =	vst.msk $0xffff, v0;
	s25 =	sshll.u32 s10, $0x7;
	p1 =	sgt.s32 s30, $0x7F;
	s31 =	sadd.s32 $0xFFFFFFB8, s29  }
0x53: {  	v62 =	vld [tilespmem:s18+$0x20];
	[tilespmem:s20+$0x810 ss:$0x81] =	vst.msk $0xffff, v5;
	s27 =	sand.u32 $0x380, s25;
	s19 =	ssub.s32 $0xC8, s29;
	s22 =	sand.u32 $0x1C00, s25  }
0x54: {  	v63 =	vld [tilespmem:s18+$0xFFFFFFC0];
	[tilespmem:s20+$0x1020 ss:$0x81] =	vst.msk $0xffff, v58;
	s29 =	sand.u32 $0x7, s9;
	s23 =	simm.s32 @p1 $0x0;
	p1 =	sgt.s32 s31, $0x7F  }
0x55: {  	[tilespmem:s20+$0x1830 ss:$0x81] =	vst.msk $0xffff, v59;
	s22 =	sadd.s32 s9, s22;
	s26 =	smul.u32 s21, s23;
	s21 =	sor.u32 s28, s27  }
.Ltmp4:
0x56: {  	[tilespmem:s20+$0x2040 ss:$0x81] =	vst.msk $0xffff, v60;
	s19 =	simm.s32 @p1 $0x0;
	s28 =	sshll.u32 s7, $0xD;
	(pc) =	sbr.rel .LBB1_5-.Ltmp4, $4  }
0x57: {  	[tilespmem:s20+$0x2850 ss:$0x81] =	vst.msk $0xffff, v61;
	s21 =	sshrl.u32 s21, $0x3;
	s18 =	smul.u32 s19, s26;
	s19 =	sadd.s32 s2, s28  }
0x58: {  	[tilespmem:s20+$0x3060 ss:$0x81] =	vst.msk $0xffff, v62;
	s30 =	sshll.u32 s29, $0x12;
	s22 =	sand.u32 $0x1F80, s22;
	s19 =	sadd.s32 s21, s19  }
0x59: {  	[tilespmem:s20+$0x0 ss:$0x81] =	vst.msk $0xffff, v63;
	s31 =	sor.u32 $0x80, s30;
	s18 =	sand.u32 $0x3FFFFFFF, s18;
	s19 =	sadd.s32 s22, s19  }
0x5a: {  	[hbm4b:s19+s31] =	stream.strided.scatter [tilespmem:s17], [sflag:$0x2], s18, s6, s31, $0x20;
	[tilespmem:$0x10100] =	vst v63  }
.LBB1_6:
0x5b: {  	_ =	sfence.sel $0x180000  }
0x5c: {  	s2 =	simm.s32 $0x1;
	[bflag:$0x0] =	sbarrier.arrive $0xFFFF  }
0x5d: {  	s31 =	simm.s32 $0x2;
	[sflag:s2] =	ssyncpa.u1 $0x1  }
0x5e: {  	[sflag:s31] =	ssyncpa.u1 $0x1  }
0x5f: {  	p0 =	sne.s32 s1, $0x0;
	_ =	strace $0x9000004A  }
0x60: {  	s0 =	sadd.s32 @!p0 $0x100000, s0;
	[bflag:$0x2] =	sbarrier.arrive $0xFFFF  }
0x61: {  	[sflag:s0] =	ssyncadd.tile.s32 @!p0 $0x1;
	_ =	shalt  }
.Lfunc_end1:
_tile_overlayer_lowered:
.L_overlay_start_2:
0x62: {  	(tag) =	ssettag $0x2  }
0x63: {  	s0 =	rddreg [dreg:$0x0];
	s2 =	stileid.u32  }
0x64: {  	s1 =	rddreg [dreg:$0x1];
	p0 =	sne.s32 s2, $0x0  }
0x65: {  	s3 =	rddreg [dreg:$0x2];
	[bflag:$0x3] =	sbarrier.arrive $0xFFFF;
	s2 =	simm.s32 @!p0 $0x1C01  }
0x66: {  	[timem:s3], [sflag:s2] =	dma.local @!p0 [hbm:s0], s1  }
0x67: {  	s0 =	simm.s32 @!p0 $0x1  }
0x68: {  	_ =	swait.ge @!p0 [sflag:s0], s1  }
0x69: {  	s1 =	ssub.s32 @!p0 $0x0, s1;
	[sflag:s0] =	ssyncset.done @!p0 $0x0  }
0x6a: {  	[sflag:s0] =	ssyncadd.s32 @!p0 s1  }
0x6b: {  	[bflag:$0x3] =	sbarrier.arrive $0xFFFF  }
0x6c: {  	_ =	shalt  }

</sc_bundles>
